<compile_context>
chip_gen: v7x
topology: tpu7x:2x2x1
jax: 0.10.2.dev20260603
libtpu: 0.0.44.dev20260713+nightly
codegen_flags: <defaults>
</compile_context>

<pallas_src>
import functools
import math

import jax
import jax.numpy as jnp
from jax import lax
from jax.experimental import pallas as pl
from jax.experimental.pallas import tpu as pltpu
from jax.experimental.pallas import tpu_sc as plsc

NUM_VOCAB = 1000000
EMBED_DIM = 64
SCALE = math.sqrt(EMBED_DIM)

NC = 2
NS = 16
LANES = 16
NW = NC * NS

SEQ = 200
BATCH = 4096
BLK = 256
UNITS_PER_S = BATCH // BLK
UNITS = SEQ * UNITS_PER_S
UNITS_PER_W = UNITS // NW
IDX_ROWS = 2 * UNITS_PER_W


def _emb_body(xt_hbm, table_hbm, out_hbm, idx_v, src0, src1, tr0, tr1,
              scale_v, cols_v, te_v, sub_v, gsem0, gsem1, osem0, osem1):
    c = lax.axis_index("c")
    s_ax = lax.axis_index("s")
    wid = s_ax * NC + c
    u0 = wid * UNITS_PER_W

    pltpu.sync_copy(xt_hbm.at[pl.ds(u0 * 2, IDX_ROWS)], idx_v)

    srcs = [src0, src1]
    trs = [tr0, tr1]
    gsems = [gsem0, gsem1]
    osems = [osem0, osem1]
    rows_base = lax.iota(jnp.int32, LANES)

    for j in range(4 * LANES):
        e_hi, e0 = divmod(j, LANES)
        cvec = e_hi * LANES + ((e0 + rows_base) & (LANES - 1))
        cols_v[j] = cvec
        te_v[j] = cvec >> 3
        sub_v[j] = cvec & 7

    def fire_gather(k, b):
        pltpu.async_copy(table_hbm.at[idx_v.at[2 * k]],
                         srcs[b].at[pl.ds(0, 128)], gsems[b])
        pltpu.async_copy(table_hbm.at[idx_v.at[2 * k + 1]],
                         srcs[b].at[pl.ds(128, 128)], gsems[b])

    def wait_gather(k, b):
        pltpu.make_async_copy(table_hbm.at[idx_v.at[2 * k]],
                              srcs[b].at[pl.ds(0, 128)], gsems[b]).wait()
        pltpu.make_async_copy(table_hbm.at[idx_v.at[2 * k + 1]],
                              srcs[b].at[pl.ds(128, 128)], gsems[b]).wait()

    def out_slab(k):
        u = u0 + k
        return out_hbm.at[u // UNITS_PER_S, :,
                          pl.ds((u % UNITS_PER_S) * 2, 2)]

    def fire_out(k, b):
        pltpu.async_copy(trs[b], out_slab(k), osems[b])

    def wait_out(k, b):
        pltpu.make_async_copy(trs[b], out_slab(k), osems[b]).wait()

    def compute(k, b):
        src_v = srcs[b]
        tr_v = trs[b]

        svals = []
        for g in range(BLK // LANES):
            idx16 = idx_v[2 * k + g // 8, pl.ds((g % 8) * LANES, LANES)]
            svals.append(
                jnp.where(idx16 == 0, 0.0, SCALE).astype(jnp.float32))

        @plsc.parallel_loop(0, 4 * LANES, unroll=2)
        def diag(j):
            cols = cols_v[j]
            te16 = te_v[j]
            sub16 = sub_v[j]
            for g in range(BLK // LANES):
                rows = g * LANES + rows_base
                lane16 = (g % 8) * LANES + rows_base
                tb16 = jnp.full((LANES,), g // 8, jnp.int32)
                v = plsc.load_gather(src_v, [rows, cols]) * svals[g]
                plsc.store_scatter(tr_v, [te16, tb16, sub16, lane16], v)

    fire_gather(0, 0)

    def pair(o, carry):
        for b in range(2):
            k = 2 * o + b
            nb = 1 - b

            @pl.when(k + 1 < UNITS_PER_W)
            def _():
                fire_gather(k + 1, nb)

            wait_gather(k, b)

            @pl.when(k >= 2)
            def _():
                wait_out(k - 2, b)

            compute(k, b)
            fire_out(k, b)
        return carry

    lax.fori_loop(0, UNITS_PER_W // 2, pair, 0)
    wait_out(UNITS_PER_W - 2, 0)
    wait_out(UNITS_PER_W - 1, 1)


def kernel(x, table):
    xt = jnp.swapaxes(x, 0, 1).reshape(SEQ * BATCH // 128, 128)
    mesh = plsc.VectorSubcoreMesh(core_axis_name="c", subcore_axis_name="s")
    run = functools.partial(
        pl.kernel,
        mesh=mesh,
        out_type=jax.ShapeDtypeStruct((SEQ, 8, BATCH // 128, 8, 128),
                                      jnp.float32),
        scratch_types=[
            pltpu.VMEM((IDX_ROWS, 128), jnp.int32),
            pltpu.VMEM((BLK, EMBED_DIM), jnp.float32),
            pltpu.VMEM((BLK, EMBED_DIM), jnp.float32),
            pltpu.VMEM((8, 2, 8, 128), jnp.float32),
            pltpu.VMEM((8, 2, 8, 128), jnp.float32),
            pltpu.VMEM((BLK // LANES, LANES), jnp.float32),
            pltpu.VMEM((4 * LANES, LANES), jnp.int32),
            pltpu.VMEM((4 * LANES, LANES), jnp.int32),
            pltpu.VMEM((4 * LANES, LANES), jnp.int32),
            pltpu.SemaphoreType.DMA,
            pltpu.SemaphoreType.DMA,
            pltpu.SemaphoreType.DMA,
            pltpu.SemaphoreType.DMA,
        ],
        compiler_params=pltpu.CompilerParams(
            use_tc_tiling_on_sc=False, needs_layout_passes=False),
    )(_emb_body)
    out = run(xt, table)
    out = out.transpose(2, 4, 0, 1, 3).reshape(BATCH, SEQ, EMBED_DIM)
    return out

# --- scband reference (transcript-rebuilt; emitter-appended) ---
"""Pipeline reference for scband-embedding-6098853560553 (READ-ONLY COPY).

The authoritative reference and input builder live on the scoring server;
editing this copy changes nothing except your own understanding.
"""

import jax, jax.numpy as jnp
import numpy as np
import math

NUM_VOCAB = 1000000
EMBED_DIM = 64
PADDING_IDX = 0

def setup_inputs(seed: int = 0) -> dict:
    key = jax.random.key(seed)
    k_idx, k_tab = jax.random.split(key)
    x = jax.random.randint(k_idx, (4096, 200), 0, NUM_VOCAB, dtype=jnp.int64 if jax.config.jax_enable_x64 else jnp.int32)
    table = jax.random.normal(k_tab, (NUM_VOCAB, EMBED_DIM), dtype=jnp.float32)
    return {"x": x, "table": table}

def reference(x, table):
    # nn.Embedding with padding_idx=0: row 0 produces zeros
    table_z = table.at[PADDING_IDX].set(0.0)
    out = jnp.take(table_z, x, axis=0)
    return out * math.sqrt(EMBED_DIM)

if __name__ == "__main__":
    import jax
    _d = setup_inputs()
    print(jax.jit(kernel)(*tuple(_d.values())))

</pallas_src>

<mosaic_0001>
#map = affine_map<(d0, d1) -> (0, 0)>
#map1 = affine_map<(d0, d1) -> (0, 0, 0, 0, 0)>
module attributes {stable_mosaic.version = 14 : i64} {
  func.func @_emb_body(%arg0: i32, %arg1: i32, %arg2: memref<6400x128xi32, #tpu.memory_space<hbm>>, %arg3: memref<1000000x64xf32, #tpu.memory_space<hbm>>, %arg4: memref<200x8x32x8x128xf32, #tpu.memory_space<hbm>>, %arg5: memref<200x128xi32, #tpu.memory_space<vmem>>, %arg6: memref<256x64xf32, #tpu.memory_space<vmem>>, %arg7: memref<256x64xf32, #tpu.memory_space<vmem>>, %arg8: memref<8x2x8x128xf32, #tpu.memory_space<vmem>>, %arg9: memref<8x2x8x128xf32, #tpu.memory_space<vmem>>, %arg10: memref<16x16xf32, #tpu.memory_space<vmem>>, %arg11: memref<64x16xi32, #tpu.memory_space<vmem>>, %arg12: memref<64x16xi32, #tpu.memory_space<vmem>>, %arg13: memref<64x16xi32, #tpu.memory_space<vmem>>, %arg14: memref<!tpu.dma_semaphore, #tpu.memory_space<semaphore_mem>>, %arg15: memref<!tpu.dma_semaphore, #tpu.memory_space<semaphore_mem>>, %arg16: memref<!tpu.dma_semaphore, #tpu.memory_space<semaphore_mem>>, %arg17: memref<!tpu.dma_semaphore, #tpu.memory_space<semaphore_mem>>) attributes {dimension_semantics = [#tpu.dimension_semantics<core_parallel>, #tpu.dimension_semantics<subcore_parallel>], iteration_bounds = array<i64: 2, 16>, scalar_prefetch = 0 : i64, scratch_operands = 13 : i64, tpu.core_type = #tpu.core_type<sc_vector_subcore>, window_params = [{transform_indices = #map}, {transform_indices = #map}, {transform_indices = #map1}]} {
    %mul3A = arith.constant 2 : i32
    %mul3A_0 = arith.muli %arg1, %mul3A : i32
    %add3A = arith.addi %mul3A_0, %arg0 : i32
    %mul3A_1 = arith.constant 100 : i32
    %mul3A_2 = arith.muli %add3A, %mul3A_1 : i32
    %mul3A_3 = arith.constant 2 : i32
    %mul3A_4 = arith.muli %mul3A_2, %mul3A_3 : i32
    "tpu.region"() ({
      %run_scoped3A = tpu.sem_alloc : memref<!tpu.dma_semaphore, #tpu.memory_space<semaphore_mem>>
      %dma_start3A_1852 = arith.constant 0 : i32
      %dma_start3A_1853 = tpu.memref_slice %arg2[%mul3A_4, %dma_start3A_1852] : memref<6400x128xi32, #tpu.memory_space<hbm>> -> memref<200x128xi32, #tpu.memory_space<hbm>>
      %dma_start3A_1854 = arith.constant 0 : i32
      %dma_start3A_1855 = tpu.memref_slice %arg2[%mul3A_4, %dma_start3A_1854] : memref<6400x128xi32, #tpu.memory_space<hbm>> -> memref<200x128xi32, #tpu.memory_space<hbm>>
      tpu.enqueue_dma source(%dma_start3A_1855 : memref<200x128xi32, #tpu.memory_space<hbm>>) target(%arg5 : memref<200x128xi32, #tpu.memory_space<vmem>>) target_semaphore(%run_scoped3A : memref<!tpu.dma_semaphore, #tpu.memory_space<semaphore_mem>>)
      %dma_wait3A_1856 = arith.constant 0 : i32
      %dma_wait3A_1857 = tpu.memref_slice %arg2[%mul3A_4, %dma_wait3A_1856] : memref<6400x128xi32, #tpu.memory_space<hbm>> -> memref<200x128xi32, #tpu.memory_space<hbm>>
      %dma_wait3A_1858 = arith.constant 0 : i32
      %dma_wait3A_1859 = tpu.memref_slice %arg2[%mul3A_4, %dma_wait3A_1858] : memref<6400x128xi32, #tpu.memory_space<hbm>> -> memref<200x128xi32, #tpu.memory_space<hbm>>
      tpu.wait_dma2 semaphore(%run_scoped3A : memref<!tpu.dma_semaphore, #tpu.memory_space<semaphore_mem>>) src(%dma_wait3A_1859 : memref<200x128xi32, #tpu.memory_space<hbm>>) dst(%arg5 : memref<200x128xi32, #tpu.memory_space<vmem>>)
      tpu.yield
    }) : () -> ()
    %iota3A = tpu.iota {dimensions = array<i32: 0>} : vector<16xi32>
    %add3A_5 = arith.constant 0 : i32
    %add3A_6 = vector.broadcast %add3A_5 : i32 to vector<16xi32>
    %add3A_7 = arith.addi %add3A_6, %iota3A : vector<16xi32>
    %and3A = arith.constant 15 : i32
    %and3A_8 = vector.broadcast %and3A : i32 to vector<16xi32>
    %and3A_9 = arith.andi %add3A_7, %and3A_8 : vector<16xi32>
    %add3A_10 = arith.constant 0 : i32
    %add3A_11 = vector.broadcast %add3A_10 : i32 to vector<16xi32>
    %add3A_12 = arith.addi %add3A_11, %and3A_9 : vector<16xi32>
    %swap3A = arith.constant 0 : i32
    %swap3A_13 = arith.index_cast %swap3A : i32 to index
    %swap3A_14 = arith.constant 0 : index
    %swap3A_15 = tpu.vector_load %arg11[%swap3A_13, %swap3A_14] {strides = array<i32>} : memref<64x16xi32, #tpu.memory_space<vmem>>, vector<16xi32>,
    tpu.vector_store %arg11[%swap3A_13, %swap3A_14], %add3A_12 {strides = array<i32>} : memref<64x16xi32, #tpu.memory_space<vmem>>, vector<16xi32>,
    %shift_right_arithmetic3A = arith.constant 3 : i32
    %shift_right_arithmetic3A_16 = vector.broadcast %shift_right_arithmetic3A : i32 to vector<16xi32>
    %shift_right_arithmetic3A_17 = arith.shrsi %add3A_12, %shift_right_arithmetic3A_16 : vector<16xi32>
    %swap3A_18 = arith.constant 0 : i32
    %swap3A_19 = arith.index_cast %swap3A_18 : i32 to index
    %swap3A_20 = arith.constant 0 : index
    %swap3A_21 = tpu.vector_load %arg12[%swap3A_19, %swap3A_20] {strides = array<i32>} : memref<64x16xi32, #tpu.memory_space<vmem>>, vector<16xi32>,
    tpu.vector_store %arg12[%swap3A_19, %swap3A_20], %shift_right_arithmetic3A_17 {strides = array<i32>} : memref<64x16xi32, #tpu.memory_space<vmem>>, vector<16xi32>,
    %and3A_22 = arith.constant 7 : i32
    %and3A_23 = vector.broadcast %and3A_22 : i32 to vector<16xi32>
    %and3A_24 = arith.andi %add3A_12, %and3A_23 : vector<16xi32>
    %swap3A_25 = arith.constant 0 : i32
    %swap3A_26 = arith.index_cast %swap3A_25 : i32 to index
    %swap3A_27 = arith.constant 0 : index
    %swap3A_28 = tpu.vector_load %arg13[%swap3A_26, %swap3A_27] {strides = array<i32>} : memref<64x16xi32, #tpu.memory_space<vmem>>, vector<16xi32>,
    tpu.vector_store %arg13[%swap3A_26, %swap3A_27], %and3A_24 {strides = array<i32>} : memref<64x16xi32, #tpu.memory_space<vmem>>, vector<16xi32>,
    %add3A_29 = arith.constant 1 : i32
    %add3A_30 = vector.broadcast %add3A_29 : i32 to vector<16xi32>
    %add3A_31 = arith.addi %add3A_30, %iota3A : vector<16xi32>
    %and3A_32 = arith.constant 15 : i32
    %and3A_33 = vector.broadcast %and3A_32 : i32 to vector<16xi32>
    %and3A_34 = arith.andi %add3A_31, %and3A_33 : vector<16xi32>
    %add3A_35 = arith.constant 0 : i32
    %add3A_36 = vector.broadcast %add3A_35 : i32 to vector<16xi32>
    %add3A_37 = arith.addi %add3A_36, %and3A_34 : vector<16xi32>
    %swap3A_38 = arith.constant 1 : i32
    %swap3A_39 = arith.index_cast %swap3A_38 : i32 to index
    %swap3A_40 = arith.constant 0 : index
    %swap3A_41 = tpu.vector_load %arg11[%swap3A_39, %swap3A_40] {strides = array<i32>} : memref<64x16xi32, #tpu.memory_space<vmem>>, vector<16xi32>,
    tpu.vector_store %arg11[%swap3A_39, %swap3A_40], %add3A_37 {strides = array<i32>} : memref<64x16xi32, #tpu.memory_space<vmem>>, vector<16xi32>,
    %shift_right_arithmetic3A_42 = arith.constant 3 : i32
    %shift_right_arithmetic3A_43 = vector.broadcast %shift_right_arithmetic3A_42 : i32 to vector<16xi32>
    %shift_right_arithmetic3A_44 = arith.shrsi %add3A_37, %shift_right_arithmetic3A_43 : vector<16xi32>
    %swap3A_45 = arith.constant 1 : i32
    %swap3A_46 = arith.index_cast %swap3A_45 : i32 to index
    %swap3A_47 = arith.constant 0 : index
    %swap3A_48 = tpu.vector_load %arg12[%swap3A_46, %swap3A_47] {strides = array<i32>} : memref<64x16xi32, #tpu.memory_space<vmem>>, vector<16xi32>,
    tpu.vector_store %arg12[%swap3A_46, %swap3A_47], %shift_right_arithmetic3A_44 {strides = array<i32>} : memref<64x16xi32, #tpu.memory_space<vmem>>, vector<16xi32>,
    %and3A_49 = arith.constant 7 : i32
    %and3A_50 = vector.broadcast %and3A_49 : i32 to vector<16xi32>
    %and3A_51 = arith.andi %add3A_37, %and3A_50 : vector<16xi32>
    %swap3A_52 = arith.constant 1 : i32
    %swap3A_53 = arith.index_cast %swap3A_52 : i32 to index
    %swap3A_54 = arith.constant 0 : index
    %swap3A_55 = tpu.vector_load %arg13[%swap3A_53, %swap3A_54] {strides = array<i32>} : memref<64x16xi32, #tpu.memory_space<vmem>>, vector<16xi32>,
    tpu.vector_store %arg13[%swap3A_53, %swap3A_54], %and3A_51 {strides = array<i32>} : memref<64x16xi32, #tpu.memory_space<vmem>>, vector<16xi32>,
    %add3A_56 = arith.constant 2 : i32
    %add3A_57 = vector.broadcast %add3A_56 : i32 to vector<16xi32>
    %add3A_58 = arith.addi %add3A_57, %iota3A : vector<16xi32>
    %and3A_59 = arith.constant 15 : i32
    %and3A_60 = vector.broadcast %and3A_59 : i32 to vector<16xi32>
    %and3A_61 = arith.andi %add3A_58, %and3A_60 : vector<16xi32>
    %add3A_62 = arith.constant 0 : i32
    %add3A_63 = vector.broadcast %add3A_62 : i32 to vector<16xi32>
    %add3A_64 = arith.addi %add3A_63, %and3A_61 : vector<16xi32>
    %swap3A_65 = arith.constant 2 : i32
    %swap3A_66 = arith.index_cast %swap3A_65 : i32 to index
    %swap3A_67 = arith.constant 0 : index
    %swap3A_68 = tpu.vector_load %arg11[%swap3A_66, %swap3A_67] {strides = array<i32>} : memref<64x16xi32, #tpu.memory_space<vmem>>, vector<16xi32>,
    tpu.vector_store %arg11[%swap3A_66, %swap3A_67], %add3A_64 {strides = array<i32>} : memref<64x16xi32, #tpu.memory_space<vmem>>, vector<16xi32>,
    %shift_right_arithmetic3A_69 = arith.constant 3 : i32
    %shift_right_arithmetic3A_70 = vector.broadcast %shift_right_arithmetic3A_69 : i32 to vector<16xi32>
    %shift_right_arithmetic3A_71 = arith.shrsi %add3A_64, %shift_right_arithmetic3A_70 : vector<16xi32>
    %swap3A_72 = arith.constant 2 : i32
    %swap3A_73 = arith.index_cast %swap3A_72 : i32 to index
    %swap3A_74 = arith.constant 0 : index
    %swap3A_75 = tpu.vector_load %arg12[%swap3A_73, %swap3A_74] {strides = array<i32>} : memref<64x16xi32, #tpu.memory_space<vmem>>, vector<16xi32>,
    tpu.vector_store %arg12[%swap3A_73, %swap3A_74], %shift_right_arithmetic3A_71 {strides = array<i32>} : memref<64x16xi32, #tpu.memory_space<vmem>>, vector<16xi32>,
    %and3A_76 = arith.constant 7 : i32
    %and3A_77 = vector.broadcast %and3A_76 : i32 to vector<16xi32>
    %and3A_78 = arith.andi %add3A_64, %and3A_77 : vector<16xi32>
    %swap3A_79 = arith.constant 2 : i32
    %swap3A_80 = arith.index_cast %swap3A_79 : i32 to index
    %swap3A_81 = arith.constant 0 : index
    %swap3A_82 = tpu.vector_load %arg13[%swap3A_80, %swap3A_81] {strides = array<i32>} : memref<64x16xi32, #tpu.memory_space<vmem>>, vector<16xi32>,
    tpu.vector_store %arg13[%swap3A_80, %swap3A_81], %and3A_78 {strides = array<i32>} : memref<64x16xi32, #tpu.memory_space<vmem>>, vector<16xi32>,
    %add3A_83 = arith.constant 3 : i32
    %add3A_84 = vector.broadcast %add3A_83 : i32 to vector<16xi32>
    %add3A_85 = arith.addi %add3A_84, %iota3A : vector<16xi32>
    %and3A_86 = arith.constant 15 : i32
    %and3A_87 = vector.broadcast %and3A_86 : i32 to vector<16xi32>
    %and3A_88 = arith.andi %add3A_85, %and3A_87 : vector<16xi32>
    %add3A_89 = arith.constant 0 : i32
    %add3A_90 = vector.broadcast %add3A_89 : i32 to vector<16xi32>
    %add3A_91 = arith.addi %add3A_90, %and3A_88 : vector<16xi32>
    %swap3A_92 = arith.constant 3 : i32
    %swap3A_93 = arith.index_cast %swap3A_92 : i32 to index
    %swap3A_94 = arith.constant 0 : index
    %swap3A_95 = tpu.vector_load %arg11[%swap3A_93, %swap3A_94] {strides = array<i32>} : memref<64x16xi32, #tpu.memory_space<vmem>>, vector<16xi32>,
    tpu.vector_store %arg11[%swap3A_93, %swap3A_94], %add3A_91 {strides = array<i32>} : memref<64x16xi32, #tpu.memory_space<vmem>>, vector<16xi32>,
    %shift_right_arithmetic3A_96 = arith.constant 3 : i32
    %shift_right_arithmetic3A_97 = vector.broadcast %shift_right_arithmetic3A_96 : i32 to vector<16xi32>
    %shift_right_arithmetic3A_98 = arith.shrsi %add3A_91, %shift_right_arithmetic3A_97 : vector<16xi32>
    %swap3A_99 = arith.constant 3 : i32
    %swap3A_100 = arith.index_cast %swap3A_99 : i32 to index
    %swap3A_101 = arith.constant 0 : index
    %swap3A_102 = tpu.vector_load %arg12[%swap3A_100, %swap3A_101] {strides = array<i32>} : memref<64x16xi32, #tpu.memory_space<vmem>>, vector<16xi32>,
    tpu.vector_store %arg12[%swap3A_100, %swap3A_101], %shift_right_arithmetic3A_98 {strides = array<i32>} : memref<64x16xi32, #tpu.memory_space<vmem>>, vector<16xi32>,
    %and3A_103 = arith.constant 7 : i32
    %and3A_104 = vector.broadcast %and3A_103 : i32 to vector<16xi32>
    %and3A_105 = arith.andi %add3A_91, %and3A_104 : vector<16xi32>
    %swap3A_106 = arith.constant 3 : i32
    %swap3A_107 = arith.index_cast %swap3A_106 : i32 to index
    %swap3A_108 = arith.constant 0 : index
    %swap3A_109 = tpu.vector_load %arg13[%swap3A_107, %swap3A_108] {strides = array<i32>} : memref<64x16xi32, #tpu.memory_space<vmem>>, vector<16xi32>,
    tpu.vector_store %arg13[%swap3A_107, %swap3A_108], %and3A_105 {strides = array<i32>} : memref<64x16xi32, #tpu.memory_space<vmem>>, vector<16xi32>,
    %add3A_110 = arith.constant 4 : i32
    %add3A_111 = vector.broadcast %add3A_110 : i32 to vector<16xi32>
    %add3A_112 = arith.addi %add3A_111, %iota3A : vector<16xi32>
    %and3A_113 = arith.constant 15 : i32
    %and3A_114 = vector.broadcast %and3A_113 : i32 to vector<16xi32>
    %and3A_115 = arith.andi %add3A_112, %and3A_114 : vector<16xi32>
    %add3A_116 = arith.constant 0 : i32
    %add3A_117 = vector.broadcast %add3A_116 : i32 to vector<16xi32>
    %add3A_118 = arith.addi %add3A_117, %and3A_115 : vector<16xi32>
    %swap3A_119 = arith.constant 4 : i32
    %swap3A_120 = arith.index_cast %swap3A_119 : i32 to index
    %swap3A_121 = arith.constant 0 : index
    %swap3A_122 = tpu.vector_load %arg11[%swap3A_120, %swap3A_121] {strides = array<i32>} : memref<64x16xi32, #tpu.memory_space<vmem>>, vector<16xi32>,
    tpu.vector_store %arg11[%swap3A_120, %swap3A_121], %add3A_118 {strides = array<i32>} : memref<64x16xi32, #tpu.memory_space<vmem>>, vector<16xi32>,
    %shift_right_arithmetic3A_123 = arith.constant 3 : i32
    %shift_right_arithmetic3A_124 = vector.broadcast %shift_right_arithmetic3A_123 : i32 to vector<16xi32>
    %shift_right_arithmetic3A_125 = arith.shrsi %add3A_118, %shift_right_arithmetic3A_124 : vector<16xi32>
    %swap3A_126 = arith.constant 4 : i32
    %swap3A_127 = arith.index_cast %swap3A_126 : i32 to index
    %swap3A_128 = arith.constant 0 : index
    %swap3A_129 = tpu.vector_load %arg12[%swap3A_127, %swap3A_128] {strides = array<i32>} : memref<64x16xi32, #tpu.memory_space<vmem>>, vector<16xi32>,
    tpu.vector_store %arg12[%swap3A_127, %swap3A_128], %shift_right_arithmetic3A_125 {strides = array<i32>} : memref<64x16xi32, #tpu.memory_space<vmem>>, vector<16xi32>,
    %and3A_130 = arith.constant 7 : i32
    %and3A_131 = vector.broadcast %and3A_130 : i32 to vector<16xi32>
    %and3A_132 = arith.andi %add3A_118, %and3A_131 : vector<16xi32>
    %swap3A_133 = arith.constant 4 : i32
    %swap3A_134 = arith.index_cast %swap3A_133 : i32 to index
    %swap3A_135 = arith.constant 0 : index
    %swap3A_136 = tpu.vector_load %arg13[%swap3A_134, %swap3A_135] {strides = array<i32>} : memref<64x16xi32, #tpu.memory_space<vmem>>, vector<16xi32>,
    tpu.vector_store %arg13[%swap3A_134, %swap3A_135], %and3A_132 {strides = array<i32>} : memref<64x16xi32, #tpu.memory_space<vmem>>, vector<16xi32>,
    %add3A_137 = arith.constant 5 : i32
    %add3A_138 = vector.broadcast %add3A_137 : i32 to vector<16xi32>
    %add3A_139 = arith.addi %add3A_138, %iota3A : vector<16xi32>
    %and3A_140 = arith.constant 15 : i32
    %and3A_141 = vector.broadcast %and3A_140 : i32 to vector<16xi32>
    %and3A_142 = arith.andi %add3A_139, %and3A_141 : vector<16xi32>
    %add3A_143 = arith.constant 0 : i32
    %add3A_144 = vector.broadcast %add3A_143 : i32 to vector<16xi32>
    %add3A_145 = arith.addi %add3A_144, %and3A_142 : vector<16xi32>
    %swap3A_146 = arith.constant 5 : i32
    %swap3A_147 = arith.index_cast %swap3A_146 : i32 to index
    %swap3A_148 = arith.constant 0 : index
    %swap3A_149 = tpu.vector_load %arg11[%swap3A_147, %swap3A_148] {strides = array<i32>} : memref<64x16xi32, #tpu.memory_space<vmem>>, vector<16xi32>,
    tpu.vector_store %arg11[%swap3A_147, %swap3A_148], %add3A_145 {strides = array<i32>} : memref<64x16xi32, #tpu.memory_space<vmem>>, vector<16xi32>,
    %shift_right_arithmetic3A_150 = arith.constant 3 : i32
    %shift_right_arithmetic3A_151 = vector.broadcast %shift_right_arithmetic3A_150 : i32 to vector<16xi32>
    %shift_right_arithmetic3A_152 = arith.shrsi %add3A_145, %shift_right_arithmetic3A_151 : vector<16xi32>
    %swap3A_153 = arith.constant 5 : i32
    %swap3A_154 = arith.index_cast %swap3A_153 : i32 to index
    %swap3A_155 = arith.constant 0 : index
    %swap3A_156 = tpu.vector_load %arg12[%swap3A_154, %swap3A_155] {strides = array<i32>} : memref<64x16xi32, #tpu.memory_space<vmem>>, vector<16xi32>,
    tpu.vector_store %arg12[%swap3A_154, %swap3A_155], %shift_right_arithmetic3A_152 {strides = array<i32>} : memref<64x16xi32, #tpu.memory_space<vmem>>, vector<16xi32>,
    %and3A_157 = arith.constant 7 : i32
    %and3A_158 = vector.broadcast %and3A_157 : i32 to vector<16xi32>
    %and3A_159 = arith.andi %add3A_145, %and3A_158 : vector<16xi32>
    %swap3A_160 = arith.constant 5 : i32
    %swap3A_161 = arith.index_cast %swap3A_160 : i32 to index
    %swap3A_162 = arith.constant 0 : index
    %swap3A_163 = tpu.vector_load %arg13[%swap3A_161, %swap3A_162] {strides = array<i32>} : memref<64x16xi32, #tpu.memory_space<vmem>>, vector<16xi32>,
    tpu.vector_store %arg13[%swap3A_161, %swap3A_162], %and3A_159 {strides = array<i32>} : memref<64x16xi32, #tpu.memory_space<vmem>>, vector<16xi32>,
    %add3A_164 = arith.constant 6 : i32
    %add3A_165 = vector.broadcast %add3A_164 : i32 to vector<16xi32>
    %add3A_166 = arith.addi %add3A_165, %iota3A : vector<16xi32>
    %and3A_167 = arith.constant 15 : i32
    %and3A_168 = vector.broadcast %and3A_167 : i32 to vector<16xi32>
    %and3A_169 = arith.andi %add3A_166, %and3A_168 : vector<16xi32>
    %add3A_170 = arith.constant 0 : i32
    %add3A_171 = vector.broadcast %add3A_170 : i32 to vector<16xi32>
    %add3A_172 = arith.addi %add3A_171, %and3A_169 : vector<16xi32>
    %swap3A_173 = arith.constant 6 : i32
    %swap3A_174 = arith.index_cast %swap3A_173 : i32 to index
    %swap3A_175 = arith.constant 0 : index
    %swap3A_176 = tpu.vector_load %arg11[%swap3A_174, %swap3A_175] {strides = array<i32>} : memref<64x16xi32, #tpu.memory_space<vmem>>, vector<16xi32>,
    tpu.vector_store %arg11[%swap3A_174, %swap3A_175], %add3A_172 {strides = array<i32>} : memref<64x16xi32, #tpu.memory_space<vmem>>, vector<16xi32>,
    %shift_right_arithmetic3A_177 = arith.constant 3 : i32
    %shift_right_arithmetic3A_178 = vector.broadcast %shift_right_arithmetic3A_177 : i32 to vector<16xi32>
    %shift_right_arithmetic3A_179 = arith.shrsi %add3A_172, %shift_right_arithmetic3A_178 : vector<16xi32>
    %swap3A_180 = arith.constant 6 : i32
    %swap3A_181 = arith.index_cast %swap3A_180 : i32 to index
    %swap3A_182 = arith.constant 0 : index
    %swap3A_183 = tpu.vector_load %arg12[%swap3A_181, %swap3A_182] {strides = array<i32>} : memref<64x16xi32, #tpu.memory_space<vmem>>, vector<16xi32>,
    tpu.vector_store %arg12[%swap3A_181, %swap3A_182], %shift_right_arithmetic3A_179 {strides = array<i32>} : memref<64x16xi32, #tpu.memory_space<vmem>>, vector<16xi32>,
    %and3A_184 = arith.constant 7 : i32
    %and3A_185 = vector.broadcast %and3A_184 : i32 to vector<16xi32>
    %and3A_186 = arith.andi %add3A_172, %and3A_185 : vector<16xi32>
    %swap3A_187 = arith.constant 6 : i32
    %swap3A_188 = arith.index_cast %swap3A_187 : i32 to index
    %swap3A_189 = arith.constant 0 : index
    %swap3A_190 = tpu.vector_load %arg13[%swap3A_188, %swap3A_189] {strides = array<i32>} : memref<64x16xi32, #tpu.memory_space<vmem>>, vector<16xi32>,
    tpu.vector_store %arg13[%swap3A_188, %swap3A_189], %and3A_186 {strides = array<i32>} : memref<64x16xi32, #tpu.memory_space<vmem>>, vector<16xi32>,
    %add3A_191 = arith.constant 7 : i32
    %add3A_192 = vector.broadcast %add3A_191 : i32 to vector<16xi32>
    %add3A_193 = arith.addi %add3A_192, %iota3A : vector<16xi32>
    %and3A_194 = arith.constant 15 : i32
    %and3A_195 = vector.broadcast %and3A_194 : i32 to vector<16xi32>
    %and3A_196 = arith.andi %add3A_193, %and3A_195 : vector<16xi32>
    %add3A_197 = arith.constant 0 : i32
    %add3A_198 = vector.broadcast %add3A_197 : i32 to vector<16xi32>
    %add3A_199 = arith.addi %add3A_198, %and3A_196 : vector<16xi32>
    %swap3A_200 = arith.constant 7 : i32
    %swap3A_201 = arith.index_cast %swap3A_200 : i32 to index
    %swap3A_202 = arith.constant 0 : index
    %swap3A_203 = tpu.vector_load %arg11[%swap3A_201, %swap3A_202] {strides = array<i32>} : memref<64x16xi32, #tpu.memory_space<vmem>>, vector<16xi32>,
    tpu.vector_store %arg11[%swap3A_201, %swap3A_202], %add3A_199 {strides = array<i32>} : memref<64x16xi32, #tpu.memory_space<vmem>>, vector<16xi32>,
    %shift_right_arithmetic3A_204 = arith.constant 3 : i32
    %shift_right_arithmetic3A_205 = vector.broadcast %shift_right_arithmetic3A_204 : i32 to vector<16xi32>
    %shift_right_arithmetic3A_206 = arith.shrsi %add3A_199, %shift_right_arithmetic3A_205 : vector<16xi32>
    %swap3A_207 = arith.constant 7 : i32
    %swap3A_208 = arith.index_cast %swap3A_207 : i32 to index
    %swap3A_209 = arith.constant 0 : index
    %swap3A_210 = tpu.vector_load %arg12[%swap3A_208, %swap3A_209] {strides = array<i32>} : memref<64x16xi32, #tpu.memory_space<vmem>>, vector<16xi32>,
    tpu.vector_store %arg12[%swap3A_208, %swap3A_209], %shift_right_arithmetic3A_206 {strides = array<i32>} : memref<64x16xi32, #tpu.memory_space<vmem>>, vector<16xi32>,
    %and3A_211 = arith.constant 7 : i32
    %and3A_212 = vector.broadcast %and3A_211 : i32 to vector<16xi32>
    %and3A_213 = arith.andi %add3A_199, %and3A_212 : vector<16xi32>
    %swap3A_214 = arith.constant 7 : i32
    %swap3A_215 = arith.index_cast %swap3A_214 : i32 to index
    %swap3A_216 = arith.constant 0 : index
    %swap3A_217 = tpu.vector_load %arg13[%swap3A_215, %swap3A_216] {strides = array<i32>} : memref<64x16xi32, #tpu.memory_space<vmem>>, vector<16xi32>,
    tpu.vector_store %arg13[%swap3A_215, %swap3A_216], %and3A_213 {strides = array<i32>} : memref<64x16xi32, #tpu.memory_space<vmem>>, vector<16xi32>,
    %add3A_218 = arith.constant 8 : i32
    %add3A_219 = vector.broadcast %add3A_218 : i32 to vector<16xi32>
    %add3A_220 = arith.addi %add3A_219, %iota3A : vector<16xi32>
    %and3A_221 = arith.constant 15 : i32
    %and3A_222 = vector.broadcast %and3A_221 : i32 to vector<16xi32>
    %and3A_223 = arith.andi %add3A_220, %and3A_222 : vector<16xi32>
    %add3A_224 = arith.constant 0 : i32
    %add3A_225 = vector.broadcast %add3A_224 : i32 to vector<16xi32>
    %add3A_226 = arith.addi %add3A_225, %and3A_223 : vector<16xi32>
    %swap3A_227 = arith.constant 8 : i32
    %swap3A_228 = arith.index_cast %swap3A_227 : i32 to index
    %swap3A_229 = arith.constant 0 : index
    %swap3A_230 = tpu.vector_load %arg11[%swap3A_228, %swap3A_229] {strides = array<i32>} : memref<64x16xi32, #tpu.memory_space<vmem>>, vector<16xi32>,
    tpu.vector_store %arg11[%swap3A_228, %swap3A_229], %add3A_226 {strides = array<i32>} : memref<64x16xi32, #tpu.memory_space<vmem>>, vector<16xi32>,
    %shift_right_arithmetic3A_231 = arith.constant 3 : i32
    %shift_right_arithmetic3A_232 = vector.broadcast %shift_right_arithmetic3A_231 : i32 to vector<16xi32>
    %shift_right_arithmetic3A_233 = arith.shrsi %add3A_226, %shift_right_arithmetic3A_232 : vector<16xi32>
    %swap3A_234 = arith.constant 8 : i32
    %swap3A_235 = arith.index_cast %swap3A_234 : i32 to index
    %swap3A_236 = arith.constant 0 : index
    %swap3A_237 = tpu.vector_load %arg12[%swap3A_235, %swap3A_236] {strides = array<i32>} : memref<64x16xi32, #tpu.memory_space<vmem>>, vector<16xi32>,
    tpu.vector_store %arg12[%swap3A_235, %swap3A_236], %shift_right_arithmetic3A_233 {strides = array<i32>} : memref<64x16xi32, #tpu.memory_space<vmem>>, vector<16xi32>,
    %and3A_238 = arith.constant 7 : i32
    %and3A_239 = vector.broadcast %and3A_238 : i32 to vector<16xi32>
    %and3A_240 = arith.andi %add3A_226, %and3A_239 : vector<16xi32>
    %swap3A_241 = arith.constant 8 : i32
    %swap3A_242 = arith.index_cast %swap3A_241 : i32 to index
    %swap3A_243 = arith.constant 0 : index
    %swap3A_244 = tpu.vector_load %arg13[%swap3A_242, %swap3A_243] {strides = array<i32>} : memref<64x16xi32, #tpu.memory_space<vmem>>, vector<16xi32>,
    tpu.vector_store %arg13[%swap3A_242, %swap3A_243], %and3A_240 {strides = array<i32>} : memref<64x16xi32, #tpu.memory_space<vmem>>, vector<16xi32>,
    %add3A_245 = arith.constant 9 : i32
    %add3A_246 = vector.broadcast %add3A_245 : i32 to vector<16xi32>
    %add3A_247 = arith.addi %add3A_246, %iota3A : vector<16xi32>
    %and3A_248 = arith.constant 15 : i32
    %and3A_249 = vector.broadcast %and3A_248 : i32 to vector<16xi32>
    %and3A_250 = arith.andi %add3A_247, %and3A_249 : vector<16xi32>
    %add3A_251 = arith.constant 0 : i32
    %add3A_252 = vector.broadcast %add3A_251 : i32 to vector<16xi32>
    %add3A_253 = arith.addi %add3A_252, %and3A_250 : vector<16xi32>
    %swap3A_254 = arith.constant 9 : i32
    %swap3A_255 = arith.index_cast %swap3A_254 : i32 to index
    %swap3A_256 = arith.constant 0 : index
    %swap3A_257 = tpu.vector_load %arg11[%swap3A_255, %swap3A_256] {strides = array<i32>} : memref<64x16xi32, #tpu.memory_space<vmem>>, vector<16xi32>,
    tpu.vector_store %arg11[%swap3A_255, %swap3A_256], %add3A_253 {strides = array<i32>} : memref<64x16xi32, #tpu.memory_space<vmem>>, vector<16xi32>,
    %shift_right_arithmetic3A_258 = arith.constant 3 : i32
    %shift_right_arithmetic3A_259 = vector.broadcast %shift_right_arithmetic3A_258 : i32 to vector<16xi32>
    %shift_right_arithmetic3A_260 = arith.shrsi %add3A_253, %shift_right_arithmetic3A_259 : vector<16xi32>
    %swap3A_261 = arith.constant 9 : i32
    %swap3A_262 = arith.index_cast %swap3A_261 : i32 to index
    %swap3A_263 = arith.constant 0 : index
    %swap3A_264 = tpu.vector_load %arg12[%swap3A_262, %swap3A_263] {strides = array<i32>} : memref<64x16xi32, #tpu.memory_space<vmem>>, vector<16xi32>,
    tpu.vector_store %arg12[%swap3A_262, %swap3A_263], %shift_right_arithmetic3A_260 {strides = array<i32>} : memref<64x16xi32, #tpu.memory_space<vmem>>, vector<16xi32>,
    %and3A_265 = arith.constant 7 : i32
    %and3A_266 = vector.broadcast %and3A_265 : i32 to vector<16xi32>
    %and3A_267 = arith.andi %add3A_253, %and3A_266 : vector<16xi32>
    %swap3A_268 = arith.constant 9 : i32
    %swap3A_269 = arith.index_cast %swap3A_268 : i32 to index
    %swap3A_270 = arith.constant 0 : index
    %swap3A_271 = tpu.vector_load %arg13[%swap3A_269, %swap3A_270] {strides = array<i32>} : memref<64x16xi32, #tpu.memory_space<vmem>>, vector<16xi32>,
    tpu.vector_store %arg13[%swap3A_269, %swap3A_270], %and3A_267 {strides = array<i32>} : memref<64x16xi32, #tpu.memory_space<vmem>>, vector<16xi32>,
    %add3A_272 = arith.constant 10 : i32
    %add3A_273 = vector.broadcast %add3A_272 : i32 to vector<16xi32>
    %add3A_274 = arith.addi %add3A_273, %iota3A : vector<16xi32>
    %and3A_275 = arith.constant 15 : i32
    %and3A_276 = vector.broadcast %and3A_275 : i32 to vector<16xi32>
    %and3A_277 = arith.andi %add3A_274, %and3A_276 : vector<16xi32>
    %add3A_278 = arith.constant 0 : i32
    %add3A_279 = vector.broadcast %add3A_278 : i32 to vector<16xi32>
    %add3A_280 = arith.addi %add3A_279, %and3A_277 : vector<16xi32>
    %swap3A_281 = arith.constant 10 : i32
    %swap3A_282 = arith.index_cast %swap3A_281 : i32 to index
    %swap3A_283 = arith.constant 0 : index
    %swap3A_284 = tpu.vector_load %arg11[%swap3A_282, %swap3A_283] {strides = array<i32>} : memref<64x16xi32, #tpu.memory_space<vmem>>, vector<16xi32>,
    tpu.vector_store %arg11[%swap3A_282, %swap3A_283], %add3A_280 {strides = array<i32>} : memref<64x16xi32, #tpu.memory_space<vmem>>, vector<16xi32>,
    %shift_right_arithmetic3A_285 = arith.constant 3 : i32
    %shift_right_arithmetic3A_286 = vector.broadcast %shift_right_arithmetic3A_285 : i32 to vector<16xi32>
    %shift_right_arithmetic3A_287 = arith.shrsi %add3A_280, %shift_right_arithmetic3A_286 : vector<16xi32>
    %swap3A_288 = arith.constant 10 : i32
    %swap3A_289 = arith.index_cast %swap3A_288 : i32 to index
    %swap3A_290 = arith.constant 0 : index
    %swap3A_291 = tpu.vector_load %arg12[%swap3A_289, %swap3A_290] {strides = array<i32>} : memref<64x16xi32, #tpu.memory_space<vmem>>, vector<16xi32>,
    tpu.vector_store %arg12[%swap3A_289, %swap3A_290], %shift_right_arithmetic3A_287 {strides = array<i32>} : memref<64x16xi32, #tpu.memory_space<vmem>>, vector<16xi32>,
    %and3A_292 = arith.constant 7 : i32
    %and3A_293 = vector.broadcast %and3A_292 : i32 to vector<16xi32>
    %and3A_294 = arith.andi %add3A_280, %and3A_293 : vector<16xi32>
    %swap3A_295 = arith.constant 10 : i32
    %swap3A_296 = arith.index_cast %swap3A_295 : i32 to index
    %swap3A_297 = arith.constant 0 : index
    %swap3A_298 = tpu.vector_load %arg13[%swap3A_296, %swap3A_297] {strides = array<i32>} : memref<64x16xi32, #tpu.memory_space<vmem>>, vector<16xi32>,
    tpu.vector_store %arg13[%swap3A_296, %swap3A_297], %and3A_294 {strides = array<i32>} : memref<64x16xi32, #tpu.memory_space<vmem>>, vector<16xi32>,
    %add3A_299 = arith.constant 11 : i32
    %add3A_300 = vector.broadcast %add3A_299 : i32 to vector<16xi32>
    %add3A_301 = arith.addi %add3A_300, %iota3A : vector<16xi32>
    %and3A_302 = arith.constant 15 : i32
    %and3A_303 = vector.broadcast %and3A_302 : i32 to vector<16xi32>
    %and3A_304 = arith.andi %add3A_301, %and3A_303 : vector<16xi32>
    %add3A_305 = arith.constant 0 : i32
    %add3A_306 = vector.broadcast %add3A_305 : i32 to vector<16xi32>
    %add3A_307 = arith.addi %add3A_306, %and3A_304 : vector<16xi32>
    %swap3A_308 = arith.constant 11 : i32
    %swap3A_309 = arith.index_cast %swap3A_308 : i32 to index
    %swap3A_310 = arith.constant 0 : index
    %swap3A_311 = tpu.vector_load %arg11[%swap3A_309, %swap3A_310] {strides = array<i32>} : memref<64x16xi32, #tpu.memory_space<vmem>>, vector<16xi32>,
    tpu.vector_store %arg11[%swap3A_309, %swap3A_310], %add3A_307 {strides = array<i32>} : memref<64x16xi32, #tpu.memory_space<vmem>>, vector<16xi32>,
    %shift_right_arithmetic3A_312 = arith.constant 3 : i32
    %shift_right_arithmetic3A_313 = vector.broadcast %shift_right_arithmetic3A_312 : i32 to vector<16xi32>
    %shift_right_arithmetic3A_314 = arith.shrsi %add3A_307, %shift_right_arithmetic3A_313 : vector<16xi32>
    %swap3A_315 = arith.constant 11 : i32
    %swap3A_316 = arith.index_cast %swap3A_315 : i32 to index
    %swap3A_317 = arith.constant 0 : index
    %swap3A_318 = tpu.vector_load %arg12[%swap3A_316, %swap3A_317] {strides = array<i32>} : memref<64x16xi32, #tpu.memory_space<vmem>>, vector<16xi32>,
    tpu.vector_store %arg12[%swap3A_316, %swap3A_317], %shift_right_arithmetic3A_314 {strides = array<i32>} : memref<64x16xi32, #tpu.memory_space<vmem>>, vector<16xi32>,
    %and3A_319 = arith.constant 7 : i32
    %and3A_320 = vector.broadcast %and3A_319 : i32 to vector<16xi32>
    %and3A_321 = arith.andi %add3A_307, %and3A_320 : vector<16xi32>
    %swap3A_322 = arith.constant 11 : i32
    %swap3A_323 = arith.index_cast %swap3A_322 : i32 to index
    %swap3A_324 = arith.constant 0 : index
    %swap3A_325 = tpu.vector_load %arg13[%swap3A_323, %swap3A_324] {strides = array<i32>} : memref<64x16xi32, #tpu.memory_space<vmem>>, vector<16xi32>,
    tpu.vector_store %arg13[%swap3A_323, %swap3A_324], %and3A_321 {strides = array<i32>} : memref<64x16xi32, #tpu.memory_space<vmem>>, vector<16xi32>,
    %add3A_326 = arith.constant 12 : i32
    %add3A_327 = vector.broadcast %add3A_326 : i32 to vector<16xi32>
    %add3A_328 = arith.addi %add3A_327, %iota3A : vector<16xi32>
    %and3A_329 = arith.constant 15 : i32
    %and3A_330 = vector.broadcast %and3A_329 : i32 to vector<16xi32>
    %and3A_331 = arith.andi %add3A_328, %and3A_330 : vector<16xi32>
    %add3A_332 = arith.constant 0 : i32
    %add3A_333 = vector.broadcast %add3A_332 : i32 to vector<16xi32>
    %add3A_334 = arith.addi %add3A_333, %and3A_331 : vector<16xi32>
    %swap3A_335 = arith.constant 12 : i32
    %swap3A_336 = arith.index_cast %swap3A_335 : i32 to index
    %swap3A_337 = arith.constant 0 : index
    %swap3A_338 = tpu.vector_load %arg11[%swap3A_336, %swap3A_337] {strides = array<i32>} : memref<64x16xi32, #tpu.memory_space<vmem>>, vector<16xi32>,
    tpu.vector_store %arg11[%swap3A_336, %swap3A_337], %add3A_334 {strides = array<i32>} : memref<64x16xi32, #tpu.memory_space<vmem>>, vector<16xi32>,
    %shift_right_arithmetic3A_339 = arith.constant 3 : i32
    %shift_right_arithmetic3A_340 = vector.broadcast %shift_right_arithmetic3A_339 : i32 to vector<16xi32>
    %shift_right_arithmetic3A_341 = arith.shrsi %add3A_334, %shift_right_arithmetic3A_340 : vector<16xi32>
    %swap3A_342 = arith.constant 12 : i32
    %swap3A_343 = arith.index_cast %swap3A_342 : i32 to index
    %swap3A_344 = arith.constant 0 : index
    %swap3A_345 = tpu.vector_load %arg12[%swap3A_343, %swap3A_344] {strides = array<i32>} : memref<64x16xi32, #tpu.memory_space<vmem>>, vector<16xi32>,
    tpu.vector_store %arg12[%swap3A_343, %swap3A_344], %shift_right_arithmetic3A_341 {strides = array<i32>} : memref<64x16xi32, #tpu.memory_space<vmem>>, vector<16xi32>,
    %and3A_346 = arith.constant 7 : i32
    %and3A_347 = vector.broadcast %and3A_346 : i32 to vector<16xi32>
    %and3A_348 = arith.andi %add3A_334, %and3A_347 : vector<16xi32>
    %swap3A_349 = arith.constant 12 : i32
    %swap3A_350 = arith.index_cast %swap3A_349 : i32 to index
    %swap3A_351 = arith.constant 0 : index
    %swap3A_352 = tpu.vector_load %arg13[%swap3A_350, %swap3A_351] {strides = array<i32>} : memref<64x16xi32, #tpu.memory_space<vmem>>, vector<16xi32>,
    tpu.vector_store %arg13[%swap3A_350, %swap3A_351], %and3A_348 {strides = array<i32>} : memref<64x16xi32, #tpu.memory_space<vmem>>, vector<16xi32>,
    %add3A_353 = arith.constant 13 : i32
    %add3A_354 = vector.broadcast %add3A_353 : i32 to vector<16xi32>
    %add3A_355 = arith.addi %add3A_354, %iota3A : vector<16xi32>
    %and3A_356 = arith.constant 15 : i32
    %and3A_357 = vector.broadcast %and3A_356 : i32 to vector<16xi32>
    %and3A_358 = arith.andi %add3A_355, %and3A_357 : vector<16xi32>
    %add3A_359 = arith.constant 0 : i32
    %add3A_360 = vector.broadcast %add3A_359 : i32 to vector<16xi32>
    %add3A_361 = arith.addi %add3A_360, %and3A_358 : vector<16xi32>
    %swap3A_362 = arith.constant 13 : i32
    %swap3A_363 = arith.index_cast %swap3A_362 : i32 to index
    %swap3A_364 = arith.constant 0 : index
    %swap3A_365 = tpu.vector_load %arg11[%swap3A_363, %swap3A_364] {strides = array<i32>} : memref<64x16xi32, #tpu.memory_space<vmem>>, vector<16xi32>,
    tpu.vector_store %arg11[%swap3A_363, %swap3A_364], %add3A_361 {strides = array<i32>} : memref<64x16xi32, #tpu.memory_space<vmem>>, vector<16xi32>,
    %shift_right_arithmetic3A_366 = arith.constant 3 : i32
    %shift_right_arithmetic3A_367 = vector.broadcast %shift_right_arithmetic3A_366 : i32 to vector<16xi32>
    %shift_right_arithmetic3A_368 = arith.shrsi %add3A_361, %shift_right_arithmetic3A_367 : vector<16xi32>
    %swap3A_369 = arith.constant 13 : i32
    %swap3A_370 = arith.index_cast %swap3A_369 : i32 to index
    %swap3A_371 = arith.constant 0 : index
    %swap3A_372 = tpu.vector_load %arg12[%swap3A_370, %swap3A_371] {strides = array<i32>} : memref<64x16xi32, #tpu.memory_space<vmem>>, vector<16xi32>,
    tpu.vector_store %arg12[%swap3A_370, %swap3A_371], %shift_right_arithmetic3A_368 {strides = array<i32>} : memref<64x16xi32, #tpu.memory_space<vmem>>, vector<16xi32>,
    %and3A_373 = arith.constant 7 : i32
    %and3A_374 = vector.broadcast %and3A_373 : i32 to vector<16xi32>
    %and3A_375 = arith.andi %add3A_361, %and3A_374 : vector<16xi32>
    %swap3A_376 = arith.constant 13 : i32
    %swap3A_377 = arith.index_cast %swap3A_376 : i32 to index
    %swap3A_378 = arith.constant 0 : index
    %swap3A_379 = tpu.vector_load %arg13[%swap3A_377, %swap3A_378] {strides = array<i32>} : memref<64x16xi32, #tpu.memory_space<vmem>>, vector<16xi32>,
    tpu.vector_store %arg13[%swap3A_377, %swap3A_378], %and3A_375 {strides = array<i32>} : memref<64x16xi32, #tpu.memory_space<vmem>>, vector<16xi32>,
    %add3A_380 = arith.constant 14 : i32
    %add3A_381 = vector.broadcast %add3A_380 : i32 to vector<16xi32>
    %add3A_382 = arith.addi %add3A_381, %iota3A : vector<16xi32>
    %and3A_383 = arith.constant 15 : i32
    %and3A_384 = vector.broadcast %and3A_383 : i32 to vector<16xi32>
    %and3A_385 = arith.andi %add3A_382, %and3A_384 : vector<16xi32>
    %add3A_386 = arith.constant 0 : i32
    %add3A_387 = vector.broadcast %add3A_386 : i32 to vector<16xi32>
    %add3A_388 = arith.addi %add3A_387, %and3A_385 : vector<16xi32>
    %swap3A_389 = arith.constant 14 : i32
    %swap3A_390 = arith.index_cast %swap3A_389 : i32 to index
    %swap3A_391 = arith.constant 0 : index
    %swap3A_392 = tpu.vector_load %arg11[%swap3A_390, %swap3A_391] {strides = array<i32>} : memref<64x16xi32, #tpu.memory_space<vmem>>, vector<16xi32>,
    tpu.vector_store %arg11[%swap3A_390, %swap3A_391], %add3A_388 {strides = array<i32>} : memref<64x16xi32, #tpu.memory_space<vmem>>, vector<16xi32>,
    %shift_right_arithmetic3A_393 = arith.constant 3 : i32
    %shift_right_arithmetic3A_394 = vector.broadcast %shift_right_arithmetic3A_393 : i32 to vector<16xi32>
    %shift_right_arithmetic3A_395 = arith.shrsi %add3A_388, %shift_right_arithmetic3A_394 : vector<16xi32>
    %swap3A_396 = arith.constant 14 : i32
    %swap3A_397 = arith.index_cast %swap3A_396 : i32 to index
    %swap3A_398 = arith.constant 0 : index
    %swap3A_399 = tpu.vector_load %arg12[%swap3A_397, %swap3A_398] {strides = array<i32>} : memref<64x16xi32, #tpu.memory_space<vmem>>, vector<16xi32>,
    tpu.vector_store %arg12[%swap3A_397, %swap3A_398], %shift_right_arithmetic3A_395 {strides = array<i32>} : memref<64x16xi32, #tpu.memory_space<vmem>>, vector<16xi32>,
    %and3A_400 = arith.constant 7 : i32
    %and3A_401 = vector.broadcast %and3A_400 : i32 to vector<16xi32>
    %and3A_402 = arith.andi %add3A_388, %and3A_401 : vector<16xi32>
    %swap3A_403 = arith.constant 14 : i32
    %swap3A_404 = arith.index_cast %swap3A_403 : i32 to index
    %swap3A_405 = arith.constant 0 : index
    %swap3A_406 = tpu.vector_load %arg13[%swap3A_404, %swap3A_405] {strides = array<i32>} : memref<64x16xi32, #tpu.memory_space<vmem>>, vector<16xi32>,
    tpu.vector_store %arg13[%swap3A_404, %swap3A_405], %and3A_402 {strides = array<i32>} : memref<64x16xi32, #tpu.memory_space<vmem>>, vector<16xi32>,
    %add3A_407 = arith.constant 15 : i32
    %add3A_408 = vector.broadcast %add3A_407 : i32 to vector<16xi32>
    %add3A_409 = arith.addi %add3A_408, %iota3A : vector<16xi32>
    %and3A_410 = arith.constant 15 : i32
    %and3A_411 = vector.broadcast %and3A_410 : i32 to vector<16xi32>
    %and3A_412 = arith.andi %add3A_409, %and3A_411 : vector<16xi32>
    %add3A_413 = arith.constant 0 : i32
    %add3A_414 = vector.broadcast %add3A_413 : i32 to vector<16xi32>
    %add3A_415 = arith.addi %add3A_414, %and3A_412 : vector<16xi32>
    %swap3A_416 = arith.constant 15 : i32
    %swap3A_417 = arith.index_cast %swap3A_416 : i32 to index
    %swap3A_418 = arith.constant 0 : index
    %swap3A_419 = tpu.vector_load %arg11[%swap3A_417, %swap3A_418] {strides = array<i32>} : memref<64x16xi32, #tpu.memory_space<vmem>>, vector<16xi32>,
    tpu.vector_store %arg11[%swap3A_417, %swap3A_418], %add3A_415 {strides = array<i32>} : memref<64x16xi32, #tpu.memory_space<vmem>>, vector<16xi32>,
    %shift_right_arithmetic3A_420 = arith.constant 3 : i32
    %shift_right_arithmetic3A_421 = vector.broadcast %shift_right_arithmetic3A_420 : i32 to vector<16xi32>
    %shift_right_arithmetic3A_422 = arith.shrsi %add3A_415, %shift_right_arithmetic3A_421 : vector<16xi32>
    %swap3A_423 = arith.constant 15 : i32
    %swap3A_424 = arith.index_cast %swap3A_423 : i32 to index
    %swap3A_425 = arith.constant 0 : index
    %swap3A_426 = tpu.vector_load %arg12[%swap3A_424, %swap3A_425] {strides = array<i32>} : memref<64x16xi32, #tpu.memory_space<vmem>>, vector<16xi32>,
    tpu.vector_store %arg12[%swap3A_424, %swap3A_425], %shift_right_arithmetic3A_422 {strides = array<i32>} : memref<64x16xi32, #tpu.memory_space<vmem>>, vector<16xi32>,
    %and3A_427 = arith.constant 7 : i32
    %and3A_428 = vector.broadcast %and3A_427 : i32 to vector<16xi32>
    %and3A_429 = arith.andi %add3A_415, %and3A_428 : vector<16xi32>
    %swap3A_430 = arith.constant 15 : i32
    %swap3A_431 = arith.index_cast %swap3A_430 : i32 to index
    %swap3A_432 = arith.constant 0 : index
    %swap3A_433 = tpu.vector_load %arg13[%swap3A_431, %swap3A_432] {strides = array<i32>} : memref<64x16xi32, #tpu.memory_space<vmem>>, vector<16xi32>,
    tpu.vector_store %arg13[%swap3A_431, %swap3A_432], %and3A_429 {strides = array<i32>} : memref<64x16xi32, #tpu.memory_space<vmem>>, vector<16xi32>,
    %add3A_434 = arith.constant 0 : i32
    %add3A_435 = vector.broadcast %add3A_434 : i32 to vector<16xi32>
    %add3A_436 = arith.addi %add3A_435, %iota3A : vector<16xi32>
    %and3A_437 = arith.constant 15 : i32
    %and3A_438 = vector.broadcast %and3A_437 : i32 to vector<16xi32>
    %and3A_439 = arith.andi %add3A_436, %and3A_438 : vector<16xi32>
    %add3A_440 = arith.constant 16 : i32
    %add3A_441 = vector.broadcast %add3A_440 : i32 to vector<16xi32>
    %add3A_442 = arith.addi %add3A_441, %and3A_439 : vector<16xi32>
    %swap3A_443 = arith.constant 16 : i32
    %swap3A_444 = arith.index_cast %swap3A_443 : i32 to index
    %swap3A_445 = arith.constant 0 : index
    %swap3A_446 = tpu.vector_load %arg11[%swap3A_444, %swap3A_445] {strides = array<i32>} : memref<64x16xi32, #tpu.memory_space<vmem>>, vector<16xi32>,
    tpu.vector_store %arg11[%swap3A_444, %swap3A_445], %add3A_442 {strides = array<i32>} : memref<64x16xi32, #tpu.memory_space<vmem>>, vector<16xi32>,
    %shift_right_arithmetic3A_447 = arith.constant 3 : i32
    %shift_right_arithmetic3A_448 = vector.broadcast %shift_right_arithmetic3A_447 : i32 to vector<16xi32>
    %shift_right_arithmetic3A_449 = arith.shrsi %add3A_442, %shift_right_arithmetic3A_448 : vector<16xi32>
    %swap3A_450 = arith.constant 16 : i32
    %swap3A_451 = arith.index_cast %swap3A_450 : i32 to index
    %swap3A_452 = arith.constant 0 : index
    %swap3A_453 = tpu.vector_load %arg12[%swap3A_451, %swap3A_452] {strides = array<i32>} : memref<64x16xi32, #tpu.memory_space<vmem>>, vector<16xi32>,
    tpu.vector_store %arg12[%swap3A_451, %swap3A_452], %shift_right_arithmetic3A_449 {strides = array<i32>} : memref<64x16xi32, #tpu.memory_space<vmem>>, vector<16xi32>,
    %and3A_454 = arith.constant 7 : i32
    %and3A_455 = vector.broadcast %and3A_454 : i32 to vector<16xi32>
    %and3A_456 = arith.andi %add3A_442, %and3A_455 : vector<16xi32>
    %swap3A_457 = arith.constant 16 : i32
    %swap3A_458 = arith.index_cast %swap3A_457 : i32 to index
    %swap3A_459 = arith.constant 0 : index
    %swap3A_460 = tpu.vector_load %arg13[%swap3A_458, %swap3A_459] {strides = array<i32>} : memref<64x16xi32, #tpu.memory_space<vmem>>, vector<16xi32>,
    tpu.vector_store %arg13[%swap3A_458, %swap3A_459], %and3A_456 {strides = array<i32>} : memref<64x16xi32, #tpu.memory_space<vmem>>, vector<16xi32>,
    %add3A_461 = arith.constant 1 : i32
    %add3A_462 = vector.broadcast %add3A_461 : i32 to vector<16xi32>
    %add3A_463 = arith.addi %add3A_462, %iota3A : vector<16xi32>
    %and3A_464 = arith.constant 15 : i32
    %and3A_465 = vector.broadcast %and3A_464 : i32 to vector<16xi32>
    %and3A_466 = arith.andi %add3A_463, %and3A_465 : vector<16xi32>
    %add3A_467 = arith.constant 16 : i32
    %add3A_468 = vector.broadcast %add3A_467 : i32 to vector<16xi32>
    %add3A_469 = arith.addi %add3A_468, %and3A_466 : vector<16xi32>
    %swap3A_470 = arith.constant 17 : i32
    %swap3A_471 = arith.index_cast %swap3A_470 : i32 to index
    %swap3A_472 = arith.constant 0 : index
    %swap3A_473 = tpu.vector_load %arg11[%swap3A_471, %swap3A_472] {strides = array<i32>} : memref<64x16xi32, #tpu.memory_space<vmem>>, vector<16xi32>,
    tpu.vector_store %arg11[%swap3A_471, %swap3A_472], %add3A_469 {strides = array<i32>} : memref<64x16xi32, #tpu.memory_space<vmem>>, vector<16xi32>,
    %shift_right_arithmetic3A_474 = arith.constant 3 : i32
    %shift_right_arithmetic3A_475 = vector.broadcast %shift_right_arithmetic3A_474 : i32 to vector<16xi32>
    %shift_right_arithmetic3A_476 = arith.shrsi %add3A_469, %shift_right_arithmetic3A_475 : vector<16xi32>
    %swap3A_477 = arith.constant 17 : i32
    %swap3A_478 = arith.index_cast %swap3A_477 : i32 to index
    %swap3A_479 = arith.constant 0 : index
    %swap3A_480 = tpu.vector_load %arg12[%swap3A_478, %swap3A_479] {strides = array<i32>} : memref<64x16xi32, #tpu.memory_space<vmem>>, vector<16xi32>,
    tpu.vector_store %arg12[%swap3A_478, %swap3A_479], %shift_right_arithmetic3A_476 {strides = array<i32>} : memref<64x16xi32, #tpu.memory_space<vmem>>, vector<16xi32>,
    %and3A_481 = arith.constant 7 : i32
    %and3A_482 = vector.broadcast %and3A_481 : i32 to vector<16xi32>
    %and3A_483 = arith.andi %add3A_469, %and3A_482 : vector<16xi32>
    %swap3A_484 = arith.constant 17 : i32
    %swap3A_485 = arith.index_cast %swap3A_484 : i32 to index
    %swap3A_486 = arith.constant 0 : index
    %swap3A_487 = tpu.vector_load %arg13[%swap3A_485, %swap3A_486] {strides = array<i32>} : memref<64x16xi32, #tpu.memory_space<vmem>>, vector<16xi32>,
    tpu.vector_store %arg13[%swap3A_485, %swap3A_486], %and3A_483 {strides = array<i32>} : memref<64x16xi32, #tpu.memory_space<vmem>>, vector<16xi32>,
    %add3A_488 = arith.constant 2 : i32
    %add3A_489 = vector.broadcast %add3A_488 : i32 to vector<16xi32>
    %add3A_490 = arith.addi %add3A_489, %iota3A : vector<16xi32>
    %and3A_491 = arith.constant 15 : i32
    %and3A_492 = vector.broadcast %and3A_491 : i32 to vector<16xi32>
    %and3A_493 = arith.andi %add3A_490, %and3A_492 : vector<16xi32>
    %add3A_494 = arith.constant 16 : i32
    %add3A_495 = vector.broadcast %add3A_494 : i32 to vector<16xi32>
    %add3A_496 = arith.addi %add3A_495, %and3A_493 : vector<16xi32>
    %swap3A_497 = arith.constant 18 : i32
    %swap3A_498 = arith.index_cast %swap3A_497 : i32 to index
    %swap3A_499 = arith.constant 0 : index
    %swap3A_500 = tpu.vector_load %arg11[%swap3A_498, %swap3A_499] {strides = array<i32>} : memref<64x16xi32, #tpu.memory_space<vmem>>, vector<16xi32>,
    tpu.vector_store %arg11[%swap3A_498, %swap3A_499], %add3A_496 {strides = array<i32>} : memref<64x16xi32, #tpu.memory_space<vmem>>, vector<16xi32>,
    %shift_right_arithmetic3A_501 = arith.constant 3 : i32
    %shift_right_arithmetic3A_502 = vector.broadcast %shift_right_arithmetic3A_501 : i32 to vector<16xi32>
    %shift_right_arithmetic3A_503 = arith.shrsi %add3A_496, %shift_right_arithmetic3A_502 : vector<16xi32>
    %swap3A_504 = arith.constant 18 : i32
    %swap3A_505 = arith.index_cast %swap3A_504 : i32 to index
    %swap3A_506 = arith.constant 0 : index
    %swap3A_507 = tpu.vector_load %arg12[%swap3A_505, %swap3A_506] {strides = array<i32>} : memref<64x16xi32, #tpu.memory_space<vmem>>, vector<16xi32>,
    tpu.vector_store %arg12[%swap3A_505, %swap3A_506], %shift_right_arithmetic3A_503 {strides = array<i32>} : memref<64x16xi32, #tpu.memory_space<vmem>>, vector<16xi32>,
    %and3A_508 = arith.constant 7 : i32
    %and3A_509 = vector.broadcast %and3A_508 : i32 to vector<16xi32>
    %and3A_510 = arith.andi %add3A_496, %and3A_509 : vector<16xi32>
    %swap3A_511 = arith.constant 18 : i32
    %swap3A_512 = arith.index_cast %swap3A_511 : i32 to index
    %swap3A_513 = arith.constant 0 : index
    %swap3A_514 = tpu.vector_load %arg13[%swap3A_512, %swap3A_513] {strides = array<i32>} : memref<64x16xi32, #tpu.memory_space<vmem>>, vector<16xi32>,
    tpu.vector_store %arg13[%swap3A_512, %swap3A_513], %and3A_510 {strides = array<i32>} : memref<64x16xi32, #tpu.memory_space<vmem>>, vector<16xi32>,
    %add3A_515 = arith.constant 3 : i32
    %add3A_516 = vector.broadcast %add3A_515 : i32 to vector<16xi32>
    %add3A_517 = arith.addi %add3A_516, %iota3A : vector<16xi32>
    %and3A_518 = arith.constant 15 : i32
    %and3A_519 = vector.broadcast %and3A_518 : i32 to vector<16xi32>
    %and3A_520 = arith.andi %add3A_517, %and3A_519 : vector<16xi32>
    %add3A_521 = arith.constant 16 : i32
    %add3A_522 = vector.broadcast %add3A_521 : i32 to vector<16xi32>
    %add3A_523 = arith.addi %add3A_522, %and3A_520 : vector<16xi32>
    %swap3A_524 = arith.constant 19 : i32
    %swap3A_525 = arith.index_cast %swap3A_524 : i32 to index
    %swap3A_526 = arith.constant 0 : index
    %swap3A_527 = tpu.vector_load %arg11[%swap3A_525, %swap3A_526] {strides = array<i32>} : memref<64x16xi32, #tpu.memory_space<vmem>>, vector<16xi32>,
    tpu.vector_store %arg11[%swap3A_525, %swap3A_526], %add3A_523 {strides = array<i32>} : memref<64x16xi32, #tpu.memory_space<vmem>>, vector<16xi32>,
    %shift_right_arithmetic3A_528 = arith.constant 3 : i32
    %shift_right_arithmetic3A_529 = vector.broadcast %shift_right_arithmetic3A_528 : i32 to vector<16xi32>
    %shift_right_arithmetic3A_530 = arith.shrsi %add3A_523, %shift_right_arithmetic3A_529 : vector<16xi32>
    %swap3A_531 = arith.constant 19 : i32
    %swap3A_532 = arith.index_cast %swap3A_531 : i32 to index
    %swap3A_533 = arith.constant 0 : index
    %swap3A_534 = tpu.vector_load %arg12[%swap3A_532, %swap3A_533] {strides = array<i32>} : memref<64x16xi32, #tpu.memory_space<vmem>>, vector<16xi32>,
    tpu.vector_store %arg12[%swap3A_532, %swap3A_533], %shift_right_arithmetic3A_530 {strides = array<i32>} : memref<64x16xi32, #tpu.memory_space<vmem>>, vector<16xi32>,
    %and3A_535 = arith.constant 7 : i32
    %and3A_536 = vector.broadcast %and3A_535 : i32 to vector<16xi32>
    %and3A_537 = arith.andi %add3A_523, %and3A_536 : vector<16xi32>
    %swap3A_538 = arith.constant 19 : i32
    %swap3A_539 = arith.index_cast %swap3A_538 : i32 to index
    %swap3A_540 = arith.constant 0 : index
    %swap3A_541 = tpu.vector_load %arg13[%swap3A_539, %swap3A_540] {strides = array<i32>} : memref<64x16xi32, #tpu.memory_space<vmem>>, vector<16xi32>,
    tpu.vector_store %arg13[%swap3A_539, %swap3A_540], %and3A_537 {strides = array<i32>} : memref<64x16xi32, #tpu.memory_space<vmem>>, vector<16xi32>,
    %add3A_542 = arith.constant 4 : i32
    %add3A_543 = vector.broadcast %add3A_542 : i32 to vector<16xi32>
    %add3A_544 = arith.addi %add3A_543, %iota3A : vector<16xi32>
    %and3A_545 = arith.constant 15 : i32
    %and3A_546 = vector.broadcast %and3A_545 : i32 to vector<16xi32>
    %and3A_547 = arith.andi %add3A_544, %and3A_546 : vector<16xi32>
    %add3A_548 = arith.constant 16 : i32
    %add3A_549 = vector.broadcast %add3A_548 : i32 to vector<16xi32>
    %add3A_550 = arith.addi %add3A_549, %and3A_547 : vector<16xi32>
    %swap3A_551 = arith.constant 20 : i32
    %swap3A_552 = arith.index_cast %swap3A_551 : i32 to index
    %swap3A_553 = arith.constant 0 : index
    %swap3A_554 = tpu.vector_load %arg11[%swap3A_552, %swap3A_553] {strides = array<i32>} : memref<64x16xi32, #tpu.memory_space<vmem>>, vector<16xi32>,
    tpu.vector_store %arg11[%swap3A_552, %swap3A_553], %add3A_550 {strides = array<i32>} : memref<64x16xi32, #tpu.memory_space<vmem>>, vector<16xi32>,
    %shift_right_arithmetic3A_555 = arith.constant 3 : i32
    %shift_right_arithmetic3A_556 = vector.broadcast %shift_right_arithmetic3A_555 : i32 to vector<16xi32>
    %shift_right_arithmetic3A_557 = arith.shrsi %add3A_550, %shift_right_arithmetic3A_556 : vector<16xi32>
    %swap3A_558 = arith.constant 20 : i32
    %swap3A_559 = arith.index_cast %swap3A_558 : i32 to index
    %swap3A_560 = arith.constant 0 : index
    %swap3A_561 = tpu.vector_load %arg12[%swap3A_559, %swap3A_560] {strides = array<i32>} : memref<64x16xi32, #tpu.memory_space<vmem>>, vector<16xi32>,
    tpu.vector_store %arg12[%swap3A_559, %swap3A_560], %shift_right_arithmetic3A_557 {strides = array<i32>} : memref<64x16xi32, #tpu.memory_space<vmem>>, vector<16xi32>,
    %and3A_562 = arith.constant 7 : i32
    %and3A_563 = vector.broadcast %and3A_562 : i32 to vector<16xi32>
    %and3A_564 = arith.andi %add3A_550, %and3A_563 : vector<16xi32>
    %swap3A_565 = arith.constant 20 : i32
    %swap3A_566 = arith.index_cast %swap3A_565 : i32 to index
    %swap3A_567 = arith.constant 0 : index
    %swap3A_568 = tpu.vector_load %arg13[%swap3A_566, %swap3A_567] {strides = array<i32>} : memref<64x16xi32, #tpu.memory_space<vmem>>, vector<16xi32>,
    tpu.vector_store %arg13[%swap3A_566, %swap3A_567], %and3A_564 {strides = array<i32>} : memref<64x16xi32, #tpu.memory_space<vmem>>, vector<16xi32>,
    %add3A_569 = arith.constant 5 : i32
    %add3A_570 = vector.broadcast %add3A_569 : i32 to vector<16xi32>
    %add3A_571 = arith.addi %add3A_570, %iota3A : vector<16xi32>
    %and3A_572 = arith.constant 15 : i32
    %and3A_573 = vector.broadcast %and3A_572 : i32 to vector<16xi32>
    %and3A_574 = arith.andi %add3A_571, %and3A_573 : vector<16xi32>
    %add3A_575 = arith.constant 16 : i32
    %add3A_576 = vector.broadcast %add3A_575 : i32 to vector<16xi32>
    %add3A_577 = arith.addi %add3A_576, %and3A_574 : vector<16xi32>
    %swap3A_578 = arith.constant 21 : i32
    %swap3A_579 = arith.index_cast %swap3A_578 : i32 to index
    %swap3A_580 = arith.constant 0 : index
    %swap3A_581 = tpu.vector_load %arg11[%swap3A_579, %swap3A_580] {strides = array<i32>} : memref<64x16xi32, #tpu.memory_space<vmem>>, vector<16xi32>,
    tpu.vector_store %arg11[%swap3A_579, %swap3A_580], %add3A_577 {strides = array<i32>} : memref<64x16xi32, #tpu.memory_space<vmem>>, vector<16xi32>,
    %shift_right_arithmetic3A_582 = arith.constant 3 : i32
    %shift_right_arithmetic3A_583 = vector.broadcast %shift_right_arithmetic3A_582 : i32 to vector<16xi32>
    %shift_right_arithmetic3A_584 = arith.shrsi %add3A_577, %shift_right_arithmetic3A_583 : vector<16xi32>
    %swap3A_585 = arith.constant 21 : i32
    %swap3A_586 = arith.index_cast %swap3A_585 : i32 to index
    %swap3A_587 = arith.constant 0 : index
    %swap3A_588 = tpu.vector_load %arg12[%swap3A_586, %swap3A_587] {strides = array<i32>} : memref<64x16xi32, #tpu.memory_space<vmem>>, vector<16xi32>,
    tpu.vector_store %arg12[%swap3A_586, %swap3A_587], %shift_right_arithmetic3A_584 {strides = array<i32>} : memref<64x16xi32, #tpu.memory_space<vmem>>, vector<16xi32>,
    %and3A_589 = arith.constant 7 : i32
    %and3A_590 = vector.broadcast %and3A_589 : i32 to vector<16xi32>
    %and3A_591 = arith.andi %add3A_577, %and3A_590 : vector<16xi32>
    %swap3A_592 = arith.constant 21 : i32
    %swap3A_593 = arith.index_cast %swap3A_592 : i32 to index
    %swap3A_594 = arith.constant 0 : index
    %swap3A_595 = tpu.vector_load %arg13[%swap3A_593, %swap3A_594] {strides = array<i32>} : memref<64x16xi32, #tpu.memory_space<vmem>>, vector<16xi32>,
    tpu.vector_store %arg13[%swap3A_593, %swap3A_594], %and3A_591 {strides = array<i32>} : memref<64x16xi32, #tpu.memory_space<vmem>>, vector<16xi32>,
    %add3A_596 = arith.constant 6 : i32
    %add3A_597 = vector.broadcast %add3A_596 : i32 to vector<16xi32>
    %add3A_598 = arith.addi %add3A_597, %iota3A : vector<16xi32>
    %and3A_599 = arith.constant 15 : i32
    %and3A_600 = vector.broadcast %and3A_599 : i32 to vector<16xi32>
    %and3A_601 = arith.andi %add3A_598, %and3A_600 : vector<16xi32>
    %add3A_602 = arith.constant 16 : i32
    %add3A_603 = vector.broadcast %add3A_602 : i32 to vector<16xi32>
    %add3A_604 = arith.addi %add3A_603, %and3A_601 : vector<16xi32>
    %swap3A_605 = arith.constant 22 : i32
    %swap3A_606 = arith.index_cast %swap3A_605 : i32 to index
    %swap3A_607 = arith.constant 0 : index
    %swap3A_608 = tpu.vector_load %arg11[%swap3A_606, %swap3A_607] {strides = array<i32>} : memref<64x16xi32, #tpu.memory_space<vmem>>, vector<16xi32>,
    tpu.vector_store %arg11[%swap3A_606, %swap3A_607], %add3A_604 {strides = array<i32>} : memref<64x16xi32, #tpu.memory_space<vmem>>, vector<16xi32>,
    %shift_right_arithmetic3A_609 = arith.constant 3 : i32
    %shift_right_arithmetic3A_610 = vector.broadcast %shift_right_arithmetic3A_609 : i32 to vector<16xi32>
    %shift_right_arithmetic3A_611 = arith.shrsi %add3A_604, %shift_right_arithmetic3A_610 : vector<16xi32>
    %swap3A_612 = arith.constant 22 : i32
    %swap3A_613 = arith.index_cast %swap3A_612 : i32 to index
    %swap3A_614 = arith.constant 0 : index
    %swap3A_615 = tpu.vector_load %arg12[%swap3A_613, %swap3A_614] {strides = array<i32>} : memref<64x16xi32, #tpu.memory_space<vmem>>, vector<16xi32>,
    tpu.vector_store %arg12[%swap3A_613, %swap3A_614], %shift_right_arithmetic3A_611 {strides = array<i32>} : memref<64x16xi32, #tpu.memory_space<vmem>>, vector<16xi32>,
    %and3A_616 = arith.constant 7 : i32
    %and3A_617 = vector.broadcast %and3A_616 : i32 to vector<16xi32>
    %and3A_618 = arith.andi %add3A_604, %and3A_617 : vector<16xi32>
    %swap3A_619 = arith.constant 22 : i32
    %swap3A_620 = arith.index_cast %swap3A_619 : i32 to index
    %swap3A_621 = arith.constant 0 : index
    %swap3A_622 = tpu.vector_load %arg13[%swap3A_620, %swap3A_621] {strides = array<i32>} : memref<64x16xi32, #tpu.memory_space<vmem>>, vector<16xi32>,
    tpu.vector_store %arg13[%swap3A_620, %swap3A_621], %and3A_618 {strides = array<i32>} : memref<64x16xi32, #tpu.memory_space<vmem>>, vector<16xi32>,
    %add3A_623 = arith.constant 7 : i32
    %add3A_624 = vector.broadcast %add3A_623 : i32 to vector<16xi32>
    %add3A_625 = arith.addi %add3A_624, %iota3A : vector<16xi32>
    %and3A_626 = arith.constant 15 : i32
    %and3A_627 = vector.broadcast %and3A_626 : i32 to vector<16xi32>
    %and3A_628 = arith.andi %add3A_625, %and3A_627 : vector<16xi32>
    %add3A_629 = arith.constant 16 : i32
    %add3A_630 = vector.broadcast %add3A_629 : i32 to vector<16xi32>
    %add3A_631 = arith.addi %add3A_630, %and3A_628 : vector<16xi32>
    %swap3A_632 = arith.constant 23 : i32
    %swap3A_633 = arith.index_cast %swap3A_632 : i32 to index
    %swap3A_634 = arith.constant 0 : index
    %swap3A_635 = tpu.vector_load %arg11[%swap3A_633, %swap3A_634] {strides = array<i32>} : memref<64x16xi32, #tpu.memory_space<vmem>>, vector<16xi32>,
    tpu.vector_store %arg11[%swap3A_633, %swap3A_634], %add3A_631 {strides = array<i32>} : memref<64x16xi32, #tpu.memory_space<vmem>>, vector<16xi32>,
    %shift_right_arithmetic3A_636 = arith.constant 3 : i32
    %shift_right_arithmetic3A_637 = vector.broadcast %shift_right_arithmetic3A_636 : i32 to vector<16xi32>
    %shift_right_arithmetic3A_638 = arith.shrsi %add3A_631, %shift_right_arithmetic3A_637 : vector<16xi32>
    %swap3A_639 = arith.constant 23 : i32
    %swap3A_640 = arith.index_cast %swap3A_639 : i32 to index
    %swap3A_641 = arith.constant 0 : index
    %swap3A_642 = tpu.vector_load %arg12[%swap3A_640, %swap3A_641] {strides = array<i32>} : memref<64x16xi32, #tpu.memory_space<vmem>>, vector<16xi32>,
    tpu.vector_store %arg12[%swap3A_640, %swap3A_641], %shift_right_arithmetic3A_638 {strides = array<i32>} : memref<64x16xi32, #tpu.memory_space<vmem>>, vector<16xi32>,
    %and3A_643 = arith.constant 7 : i32
    %and3A_644 = vector.broadcast %and3A_643 : i32 to vector<16xi32>
    %and3A_645 = arith.andi %add3A_631, %and3A_644 : vector<16xi32>
    %swap3A_646 = arith.constant 23 : i32
    %swap3A_647 = arith.index_cast %swap3A_646 : i32 to index
    %swap3A_648 = arith.constant 0 : index
    %swap3A_649 = tpu.vector_load %arg13[%swap3A_647, %swap3A_648] {strides = array<i32>} : memref<64x16xi32, #tpu.memory_space<vmem>>, vector<16xi32>,
    tpu.vector_store %arg13[%swap3A_647, %swap3A_648], %and3A_645 {strides = array<i32>} : memref<64x16xi32, #tpu.memory_space<vmem>>, vector<16xi32>,
    %add3A_650 = arith.constant 8 : i32
    %add3A_651 = vector.broadcast %add3A_650 : i32 to vector<16xi32>
    %add3A_652 = arith.addi %add3A_651, %iota3A : vector<16xi32>
    %and3A_653 = arith.constant 15 : i32
    %and3A_654 = vector.broadcast %and3A_653 : i32 to vector<16xi32>
    %and3A_655 = arith.andi %add3A_652, %and3A_654 : vector<16xi32>
    %add3A_656 = arith.constant 16 : i32
    %add3A_657 = vector.broadcast %add3A_656 : i32 to vector<16xi32>
    %add3A_658 = arith.addi %add3A_657, %and3A_655 : vector<16xi32>
    %swap3A_659 = arith.constant 24 : i32
    %swap3A_660 = arith.index_cast %swap3A_659 : i32 to index
    %swap3A_661 = arith.constant 0 : index
    %swap3A_662 = tpu.vector_load %arg11[%swap3A_660, %swap3A_661] {strides = array<i32>} : memref<64x16xi32, #tpu.memory_space<vmem>>, vector<16xi32>,
    tpu.vector_store %arg11[%swap3A_660, %swap3A_661], %add3A_658 {strides = array<i32>} : memref<64x16xi32, #tpu.memory_space<vmem>>, vector<16xi32>,
    %shift_right_arithmetic3A_663 = arith.constant 3 : i32
    %shift_right_arithmetic3A_664 = vector.broadcast %shift_right_arithmetic3A_663 : i32 to vector<16xi32>
    %shift_right_arithmetic3A_665 = arith.shrsi %add3A_658, %shift_right_arithmetic3A_664 : vector<16xi32>
    %swap3A_666 = arith.constant 24 : i32
    %swap3A_667 = arith.index_cast %swap3A_666 : i32 to index
    %swap3A_668 = arith.constant 0 : index
    %swap3A_669 = tpu.vector_load %arg12[%swap3A_667, %swap3A_668] {strides = array<i32>} : memref<64x16xi32, #tpu.memory_space<vmem>>, vector<16xi32>,
    tpu.vector_store %arg12[%swap3A_667, %swap3A_668], %shift_right_arithmetic3A_665 {strides = array<i32>} : memref<64x16xi32, #tpu.memory_space<vmem>>, vector<16xi32>,
    %and3A_670 = arith.constant 7 : i32
    %and3A_671 = vector.broadcast %and3A_670 : i32 to vector<16xi32>
    %and3A_672 = arith.andi %add3A_658, %and3A_671 : vector<16xi32>
    %swap3A_673 = arith.constant 24 : i32
    %swap3A_674 = arith.index_cast %swap3A_673 : i32 to index
    %swap3A_675 = arith.constant 0 : index
    %swap3A_676 = tpu.vector_load %arg13[%swap3A_674, %swap3A_675] {strides = array<i32>} : memref<64x16xi32, #tpu.memory_space<vmem>>, vector<16xi32>,
    tpu.vector_store %arg13[%swap3A_674, %swap3A_675], %and3A_672 {strides = array<i32>} : memref<64x16xi32, #tpu.memory_space<vmem>>, vector<16xi32>,
    %add3A_677 = arith.constant 9 : i32
    %add3A_678 = vector.broadcast %add3A_677 : i32 to vector<16xi32>
    %add3A_679 = arith.addi %add3A_678, %iota3A : vector<16xi32>
    %and3A_680 = arith.constant 15 : i32
    %and3A_681 = vector.broadcast %and3A_680 : i32 to vector<16xi32>
    %and3A_682 = arith.andi %add3A_679, %and3A_681 : vector<16xi32>
    %add3A_683 = arith.constant 16 : i32
    %add3A_684 = vector.broadcast %add3A_683 : i32 to vector<16xi32>
    %add3A_685 = arith.addi %add3A_684, %and3A_682 : vector<16xi32>
    %swap3A_686 = arith.constant 25 : i32
    %swap3A_687 = arith.index_cast %swap3A_686 : i32 to index
    %swap3A_688 = arith.constant 0 : index
    %swap3A_689 = tpu.vector_load %arg11[%swap3A_687, %swap3A_688] {strides = array<i32>} : memref<64x16xi32, #tpu.memory_space<vmem>>, vector<16xi32>,
    tpu.vector_store %arg11[%swap3A_687, %swap3A_688], %add3A_685 {strides = array<i32>} : memref<64x16xi32, #tpu.memory_space<vmem>>, vector<16xi32>,
    %shift_right_arithmetic3A_690 = arith.constant 3 : i32
    %shift_right_arithmetic3A_691 = vector.broadcast %shift_right_arithmetic3A_690 : i32 to vector<16xi32>
    %shift_right_arithmetic3A_692 = arith.shrsi %add3A_685, %shift_right_arithmetic3A_691 : vector<16xi32>
    %swap3A_693 = arith.constant 25 : i32
    %swap3A_694 = arith.index_cast %swap3A_693 : i32 to index
    %swap3A_695 = arith.constant 0 : index
    %swap3A_696 = tpu.vector_load %arg12[%swap3A_694, %swap3A_695] {strides = array<i32>} : memref<64x16xi32, #tpu.memory_space<vmem>>, vector<16xi32>,
    tpu.vector_store %arg12[%swap3A_694, %swap3A_695], %shift_right_arithmetic3A_692 {strides = array<i32>} : memref<64x16xi32, #tpu.memory_space<vmem>>, vector<16xi32>,
    %and3A_697 = arith.constant 7 : i32
    %and3A_698 = vector.broadcast %and3A_697 : i32 to vector<16xi32>
    %and3A_699 = arith.andi %add3A_685, %and3A_698 : vector<16xi32>
    %swap3A_700 = arith.constant 25 : i32
    %swap3A_701 = arith.index_cast %swap3A_700 : i32 to index
    %swap3A_702 = arith.constant 0 : index
    %swap3A_703 = tpu.vector_load %arg13[%swap3A_701, %swap3A_702] {strides = array<i32>} : memref<64x16xi32, #tpu.memory_space<vmem>>, vector<16xi32>,
    tpu.vector_store %arg13[%swap3A_701, %swap3A_702], %and3A_699 {strides = array<i32>} : memref<64x16xi32, #tpu.memory_space<vmem>>, vector<16xi32>,
    %add3A_704 = arith.constant 10 : i32
    %add3A_705 = vector.broadcast %add3A_704 : i32 to vector<16xi32>
    %add3A_706 = arith.addi %add3A_705, %iota3A : vector<16xi32>
    %and3A_707 = arith.constant 15 : i32
    %and3A_708 = vector.broadcast %and3A_707 : i32 to vector<16xi32>
    %and3A_709 = arith.andi %add3A_706, %and3A_708 : vector<16xi32>
    %add3A_710 = arith.constant 16 : i32
    %add3A_711 = vector.broadcast %add3A_710 : i32 to vector<16xi32>
    %add3A_712 = arith.addi %add3A_711, %and3A_709 : vector<16xi32>
    %swap3A_713 = arith.constant 26 : i32
    %swap3A_714 = arith.index_cast %swap3A_713 : i32 to index
    %swap3A_715 = arith.constant 0 : index
    %swap3A_716 = tpu.vector_load %arg11[%swap3A_714, %swap3A_715] {strides = array<i32>} : memref<64x16xi32, #tpu.memory_space<vmem>>, vector<16xi32>,
    tpu.vector_store %arg11[%swap3A_714, %swap3A_715], %add3A_712 {strides = array<i32>} : memref<64x16xi32, #tpu.memory_space<vmem>>, vector<16xi32>,
    %shift_right_arithmetic3A_717 = arith.constant 3 : i32
    %shift_right_arithmetic3A_718 = vector.broadcast %shift_right_arithmetic3A_717 : i32 to vector<16xi32>
    %shift_right_arithmetic3A_719 = arith.shrsi %add3A_712, %shift_right_arithmetic3A_718 : vector<16xi32>
    %swap3A_720 = arith.constant 26 : i32
    %swap3A_721 = arith.index_cast %swap3A_720 : i32 to index
    %swap3A_722 = arith.constant 0 : index
    %swap3A_723 = tpu.vector_load %arg12[%swap3A_721, %swap3A_722] {strides = array<i32>} : memref<64x16xi32, #tpu.memory_space<vmem>>, vector<16xi32>,
    tpu.vector_store %arg12[%swap3A_721, %swap3A_722], %shift_right_arithmetic3A_719 {strides = array<i32>} : memref<64x16xi32, #tpu.memory_space<vmem>>, vector<16xi32>,
    %and3A_724 = arith.constant 7 : i32
    %and3A_725 = vector.broadcast %and3A_724 : i32 to vector<16xi32>
    %and3A_726 = arith.andi %add3A_712, %and3A_725 : vector<16xi32>
    %swap3A_727 = arith.constant 26 : i32
    %swap3A_728 = arith.index_cast %swap3A_727 : i32 to index
    %swap3A_729 = arith.constant 0 : index
    %swap3A_730 = tpu.vector_load %arg13[%swap3A_728, %swap3A_729] {strides = array<i32>} : memref<64x16xi32, #tpu.memory_space<vmem>>, vector<16xi32>,
    tpu.vector_store %arg13[%swap3A_728, %swap3A_729], %and3A_726 {strides = array<i32>} : memref<64x16xi32, #tpu.memory_space<vmem>>, vector<16xi32>,
    %add3A_731 = arith.constant 11 : i32
    %add3A_732 = vector.broadcast %add3A_731 : i32 to vector<16xi32>
    %add3A_733 = arith.addi %add3A_732, %iota3A : vector<16xi32>
    %and3A_734 = arith.constant 15 : i32
    %and3A_735 = vector.broadcast %and3A_734 : i32 to vector<16xi32>
    %and3A_736 = arith.andi %add3A_733, %and3A_735 : vector<16xi32>
    %add3A_737 = arith.constant 16 : i32
    %add3A_738 = vector.broadcast %add3A_737 : i32 to vector<16xi32>
    %add3A_739 = arith.addi %add3A_738, %and3A_736 : vector<16xi32>
    %swap3A_740 = arith.constant 27 : i32
    %swap3A_741 = arith.index_cast %swap3A_740 : i32 to index
    %swap3A_742 = arith.constant 0 : index
    %swap3A_743 = tpu.vector_load %arg11[%swap3A_741, %swap3A_742] {strides = array<i32>} : memref<64x16xi32, #tpu.memory_space<vmem>>, vector<16xi32>,
    tpu.vector_store %arg11[%swap3A_741, %swap3A_742], %add3A_739 {strides = array<i32>} : memref<64x16xi32, #tpu.memory_space<vmem>>, vector<16xi32>,
    %shift_right_arithmetic3A_744 = arith.constant 3 : i32
    %shift_right_arithmetic3A_745 = vector.broadcast %shift_right_arithmetic3A_744 : i32 to vector<16xi32>
    %shift_right_arithmetic3A_746 = arith.shrsi %add3A_739, %shift_right_arithmetic3A_745 : vector<16xi32>
    %swap3A_747 = arith.constant 27 : i32
    %swap3A_748 = arith.index_cast %swap3A_747 : i32 to index
    %swap3A_749 = arith.constant 0 : index
    %swap3A_750 = tpu.vector_load %arg12[%swap3A_748, %swap3A_749] {strides = array<i32>} : memref<64x16xi32, #tpu.memory_space<vmem>>, vector<16xi32>,
    tpu.vector_store %arg12[%swap3A_748, %swap3A_749], %shift_right_arithmetic3A_746 {strides = array<i32>} : memref<64x16xi32, #tpu.memory_space<vmem>>, vector<16xi32>,
    %and3A_751 = arith.constant 7 : i32
    %and3A_752 = vector.broadcast %and3A_751 : i32 to vector<16xi32>
    %and3A_753 = arith.andi %add3A_739, %and3A_752 : vector<16xi32>
    %swap3A_754 = arith.constant 27 : i32
    %swap3A_755 = arith.index_cast %swap3A_754 : i32 to index
    %swap3A_756 = arith.constant 0 : index
    %swap3A_757 = tpu.vector_load %arg13[%swap3A_755, %swap3A_756] {strides = array<i32>} : memref<64x16xi32, #tpu.memory_space<vmem>>, vector<16xi32>,
    tpu.vector_store %arg13[%swap3A_755, %swap3A_756], %and3A_753 {strides = array<i32>} : memref<64x16xi32, #tpu.memory_space<vmem>>, vector<16xi32>,
    %add3A_758 = arith.constant 12 : i32
    %add3A_759 = vector.broadcast %add3A_758 : i32 to vector<16xi32>
    %add3A_760 = arith.addi %add3A_759, %iota3A : vector<16xi32>
    %and3A_761 = arith.constant 15 : i32
    %and3A_762 = vector.broadcast %and3A_761 : i32 to vector<16xi32>
    %and3A_763 = arith.andi %add3A_760, %and3A_762 : vector<16xi32>
    %add3A_764 = arith.constant 16 : i32
    %add3A_765 = vector.broadcast %add3A_764 : i32 to vector<16xi32>
    %add3A_766 = arith.addi %add3A_765, %and3A_763 : vector<16xi32>
    %swap3A_767 = arith.constant 28 : i32
    %swap3A_768 = arith.index_cast %swap3A_767 : i32 to index
    %swap3A_769 = arith.constant 0 : index
    %swap3A_770 = tpu.vector_load %arg11[%swap3A_768, %swap3A_769] {strides = array<i32>} : memref<64x16xi32, #tpu.memory_space<vmem>>, vector<16xi32>,
    tpu.vector_store %arg11[%swap3A_768, %swap3A_769], %add3A_766 {strides = array<i32>} : memref<64x16xi32, #tpu.memory_space<vmem>>, vector<16xi32>,
    %shift_right_arithmetic3A_771 = arith.constant 3 : i32
    %shift_right_arithmetic3A_772 = vector.broadcast %shift_right_arithmetic3A_771 : i32 to vector<16xi32>
    %shift_right_arithmetic3A_773 = arith.shrsi %add3A_766, %shift_right_arithmetic3A_772 : vector<16xi32>
    %swap3A_774 = arith.constant 28 : i32
    %swap3A_775 = arith.index_cast %swap3A_774 : i32 to index
    %swap3A_776 = arith.constant 0 : index
    %swap3A_777 = tpu.vector_load %arg12[%swap3A_775, %swap3A_776] {strides = array<i32>} : memref<64x16xi32, #tpu.memory_space<vmem>>, vector<16xi32>,
    tpu.vector_store %arg12[%swap3A_775, %swap3A_776], %shift_right_arithmetic3A_773 {strides = array<i32>} : memref<64x16xi32, #tpu.memory_space<vmem>>, vector<16xi32>,
    %and3A_778 = arith.constant 7 : i32
    %and3A_779 = vector.broadcast %and3A_778 : i32 to vector<16xi32>
    %and3A_780 = arith.andi %add3A_766, %and3A_779 : vector<16xi32>
    %swap3A_781 = arith.constant 28 : i32
    %swap3A_782 = arith.index_cast %swap3A_781 : i32 to index
    %swap3A_783 = arith.constant 0 : index
    %swap3A_784 = tpu.vector_load %arg13[%swap3A_782, %swap3A_783] {strides = array<i32>} : memref<64x16xi32, #tpu.memory_space<vmem>>, vector<16xi32>,
    tpu.vector_store %arg13[%swap3A_782, %swap3A_783], %and3A_780 {strides = array<i32>} : memref<64x16xi32, #tpu.memory_space<vmem>>, vector<16xi32>,
    %add3A_785 = arith.constant 13 : i32
    %add3A_786 = vector.broadcast %add3A_785 : i32 to vector<16xi32>
    %add3A_787 = arith.addi %add3A_786, %iota3A : vector<16xi32>
    %and3A_788 = arith.constant 15 : i32
    %and3A_789 = vector.broadcast %and3A_788 : i32 to vector<16xi32>
    %and3A_790 = arith.andi %add3A_787, %and3A_789 : vector<16xi32>
    %add3A_791 = arith.constant 16 : i32
    %add3A_792 = vector.broadcast %add3A_791 : i32 to vector<16xi32>
    %add3A_793 = arith.addi %add3A_792, %and3A_790 : vector<16xi32>
    %swap3A_794 = arith.constant 29 : i32
    %swap3A_795 = arith.index_cast %swap3A_794 : i32 to index
    %swap3A_796 = arith.constant 0 : index
    %swap3A_797 = tpu.vector_load %arg11[%swap3A_795, %swap3A_796] {strides = array<i32>} : memref<64x16xi32, #tpu.memory_space<vmem>>, vector<16xi32>,
    tpu.vector_store %arg11[%swap3A_795, %swap3A_796], %add3A_793 {strides = array<i32>} : memref<64x16xi32, #tpu.memory_space<vmem>>, vector<16xi32>,
    %shift_right_arithmetic3A_798 = arith.constant 3 : i32
    %shift_right_arithmetic3A_799 = vector.broadcast %shift_right_arithmetic3A_798 : i32 to vector<16xi32>
    %shift_right_arithmetic3A_800 = arith.shrsi %add3A_793, %shift_right_arithmetic3A_799 : vector<16xi32>
    %swap3A_801 = arith.constant 29 : i32
    %swap3A_802 = arith.index_cast %swap3A_801 : i32 to index
    %swap3A_803 = arith.constant 0 : index
    %swap3A_804 = tpu.vector_load %arg12[%swap3A_802, %swap3A_803] {strides = array<i32>} : memref<64x16xi32, #tpu.memory_space<vmem>>, vector<16xi32>,
    tpu.vector_store %arg12[%swap3A_802, %swap3A_803], %shift_right_arithmetic3A_800 {strides = array<i32>} : memref<64x16xi32, #tpu.memory_space<vmem>>, vector<16xi32>,
    %and3A_805 = arith.constant 7 : i32
    %and3A_806 = vector.broadcast %and3A_805 : i32 to vector<16xi32>
    %and3A_807 = arith.andi %add3A_793, %and3A_806 : vector<16xi32>
    %swap3A_808 = arith.constant 29 : i32
    %swap3A_809 = arith.index_cast %swap3A_808 : i32 to index
    %swap3A_810 = arith.constant 0 : index
    %swap3A_811 = tpu.vector_load %arg13[%swap3A_809, %swap3A_810] {strides = array<i32>} : memref<64x16xi32, #tpu.memory_space<vmem>>, vector<16xi32>,
    tpu.vector_store %arg13[%swap3A_809, %swap3A_810], %and3A_807 {strides = array<i32>} : memref<64x16xi32, #tpu.memory_space<vmem>>, vector<16xi32>,
    %add3A_812 = arith.constant 14 : i32
    %add3A_813 = vector.broadcast %add3A_812 : i32 to vector<16xi32>
    %add3A_814 = arith.addi %add3A_813, %iota3A : vector<16xi32>
    %and3A_815 = arith.constant 15 : i32
    %and3A_816 = vector.broadcast %and3A_815 : i32 to vector<16xi32>
    %and3A_817 = arith.andi %add3A_814, %and3A_816 : vector<16xi32>
    %add3A_818 = arith.constant 16 : i32
    %add3A_819 = vector.broadcast %add3A_818 : i32 to vector<16xi32>
    %add3A_820 = arith.addi %add3A_819, %and3A_817 : vector<16xi32>
    %swap3A_821 = arith.constant 30 : i32
    %swap3A_822 = arith.index_cast %swap3A_821 : i32 to index
    %swap3A_823 = arith.constant 0 : index
    %swap3A_824 = tpu.vector_load %arg11[%swap3A_822, %swap3A_823] {strides = array<i32>} : memref<64x16xi32, #tpu.memory_space<vmem>>, vector<16xi32>,
    tpu.vector_store %arg11[%swap3A_822, %swap3A_823], %add3A_820 {strides = array<i32>} : memref<64x16xi32, #tpu.memory_space<vmem>>, vector<16xi32>,
    %shift_right_arithmetic3A_825 = arith.constant 3 : i32
    %shift_right_arithmetic3A_826 = vector.broadcast %shift_right_arithmetic3A_825 : i32 to vector<16xi32>
    %shift_right_arithmetic3A_827 = arith.shrsi %add3A_820, %shift_right_arithmetic3A_826 : vector<16xi32>
    %swap3A_828 = arith.constant 30 : i32
    %swap3A_829 = arith.index_cast %swap3A_828 : i32 to index
    %swap3A_830 = arith.constant 0 : index
    %swap3A_831 = tpu.vector_load %arg12[%swap3A_829, %swap3A_830] {strides = array<i32>} : memref<64x16xi32, #tpu.memory_space<vmem>>, vector<16xi32>,
    tpu.vector_store %arg12[%swap3A_829, %swap3A_830], %shift_right_arithmetic3A_827 {strides = array<i32>} : memref<64x16xi32, #tpu.memory_space<vmem>>, vector<16xi32>,
    %and3A_832 = arith.constant 7 : i32
    %and3A_833 = vector.broadcast %and3A_832 : i32 to vector<16xi32>
    %and3A_834 = arith.andi %add3A_820, %and3A_833 : vector<16xi32>
    %swap3A_835 = arith.constant 30 : i32
    %swap3A_836 = arith.index_cast %swap3A_835 : i32 to index
    %swap3A_837 = arith.constant 0 : index
    %swap3A_838 = tpu.vector_load %arg13[%swap3A_836, %swap3A_837] {strides = array<i32>} : memref<64x16xi32, #tpu.memory_space<vmem>>, vector<16xi32>,
    tpu.vector_store %arg13[%swap3A_836, %swap3A_837], %and3A_834 {strides = array<i32>} : memref<64x16xi32, #tpu.memory_space<vmem>>, vector<16xi32>,
    %add3A_839 = arith.constant 15 : i32
    %add3A_840 = vector.broadcast %add3A_839 : i32 to vector<16xi32>
    %add3A_841 = arith.addi %add3A_840, %iota3A : vector<16xi32>
    %and3A_842 = arith.constant 15 : i32
    %and3A_843 = vector.broadcast %and3A_842 : i32 to vector<16xi32>
    %and3A_844 = arith.andi %add3A_841, %and3A_843 : vector<16xi32>
    %add3A_845 = arith.constant 16 : i32
    %add3A_846 = vector.broadcast %add3A_845 : i32 to vector<16xi32>
    %add3A_847 = arith.addi %add3A_846, %and3A_844 : vector<16xi32>
    %swap3A_848 = arith.constant 31 : i32
    %swap3A_849 = arith.index_cast %swap3A_848 : i32 to index
    %swap3A_850 = arith.constant 0 : index
    %swap3A_851 = tpu.vector_load %arg11[%swap3A_849, %swap3A_850] {strides = array<i32>} : memref<64x16xi32, #tpu.memory_space<vmem>>, vector<16xi32>,
    tpu.vector_store %arg11[%swap3A_849, %swap3A_850], %add3A_847 {strides = array<i32>} : memref<64x16xi32, #tpu.memory_space<vmem>>, vector<16xi32>,
    %shift_right_arithmetic3A_852 = arith.constant 3 : i32
    %shift_right_arithmetic3A_853 = vector.broadcast %shift_right_arithmetic3A_852 : i32 to vector<16xi32>
    %shift_right_arithmetic3A_854 = arith.shrsi %add3A_847, %shift_right_arithmetic3A_853 : vector<16xi32>
    %swap3A_855 = arith.constant 31 : i32
    %swap3A_856 = arith.index_cast %swap3A_855 : i32 to index
    %swap3A_857 = arith.constant 0 : index
    %swap3A_858 = tpu.vector_load %arg12[%swap3A_856, %swap3A_857] {strides = array<i32>} : memref<64x16xi32, #tpu.memory_space<vmem>>, vector<16xi32>,
    tpu.vector_store %arg12[%swap3A_856, %swap3A_857], %shift_right_arithmetic3A_854 {strides = array<i32>} : memref<64x16xi32, #tpu.memory_space<vmem>>, vector<16xi32>,
    %and3A_859 = arith.constant 7 : i32
    %and3A_860 = vector.broadcast %and3A_859 : i32 to vector<16xi32>
    %and3A_861 = arith.andi %add3A_847, %and3A_860 : vector<16xi32>
    %swap3A_862 = arith.constant 31 : i32
    %swap3A_863 = arith.index_cast %swap3A_862 : i32 to index
    %swap3A_864 = arith.constant 0 : index
    %swap3A_865 = tpu.vector_load %arg13[%swap3A_863, %swap3A_864] {strides = array<i32>} : memref<64x16xi32, #tpu.memory_space<vmem>>, vector<16xi32>,
    tpu.vector_store %arg13[%swap3A_863, %swap3A_864], %and3A_861 {strides = array<i32>} : memref<64x16xi32, #tpu.memory_space<vmem>>, vector<16xi32>,
    %add3A_866 = arith.constant 0 : i32
    %add3A_867 = vector.broadcast %add3A_866 : i32 to vector<16xi32>
    %add3A_868 = arith.addi %add3A_867, %iota3A : vector<16xi32>
    %and3A_869 = arith.constant 15 : i32
    %and3A_870 = vector.broadcast %and3A_869 : i32 to vector<16xi32>
    %and3A_871 = arith.andi %add3A_868, %and3A_870 : vector<16xi32>
    %add3A_872 = arith.constant 32 : i32
    %add3A_873 = vector.broadcast %add3A_872 : i32 to vector<16xi32>
    %add3A_874 = arith.addi %add3A_873, %and3A_871 : vector<16xi32>
    %swap3A_875 = arith.constant 32 : i32
    %swap3A_876 = arith.index_cast %swap3A_875 : i32 to index
    %swap3A_877 = arith.constant 0 : index
    %swap3A_878 = tpu.vector_load %arg11[%swap3A_876, %swap3A_877] {strides = array<i32>} : memref<64x16xi32, #tpu.memory_space<vmem>>, vector<16xi32>,
    tpu.vector_store %arg11[%swap3A_876, %swap3A_877], %add3A_874 {strides = array<i32>} : memref<64x16xi32, #tpu.memory_space<vmem>>, vector<16xi32>,
    %shift_right_arithmetic3A_879 = arith.constant 3 : i32
    %shift_right_arithmetic3A_880 = vector.broadcast %shift_right_arithmetic3A_879 : i32 to vector<16xi32>
    %shift_right_arithmetic3A_881 = arith.shrsi %add3A_874, %shift_right_arithmetic3A_880 : vector<16xi32>
    %swap3A_882 = arith.constant 32 : i32
    %swap3A_883 = arith.index_cast %swap3A_882 : i32 to index
    %swap3A_884 = arith.constant 0 : index
    %swap3A_885 = tpu.vector_load %arg12[%swap3A_883, %swap3A_884] {strides = array<i32>} : memref<64x16xi32, #tpu.memory_space<vmem>>, vector<16xi32>,
    tpu.vector_store %arg12[%swap3A_883, %swap3A_884], %shift_right_arithmetic3A_881 {strides = array<i32>} : memref<64x16xi32, #tpu.memory_space<vmem>>, vector<16xi32>,
    %and3A_886 = arith.constant 7 : i32
    %and3A_887 = vector.broadcast %and3A_886 : i32 to vector<16xi32>
    %and3A_888 = arith.andi %add3A_874, %and3A_887 : vector<16xi32>
    %swap3A_889 = arith.constant 32 : i32
    %swap3A_890 = arith.index_cast %swap3A_889 : i32 to index
    %swap3A_891 = arith.constant 0 : index
    %swap3A_892 = tpu.vector_load %arg13[%swap3A_890, %swap3A_891] {strides = array<i32>} : memref<64x16xi32, #tpu.memory_space<vmem>>, vector<16xi32>,
    tpu.vector_store %arg13[%swap3A_890, %swap3A_891], %and3A_888 {strides = array<i32>} : memref<64x16xi32, #tpu.memory_space<vmem>>, vector<16xi32>,
    %add3A_893 = arith.constant 1 : i32
    %add3A_894 = vector.broadcast %add3A_893 : i32 to vector<16xi32>
    %add3A_895 = arith.addi %add3A_894, %iota3A : vector<16xi32>
    %and3A_896 = arith.constant 15 : i32
    %and3A_897 = vector.broadcast %and3A_896 : i32 to vector<16xi32>
    %and3A_898 = arith.andi %add3A_895, %and3A_897 : vector<16xi32>
    %add3A_899 = arith.constant 32 : i32
    %add3A_900 = vector.broadcast %add3A_899 : i32 to vector<16xi32>
    %add3A_901 = arith.addi %add3A_900, %and3A_898 : vector<16xi32>
    %swap3A_902 = arith.constant 33 : i32
    %swap3A_903 = arith.index_cast %swap3A_902 : i32 to index
    %swap3A_904 = arith.constant 0 : index
    %swap3A_905 = tpu.vector_load %arg11[%swap3A_903, %swap3A_904] {strides = array<i32>} : memref<64x16xi32, #tpu.memory_space<vmem>>, vector<16xi32>,
    tpu.vector_store %arg11[%swap3A_903, %swap3A_904], %add3A_901 {strides = array<i32>} : memref<64x16xi32, #tpu.memory_space<vmem>>, vector<16xi32>,
    %shift_right_arithmetic3A_906 = arith.constant 3 : i32
    %shift_right_arithmetic3A_907 = vector.broadcast %shift_right_arithmetic3A_906 : i32 to vector<16xi32>
    %shift_right_arithmetic3A_908 = arith.shrsi %add3A_901, %shift_right_arithmetic3A_907 : vector<16xi32>
    %swap3A_909 = arith.constant 33 : i32
    %swap3A_910 = arith.index_cast %swap3A_909 : i32 to index
    %swap3A_911 = arith.constant 0 : index
    %swap3A_912 = tpu.vector_load %arg12[%swap3A_910, %swap3A_911] {strides = array<i32>} : memref<64x16xi32, #tpu.memory_space<vmem>>, vector<16xi32>,
    tpu.vector_store %arg12[%swap3A_910, %swap3A_911], %shift_right_arithmetic3A_908 {strides = array<i32>} : memref<64x16xi32, #tpu.memory_space<vmem>>, vector<16xi32>,
    %and3A_913 = arith.constant 7 : i32
    %and3A_914 = vector.broadcast %and3A_913 : i32 to vector<16xi32>
    %and3A_915 = arith.andi %add3A_901, %and3A_914 : vector<16xi32>
    %swap3A_916 = arith.constant 33 : i32
    %swap3A_917 = arith.index_cast %swap3A_916 : i32 to index
    %swap3A_918 = arith.constant 0 : index
    %swap3A_919 = tpu.vector_load %arg13[%swap3A_917, %swap3A_918] {strides = array<i32>} : memref<64x16xi32, #tpu.memory_space<vmem>>, vector<16xi32>,
    tpu.vector_store %arg13[%swap3A_917, %swap3A_918], %and3A_915 {strides = array<i32>} : memref<64x16xi32, #tpu.memory_space<vmem>>, vector<16xi32>,
    %add3A_920 = arith.constant 2 : i32
    %add3A_921 = vector.broadcast %add3A_920 : i32 to vector<16xi32>
    %add3A_922 = arith.addi %add3A_921, %iota3A : vector<16xi32>
    %and3A_923 = arith.constant 15 : i32
    %and3A_924 = vector.broadcast %and3A_923 : i32 to vector<16xi32>
    %and3A_925 = arith.andi %add3A_922, %and3A_924 : vector<16xi32>
    %add3A_926 = arith.constant 32 : i32
    %add3A_927 = vector.broadcast %add3A_926 : i32 to vector<16xi32>
    %add3A_928 = arith.addi %add3A_927, %and3A_925 : vector<16xi32>
    %swap3A_929 = arith.constant 34 : i32
    %swap3A_930 = arith.index_cast %swap3A_929 : i32 to index
    %swap3A_931 = arith.constant 0 : index
    %swap3A_932 = tpu.vector_load %arg11[%swap3A_930, %swap3A_931] {strides = array<i32>} : memref<64x16xi32, #tpu.memory_space<vmem>>, vector<16xi32>,
    tpu.vector_store %arg11[%swap3A_930, %swap3A_931], %add3A_928 {strides = array<i32>} : memref<64x16xi32, #tpu.memory_space<vmem>>, vector<16xi32>,
    %shift_right_arithmetic3A_933 = arith.constant 3 : i32
    %shift_right_arithmetic3A_934 = vector.broadcast %shift_right_arithmetic3A_933 : i32 to vector<16xi32>
    %shift_right_arithmetic3A_935 = arith.shrsi %add3A_928, %shift_right_arithmetic3A_934 : vector<16xi32>
    %swap3A_936 = arith.constant 34 : i32
    %swap3A_937 = arith.index_cast %swap3A_936 : i32 to index
    %swap3A_938 = arith.constant 0 : index
    %swap3A_939 = tpu.vector_load %arg12[%swap3A_937, %swap3A_938] {strides = array<i32>} : memref<64x16xi32, #tpu.memory_space<vmem>>, vector<16xi32>,
    tpu.vector_store %arg12[%swap3A_937, %swap3A_938], %shift_right_arithmetic3A_935 {strides = array<i32>} : memref<64x16xi32, #tpu.memory_space<vmem>>, vector<16xi32>,
    %and3A_940 = arith.constant 7 : i32
    %and3A_941 = vector.broadcast %and3A_940 : i32 to vector<16xi32>
    %and3A_942 = arith.andi %add3A_928, %and3A_941 : vector<16xi32>
    %swap3A_943 = arith.constant 34 : i32
    %swap3A_944 = arith.index_cast %swap3A_943 : i32 to index
    %swap3A_945 = arith.constant 0 : index
    %swap3A_946 = tpu.vector_load %arg13[%swap3A_944, %swap3A_945] {strides = array<i32>} : memref<64x16xi32, #tpu.memory_space<vmem>>, vector<16xi32>,
    tpu.vector_store %arg13[%swap3A_944, %swap3A_945], %and3A_942 {strides = array<i32>} : memref<64x16xi32, #tpu.memory_space<vmem>>, vector<16xi32>,
    %add3A_947 = arith.constant 3 : i32
    %add3A_948 = vector.broadcast %add3A_947 : i32 to vector<16xi32>
    %add3A_949 = arith.addi %add3A_948, %iota3A : vector<16xi32>
    %and3A_950 = arith.constant 15 : i32
    %and3A_951 = vector.broadcast %and3A_950 : i32 to vector<16xi32>
    %and3A_952 = arith.andi %add3A_949, %and3A_951 : vector<16xi32>
    %add3A_953 = arith.constant 32 : i32
    %add3A_954 = vector.broadcast %add3A_953 : i32 to vector<16xi32>
    %add3A_955 = arith.addi %add3A_954, %and3A_952 : vector<16xi32>
    %swap3A_956 = arith.constant 35 : i32
    %swap3A_957 = arith.index_cast %swap3A_956 : i32 to index
    %swap3A_958 = arith.constant 0 : index
    %swap3A_959 = tpu.vector_load %arg11[%swap3A_957, %swap3A_958] {strides = array<i32>} : memref<64x16xi32, #tpu.memory_space<vmem>>, vector<16xi32>,
    tpu.vector_store %arg11[%swap3A_957, %swap3A_958], %add3A_955 {strides = array<i32>} : memref<64x16xi32, #tpu.memory_space<vmem>>, vector<16xi32>,
    %shift_right_arithmetic3A_960 = arith.constant 3 : i32
    %shift_right_arithmetic3A_961 = vector.broadcast %shift_right_arithmetic3A_960 : i32 to vector<16xi32>
    %shift_right_arithmetic3A_962 = arith.shrsi %add3A_955, %shift_right_arithmetic3A_961 : vector<16xi32>
    %swap3A_963 = arith.constant 35 : i32
    %swap3A_964 = arith.index_cast %swap3A_963 : i32 to index
    %swap3A_965 = arith.constant 0 : index
    %swap3A_966 = tpu.vector_load %arg12[%swap3A_964, %swap3A_965] {strides = array<i32>} : memref<64x16xi32, #tpu.memory_space<vmem>>, vector<16xi32>,
    tpu.vector_store %arg12[%swap3A_964, %swap3A_965], %shift_right_arithmetic3A_962 {strides = array<i32>} : memref<64x16xi32, #tpu.memory_space<vmem>>, vector<16xi32>,
    %and3A_967 = arith.constant 7 : i32
    %and3A_968 = vector.broadcast %and3A_967 : i32 to vector<16xi32>
    %and3A_969 = arith.andi %add3A_955, %and3A_968 : vector<16xi32>
    %swap3A_970 = arith.constant 35 : i32
    %swap3A_971 = arith.index_cast %swap3A_970 : i32 to index
    %swap3A_972 = arith.constant 0 : index
    %swap3A_973 = tpu.vector_load %arg13[%swap3A_971, %swap3A_972] {strides = array<i32>} : memref<64x16xi32, #tpu.memory_space<vmem>>, vector<16xi32>,
    tpu.vector_store %arg13[%swap3A_971, %swap3A_972], %and3A_969 {strides = array<i32>} : memref<64x16xi32, #tpu.memory_space<vmem>>, vector<16xi32>,
    %add3A_974 = arith.constant 4 : i32
    %add3A_975 = vector.broadcast %add3A_974 : i32 to vector<16xi32>
    %add3A_976 = arith.addi %add3A_975, %iota3A : vector<16xi32>
    %and3A_977 = arith.constant 15 : i32
    %and3A_978 = vector.broadcast %and3A_977 : i32 to vector<16xi32>
    %and3A_979 = arith.andi %add3A_976, %and3A_978 : vector<16xi32>
    %add3A_980 = arith.constant 32 : i32
    %add3A_981 = vector.broadcast %add3A_980 : i32 to vector<16xi32>
    %add3A_982 = arith.addi %add3A_981, %and3A_979 : vector<16xi32>
    %swap3A_983 = arith.constant 36 : i32
    %swap3A_984 = arith.index_cast %swap3A_983 : i32 to index
    %swap3A_985 = arith.constant 0 : index
    %swap3A_986 = tpu.vector_load %arg11[%swap3A_984, %swap3A_985] {strides = array<i32>} : memref<64x16xi32, #tpu.memory_space<vmem>>, vector<16xi32>,
    tpu.vector_store %arg11[%swap3A_984, %swap3A_985], %add3A_982 {strides = array<i32>} : memref<64x16xi32, #tpu.memory_space<vmem>>, vector<16xi32>,
    %shift_right_arithmetic3A_987 = arith.constant 3 : i32
    %shift_right_arithmetic3A_988 = vector.broadcast %shift_right_arithmetic3A_987 : i32 to vector<16xi32>
    %shift_right_arithmetic3A_989 = arith.shrsi %add3A_982, %shift_right_arithmetic3A_988 : vector<16xi32>
    %swap3A_990 = arith.constant 36 : i32
    %swap3A_991 = arith.index_cast %swap3A_990 : i32 to index
    %swap3A_992 = arith.constant 0 : index
    %swap3A_993 = tpu.vector_load %arg12[%swap3A_991, %swap3A_992] {strides = array<i32>} : memref<64x16xi32, #tpu.memory_space<vmem>>, vector<16xi32>,
    tpu.vector_store %arg12[%swap3A_991, %swap3A_992], %shift_right_arithmetic3A_989 {strides = array<i32>} : memref<64x16xi32, #tpu.memory_space<vmem>>, vector<16xi32>,
    %and3A_994 = arith.constant 7 : i32
    %and3A_995 = vector.broadcast %and3A_994 : i32 to vector<16xi32>
    %and3A_996 = arith.andi %add3A_982, %and3A_995 : vector<16xi32>
    %swap3A_997 = arith.constant 36 : i32
    %swap3A_998 = arith.index_cast %swap3A_997 : i32 to index
    %swap3A_999 = arith.constant 0 : index
    %swap3A_1000 = tpu.vector_load %arg13[%swap3A_998, %swap3A_999] {strides = array<i32>} : memref<64x16xi32, #tpu.memory_space<vmem>>, vector<16xi32>,
    tpu.vector_store %arg13[%swap3A_998, %swap3A_999], %and3A_996 {strides = array<i32>} : memref<64x16xi32, #tpu.memory_space<vmem>>, vector<16xi32>,
    %add3A_1001 = arith.constant 5 : i32
    %add3A_1002 = vector.broadcast %add3A_1001 : i32 to vector<16xi32>
    %add3A_1003 = arith.addi %add3A_1002, %iota3A : vector<16xi32>
    %and3A_1004 = arith.constant 15 : i32
    %and3A_1005 = vector.broadcast %and3A_1004 : i32 to vector<16xi32>
    %and3A_1006 = arith.andi %add3A_1003, %and3A_1005 : vector<16xi32>
    %add3A_1007 = arith.constant 32 : i32
    %add3A_1008 = vector.broadcast %add3A_1007 : i32 to vector<16xi32>
    %add3A_1009 = arith.addi %add3A_1008, %and3A_1006 : vector<16xi32>
    %swap3A_1010 = arith.constant 37 : i32
    %swap3A_1011 = arith.index_cast %swap3A_1010 : i32 to index
    %swap3A_1012 = arith.constant 0 : index
    %swap3A_1013 = tpu.vector_load %arg11[%swap3A_1011, %swap3A_1012] {strides = array<i32>} : memref<64x16xi32, #tpu.memory_space<vmem>>, vector<16xi32>,
    tpu.vector_store %arg11[%swap3A_1011, %swap3A_1012], %add3A_1009 {strides = array<i32>} : memref<64x16xi32, #tpu.memory_space<vmem>>, vector<16xi32>,
    %shift_right_arithmetic3A_1014 = arith.constant 3 : i32
    %shift_right_arithmetic3A_1015 = vector.broadcast %shift_right_arithmetic3A_1014 : i32 to vector<16xi32>
    %shift_right_arithmetic3A_1016 = arith.shrsi %add3A_1009, %shift_right_arithmetic3A_1015 : vector<16xi32>
    %swap3A_1017 = arith.constant 37 : i32
    %swap3A_1018 = arith.index_cast %swap3A_1017 : i32 to index
    %swap3A_1019 = arith.constant 0 : index
    %swap3A_1020 = tpu.vector_load %arg12[%swap3A_1018, %swap3A_1019] {strides = array<i32>} : memref<64x16xi32, #tpu.memory_space<vmem>>, vector<16xi32>,
    tpu.vector_store %arg12[%swap3A_1018, %swap3A_1019], %shift_right_arithmetic3A_1016 {strides = array<i32>} : memref<64x16xi32, #tpu.memory_space<vmem>>, vector<16xi32>,
    %and3A_1021 = arith.constant 7 : i32
    %and3A_1022 = vector.broadcast %and3A_1021 : i32 to vector<16xi32>
    %and3A_1023 = arith.andi %add3A_1009, %and3A_1022 : vector<16xi32>
    %swap3A_1024 = arith.constant 37 : i32
    %swap3A_1025 = arith.index_cast %swap3A_1024 : i32 to index
    %swap3A_1026 = arith.constant 0 : index
    %swap3A_1027 = tpu.vector_load %arg13[%swap3A_1025, %swap3A_1026] {strides = array<i32>} : memref<64x16xi32, #tpu.memory_space<vmem>>, vector<16xi32>,
    tpu.vector_store %arg13[%swap3A_1025, %swap3A_1026], %and3A_1023 {strides = array<i32>} : memref<64x16xi32, #tpu.memory_space<vmem>>, vector<16xi32>,
    %add3A_1028 = arith.constant 6 : i32
    %add3A_1029 = vector.broadcast %add3A_1028 : i32 to vector<16xi32>
    %add3A_1030 = arith.addi %add3A_1029, %iota3A : vector<16xi32>
    %and3A_1031 = arith.constant 15 : i32
    %and3A_1032 = vector.broadcast %and3A_1031 : i32 to vector<16xi32>
    %and3A_1033 = arith.andi %add3A_1030, %and3A_1032 : vector<16xi32>
    %add3A_1034 = arith.constant 32 : i32
    %add3A_1035 = vector.broadcast %add3A_1034 : i32 to vector<16xi32>
    %add3A_1036 = arith.addi %add3A_1035, %and3A_1033 : vector<16xi32>
    %swap3A_1037 = arith.constant 38 : i32
    %swap3A_1038 = arith.index_cast %swap3A_1037 : i32 to index
    %swap3A_1039 = arith.constant 0 : index
    %swap3A_1040 = tpu.vector_load %arg11[%swap3A_1038, %swap3A_1039] {strides = array<i32>} : memref<64x16xi32, #tpu.memory_space<vmem>>, vector<16xi32>,
    tpu.vector_store %arg11[%swap3A_1038, %swap3A_1039], %add3A_1036 {strides = array<i32>} : memref<64x16xi32, #tpu.memory_space<vmem>>, vector<16xi32>,
    %shift_right_arithmetic3A_1041 = arith.constant 3 : i32
    %shift_right_arithmetic3A_1042 = vector.broadcast %shift_right_arithmetic3A_1041 : i32 to vector<16xi32>
    %shift_right_arithmetic3A_1043 = arith.shrsi %add3A_1036, %shift_right_arithmetic3A_1042 : vector<16xi32>
    %swap3A_1044 = arith.constant 38 : i32
    %swap3A_1045 = arith.index_cast %swap3A_1044 : i32 to index
    %swap3A_1046 = arith.constant 0 : index
    %swap3A_1047 = tpu.vector_load %arg12[%swap3A_1045, %swap3A_1046] {strides = array<i32>} : memref<64x16xi32, #tpu.memory_space<vmem>>, vector<16xi32>,
    tpu.vector_store %arg12[%swap3A_1045, %swap3A_1046], %shift_right_arithmetic3A_1043 {strides = array<i32>} : memref<64x16xi32, #tpu.memory_space<vmem>>, vector<16xi32>,
    %and3A_1048 = arith.constant 7 : i32
    %and3A_1049 = vector.broadcast %and3A_1048 : i32 to vector<16xi32>
    %and3A_1050 = arith.andi %add3A_1036, %and3A_1049 : vector<16xi32>
    %swap3A_1051 = arith.constant 38 : i32
    %swap3A_1052 = arith.index_cast %swap3A_1051 : i32 to index
    %swap3A_1053 = arith.constant 0 : index
    %swap3A_1054 = tpu.vector_load %arg13[%swap3A_1052, %swap3A_1053] {strides = array<i32>} : memref<64x16xi32, #tpu.memory_space<vmem>>, vector<16xi32>,
    tpu.vector_store %arg13[%swap3A_1052, %swap3A_1053], %and3A_1050 {strides = array<i32>} : memref<64x16xi32, #tpu.memory_space<vmem>>, vector<16xi32>,
    %add3A_1055 = arith.constant 7 : i32
    %add3A_1056 = vector.broadcast %add3A_1055 : i32 to vector<16xi32>
    %add3A_1057 = arith.addi %add3A_1056, %iota3A : vector<16xi32>
    %and3A_1058 = arith.constant 15 : i32
    %and3A_1059 = vector.broadcast %and3A_1058 : i32 to vector<16xi32>
    %and3A_1060 = arith.andi %add3A_1057, %and3A_1059 : vector<16xi32>
    %add3A_1061 = arith.constant 32 : i32
    %add3A_1062 = vector.broadcast %add3A_1061 : i32 to vector<16xi32>
    %add3A_1063 = arith.addi %add3A_1062, %and3A_1060 : vector<16xi32>
    %swap3A_1064 = arith.constant 39 : i32
    %swap3A_1065 = arith.index_cast %swap3A_1064 : i32 to index
    %swap3A_1066 = arith.constant 0 : index
    %swap3A_1067 = tpu.vector_load %arg11[%swap3A_1065, %swap3A_1066] {strides = array<i32>} : memref<64x16xi32, #tpu.memory_space<vmem>>, vector<16xi32>,
    tpu.vector_store %arg11[%swap3A_1065, %swap3A_1066], %add3A_1063 {strides = array<i32>} : memref<64x16xi32, #tpu.memory_space<vmem>>, vector<16xi32>,
    %shift_right_arithmetic3A_1068 = arith.constant 3 : i32
    %shift_right_arithmetic3A_1069 = vector.broadcast %shift_right_arithmetic3A_1068 : i32 to vector<16xi32>
    %shift_right_arithmetic3A_1070 = arith.shrsi %add3A_1063, %shift_right_arithmetic3A_1069 : vector<16xi32>
    %swap3A_1071 = arith.constant 39 : i32
    %swap3A_1072 = arith.index_cast %swap3A_1071 : i32 to index
    %swap3A_1073 = arith.constant 0 : index
    %swap3A_1074 = tpu.vector_load %arg12[%swap3A_1072, %swap3A_1073] {strides = array<i32>} : memref<64x16xi32, #tpu.memory_space<vmem>>, vector<16xi32>,
    tpu.vector_store %arg12[%swap3A_1072, %swap3A_1073], %shift_right_arithmetic3A_1070 {strides = array<i32>} : memref<64x16xi32, #tpu.memory_space<vmem>>, vector<16xi32>,
    %and3A_1075 = arith.constant 7 : i32
    %and3A_1076 = vector.broadcast %and3A_1075 : i32 to vector<16xi32>
    %and3A_1077 = arith.andi %add3A_1063, %and3A_1076 : vector<16xi32>
    %swap3A_1078 = arith.constant 39 : i32
    %swap3A_1079 = arith.index_cast %swap3A_1078 : i32 to index
    %swap3A_1080 = arith.constant 0 : index
    %swap3A_1081 = tpu.vector_load %arg13[%swap3A_1079, %swap3A_1080] {strides = array<i32>} : memref<64x16xi32, #tpu.memory_space<vmem>>, vector<16xi32>,
    tpu.vector_store %arg13[%swap3A_1079, %swap3A_1080], %and3A_1077 {strides = array<i32>} : memref<64x16xi32, #tpu.memory_space<vmem>>, vector<16xi32>,
    %add3A_1082 = arith.constant 8 : i32
    %add3A_1083 = vector.broadcast %add3A_1082 : i32 to vector<16xi32>
    %add3A_1084 = arith.addi %add3A_1083, %iota3A : vector<16xi32>
    %and3A_1085 = arith.constant 15 : i32
    %and3A_1086 = vector.broadcast %and3A_1085 : i32 to vector<16xi32>
    %and3A_1087 = arith.andi %add3A_1084, %and3A_1086 : vector<16xi32>
    %add3A_1088 = arith.constant 32 : i32
    %add3A_1089 = vector.broadcast %add3A_1088 : i32 to vector<16xi32>
    %add3A_1090 = arith.addi %add3A_1089, %and3A_1087 : vector<16xi32>
    %swap3A_1091 = arith.constant 40 : i32
    %swap3A_1092 = arith.index_cast %swap3A_1091 : i32 to index
    %swap3A_1093 = arith.constant 0 : index
    %swap3A_1094 = tpu.vector_load %arg11[%swap3A_1092, %swap3A_1093] {strides = array<i32>} : memref<64x16xi32, #tpu.memory_space<vmem>>, vector<16xi32>,
    tpu.vector_store %arg11[%swap3A_1092, %swap3A_1093], %add3A_1090 {strides = array<i32>} : memref<64x16xi32, #tpu.memory_space<vmem>>, vector<16xi32>,
    %shift_right_arithmetic3A_1095 = arith.constant 3 : i32
    %shift_right_arithmetic3A_1096 = vector.broadcast %shift_right_arithmetic3A_1095 : i32 to vector<16xi32>
    %shift_right_arithmetic3A_1097 = arith.shrsi %add3A_1090, %shift_right_arithmetic3A_1096 : vector<16xi32>
    %swap3A_1098 = arith.constant 40 : i32
    %swap3A_1099 = arith.index_cast %swap3A_1098 : i32 to index
    %swap3A_1100 = arith.constant 0 : index
    %swap3A_1101 = tpu.vector_load %arg12[%swap3A_1099, %swap3A_1100] {strides = array<i32>} : memref<64x16xi32, #tpu.memory_space<vmem>>, vector<16xi32>,
    tpu.vector_store %arg12[%swap3A_1099, %swap3A_1100], %shift_right_arithmetic3A_1097 {strides = array<i32>} : memref<64x16xi32, #tpu.memory_space<vmem>>, vector<16xi32>,
    %and3A_1102 = arith.constant 7 : i32
    %and3A_1103 = vector.broadcast %and3A_1102 : i32 to vector<16xi32>
    %and3A_1104 = arith.andi %add3A_1090, %and3A_1103 : vector<16xi32>
    %swap3A_1105 = arith.constant 40 : i32
    %swap3A_1106 = arith.index_cast %swap3A_1105 : i32 to index
    %swap3A_1107 = arith.constant 0 : index
    %swap3A_1108 = tpu.vector_load %arg13[%swap3A_1106, %swap3A_1107] {strides = array<i32>} : memref<64x16xi32, #tpu.memory_space<vmem>>, vector<16xi32>,
    tpu.vector_store %arg13[%swap3A_1106, %swap3A_1107], %and3A_1104 {strides = array<i32>} : memref<64x16xi32, #tpu.memory_space<vmem>>, vector<16xi32>,
    %add3A_1109 = arith.constant 9 : i32
    %add3A_1110 = vector.broadcast %add3A_1109 : i32 to vector<16xi32>
    %add3A_1111 = arith.addi %add3A_1110, %iota3A : vector<16xi32>
    %and3A_1112 = arith.constant 15 : i32
    %and3A_1113 = vector.broadcast %and3A_1112 : i32 to vector<16xi32>
    %and3A_1114 = arith.andi %add3A_1111, %and3A_1113 : vector<16xi32>
    %add3A_1115 = arith.constant 32 : i32
    %add3A_1116 = vector.broadcast %add3A_1115 : i32 to vector<16xi32>
    %add3A_1117 = arith.addi %add3A_1116, %and3A_1114 : vector<16xi32>
    %swap3A_1118 = arith.constant 41 : i32
    %swap3A_1119 = arith.index_cast %swap3A_1118 : i32 to index
    %swap3A_1120 = arith.constant 0 : index
    %swap3A_1121 = tpu.vector_load %arg11[%swap3A_1119, %swap3A_1120] {strides = array<i32>} : memref<64x16xi32, #tpu.memory_space<vmem>>, vector<16xi32>,
    tpu.vector_store %arg11[%swap3A_1119, %swap3A_1120], %add3A_1117 {strides = array<i32>} : memref<64x16xi32, #tpu.memory_space<vmem>>, vector<16xi32>,
    %shift_right_arithmetic3A_1122 = arith.constant 3 : i32
    %shift_right_arithmetic3A_1123 = vector.broadcast %shift_right_arithmetic3A_1122 : i32 to vector<16xi32>
    %shift_right_arithmetic3A_1124 = arith.shrsi %add3A_1117, %shift_right_arithmetic3A_1123 : vector<16xi32>
    %swap3A_1125 = arith.constant 41 : i32
    %swap3A_1126 = arith.index_cast %swap3A_1125 : i32 to index
    %swap3A_1127 = arith.constant 0 : index
    %swap3A_1128 = tpu.vector_load %arg12[%swap3A_1126, %swap3A_1127] {strides = array<i32>} : memref<64x16xi32, #tpu.memory_space<vmem>>, vector<16xi32>,
    tpu.vector_store %arg12[%swap3A_1126, %swap3A_1127], %shift_right_arithmetic3A_1124 {strides = array<i32>} : memref<64x16xi32, #tpu.memory_space<vmem>>, vector<16xi32>,
    %and3A_1129 = arith.constant 7 : i32
    %and3A_1130 = vector.broadcast %and3A_1129 : i32 to vector<16xi32>
    %and3A_1131 = arith.andi %add3A_1117, %and3A_1130 : vector<16xi32>
    %swap3A_1132 = arith.constant 41 : i32
    %swap3A_1133 = arith.index_cast %swap3A_1132 : i32 to index
    %swap3A_1134 = arith.constant 0 : index
    %swap3A_1135 = tpu.vector_load %arg13[%swap3A_1133, %swap3A_1134] {strides = array<i32>} : memref<64x16xi32, #tpu.memory_space<vmem>>, vector<16xi32>,
    tpu.vector_store %arg13[%swap3A_1133, %swap3A_1134], %and3A_1131 {strides = array<i32>} : memref<64x16xi32, #tpu.memory_space<vmem>>, vector<16xi32>,
    %add3A_1136 = arith.constant 10 : i32
    %add3A_1137 = vector.broadcast %add3A_1136 : i32 to vector<16xi32>
    %add3A_1138 = arith.addi %add3A_1137, %iota3A : vector<16xi32>
    %and3A_1139 = arith.constant 15 : i32
    %and3A_1140 = vector.broadcast %and3A_1139 : i32 to vector<16xi32>
    %and3A_1141 = arith.andi %add3A_1138, %and3A_1140 : vector<16xi32>
    %add3A_1142 = arith.constant 32 : i32
    %add3A_1143 = vector.broadcast %add3A_1142 : i32 to vector<16xi32>
    %add3A_1144 = arith.addi %add3A_1143, %and3A_1141 : vector<16xi32>
    %swap3A_1145 = arith.constant 42 : i32
    %swap3A_1146 = arith.index_cast %swap3A_1145 : i32 to index
    %swap3A_1147 = arith.constant 0 : index
    %swap3A_1148 = tpu.vector_load %arg11[%swap3A_1146, %swap3A_1147] {strides = array<i32>} : memref<64x16xi32, #tpu.memory_space<vmem>>, vector<16xi32>,
    tpu.vector_store %arg11[%swap3A_1146, %swap3A_1147], %add3A_1144 {strides = array<i32>} : memref<64x16xi32, #tpu.memory_space<vmem>>, vector<16xi32>,
    %shift_right_arithmetic3A_1149 = arith.constant 3 : i32
    %shift_right_arithmetic3A_1150 = vector.broadcast %shift_right_arithmetic3A_1149 : i32 to vector<16xi32>
    %shift_right_arithmetic3A_1151 = arith.shrsi %add3A_1144, %shift_right_arithmetic3A_1150 : vector<16xi32>
    %swap3A_1152 = arith.constant 42 : i32
    %swap3A_1153 = arith.index_cast %swap3A_1152 : i32 to index
    %swap3A_1154 = arith.constant 0 : index
    %swap3A_1155 = tpu.vector_load %arg12[%swap3A_1153, %swap3A_1154] {strides = array<i32>} : memref<64x16xi32, #tpu.memory_space<vmem>>, vector<16xi32>,
    tpu.vector_store %arg12[%swap3A_1153, %swap3A_1154], %shift_right_arithmetic3A_1151 {strides = array<i32>} : memref<64x16xi32, #tpu.memory_space<vmem>>, vector<16xi32>,
    %and3A_1156 = arith.constant 7 : i32
    %and3A_1157 = vector.broadcast %and3A_1156 : i32 to vector<16xi32>
    %and3A_1158 = arith.andi %add3A_1144, %and3A_1157 : vector<16xi32>
    %swap3A_1159 = arith.constant 42 : i32
    %swap3A_1160 = arith.index_cast %swap3A_1159 : i32 to index
    %swap3A_1161 = arith.constant 0 : index
    %swap3A_1162 = tpu.vector_load %arg13[%swap3A_1160, %swap3A_1161] {strides = array<i32>} : memref<64x16xi32, #tpu.memory_space<vmem>>, vector<16xi32>,
    tpu.vector_store %arg13[%swap3A_1160, %swap3A_1161], %and3A_1158 {strides = array<i32>} : memref<64x16xi32, #tpu.memory_space<vmem>>, vector<16xi32>,
    %add3A_1163 = arith.constant 11 : i32
    %add3A_1164 = vector.broadcast %add3A_1163 : i32 to vector<16xi32>
    %add3A_1165 = arith.addi %add3A_1164, %iota3A : vector<16xi32>
    %and3A_1166 = arith.constant 15 : i32
    %and3A_1167 = vector.broadcast %and3A_1166 : i32 to vector<16xi32>
    %and3A_1168 = arith.andi %add3A_1165, %and3A_1167 : vector<16xi32>
    %add3A_1169 = arith.constant 32 : i32
    %add3A_1170 = vector.broadcast %add3A_1169 : i32 to vector<16xi32>
    %add3A_1171 = arith.addi %add3A_1170, %and3A_1168 : vector<16xi32>
    %swap3A_1172 = arith.constant 43 : i32
    %swap3A_1173 = arith.index_cast %swap3A_1172 : i32 to index
    %swap3A_1174 = arith.constant 0 : index
    %swap3A_1175 = tpu.vector_load %arg11[%swap3A_1173, %swap3A_1174] {strides = array<i32>} : memref<64x16xi32, #tpu.memory_space<vmem>>, vector<16xi32>,
    tpu.vector_store %arg11[%swap3A_1173, %swap3A_1174], %add3A_1171 {strides = array<i32>} : memref<64x16xi32, #tpu.memory_space<vmem>>, vector<16xi32>,
    %shift_right_arithmetic3A_1176 = arith.constant 3 : i32
    %shift_right_arithmetic3A_1177 = vector.broadcast %shift_right_arithmetic3A_1176 : i32 to vector<16xi32>
    %shift_right_arithmetic3A_1178 = arith.shrsi %add3A_1171, %shift_right_arithmetic3A_1177 : vector<16xi32>
    %swap3A_1179 = arith.constant 43 : i32
    %swap3A_1180 = arith.index_cast %swap3A_1179 : i32 to index
    %swap3A_1181 = arith.constant 0 : index
    %swap3A_1182 = tpu.vector_load %arg12[%swap3A_1180, %swap3A_1181] {strides = array<i32>} : memref<64x16xi32, #tpu.memory_space<vmem>>, vector<16xi32>,
    tpu.vector_store %arg12[%swap3A_1180, %swap3A_1181], %shift_right_arithmetic3A_1178 {strides = array<i32>} : memref<64x16xi32, #tpu.memory_space<vmem>>, vector<16xi32>,
    %and3A_1183 = arith.constant 7 : i32
    %and3A_1184 = vector.broadcast %and3A_1183 : i32 to vector<16xi32>
    %and3A_1185 = arith.andi %add3A_1171, %and3A_1184 : vector<16xi32>
    %swap3A_1186 = arith.constant 43 : i32
    %swap3A_1187 = arith.index_cast %swap3A_1186 : i32 to index
    %swap3A_1188 = arith.constant 0 : index
    %swap3A_1189 = tpu.vector_load %arg13[%swap3A_1187, %swap3A_1188] {strides = array<i32>} : memref<64x16xi32, #tpu.memory_space<vmem>>, vector<16xi32>,
    tpu.vector_store %arg13[%swap3A_1187, %swap3A_1188], %and3A_1185 {strides = array<i32>} : memref<64x16xi32, #tpu.memory_space<vmem>>, vector<16xi32>,
    %add3A_1190 = arith.constant 12 : i32
    %add3A_1191 = vector.broadcast %add3A_1190 : i32 to vector<16xi32>
    %add3A_1192 = arith.addi %add3A_1191, %iota3A : vector<16xi32>
    %and3A_1193 = arith.constant 15 : i32
    %and3A_1194 = vector.broadcast %and3A_1193 : i32 to vector<16xi32>
    %and3A_1195 = arith.andi %add3A_1192, %and3A_1194 : vector<16xi32>
    %add3A_1196 = arith.constant 32 : i32
    %add3A_1197 = vector.broadcast %add3A_1196 : i32 to vector<16xi32>
    %add3A_1198 = arith.addi %add3A_1197, %and3A_1195 : vector<16xi32>
    %swap3A_1199 = arith.constant 44 : i32
    %swap3A_1200 = arith.index_cast %swap3A_1199 : i32 to index
    %swap3A_1201 = arith.constant 0 : index
    %swap3A_1202 = tpu.vector_load %arg11[%swap3A_1200, %swap3A_1201] {strides = array<i32>} : memref<64x16xi32, #tpu.memory_space<vmem>>, vector<16xi32>,
    tpu.vector_store %arg11[%swap3A_1200, %swap3A_1201], %add3A_1198 {strides = array<i32>} : memref<64x16xi32, #tpu.memory_space<vmem>>, vector<16xi32>,
    %shift_right_arithmetic3A_1203 = arith.constant 3 : i32
    %shift_right_arithmetic3A_1204 = vector.broadcast %shift_right_arithmetic3A_1203 : i32 to vector<16xi32>
    %shift_right_arithmetic3A_1205 = arith.shrsi %add3A_1198, %shift_right_arithmetic3A_1204 : vector<16xi32>
    %swap3A_1206 = arith.constant 44 : i32
    %swap3A_1207 = arith.index_cast %swap3A_1206 : i32 to index
    %swap3A_1208 = arith.constant 0 : index
    %swap3A_1209 = tpu.vector_load %arg12[%swap3A_1207, %swap3A_1208] {strides = array<i32>} : memref<64x16xi32, #tpu.memory_space<vmem>>, vector<16xi32>,
    tpu.vector_store %arg12[%swap3A_1207, %swap3A_1208], %shift_right_arithmetic3A_1205 {strides = array<i32>} : memref<64x16xi32, #tpu.memory_space<vmem>>, vector<16xi32>,
    %and3A_1210 = arith.constant 7 : i32
    %and3A_1211 = vector.broadcast %and3A_1210 : i32 to vector<16xi32>
    %and3A_1212 = arith.andi %add3A_1198, %and3A_1211 : vector<16xi32>
    %swap3A_1213 = arith.constant 44 : i32
    %swap3A_1214 = arith.index_cast %swap3A_1213 : i32 to index
    %swap3A_1215 = arith.constant 0 : index
    %swap3A_1216 = tpu.vector_load %arg13[%swap3A_1214, %swap3A_1215] {strides = array<i32>} : memref<64x16xi32, #tpu.memory_space<vmem>>, vector<16xi32>,
    tpu.vector_store %arg13[%swap3A_1214, %swap3A_1215], %and3A_1212 {strides = array<i32>} : memref<64x16xi32, #tpu.memory_space<vmem>>, vector<16xi32>,
    %add3A_1217 = arith.constant 13 : i32
    %add3A_1218 = vector.broadcast %add3A_1217 : i32 to vector<16xi32>
    %add3A_1219 = arith.addi %add3A_1218, %iota3A : vector<16xi32>
    %and3A_1220 = arith.constant 15 : i32
    %and3A_1221 = vector.broadcast %and3A_1220 : i32 to vector<16xi32>
    %and3A_1222 = arith.andi %add3A_1219, %and3A_1221 : vector<16xi32>
    %add3A_1223 = arith.constant 32 : i32
    %add3A_1224 = vector.broadcast %add3A_1223 : i32 to vector<16xi32>
    %add3A_1225 = arith.addi %add3A_1224, %and3A_1222 : vector<16xi32>
    %swap3A_1226 = arith.constant 45 : i32
    %swap3A_1227 = arith.index_cast %swap3A_1226 : i32 to index
    %swap3A_1228 = arith.constant 0 : index
    %swap3A_1229 = tpu.vector_load %arg11[%swap3A_1227, %swap3A_1228] {strides = array<i32>} : memref<64x16xi32, #tpu.memory_space<vmem>>, vector<16xi32>,
    tpu.vector_store %arg11[%swap3A_1227, %swap3A_1228], %add3A_1225 {strides = array<i32>} : memref<64x16xi32, #tpu.memory_space<vmem>>, vector<16xi32>,
    %shift_right_arithmetic3A_1230 = arith.constant 3 : i32
    %shift_right_arithmetic3A_1231 = vector.broadcast %shift_right_arithmetic3A_1230 : i32 to vector<16xi32>
    %shift_right_arithmetic3A_1232 = arith.shrsi %add3A_1225, %shift_right_arithmetic3A_1231 : vector<16xi32>
    %swap3A_1233 = arith.constant 45 : i32
    %swap3A_1234 = arith.index_cast %swap3A_1233 : i32 to index
    %swap3A_1235 = arith.constant 0 : index
    %swap3A_1236 = tpu.vector_load %arg12[%swap3A_1234, %swap3A_1235] {strides = array<i32>} : memref<64x16xi32, #tpu.memory_space<vmem>>, vector<16xi32>,
    tpu.vector_store %arg12[%swap3A_1234, %swap3A_1235], %shift_right_arithmetic3A_1232 {strides = array<i32>} : memref<64x16xi32, #tpu.memory_space<vmem>>, vector<16xi32>,
    %and3A_1237 = arith.constant 7 : i32
    %and3A_1238 = vector.broadcast %and3A_1237 : i32 to vector<16xi32>
    %and3A_1239 = arith.andi %add3A_1225, %and3A_1238 : vector<16xi32>
    %swap3A_1240 = arith.constant 45 : i32
    %swap3A_1241 = arith.index_cast %swap3A_1240 : i32 to index
    %swap3A_1242 = arith.constant 0 : index
    %swap3A_1243 = tpu.vector_load %arg13[%swap3A_1241, %swap3A_1242] {strides = array<i32>} : memref<64x16xi32, #tpu.memory_space<vmem>>, vector<16xi32>,
    tpu.vector_store %arg13[%swap3A_1241, %swap3A_1242], %and3A_1239 {strides = array<i32>} : memref<64x16xi32, #tpu.memory_space<vmem>>, vector<16xi32>,
    %add3A_1244 = arith.constant 14 : i32
    %add3A_1245 = vector.broadcast %add3A_1244 : i32 to vector<16xi32>
    %add3A_1246 = arith.addi %add3A_1245, %iota3A : vector<16xi32>
    %and3A_1247 = arith.constant 15 : i32
    %and3A_1248 = vector.broadcast %and3A_1247 : i32 to vector<16xi32>
    %and3A_1249 = arith.andi %add3A_1246, %and3A_1248 : vector<16xi32>
    %add3A_1250 = arith.constant 32 : i32
    %add3A_1251 = vector.broadcast %add3A_1250 : i32 to vector<16xi32>
    %add3A_1252 = arith.addi %add3A_1251, %and3A_1249 : vector<16xi32>
    %swap3A_1253 = arith.constant 46 : i32
    %swap3A_1254 = arith.index_cast %swap3A_1253 : i32 to index
    %swap3A_1255 = arith.constant 0 : index
    %swap3A_1256 = tpu.vector_load %arg11[%swap3A_1254, %swap3A_1255] {strides = array<i32>} : memref<64x16xi32, #tpu.memory_space<vmem>>, vector<16xi32>,
    tpu.vector_store %arg11[%swap3A_1254, %swap3A_1255], %add3A_1252 {strides = array<i32>} : memref<64x16xi32, #tpu.memory_space<vmem>>, vector<16xi32>,
    %shift_right_arithmetic3A_1257 = arith.constant 3 : i32
    %shift_right_arithmetic3A_1258 = vector.broadcast %shift_right_arithmetic3A_1257 : i32 to vector<16xi32>
    %shift_right_arithmetic3A_1259 = arith.shrsi %add3A_1252, %shift_right_arithmetic3A_1258 : vector<16xi32>
    %swap3A_1260 = arith.constant 46 : i32
    %swap3A_1261 = arith.index_cast %swap3A_1260 : i32 to index
    %swap3A_1262 = arith.constant 0 : index
    %swap3A_1263 = tpu.vector_load %arg12[%swap3A_1261, %swap3A_1262] {strides = array<i32>} : memref<64x16xi32, #tpu.memory_space<vmem>>, vector<16xi32>,
    tpu.vector_store %arg12[%swap3A_1261, %swap3A_1262], %shift_right_arithmetic3A_1259 {strides = array<i32>} : memref<64x16xi32, #tpu.memory_space<vmem>>, vector<16xi32>,
    %and3A_1264 = arith.constant 7 : i32
    %and3A_1265 = vector.broadcast %and3A_1264 : i32 to vector<16xi32>
    %and3A_1266 = arith.andi %add3A_1252, %and3A_1265 : vector<16xi32>
    %swap3A_1267 = arith.constant 46 : i32
    %swap3A_1268 = arith.index_cast %swap3A_1267 : i32 to index
    %swap3A_1269 = arith.constant 0 : index
    %swap3A_1270 = tpu.vector_load %arg13[%swap3A_1268, %swap3A_1269] {strides = array<i32>} : memref<64x16xi32, #tpu.memory_space<vmem>>, vector<16xi32>,
    tpu.vector_store %arg13[%swap3A_1268, %swap3A_1269], %and3A_1266 {strides = array<i32>} : memref<64x16xi32, #tpu.memory_space<vmem>>, vector<16xi32>,
    %add3A_1271 = arith.constant 15 : i32
    %add3A_1272 = vector.broadcast %add3A_1271 : i32 to vector<16xi32>
    %add3A_1273 = arith.addi %add3A_1272, %iota3A : vector<16xi32>
    %and3A_1274 = arith.constant 15 : i32
    %and3A_1275 = vector.broadcast %and3A_1274 : i32 to vector<16xi32>
    %and3A_1276 = arith.andi %add3A_1273, %and3A_1275 : vector<16xi32>
    %add3A_1277 = arith.constant 32 : i32
    %add3A_1278 = vector.broadcast %add3A_1277 : i32 to vector<16xi32>
    %add3A_1279 = arith.addi %add3A_1278, %and3A_1276 : vector<16xi32>
    %swap3A_1280 = arith.constant 47 : i32
    %swap3A_1281 = arith.index_cast %swap3A_1280 : i32 to index
    %swap3A_1282 = arith.constant 0 : index
    %swap3A_1283 = tpu.vector_load %arg11[%swap3A_1281, %swap3A_1282] {strides = array<i32>} : memref<64x16xi32, #tpu.memory_space<vmem>>, vector<16xi32>,
    tpu.vector_store %arg11[%swap3A_1281, %swap3A_1282], %add3A_1279 {strides = array<i32>} : memref<64x16xi32, #tpu.memory_space<vmem>>, vector<16xi32>,
    %shift_right_arithmetic3A_1284 = arith.constant 3 : i32
    %shift_right_arithmetic3A_1285 = vector.broadcast %shift_right_arithmetic3A_1284 : i32 to vector<16xi32>
    %shift_right_arithmetic3A_1286 = arith.shrsi %add3A_1279, %shift_right_arithmetic3A_1285 : vector<16xi32>
    %swap3A_1287 = arith.constant 47 : i32
    %swap3A_1288 = arith.index_cast %swap3A_1287 : i32 to index
    %swap3A_1289 = arith.constant 0 : index
    %swap3A_1290 = tpu.vector_load %arg12[%swap3A_1288, %swap3A_1289] {strides = array<i32>} : memref<64x16xi32, #tpu.memory_space<vmem>>, vector<16xi32>,
    tpu.vector_store %arg12[%swap3A_1288, %swap3A_1289], %shift_right_arithmetic3A_1286 {strides = array<i32>} : memref<64x16xi32, #tpu.memory_space<vmem>>, vector<16xi32>,
    %and3A_1291 = arith.constant 7 : i32
    %and3A_1292 = vector.broadcast %and3A_1291 : i32 to vector<16xi32>
    %and3A_1293 = arith.andi %add3A_1279, %and3A_1292 : vector<16xi32>
    %swap3A_1294 = arith.constant 47 : i32
    %swap3A_1295 = arith.index_cast %swap3A_1294 : i32 to index
    %swap3A_1296 = arith.constant 0 : index
    %swap3A_1297 = tpu.vector_load %arg13[%swap3A_1295, %swap3A_1296] {strides = array<i32>} : memref<64x16xi32, #tpu.memory_space<vmem>>, vector<16xi32>,
    tpu.vector_store %arg13[%swap3A_1295, %swap3A_1296], %and3A_1293 {strides = array<i32>} : memref<64x16xi32, #tpu.memory_space<vmem>>, vector<16xi32>,
    %add3A_1298 = arith.constant 0 : i32
    %add3A_1299 = vector.broadcast %add3A_1298 : i32 to vector<16xi32>
    %add3A_1300 = arith.addi %add3A_1299, %iota3A : vector<16xi32>
    %and3A_1301 = arith.constant 15 : i32
    %and3A_1302 = vector.broadcast %and3A_1301 : i32 to vector<16xi32>
    %and3A_1303 = arith.andi %add3A_1300, %and3A_1302 : vector<16xi32>
    %add3A_1304 = arith.constant 48 : i32
    %add3A_1305 = vector.broadcast %add3A_1304 : i32 to vector<16xi32>
    %add3A_1306 = arith.addi %add3A_1305, %and3A_1303 : vector<16xi32>
    %swap3A_1307 = arith.constant 48 : i32
    %swap3A_1308 = arith.index_cast %swap3A_1307 : i32 to index
    %swap3A_1309 = arith.constant 0 : index
    %swap3A_1310 = tpu.vector_load %arg11[%swap3A_1308, %swap3A_1309] {strides = array<i32>} : memref<64x16xi32, #tpu.memory_space<vmem>>, vector<16xi32>,
    tpu.vector_store %arg11[%swap3A_1308, %swap3A_1309], %add3A_1306 {strides = array<i32>} : memref<64x16xi32, #tpu.memory_space<vmem>>, vector<16xi32>,
    %shift_right_arithmetic3A_1311 = arith.constant 3 : i32
    %shift_right_arithmetic3A_1312 = vector.broadcast %shift_right_arithmetic3A_1311 : i32 to vector<16xi32>
    %shift_right_arithmetic3A_1313 = arith.shrsi %add3A_1306, %shift_right_arithmetic3A_1312 : vector<16xi32>
    %swap3A_1314 = arith.constant 48 : i32
    %swap3A_1315 = arith.index_cast %swap3A_1314 : i32 to index
    %swap3A_1316 = arith.constant 0 : index
    %swap3A_1317 = tpu.vector_load %arg12[%swap3A_1315, %swap3A_1316] {strides = array<i32>} : memref<64x16xi32, #tpu.memory_space<vmem>>, vector<16xi32>,
    tpu.vector_store %arg12[%swap3A_1315, %swap3A_1316], %shift_right_arithmetic3A_1313 {strides = array<i32>} : memref<64x16xi32, #tpu.memory_space<vmem>>, vector<16xi32>,
    %and3A_1318 = arith.constant 7 : i32
    %and3A_1319 = vector.broadcast %and3A_1318 : i32 to vector<16xi32>
    %and3A_1320 = arith.andi %add3A_1306, %and3A_1319 : vector<16xi32>
    %swap3A_1321 = arith.constant 48 : i32
    %swap3A_1322 = arith.index_cast %swap3A_1321 : i32 to index
    %swap3A_1323 = arith.constant 0 : index
    %swap3A_1324 = tpu.vector_load %arg13[%swap3A_1322, %swap3A_1323] {strides = array<i32>} : memref<64x16xi32, #tpu.memory_space<vmem>>, vector<16xi32>,
    tpu.vector_store %arg13[%swap3A_1322, %swap3A_1323], %and3A_1320 {strides = array<i32>} : memref<64x16xi32, #tpu.memory_space<vmem>>, vector<16xi32>,
    %add3A_1325 = arith.constant 1 : i32
    %add3A_1326 = vector.broadcast %add3A_1325 : i32 to vector<16xi32>
    %add3A_1327 = arith.addi %add3A_1326, %iota3A : vector<16xi32>
    %and3A_1328 = arith.constant 15 : i32
    %and3A_1329 = vector.broadcast %and3A_1328 : i32 to vector<16xi32>
    %and3A_1330 = arith.andi %add3A_1327, %and3A_1329 : vector<16xi32>
    %add3A_1331 = arith.constant 48 : i32
    %add3A_1332 = vector.broadcast %add3A_1331 : i32 to vector<16xi32>
    %add3A_1333 = arith.addi %add3A_1332, %and3A_1330 : vector<16xi32>
    %swap3A_1334 = arith.constant 49 : i32
    %swap3A_1335 = arith.index_cast %swap3A_1334 : i32 to index
    %swap3A_1336 = arith.constant 0 : index
    %swap3A_1337 = tpu.vector_load %arg11[%swap3A_1335, %swap3A_1336] {strides = array<i32>} : memref<64x16xi32, #tpu.memory_space<vmem>>, vector<16xi32>,
    tpu.vector_store %arg11[%swap3A_1335, %swap3A_1336], %add3A_1333 {strides = array<i32>} : memref<64x16xi32, #tpu.memory_space<vmem>>, vector<16xi32>,
    %shift_right_arithmetic3A_1338 = arith.constant 3 : i32
    %shift_right_arithmetic3A_1339 = vector.broadcast %shift_right_arithmetic3A_1338 : i32 to vector<16xi32>
    %shift_right_arithmetic3A_1340 = arith.shrsi %add3A_1333, %shift_right_arithmetic3A_1339 : vector<16xi32>
    %swap3A_1341 = arith.constant 49 : i32
    %swap3A_1342 = arith.index_cast %swap3A_1341 : i32 to index
    %swap3A_1343 = arith.constant 0 : index
    %swap3A_1344 = tpu.vector_load %arg12[%swap3A_1342, %swap3A_1343] {strides = array<i32>} : memref<64x16xi32, #tpu.memory_space<vmem>>, vector<16xi32>,
    tpu.vector_store %arg12[%swap3A_1342, %swap3A_1343], %shift_right_arithmetic3A_1340 {strides = array<i32>} : memref<64x16xi32, #tpu.memory_space<vmem>>, vector<16xi32>,
    %and3A_1345 = arith.constant 7 : i32
    %and3A_1346 = vector.broadcast %and3A_1345 : i32 to vector<16xi32>
    %and3A_1347 = arith.andi %add3A_1333, %and3A_1346 : vector<16xi32>
    %swap3A_1348 = arith.constant 49 : i32
    %swap3A_1349 = arith.index_cast %swap3A_1348 : i32 to index
    %swap3A_1350 = arith.constant 0 : index
    %swap3A_1351 = tpu.vector_load %arg13[%swap3A_1349, %swap3A_1350] {strides = array<i32>} : memref<64x16xi32, #tpu.memory_space<vmem>>, vector<16xi32>,
    tpu.vector_store %arg13[%swap3A_1349, %swap3A_1350], %and3A_1347 {strides = array<i32>} : memref<64x16xi32, #tpu.memory_space<vmem>>, vector<16xi32>,
    %add3A_1352 = arith.constant 2 : i32
    %add3A_1353 = vector.broadcast %add3A_1352 : i32 to vector<16xi32>
    %add3A_1354 = arith.addi %add3A_1353, %iota3A : vector<16xi32>
    %and3A_1355 = arith.constant 15 : i32
    %and3A_1356 = vector.broadcast %and3A_1355 : i32 to vector<16xi32>
    %and3A_1357 = arith.andi %add3A_1354, %and3A_1356 : vector<16xi32>
    %add3A_1358 = arith.constant 48 : i32
    %add3A_1359 = vector.broadcast %add3A_1358 : i32 to vector<16xi32>
    %add3A_1360 = arith.addi %add3A_1359, %and3A_1357 : vector<16xi32>
    %swap3A_1361 = arith.constant 50 : i32
    %swap3A_1362 = arith.index_cast %swap3A_1361 : i32 to index
    %swap3A_1363 = arith.constant 0 : index
    %swap3A_1364 = tpu.vector_load %arg11[%swap3A_1362, %swap3A_1363] {strides = array<i32>} : memref<64x16xi32, #tpu.memory_space<vmem>>, vector<16xi32>,
    tpu.vector_store %arg11[%swap3A_1362, %swap3A_1363], %add3A_1360 {strides = array<i32>} : memref<64x16xi32, #tpu.memory_space<vmem>>, vector<16xi32>,
    %shift_right_arithmetic3A_1365 = arith.constant 3 : i32
    %shift_right_arithmetic3A_1366 = vector.broadcast %shift_right_arithmetic3A_1365 : i32 to vector<16xi32>
    %shift_right_arithmetic3A_1367 = arith.shrsi %add3A_1360, %shift_right_arithmetic3A_1366 : vector<16xi32>
    %swap3A_1368 = arith.constant 50 : i32
    %swap3A_1369 = arith.index_cast %swap3A_1368 : i32 to index
    %swap3A_1370 = arith.constant 0 : index
    %swap3A_1371 = tpu.vector_load %arg12[%swap3A_1369, %swap3A_1370] {strides = array<i32>} : memref<64x16xi32, #tpu.memory_space<vmem>>, vector<16xi32>,
    tpu.vector_store %arg12[%swap3A_1369, %swap3A_1370], %shift_right_arithmetic3A_1367 {strides = array<i32>} : memref<64x16xi32, #tpu.memory_space<vmem>>, vector<16xi32>,
    %and3A_1372 = arith.constant 7 : i32
    %and3A_1373 = vector.broadcast %and3A_1372 : i32 to vector<16xi32>
    %and3A_1374 = arith.andi %add3A_1360, %and3A_1373 : vector<16xi32>
    %swap3A_1375 = arith.constant 50 : i32
    %swap3A_1376 = arith.index_cast %swap3A_1375 : i32 to index
    %swap3A_1377 = arith.constant 0 : index
    %swap3A_1378 = tpu.vector_load %arg13[%swap3A_1376, %swap3A_1377] {strides = array<i32>} : memref<64x16xi32, #tpu.memory_space<vmem>>, vector<16xi32>,
    tpu.vector_store %arg13[%swap3A_1376, %swap3A_1377], %and3A_1374 {strides = array<i32>} : memref<64x16xi32, #tpu.memory_space<vmem>>, vector<16xi32>,
    %add3A_1379 = arith.constant 3 : i32
    %add3A_1380 = vector.broadcast %add3A_1379 : i32 to vector<16xi32>
    %add3A_1381 = arith.addi %add3A_1380, %iota3A : vector<16xi32>
    %and3A_1382 = arith.constant 15 : i32
    %and3A_1383 = vector.broadcast %and3A_1382 : i32 to vector<16xi32>
    %and3A_1384 = arith.andi %add3A_1381, %and3A_1383 : vector<16xi32>
    %add3A_1385 = arith.constant 48 : i32
    %add3A_1386 = vector.broadcast %add3A_1385 : i32 to vector<16xi32>
    %add3A_1387 = arith.addi %add3A_1386, %and3A_1384 : vector<16xi32>
    %swap3A_1388 = arith.constant 51 : i32
    %swap3A_1389 = arith.index_cast %swap3A_1388 : i32 to index
    %swap3A_1390 = arith.constant 0 : index
    %swap3A_1391 = tpu.vector_load %arg11[%swap3A_1389, %swap3A_1390] {strides = array<i32>} : memref<64x16xi32, #tpu.memory_space<vmem>>, vector<16xi32>,
    tpu.vector_store %arg11[%swap3A_1389, %swap3A_1390], %add3A_1387 {strides = array<i32>} : memref<64x16xi32, #tpu.memory_space<vmem>>, vector<16xi32>,
    %shift_right_arithmetic3A_1392 = arith.constant 3 : i32
    %shift_right_arithmetic3A_1393 = vector.broadcast %shift_right_arithmetic3A_1392 : i32 to vector<16xi32>
    %shift_right_arithmetic3A_1394 = arith.shrsi %add3A_1387, %shift_right_arithmetic3A_1393 : vector<16xi32>
    %swap3A_1395 = arith.constant 51 : i32
    %swap3A_1396 = arith.index_cast %swap3A_1395 : i32 to index
    %swap3A_1397 = arith.constant 0 : index
    %swap3A_1398 = tpu.vector_load %arg12[%swap3A_1396, %swap3A_1397] {strides = array<i32>} : memref<64x16xi32, #tpu.memory_space<vmem>>, vector<16xi32>,
    tpu.vector_store %arg12[%swap3A_1396, %swap3A_1397], %shift_right_arithmetic3A_1394 {strides = array<i32>} : memref<64x16xi32, #tpu.memory_space<vmem>>, vector<16xi32>,
    %and3A_1399 = arith.constant 7 : i32
    %and3A_1400 = vector.broadcast %and3A_1399 : i32 to vector<16xi32>
    %and3A_1401 = arith.andi %add3A_1387, %and3A_1400 : vector<16xi32>
    %swap3A_1402 = arith.constant 51 : i32
    %swap3A_1403 = arith.index_cast %swap3A_1402 : i32 to index
    %swap3A_1404 = arith.constant 0 : index
    %swap3A_1405 = tpu.vector_load %arg13[%swap3A_1403, %swap3A_1404] {strides = array<i32>} : memref<64x16xi32, #tpu.memory_space<vmem>>, vector<16xi32>,
    tpu.vector_store %arg13[%swap3A_1403, %swap3A_1404], %and3A_1401 {strides = array<i32>} : memref<64x16xi32, #tpu.memory_space<vmem>>, vector<16xi32>,
    %add3A_1406 = arith.constant 4 : i32
    %add3A_1407 = vector.broadcast %add3A_1406 : i32 to vector<16xi32>
    %add3A_1408 = arith.addi %add3A_1407, %iota3A : vector<16xi32>
    %and3A_1409 = arith.constant 15 : i32
    %and3A_1410 = vector.broadcast %and3A_1409 : i32 to vector<16xi32>
    %and3A_1411 = arith.andi %add3A_1408, %and3A_1410 : vector<16xi32>
    %add3A_1412 = arith.constant 48 : i32
    %add3A_1413 = vector.broadcast %add3A_1412 : i32 to vector<16xi32>
    %add3A_1414 = arith.addi %add3A_1413, %and3A_1411 : vector<16xi32>
    %swap3A_1415 = arith.constant 52 : i32
    %swap3A_1416 = arith.index_cast %swap3A_1415 : i32 to index
    %swap3A_1417 = arith.constant 0 : index
    %swap3A_1418 = tpu.vector_load %arg11[%swap3A_1416, %swap3A_1417] {strides = array<i32>} : memref<64x16xi32, #tpu.memory_space<vmem>>, vector<16xi32>,
    tpu.vector_store %arg11[%swap3A_1416, %swap3A_1417], %add3A_1414 {strides = array<i32>} : memref<64x16xi32, #tpu.memory_space<vmem>>, vector<16xi32>,
    %shift_right_arithmetic3A_1419 = arith.constant 3 : i32
    %shift_right_arithmetic3A_1420 = vector.broadcast %shift_right_arithmetic3A_1419 : i32 to vector<16xi32>
    %shift_right_arithmetic3A_1421 = arith.shrsi %add3A_1414, %shift_right_arithmetic3A_1420 : vector<16xi32>
    %swap3A_1422 = arith.constant 52 : i32
    %swap3A_1423 = arith.index_cast %swap3A_1422 : i32 to index
    %swap3A_1424 = arith.constant 0 : index
    %swap3A_1425 = tpu.vector_load %arg12[%swap3A_1423, %swap3A_1424] {strides = array<i32>} : memref<64x16xi32, #tpu.memory_space<vmem>>, vector<16xi32>,
    tpu.vector_store %arg12[%swap3A_1423, %swap3A_1424], %shift_right_arithmetic3A_1421 {strides = array<i32>} : memref<64x16xi32, #tpu.memory_space<vmem>>, vector<16xi32>,
    %and3A_1426 = arith.constant 7 : i32
    %and3A_1427 = vector.broadcast %and3A_1426 : i32 to vector<16xi32>
    %and3A_1428 = arith.andi %add3A_1414, %and3A_1427 : vector<16xi32>
    %swap3A_1429 = arith.constant 52 : i32
    %swap3A_1430 = arith.index_cast %swap3A_1429 : i32 to index
    %swap3A_1431 = arith.constant 0 : index
    %swap3A_1432 = tpu.vector_load %arg13[%swap3A_1430, %swap3A_1431] {strides = array<i32>} : memref<64x16xi32, #tpu.memory_space<vmem>>, vector<16xi32>,
    tpu.vector_store %arg13[%swap3A_1430, %swap3A_1431], %and3A_1428 {strides = array<i32>} : memref<64x16xi32, #tpu.memory_space<vmem>>, vector<16xi32>,
    %add3A_1433 = arith.constant 5 : i32
    %add3A_1434 = vector.broadcast %add3A_1433 : i32 to vector<16xi32>
    %add3A_1435 = arith.addi %add3A_1434, %iota3A : vector<16xi32>
    %and3A_1436 = arith.constant 15 : i32
    %and3A_1437 = vector.broadcast %and3A_1436 : i32 to vector<16xi32>
    %and3A_1438 = arith.andi %add3A_1435, %and3A_1437 : vector<16xi32>
    %add3A_1439 = arith.constant 48 : i32
    %add3A_1440 = vector.broadcast %add3A_1439 : i32 to vector<16xi32>
    %add3A_1441 = arith.addi %add3A_1440, %and3A_1438 : vector<16xi32>
    %swap3A_1442 = arith.constant 53 : i32
    %swap3A_1443 = arith.index_cast %swap3A_1442 : i32 to index
    %swap3A_1444 = arith.constant 0 : index
    %swap3A_1445 = tpu.vector_load %arg11[%swap3A_1443, %swap3A_1444] {strides = array<i32>} : memref<64x16xi32, #tpu.memory_space<vmem>>, vector<16xi32>,
    tpu.vector_store %arg11[%swap3A_1443, %swap3A_1444], %add3A_1441 {strides = array<i32>} : memref<64x16xi32, #tpu.memory_space<vmem>>, vector<16xi32>,
    %shift_right_arithmetic3A_1446 = arith.constant 3 : i32
    %shift_right_arithmetic3A_1447 = vector.broadcast %shift_right_arithmetic3A_1446 : i32 to vector<16xi32>
    %shift_right_arithmetic3A_1448 = arith.shrsi %add3A_1441, %shift_right_arithmetic3A_1447 : vector<16xi32>
    %swap3A_1449 = arith.constant 53 : i32
    %swap3A_1450 = arith.index_cast %swap3A_1449 : i32 to index
    %swap3A_1451 = arith.constant 0 : index
    %swap3A_1452 = tpu.vector_load %arg12[%swap3A_1450, %swap3A_1451] {strides = array<i32>} : memref<64x16xi32, #tpu.memory_space<vmem>>, vector<16xi32>,
    tpu.vector_store %arg12[%swap3A_1450, %swap3A_1451], %shift_right_arithmetic3A_1448 {strides = array<i32>} : memref<64x16xi32, #tpu.memory_space<vmem>>, vector<16xi32>,
    %and3A_1453 = arith.constant 7 : i32
    %and3A_1454 = vector.broadcast %and3A_1453 : i32 to vector<16xi32>
    %and3A_1455 = arith.andi %add3A_1441, %and3A_1454 : vector<16xi32>
    %swap3A_1456 = arith.constant 53 : i32
    %swap3A_1457 = arith.index_cast %swap3A_1456 : i32 to index
    %swap3A_1458 = arith.constant 0 : index
    %swap3A_1459 = tpu.vector_load %arg13[%swap3A_1457, %swap3A_1458] {strides = array<i32>} : memref<64x16xi32, #tpu.memory_space<vmem>>, vector<16xi32>,
    tpu.vector_store %arg13[%swap3A_1457, %swap3A_1458], %and3A_1455 {strides = array<i32>} : memref<64x16xi32, #tpu.memory_space<vmem>>, vector<16xi32>,
    %add3A_1460 = arith.constant 6 : i32
    %add3A_1461 = vector.broadcast %add3A_1460 : i32 to vector<16xi32>
    %add3A_1462 = arith.addi %add3A_1461, %iota3A : vector<16xi32>
    %and3A_1463 = arith.constant 15 : i32
    %and3A_1464 = vector.broadcast %and3A_1463 : i32 to vector<16xi32>
    %and3A_1465 = arith.andi %add3A_1462, %and3A_1464 : vector<16xi32>
    %add3A_1466 = arith.constant 48 : i32
    %add3A_1467 = vector.broadcast %add3A_1466 : i32 to vector<16xi32>
    %add3A_1468 = arith.addi %add3A_1467, %and3A_1465 : vector<16xi32>
    %swap3A_1469 = arith.constant 54 : i32
    %swap3A_1470 = arith.index_cast %swap3A_1469 : i32 to index
    %swap3A_1471 = arith.constant 0 : index
    %swap3A_1472 = tpu.vector_load %arg11[%swap3A_1470, %swap3A_1471] {strides = array<i32>} : memref<64x16xi32, #tpu.memory_space<vmem>>, vector<16xi32>,
    tpu.vector_store %arg11[%swap3A_1470, %swap3A_1471], %add3A_1468 {strides = array<i32>} : memref<64x16xi32, #tpu.memory_space<vmem>>, vector<16xi32>,
    %shift_right_arithmetic3A_1473 = arith.constant 3 : i32
    %shift_right_arithmetic3A_1474 = vector.broadcast %shift_right_arithmetic3A_1473 : i32 to vector<16xi32>
    %shift_right_arithmetic3A_1475 = arith.shrsi %add3A_1468, %shift_right_arithmetic3A_1474 : vector<16xi32>
    %swap3A_1476 = arith.constant 54 : i32
    %swap3A_1477 = arith.index_cast %swap3A_1476 : i32 to index
    %swap3A_1478 = arith.constant 0 : index
    %swap3A_1479 = tpu.vector_load %arg12[%swap3A_1477, %swap3A_1478] {strides = array<i32>} : memref<64x16xi32, #tpu.memory_space<vmem>>, vector<16xi32>,
    tpu.vector_store %arg12[%swap3A_1477, %swap3A_1478], %shift_right_arithmetic3A_1475 {strides = array<i32>} : memref<64x16xi32, #tpu.memory_space<vmem>>, vector<16xi32>,
    %and3A_1480 = arith.constant 7 : i32
    %and3A_1481 = vector.broadcast %and3A_1480 : i32 to vector<16xi32>
    %and3A_1482 = arith.andi %add3A_1468, %and3A_1481 : vector<16xi32>
    %swap3A_1483 = arith.constant 54 : i32
    %swap3A_1484 = arith.index_cast %swap3A_1483 : i32 to index
    %swap3A_1485 = arith.constant 0 : index
    %swap3A_1486 = tpu.vector_load %arg13[%swap3A_1484, %swap3A_1485] {strides = array<i32>} : memref<64x16xi32, #tpu.memory_space<vmem>>, vector<16xi32>,
    tpu.vector_store %arg13[%swap3A_1484, %swap3A_1485], %and3A_1482 {strides = array<i32>} : memref<64x16xi32, #tpu.memory_space<vmem>>, vector<16xi32>,
    %add3A_1487 = arith.constant 7 : i32
    %add3A_1488 = vector.broadcast %add3A_1487 : i32 to vector<16xi32>
    %add3A_1489 = arith.addi %add3A_1488, %iota3A : vector<16xi32>
    %and3A_1490 = arith.constant 15 : i32
    %and3A_1491 = vector.broadcast %and3A_1490 : i32 to vector<16xi32>
    %and3A_1492 = arith.andi %add3A_1489, %and3A_1491 : vector<16xi32>
    %add3A_1493 = arith.constant 48 : i32
    %add3A_1494 = vector.broadcast %add3A_1493 : i32 to vector<16xi32>
    %add3A_1495 = arith.addi %add3A_1494, %and3A_1492 : vector<16xi32>
    %swap3A_1496 = arith.constant 55 : i32
    %swap3A_1497 = arith.index_cast %swap3A_1496 : i32 to index
    %swap3A_1498 = arith.constant 0 : index
    %swap3A_1499 = tpu.vector_load %arg11[%swap3A_1497, %swap3A_1498] {strides = array<i32>} : memref<64x16xi32, #tpu.memory_space<vmem>>, vector<16xi32>,
    tpu.vector_store %arg11[%swap3A_1497, %swap3A_1498], %add3A_1495 {strides = array<i32>} : memref<64x16xi32, #tpu.memory_space<vmem>>, vector<16xi32>,
    %shift_right_arithmetic3A_1500 = arith.constant 3 : i32
    %shift_right_arithmetic3A_1501 = vector.broadcast %shift_right_arithmetic3A_1500 : i32 to vector<16xi32>
    %shift_right_arithmetic3A_1502 = arith.shrsi %add3A_1495, %shift_right_arithmetic3A_1501 : vector<16xi32>
    %swap3A_1503 = arith.constant 55 : i32
    %swap3A_1504 = arith.index_cast %swap3A_1503 : i32 to index
    %swap3A_1505 = arith.constant 0 : index
    %swap3A_1506 = tpu.vector_load %arg12[%swap3A_1504, %swap3A_1505] {strides = array<i32>} : memref<64x16xi32, #tpu.memory_space<vmem>>, vector<16xi32>,
    tpu.vector_store %arg12[%swap3A_1504, %swap3A_1505], %shift_right_arithmetic3A_1502 {strides = array<i32>} : memref<64x16xi32, #tpu.memory_space<vmem>>, vector<16xi32>,
    %and3A_1507 = arith.constant 7 : i32
    %and3A_1508 = vector.broadcast %and3A_1507 : i32 to vector<16xi32>
    %and3A_1509 = arith.andi %add3A_1495, %and3A_1508 : vector<16xi32>
    %swap3A_1510 = arith.constant 55 : i32
    %swap3A_1511 = arith.index_cast %swap3A_1510 : i32 to index
    %swap3A_1512 = arith.constant 0 : index
    %swap3A_1513 = tpu.vector_load %arg13[%swap3A_1511, %swap3A_1512] {strides = array<i32>} : memref<64x16xi32, #tpu.memory_space<vmem>>, vector<16xi32>,
    tpu.vector_store %arg13[%swap3A_1511, %swap3A_1512], %and3A_1509 {strides = array<i32>} : memref<64x16xi32, #tpu.memory_space<vmem>>, vector<16xi32>,
    %add3A_1514 = arith.constant 8 : i32
    %add3A_1515 = vector.broadcast %add3A_1514 : i32 to vector<16xi32>
    %add3A_1516 = arith.addi %add3A_1515, %iota3A : vector<16xi32>
    %and3A_1517 = arith.constant 15 : i32
    %and3A_1518 = vector.broadcast %and3A_1517 : i32 to vector<16xi32>
    %and3A_1519 = arith.andi %add3A_1516, %and3A_1518 : vector<16xi32>
    %add3A_1520 = arith.constant 48 : i32
    %add3A_1521 = vector.broadcast %add3A_1520 : i32 to vector<16xi32>
    %add3A_1522 = arith.addi %add3A_1521, %and3A_1519 : vector<16xi32>
    %swap3A_1523 = arith.constant 56 : i32
    %swap3A_1524 = arith.index_cast %swap3A_1523 : i32 to index
    %swap3A_1525 = arith.constant 0 : index
    %swap3A_1526 = tpu.vector_load %arg11[%swap3A_1524, %swap3A_1525] {strides = array<i32>} : memref<64x16xi32, #tpu.memory_space<vmem>>, vector<16xi32>,
    tpu.vector_store %arg11[%swap3A_1524, %swap3A_1525], %add3A_1522 {strides = array<i32>} : memref<64x16xi32, #tpu.memory_space<vmem>>, vector<16xi32>,
    %shift_right_arithmetic3A_1527 = arith.constant 3 : i32
    %shift_right_arithmetic3A_1528 = vector.broadcast %shift_right_arithmetic3A_1527 : i32 to vector<16xi32>
    %shift_right_arithmetic3A_1529 = arith.shrsi %add3A_1522, %shift_right_arithmetic3A_1528 : vector<16xi32>
    %swap3A_1530 = arith.constant 56 : i32
    %swap3A_1531 = arith.index_cast %swap3A_1530 : i32 to index
    %swap3A_1532 = arith.constant 0 : index
    %swap3A_1533 = tpu.vector_load %arg12[%swap3A_1531, %swap3A_1532] {strides = array<i32>} : memref<64x16xi32, #tpu.memory_space<vmem>>, vector<16xi32>,
    tpu.vector_store %arg12[%swap3A_1531, %swap3A_1532], %shift_right_arithmetic3A_1529 {strides = array<i32>} : memref<64x16xi32, #tpu.memory_space<vmem>>, vector<16xi32>,
    %and3A_1534 = arith.constant 7 : i32
    %and3A_1535 = vector.broadcast %and3A_1534 : i32 to vector<16xi32>
    %and3A_1536 = arith.andi %add3A_1522, %and3A_1535 : vector<16xi32>
    %swap3A_1537 = arith.constant 56 : i32
    %swap3A_1538 = arith.index_cast %swap3A_1537 : i32 to index
    %swap3A_1539 = arith.constant 0 : index
    %swap3A_1540 = tpu.vector_load %arg13[%swap3A_1538, %swap3A_1539] {strides = array<i32>} : memref<64x16xi32, #tpu.memory_space<vmem>>, vector<16xi32>,
    tpu.vector_store %arg13[%swap3A_1538, %swap3A_1539], %and3A_1536 {strides = array<i32>} : memref<64x16xi32, #tpu.memory_space<vmem>>, vector<16xi32>,
    %add3A_1541 = arith.constant 9 : i32
    %add3A_1542 = vector.broadcast %add3A_1541 : i32 to vector<16xi32>
    %add3A_1543 = arith.addi %add3A_1542, %iota3A : vector<16xi32>
    %and3A_1544 = arith.constant 15 : i32
    %and3A_1545 = vector.broadcast %and3A_1544 : i32 to vector<16xi32>
    %and3A_1546 = arith.andi %add3A_1543, %and3A_1545 : vector<16xi32>
    %add3A_1547 = arith.constant 48 : i32
    %add3A_1548 = vector.broadcast %add3A_1547 : i32 to vector<16xi32>
    %add3A_1549 = arith.addi %add3A_1548, %and3A_1546 : vector<16xi32>
    %swap3A_1550 = arith.constant 57 : i32
    %swap3A_1551 = arith.index_cast %swap3A_1550 : i32 to index
    %swap3A_1552 = arith.constant 0 : index
    %swap3A_1553 = tpu.vector_load %arg11[%swap3A_1551, %swap3A_1552] {strides = array<i32>} : memref<64x16xi32, #tpu.memory_space<vmem>>, vector<16xi32>,
    tpu.vector_store %arg11[%swap3A_1551, %swap3A_1552], %add3A_1549 {strides = array<i32>} : memref<64x16xi32, #tpu.memory_space<vmem>>, vector<16xi32>,
    %shift_right_arithmetic3A_1554 = arith.constant 3 : i32
    %shift_right_arithmetic3A_1555 = vector.broadcast %shift_right_arithmetic3A_1554 : i32 to vector<16xi32>
    %shift_right_arithmetic3A_1556 = arith.shrsi %add3A_1549, %shift_right_arithmetic3A_1555 : vector<16xi32>
    %swap3A_1557 = arith.constant 57 : i32
    %swap3A_1558 = arith.index_cast %swap3A_1557 : i32 to index
    %swap3A_1559 = arith.constant 0 : index
    %swap3A_1560 = tpu.vector_load %arg12[%swap3A_1558, %swap3A_1559] {strides = array<i32>} : memref<64x16xi32, #tpu.memory_space<vmem>>, vector<16xi32>,
    tpu.vector_store %arg12[%swap3A_1558, %swap3A_1559], %shift_right_arithmetic3A_1556 {strides = array<i32>} : memref<64x16xi32, #tpu.memory_space<vmem>>, vector<16xi32>,
    %and3A_1561 = arith.constant 7 : i32
    %and3A_1562 = vector.broadcast %and3A_1561 : i32 to vector<16xi32>
    %and3A_1563 = arith.andi %add3A_1549, %and3A_1562 : vector<16xi32>
    %swap3A_1564 = arith.constant 57 : i32
    %swap3A_1565 = arith.index_cast %swap3A_1564 : i32 to index
    %swap3A_1566 = arith.constant 0 : index
    %swap3A_1567 = tpu.vector_load %arg13[%swap3A_1565, %swap3A_1566] {strides = array<i32>} : memref<64x16xi32, #tpu.memory_space<vmem>>, vector<16xi32>,
    tpu.vector_store %arg13[%swap3A_1565, %swap3A_1566], %and3A_1563 {strides = array<i32>} : memref<64x16xi32, #tpu.memory_space<vmem>>, vector<16xi32>,
    %add3A_1568 = arith.constant 10 : i32
    %add3A_1569 = vector.broadcast %add3A_1568 : i32 to vector<16xi32>
    %add3A_1570 = arith.addi %add3A_1569, %iota3A : vector<16xi32>
    %and3A_1571 = arith.constant 15 : i32
    %and3A_1572 = vector.broadcast %and3A_1571 : i32 to vector<16xi32>
    %and3A_1573 = arith.andi %add3A_1570, %and3A_1572 : vector<16xi32>
    %add3A_1574 = arith.constant 48 : i32
    %add3A_1575 = vector.broadcast %add3A_1574 : i32 to vector<16xi32>
    %add3A_1576 = arith.addi %add3A_1575, %and3A_1573 : vector<16xi32>
    %swap3A_1577 = arith.constant 58 : i32
    %swap3A_1578 = arith.index_cast %swap3A_1577 : i32 to index
    %swap3A_1579 = arith.constant 0 : index
    %swap3A_1580 = tpu.vector_load %arg11[%swap3A_1578, %swap3A_1579] {strides = array<i32>} : memref<64x16xi32, #tpu.memory_space<vmem>>, vector<16xi32>,
    tpu.vector_store %arg11[%swap3A_1578, %swap3A_1579], %add3A_1576 {strides = array<i32>} : memref<64x16xi32, #tpu.memory_space<vmem>>, vector<16xi32>,
    %shift_right_arithmetic3A_1581 = arith.constant 3 : i32
    %shift_right_arithmetic3A_1582 = vector.broadcast %shift_right_arithmetic3A_1581 : i32 to vector<16xi32>
    %shift_right_arithmetic3A_1583 = arith.shrsi %add3A_1576, %shift_right_arithmetic3A_1582 : vector<16xi32>
    %swap3A_1584 = arith.constant 58 : i32
    %swap3A_1585 = arith.index_cast %swap3A_1584 : i32 to index
    %swap3A_1586 = arith.constant 0 : index
    %swap3A_1587 = tpu.vector_load %arg12[%swap3A_1585, %swap3A_1586] {strides = array<i32>} : memref<64x16xi32, #tpu.memory_space<vmem>>, vector<16xi32>,
    tpu.vector_store %arg12[%swap3A_1585, %swap3A_1586], %shift_right_arithmetic3A_1583 {strides = array<i32>} : memref<64x16xi32, #tpu.memory_space<vmem>>, vector<16xi32>,
    %and3A_1588 = arith.constant 7 : i32
    %and3A_1589 = vector.broadcast %and3A_1588 : i32 to vector<16xi32>
    %and3A_1590 = arith.andi %add3A_1576, %and3A_1589 : vector<16xi32>
    %swap3A_1591 = arith.constant 58 : i32
    %swap3A_1592 = arith.index_cast %swap3A_1591 : i32 to index
    %swap3A_1593 = arith.constant 0 : index
    %swap3A_1594 = tpu.vector_load %arg13[%swap3A_1592, %swap3A_1593] {strides = array<i32>} : memref<64x16xi32, #tpu.memory_space<vmem>>, vector<16xi32>,
    tpu.vector_store %arg13[%swap3A_1592, %swap3A_1593], %and3A_1590 {strides = array<i32>} : memref<64x16xi32, #tpu.memory_space<vmem>>, vector<16xi32>,
    %add3A_1595 = arith.constant 11 : i32
    %add3A_1596 = vector.broadcast %add3A_1595 : i32 to vector<16xi32>
    %add3A_1597 = arith.addi %add3A_1596, %iota3A : vector<16xi32>
    %and3A_1598 = arith.constant 15 : i32
    %and3A_1599 = vector.broadcast %and3A_1598 : i32 to vector<16xi32>
    %and3A_1600 = arith.andi %add3A_1597, %and3A_1599 : vector<16xi32>
    %add3A_1601 = arith.constant 48 : i32
    %add3A_1602 = vector.broadcast %add3A_1601 : i32 to vector<16xi32>
    %add3A_1603 = arith.addi %add3A_1602, %and3A_1600 : vector<16xi32>
    %swap3A_1604 = arith.constant 59 : i32
    %swap3A_1605 = arith.index_cast %swap3A_1604 : i32 to index
    %swap3A_1606 = arith.constant 0 : index
    %swap3A_1607 = tpu.vector_load %arg11[%swap3A_1605, %swap3A_1606] {strides = array<i32>} : memref<64x16xi32, #tpu.memory_space<vmem>>, vector<16xi32>,
    tpu.vector_store %arg11[%swap3A_1605, %swap3A_1606], %add3A_1603 {strides = array<i32>} : memref<64x16xi32, #tpu.memory_space<vmem>>, vector<16xi32>,
    %shift_right_arithmetic3A_1608 = arith.constant 3 : i32
    %shift_right_arithmetic3A_1609 = vector.broadcast %shift_right_arithmetic3A_1608 : i32 to vector<16xi32>
    %shift_right_arithmetic3A_1610 = arith.shrsi %add3A_1603, %shift_right_arithmetic3A_1609 : vector<16xi32>
    %swap3A_1611 = arith.constant 59 : i32
    %swap3A_1612 = arith.index_cast %swap3A_1611 : i32 to index
    %swap3A_1613 = arith.constant 0 : index
    %swap3A_1614 = tpu.vector_load %arg12[%swap3A_1612, %swap3A_1613] {strides = array<i32>} : memref<64x16xi32, #tpu.memory_space<vmem>>, vector<16xi32>,
    tpu.vector_store %arg12[%swap3A_1612, %swap3A_1613], %shift_right_arithmetic3A_1610 {strides = array<i32>} : memref<64x16xi32, #tpu.memory_space<vmem>>, vector<16xi32>,
    %and3A_1615 = arith.constant 7 : i32
    %and3A_1616 = vector.broadcast %and3A_1615 : i32 to vector<16xi32>
    %and3A_1617 = arith.andi %add3A_1603, %and3A_1616 : vector<16xi32>
    %swap3A_1618 = arith.constant 59 : i32
    %swap3A_1619 = arith.index_cast %swap3A_1618 : i32 to index
    %swap3A_1620 = arith.constant 0 : index
    %swap3A_1621 = tpu.vector_load %arg13[%swap3A_1619, %swap3A_1620] {strides = array<i32>} : memref<64x16xi32, #tpu.memory_space<vmem>>, vector<16xi32>,
    tpu.vector_store %arg13[%swap3A_1619, %swap3A_1620], %and3A_1617 {strides = array<i32>} : memref<64x16xi32, #tpu.memory_space<vmem>>, vector<16xi32>,
    %add3A_1622 = arith.constant 12 : i32
    %add3A_1623 = vector.broadcast %add3A_1622 : i32 to vector<16xi32>
    %add3A_1624 = arith.addi %add3A_1623, %iota3A : vector<16xi32>
    %and3A_1625 = arith.constant 15 : i32
    %and3A_1626 = vector.broadcast %and3A_1625 : i32 to vector<16xi32>
    %and3A_1627 = arith.andi %add3A_1624, %and3A_1626 : vector<16xi32>
    %add3A_1628 = arith.constant 48 : i32
    %add3A_1629 = vector.broadcast %add3A_1628 : i32 to vector<16xi32>
    %add3A_1630 = arith.addi %add3A_1629, %and3A_1627 : vector<16xi32>
    %swap3A_1631 = arith.constant 60 : i32
    %swap3A_1632 = arith.index_cast %swap3A_1631 : i32 to index
    %swap3A_1633 = arith.constant 0 : index
    %swap3A_1634 = tpu.vector_load %arg11[%swap3A_1632, %swap3A_1633] {strides = array<i32>} : memref<64x16xi32, #tpu.memory_space<vmem>>, vector<16xi32>,
    tpu.vector_store %arg11[%swap3A_1632, %swap3A_1633], %add3A_1630 {strides = array<i32>} : memref<64x16xi32, #tpu.memory_space<vmem>>, vector<16xi32>,
    %shift_right_arithmetic3A_1635 = arith.constant 3 : i32
    %shift_right_arithmetic3A_1636 = vector.broadcast %shift_right_arithmetic3A_1635 : i32 to vector<16xi32>
    %shift_right_arithmetic3A_1637 = arith.shrsi %add3A_1630, %shift_right_arithmetic3A_1636 : vector<16xi32>
    %swap3A_1638 = arith.constant 60 : i32
    %swap3A_1639 = arith.index_cast %swap3A_1638 : i32 to index
    %swap3A_1640 = arith.constant 0 : index
    %swap3A_1641 = tpu.vector_load %arg12[%swap3A_1639, %swap3A_1640] {strides = array<i32>} : memref<64x16xi32, #tpu.memory_space<vmem>>, vector<16xi32>,
    tpu.vector_store %arg12[%swap3A_1639, %swap3A_1640], %shift_right_arithmetic3A_1637 {strides = array<i32>} : memref<64x16xi32, #tpu.memory_space<vmem>>, vector<16xi32>,
    %and3A_1642 = arith.constant 7 : i32
    %and3A_1643 = vector.broadcast %and3A_1642 : i32 to vector<16xi32>
    %and3A_1644 = arith.andi %add3A_1630, %and3A_1643 : vector<16xi32>
    %swap3A_1645 = arith.constant 60 : i32
    %swap3A_1646 = arith.index_cast %swap3A_1645 : i32 to index
    %swap3A_1647 = arith.constant 0 : index
    %swap3A_1648 = tpu.vector_load %arg13[%swap3A_1646, %swap3A_1647] {strides = array<i32>} : memref<64x16xi32, #tpu.memory_space<vmem>>, vector<16xi32>,
    tpu.vector_store %arg13[%swap3A_1646, %swap3A_1647], %and3A_1644 {strides = array<i32>} : memref<64x16xi32, #tpu.memory_space<vmem>>, vector<16xi32>,
    %add3A_1649 = arith.constant 13 : i32
    %add3A_1650 = vector.broadcast %add3A_1649 : i32 to vector<16xi32>
    %add3A_1651 = arith.addi %add3A_1650, %iota3A : vector<16xi32>
    %and3A_1652 = arith.constant 15 : i32
    %and3A_1653 = vector.broadcast %and3A_1652 : i32 to vector<16xi32>
    %and3A_1654 = arith.andi %add3A_1651, %and3A_1653 : vector<16xi32>
    %add3A_1655 = arith.constant 48 : i32
    %add3A_1656 = vector.broadcast %add3A_1655 : i32 to vector<16xi32>
    %add3A_1657 = arith.addi %add3A_1656, %and3A_1654 : vector<16xi32>
    %swap3A_1658 = arith.constant 61 : i32
    %swap3A_1659 = arith.index_cast %swap3A_1658 : i32 to index
    %swap3A_1660 = arith.constant 0 : index
    %swap3A_1661 = tpu.vector_load %arg11[%swap3A_1659, %swap3A_1660] {strides = array<i32>} : memref<64x16xi32, #tpu.memory_space<vmem>>, vector<16xi32>,
    tpu.vector_store %arg11[%swap3A_1659, %swap3A_1660], %add3A_1657 {strides = array<i32>} : memref<64x16xi32, #tpu.memory_space<vmem>>, vector<16xi32>,
    %shift_right_arithmetic3A_1662 = arith.constant 3 : i32
    %shift_right_arithmetic3A_1663 = vector.broadcast %shift_right_arithmetic3A_1662 : i32 to vector<16xi32>
    %shift_right_arithmetic3A_1664 = arith.shrsi %add3A_1657, %shift_right_arithmetic3A_1663 : vector<16xi32>
    %swap3A_1665 = arith.constant 61 : i32
    %swap3A_1666 = arith.index_cast %swap3A_1665 : i32 to index
    %swap3A_1667 = arith.constant 0 : index
    %swap3A_1668 = tpu.vector_load %arg12[%swap3A_1666, %swap3A_1667] {strides = array<i32>} : memref<64x16xi32, #tpu.memory_space<vmem>>, vector<16xi32>,
    tpu.vector_store %arg12[%swap3A_1666, %swap3A_1667], %shift_right_arithmetic3A_1664 {strides = array<i32>} : memref<64x16xi32, #tpu.memory_space<vmem>>, vector<16xi32>,
    %and3A_1669 = arith.constant 7 : i32
    %and3A_1670 = vector.broadcast %and3A_1669 : i32 to vector<16xi32>
    %and3A_1671 = arith.andi %add3A_1657, %and3A_1670 : vector<16xi32>
    %swap3A_1672 = arith.constant 61 : i32
    %swap3A_1673 = arith.index_cast %swap3A_1672 : i32 to index
    %swap3A_1674 = arith.constant 0 : index
    %swap3A_1675 = tpu.vector_load %arg13[%swap3A_1673, %swap3A_1674] {strides = array<i32>} : memref<64x16xi32, #tpu.memory_space<vmem>>, vector<16xi32>,
    tpu.vector_store %arg13[%swap3A_1673, %swap3A_1674], %and3A_1671 {strides = array<i32>} : memref<64x16xi32, #tpu.memory_space<vmem>>, vector<16xi32>,
    %add3A_1676 = arith.constant 14 : i32
    %add3A_1677 = vector.broadcast %add3A_1676 : i32 to vector<16xi32>
    %add3A_1678 = arith.addi %add3A_1677, %iota3A : vector<16xi32>
    %and3A_1679 = arith.constant 15 : i32
    %and3A_1680 = vector.broadcast %and3A_1679 : i32 to vector<16xi32>
    %and3A_1681 = arith.andi %add3A_1678, %and3A_1680 : vector<16xi32>
    %add3A_1682 = arith.constant 48 : i32
    %add3A_1683 = vector.broadcast %add3A_1682 : i32 to vector<16xi32>
    %add3A_1684 = arith.addi %add3A_1683, %and3A_1681 : vector<16xi32>
    %swap3A_1685 = arith.constant 62 : i32
    %swap3A_1686 = arith.index_cast %swap3A_1685 : i32 to index
    %swap3A_1687 = arith.constant 0 : index
    %swap3A_1688 = tpu.vector_load %arg11[%swap3A_1686, %swap3A_1687] {strides = array<i32>} : memref<64x16xi32, #tpu.memory_space<vmem>>, vector<16xi32>,
    tpu.vector_store %arg11[%swap3A_1686, %swap3A_1687], %add3A_1684 {strides = array<i32>} : memref<64x16xi32, #tpu.memory_space<vmem>>, vector<16xi32>,
    %shift_right_arithmetic3A_1689 = arith.constant 3 : i32
    %shift_right_arithmetic3A_1690 = vector.broadcast %shift_right_arithmetic3A_1689 : i32 to vector<16xi32>
    %shift_right_arithmetic3A_1691 = arith.shrsi %add3A_1684, %shift_right_arithmetic3A_1690 : vector<16xi32>
    %swap3A_1692 = arith.constant 62 : i32
    %swap3A_1693 = arith.index_cast %swap3A_1692 : i32 to index
    %swap3A_1694 = arith.constant 0 : index
    %swap3A_1695 = tpu.vector_load %arg12[%swap3A_1693, %swap3A_1694] {strides = array<i32>} : memref<64x16xi32, #tpu.memory_space<vmem>>, vector<16xi32>,
    tpu.vector_store %arg12[%swap3A_1693, %swap3A_1694], %shift_right_arithmetic3A_1691 {strides = array<i32>} : memref<64x16xi32, #tpu.memory_space<vmem>>, vector<16xi32>,
    %and3A_1696 = arith.constant 7 : i32
    %and3A_1697 = vector.broadcast %and3A_1696 : i32 to vector<16xi32>
    %and3A_1698 = arith.andi %add3A_1684, %and3A_1697 : vector<16xi32>
    %swap3A_1699 = arith.constant 62 : i32
    %swap3A_1700 = arith.index_cast %swap3A_1699 : i32 to index
    %swap3A_1701 = arith.constant 0 : index
    %swap3A_1702 = tpu.vector_load %arg13[%swap3A_1700, %swap3A_1701] {strides = array<i32>} : memref<64x16xi32, #tpu.memory_space<vmem>>, vector<16xi32>,
    tpu.vector_store %arg13[%swap3A_1700, %swap3A_1701], %and3A_1698 {strides = array<i32>} : memref<64x16xi32, #tpu.memory_space<vmem>>, vector<16xi32>,
    %add3A_1703 = arith.constant 15 : i32
    %add3A_1704 = vector.broadcast %add3A_1703 : i32 to vector<16xi32>
    %add3A_1705 = arith.addi %add3A_1704, %iota3A : vector<16xi32>
    %and3A_1706 = arith.constant 15 : i32
    %and3A_1707 = vector.broadcast %and3A_1706 : i32 to vector<16xi32>
    %and3A_1708 = arith.andi %add3A_1705, %and3A_1707 : vector<16xi32>
    %add3A_1709 = arith.constant 48 : i32
    %add3A_1710 = vector.broadcast %add3A_1709 : i32 to vector<16xi32>
    %add3A_1711 = arith.addi %add3A_1710, %and3A_1708 : vector<16xi32>
    %swap3A_1712 = arith.constant 63 : i32
    %swap3A_1713 = arith.index_cast %swap3A_1712 : i32 to index
    %swap3A_1714 = arith.constant 0 : index
    %swap3A_1715 = tpu.vector_load %arg11[%swap3A_1713, %swap3A_1714] {strides = array<i32>} : memref<64x16xi32, #tpu.memory_space<vmem>>, vector<16xi32>,
    tpu.vector_store %arg11[%swap3A_1713, %swap3A_1714], %add3A_1711 {strides = array<i32>} : memref<64x16xi32, #tpu.memory_space<vmem>>, vector<16xi32>,
    %shift_right_arithmetic3A_1716 = arith.constant 3 : i32
    %shift_right_arithmetic3A_1717 = vector.broadcast %shift_right_arithmetic3A_1716 : i32 to vector<16xi32>
    %shift_right_arithmetic3A_1718 = arith.shrsi %add3A_1711, %shift_right_arithmetic3A_1717 : vector<16xi32>
    %swap3A_1719 = arith.constant 63 : i32
    %swap3A_1720 = arith.index_cast %swap3A_1719 : i32 to index
    %swap3A_1721 = arith.constant 0 : index
    %swap3A_1722 = tpu.vector_load %arg12[%swap3A_1720, %swap3A_1721] {strides = array<i32>} : memref<64x16xi32, #tpu.memory_space<vmem>>, vector<16xi32>,
    tpu.vector_store %arg12[%swap3A_1720, %swap3A_1721], %shift_right_arithmetic3A_1718 {strides = array<i32>} : memref<64x16xi32, #tpu.memory_space<vmem>>, vector<16xi32>,
    %and3A_1723 = arith.constant 7 : i32
    %and3A_1724 = vector.broadcast %and3A_1723 : i32 to vector<16xi32>
    %and3A_1725 = arith.andi %add3A_1711, %and3A_1724 : vector<16xi32>
    %swap3A_1726 = arith.constant 63 : i32
    %swap3A_1727 = arith.index_cast %swap3A_1726 : i32 to index
    %swap3A_1728 = arith.constant 0 : index
    %swap3A_1729 = tpu.vector_load %arg13[%swap3A_1727, %swap3A_1728] {strides = array<i32>} : memref<64x16xi32, #tpu.memory_space<vmem>>, vector<16xi32>,
    tpu.vector_store %arg13[%swap3A_1727, %swap3A_1728], %and3A_1725 {strides = array<i32>} : memref<64x16xi32, #tpu.memory_space<vmem>>, vector<16xi32>,
    %dma_start3A = arith.constant 0 : i32
    %dma_start3A_1730 = arith.constant 0 : i32
    %dma_start3A_1731 = arith.constant 0 : i32
    %dma_start3A_1732 = tpu.memref_slice %arg6[%dma_start3A_1730, %dma_start3A_1731] : memref<256x64xf32, #tpu.memory_space<vmem>> -> memref<128x64xf32, #tpu.memory_space<vmem>>
    %dma_start3A_1733 = arith.constant 0 : i32
    %dma_start3A_1734 = tpu.memref_slice %arg5[%dma_start3A, %dma_start3A_1733] : memref<200x128xi32, #tpu.memory_space<vmem>> -> memref<1x128xi32, #tpu.memory_space<vmem>>
    %dma_start3A_1735 = tpu.memref_squeeze %dma_start3A_1734 : memref<1x128xi32, #tpu.memory_space<vmem>> -> memref<128xi32, #tpu.memory_space<vmem>>
    %dma_start3A_1736 = arith.constant 0 : i32
    %dma_start3A_1737 = arith.constant 0 : i32
    %dma_start3A_1738 = tpu.memref_slice %arg3[%dma_start3A_1736, %dma_start3A_1737] : memref<1000000x64xf32, #tpu.memory_space<hbm>> -> memref<1000000x64xf32, #tpu.memory_space<hbm>>
    tpu.enqueue_indirect_dma source(%dma_start3A_1738 : memref<1000000x64xf32, #tpu.memory_space<hbm>>) target(%dma_start3A_1732 : memref<128x64xf32, #tpu.memory_space<vmem>>) offsets(%dma_start3A_1735 : memref<128xi32, #tpu.memory_space<vmem>>) semaphore(%arg14 : memref<!tpu.dma_semaphore, #tpu.memory_space<semaphore_mem>>)
    %dma_start3A_1739 = arith.constant 1 : i32
    %dma_start3A_1740 = arith.constant 128 : i32
    %dma_start3A_1741 = arith.constant 0 : i32
    %dma_start3A_1742 = tpu.memref_slice %arg6[%dma_start3A_1740, %dma_start3A_1741] : memref<256x64xf32, #tpu.memory_space<vmem>> -> memref<128x64xf32, #tpu.memory_space<vmem>>
    %dma_start3A_1743 = arith.constant 0 : i32
    %dma_start3A_1744 = tpu.memref_slice %arg5[%dma_start3A_1739, %dma_start3A_1743] : memref<200x128xi32, #tpu.memory_space<vmem>> -> memref<1x128xi32, #tpu.memory_space<vmem>>
    %dma_start3A_1745 = tpu.memref_squeeze %dma_start3A_1744 : memref<1x128xi32, #tpu.memory_space<vmem>> -> memref<128xi32, #tpu.memory_space<vmem>>
    %dma_start3A_1746 = arith.constant 0 : i32
    %dma_start3A_1747 = arith.constant 0 : i32
    %dma_start3A_1748 = tpu.memref_slice %arg3[%dma_start3A_1746, %dma_start3A_1747] : memref<1000000x64xf32, #tpu.memory_space<hbm>> -> memref<1000000x64xf32, #tpu.memory_space<hbm>>
    tpu.enqueue_indirect_dma source(%dma_start3A_1748 : memref<1000000x64xf32, #tpu.memory_space<hbm>>) target(%dma_start3A_1742 : memref<128x64xf32, #tpu.memory_space<vmem>>) offsets(%dma_start3A_1745 : memref<128xi32, #tpu.memory_space<vmem>>) semaphore(%arg14 : memref<!tpu.dma_semaphore, #tpu.memory_space<semaphore_mem>>)
    %scan3A = arith.constant 0 : i32
    %scan3A_1749 = arith.constant 0 : i32
    %scan3A_1750 = arith.constant 50 : i32
    %scan3A_1751 = arith.addi %scan3A_1749, %scan3A_1750 : i32
    %scan3A_1752 = arith.constant 1 : i32
    scf.for %scan3A_1852 = %scan3A_1749 to %scan3A_1751 step %scan3A_1752  : i32 {
      %mul3A_1853 = arith.constant 2 : i32
      %mul3A_1854 = arith.muli %mul3A_1853, %scan3A_1852 : i32
      %add3A_1855 = arith.constant 0 : i32
      %add3A_1856 = arith.addi %mul3A_1854, %add3A_1855 : i32
      %add3A_1857 = arith.constant 1 : i32
      %add3A_1858 = arith.addi %add3A_1856, %add3A_1857 : i32
      %lt3A_1859 = arith.constant 100 : i32
      %lt3A_1860 = arith.cmpi slt, %add3A_1858, %lt3A_1859 : i32
      %convert_element_type3A = arith.extui %lt3A_1860 : i1 to i32
      %cond3A = arith.constant 0 : i32
      %cond3A_1861 = arith.cmpi ne, %convert_element_type3A, %cond3A : i32
      scf.if %cond3A_1861 {
        %add3A_2519 = arith.constant 1 : i32
        %add3A_2520 = arith.addi %add3A_1856, %add3A_2519 : i32
        %mul3A_2521 = arith.constant 2 : i32
        %mul3A_2522 = arith.muli %mul3A_2521, %add3A_2520 : i32
        %dma_start3A_2523 = arith.constant 0 : i32
        %dma_start3A_2524 = arith.constant 0 : i32
        %dma_start3A_2525 = tpu.memref_slice %arg7[%dma_start3A_2523, %dma_start3A_2524] : memref<256x64xf32, #tpu.memory_space<vmem>> -> memref<128x64xf32, #tpu.memory_space<vmem>>
        %dma_start3A_2526 = arith.constant 0 : i32
        %dma_start3A_2527 = tpu.memref_slice %arg5[%mul3A_2522, %dma_start3A_2526] : memref<200x128xi32, #tpu.memory_space<vmem>> -> memref<1x128xi32, #tpu.memory_space<vmem>>
        %dma_start3A_2528 = tpu.memref_squeeze %dma_start3A_2527 : memref<1x128xi32, #tpu.memory_space<vmem>> -> memref<128xi32, #tpu.memory_space<vmem>>
        %dma_start3A_2529 = arith.constant 0 : i32
        %dma_start3A_2530 = arith.constant 0 : i32
        %dma_start3A_2531 = tpu.memref_slice %arg3[%dma_start3A_2529, %dma_start3A_2530] : memref<1000000x64xf32, #tpu.memory_space<hbm>> -> memref<1000000x64xf32, #tpu.memory_space<hbm>>
        tpu.enqueue_indirect_dma source(%dma_start3A_2531 : memref<1000000x64xf32, #tpu.memory_space<hbm>>) target(%dma_start3A_2525 : memref<128x64xf32, #tpu.memory_space<vmem>>) offsets(%dma_start3A_2528 : memref<128xi32, #tpu.memory_space<vmem>>) semaphore(%arg15 : memref<!tpu.dma_semaphore, #tpu.memory_space<semaphore_mem>>)
        %mul3A_2532 = arith.constant 2 : i32
        %mul3A_2533 = arith.muli %mul3A_2532, %add3A_2520 : i32
        %add3A_2534 = arith.constant 1 : i32
        %add3A_2535 = arith.addi %mul3A_2533, %add3A_2534 : i32
        %dma_start3A_2536 = arith.constant 128 : i32
        %dma_start3A_2537 = arith.constant 0 : i32
        %dma_start3A_2538 = tpu.memref_slice %arg7[%dma_start3A_2536, %dma_start3A_2537] : memref<256x64xf32, #tpu.memory_space<vmem>> -> memref<128x64xf32, #tpu.memory_space<vmem>>
        %dma_start3A_2539 = arith.constant 0 : i32
        %dma_start3A_2540 = tpu.memref_slice %arg5[%add3A_2535, %dma_start3A_2539] : memref<200x128xi32, #tpu.memory_space<vmem>> -> memref<1x128xi32, #tpu.memory_space<vmem>>
        %dma_start3A_2541 = tpu.memref_squeeze %dma_start3A_2540 : memref<1x128xi32, #tpu.memory_space<vmem>> -> memref<128xi32, #tpu.memory_space<vmem>>
        %dma_start3A_2542 = arith.constant 0 : i32
        %dma_start3A_2543 = arith.constant 0 : i32
        %dma_start3A_2544 = tpu.memref_slice %arg3[%dma_start3A_2542, %dma_start3A_2543] : memref<1000000x64xf32, #tpu.memory_space<hbm>> -> memref<1000000x64xf32, #tpu.memory_space<hbm>>
        tpu.enqueue_indirect_dma source(%dma_start3A_2544 : memref<1000000x64xf32, #tpu.memory_space<hbm>>) target(%dma_start3A_2538 : memref<128x64xf32, #tpu.memory_space<vmem>>) offsets(%dma_start3A_2541 : memref<128xi32, #tpu.memory_space<vmem>>) semaphore(%arg15 : memref<!tpu.dma_semaphore, #tpu.memory_space<semaphore_mem>>)
      } else {
      }
      %mul3A_1862 = arith.constant 2 : i32
      %mul3A_1863 = arith.muli %mul3A_1862, %add3A_1856 : i32
      %dma_wait3A_1864 = arith.constant 0 : i32
      %dma_wait3A_1865 = arith.constant 0 : i32
      %dma_wait3A_1866 = tpu.memref_slice %arg6[%dma_wait3A_1864, %dma_wait3A_1865] : memref<256x64xf32, #tpu.memory_space<vmem>> -> memref<128x64xf32, #tpu.memory_space<vmem>>
      %dma_wait3A_1867 = arith.constant 0 : i32
      %dma_wait3A_1868 = tpu.memref_slice %arg5[%mul3A_1863, %dma_wait3A_1867] : memref<200x128xi32, #tpu.memory_space<vmem>> -> memref<1x128xi32, #tpu.memory_space<vmem>>
      %dma_wait3A_1869 = tpu.memref_squeeze %dma_wait3A_1868 : memref<1x128xi32, #tpu.memory_space<vmem>> -> memref<128xi32, #tpu.memory_space<vmem>>
      %dma_wait3A_1870 = arith.constant 0 : i32
      %dma_wait3A_1871 = arith.constant 0 : i32
      %dma_wait3A_1872 = tpu.memref_slice %arg3[%dma_wait3A_1870, %dma_wait3A_1871] : memref<1000000x64xf32, #tpu.memory_space<hbm>> -> memref<1000000x64xf32, #tpu.memory_space<hbm>>
      tpu.wait_indirect_dma semaphore(%arg14 : memref<!tpu.dma_semaphore, #tpu.memory_space<semaphore_mem>>) src(%dma_wait3A_1872 : memref<1000000x64xf32, #tpu.memory_space<hbm>>) dst(%dma_wait3A_1866 : memref<128x64xf32, #tpu.memory_space<vmem>>)
      %mul3A_1873 = arith.constant 2 : i32
      %mul3A_1874 = arith.muli %mul3A_1873, %add3A_1856 : i32
      %add3A_1875 = arith.constant 1 : i32
      %add3A_1876 = arith.addi %mul3A_1874, %add3A_1875 : i32
      %dma_wait3A_1877 = arith.constant 128 : i32
      %dma_wait3A_1878 = arith.constant 0 : i32
      %dma_wait3A_1879 = tpu.memref_slice %arg6[%dma_wait3A_1877, %dma_wait3A_1878] : memref<256x64xf32, #tpu.memory_space<vmem>> -> memref<128x64xf32, #tpu.memory_space<vmem>>
      %dma_wait3A_1880 = arith.constant 0 : i32
      %dma_wait3A_1881 = tpu.memref_slice %arg5[%add3A_1876, %dma_wait3A_1880] : memref<200x128xi32, #tpu.memory_space<vmem>> -> memref<1x128xi32, #tpu.memory_space<vmem>>
      %dma_wait3A_1882 = tpu.memref_squeeze %dma_wait3A_1881 : memref<1x128xi32, #tpu.memory_space<vmem>> -> memref<128xi32, #tpu.memory_space<vmem>>
      %dma_wait3A_1883 = arith.constant 0 : i32
      %dma_wait3A_1884 = arith.constant 0 : i32
      %dma_wait3A_1885 = tpu.memref_slice %arg3[%dma_wait3A_1883, %dma_wait3A_1884] : memref<1000000x64xf32, #tpu.memory_space<hbm>> -> memref<1000000x64xf32, #tpu.memory_space<hbm>>
      tpu.wait_indirect_dma semaphore(%arg14 : memref<!tpu.dma_semaphore, #tpu.memory_space<semaphore_mem>>) src(%dma_wait3A_1885 : memref<1000000x64xf32, #tpu.memory_space<hbm>>) dst(%dma_wait3A_1879 : memref<128x64xf32, #tpu.memory_space<vmem>>)
      %ge3A = arith.constant 2 : i32
      %ge3A_1886 = arith.cmpi sge, %add3A_1856, %ge3A : i32
      %convert_element_type3A_1887 = arith.extui %ge3A_1886 : i1 to i32
      %cond3A_1888 = arith.constant 0 : i32
      %cond3A_1889 = arith.cmpi ne, %convert_element_type3A_1887, %cond3A_1888 : i32
      scf.if %cond3A_1889 {
        %sub3A_2519 = arith.constant 2 : i32
        %sub3A_2520 = arith.subi %add3A_1856, %sub3A_2519 : i32
        %add3A_2521 = arith.addi %mul3A_2, %sub3A_2520 : i32
        %jit3A_2522 = arith.constant 16 : i32
        %div3A_2523 = arith.divsi %add3A_2521, %jit3A_2522 : i32
        %sign3A_2524 = arith.constant 0 : i32
        %sign3A_2525 = arith.cmpi sgt, %add3A_2521, %sign3A_2524 : i32
        %sign3A_2526 = arith.extui %sign3A_2525 : i1 to i32
        %sign3A_2527 = arith.constant 0 : i32
        %sign3A_2528 = arith.cmpi slt, %add3A_2521, %sign3A_2527 : i32
        %sign3A_2529 = arith.extui %sign3A_2528 : i1 to i32
        %sign3A_2530 = arith.subi %sign3A_2526, %sign3A_2529 : i32
        %sign3A_2531 = arith.constant 0 : i32
        %sign3A_2532 = arith.cmpi sgt, %jit3A_2522, %sign3A_2531 : i32
        %sign3A_2533 = arith.extui %sign3A_2532 : i1 to i32
        %sign3A_2534 = arith.constant 0 : i32
        %sign3A_2535 = arith.cmpi slt, %jit3A_2522, %sign3A_2534 : i32
        %sign3A_2536 = arith.extui %sign3A_2535 : i1 to i32
        %sign3A_2537 = arith.subi %sign3A_2533, %sign3A_2536 : i32
        %ne3A_2538 = arith.cmpi ne, %sign3A_2530, %sign3A_2537 : i32
        %rem3A_2539 = arith.remsi %add3A_2521, %jit3A_2522 : i32
        %ne3A_2540 = arith.constant 0 : i32
        %ne3A_2541 = arith.cmpi ne, %rem3A_2539, %ne3A_2540 : i32
        %and3A_2542 = arith.andi %ne3A_2538, %ne3A_2541 : i1
        %sub3A_2543 = arith.constant 1 : i32
        %sub3A_2544 = arith.subi %div3A_2523, %sub3A_2543 : i32
        %select_n3A_2545 = arith.select %and3A_2542, %sub3A_2544, %div3A_2523 : i32
        %jit3A_2546 = arith.constant 16 : i32
        %eq3A_2547 = arith.constant 0 : i32
        %eq3A_2548 = arith.cmpi eq, %jit3A_2546, %eq3A_2547 : i32
        %jit3A_2549 = arith.constant 1 : i32
        %select_n3A_2550 = arith.select %eq3A_2548, %jit3A_2549, %jit3A_2546 : i32
        %rem3A_2551 = arith.remsi %add3A_2521, %select_n3A_2550 : i32
        %ne3A_2552 = arith.constant 0 : i32
        %ne3A_2553 = arith.cmpi ne, %rem3A_2551, %ne3A_2552 : i32
        %lt3A_2554 = arith.constant 0 : i32
        %lt3A_2555 = arith.cmpi slt, %rem3A_2551, %lt3A_2554 : i32
        %lt3A_2556 = arith.constant 0 : i32
        %lt3A_2557 = arith.cmpi slt, %select_n3A_2550, %lt3A_2556 : i32
        %ne3A_2558 = arith.xori %lt3A_2555, %lt3A_2557 : i1
        %and3A_2559 = arith.andi %ne3A_2558, %ne3A_2553 : i1
        %add3A_2560 = arith.addi %rem3A_2551, %select_n3A_2550 : i32
        %select_n3A_2561 = arith.select %and3A_2559, %add3A_2560, %rem3A_2551 : i32
        %mul3A_2562 = arith.constant 2 : i32
        %mul3A_2563 = arith.muli %select_n3A_2561, %mul3A_2562 : i32
        %dma_wait3A_2564 = arith.constant 0 : i32
        %dma_wait3A_2565 = arith.constant 0 : i32
        %dma_wait3A_2566 = arith.constant 0 : i32
        %dma_wait3A_2567 = tpu.memref_slice %arg4[%select_n3A_2545, %dma_wait3A_2564, %mul3A_2563, %dma_wait3A_2565, %dma_wait3A_2566] : memref<200x8x32x8x128xf32, #tpu.memory_space<hbm>> -> memref<1x8x2x8x128xf32, #tpu.memory_space<hbm>>
        %dma_wait3A_2568 = tpu.memref_squeeze %dma_wait3A_2567 : memref<1x8x2x8x128xf32, #tpu.memory_space<hbm>> -> memref<8x2x8x128xf32, #tpu.memory_space<hbm>>
        %dma_wait3A_2569 = arith.constant 0 : i32
        %dma_wait3A_2570 = arith.constant 0 : i32
        %dma_wait3A_2571 = arith.constant 0 : i32
        %dma_wait3A_2572 = tpu.memref_slice %arg4[%select_n3A_2545, %dma_wait3A_2569, %mul3A_2563, %dma_wait3A_2570, %dma_wait3A_2571] : memref<200x8x32x8x128xf32, #tpu.memory_space<hbm>> -> memref<1x8x2x8x128xf32, #tpu.memory_space<hbm>>
        %dma_wait3A_2573 = tpu.memref_squeeze %dma_wait3A_2572 : memref<1x8x2x8x128xf32, #tpu.memory_space<hbm>> -> memref<8x2x8x128xf32, #tpu.memory_space<hbm>>
        tpu.wait_dma2 semaphore(%arg16 : memref<!tpu.dma_semaphore, #tpu.memory_space<semaphore_mem>>) src(%arg8 : memref<8x2x8x128xf32, #tpu.memory_space<vmem>>) dst(%dma_wait3A_2573 : memref<8x2x8x128xf32, #tpu.memory_space<hbm>>)
      } else {
      }
      %mul3A_1890 = arith.constant 2 : i32
      %mul3A_1891 = arith.muli %mul3A_1890, %add3A_1856 : i32
      %add3A_1892 = arith.constant 0 : i32
      %add3A_1893 = arith.addi %mul3A_1891, %add3A_1892 : i32
      %get3A = arith.index_cast %add3A_1893 : i32 to index
      %get3A_1894 = arith.constant 0 : index
      %get3A_1895 = tpu.vector_load %arg5[%get3A, %get3A_1894] {strides = array<i32>} : memref<200x128xi32, #tpu.memory_space<vmem>>, vector<16xi32>,
      %eq3A_1896 = arith.constant 0 : i32
      %eq3A_1897 = vector.broadcast %eq3A_1896 : i32 to vector<16xi32>
      %eq3A_1898 = arith.cmpi eq, %get3A_1895, %eq3A_1897 : vector<16xi32>
      %jit3A_1899 = arith.constant 0.000000e+00 : f32
      %jit3A_1900 = arith.constant 8.000000e+00 : f32
      %broadcast_in_dim3A = vector.broadcast %jit3A_1899 : f32 to vector<16xf32>
      %broadcast_in_dim3A_1901 = vector.broadcast %jit3A_1900 : f32 to vector<16xf32>
      %select_n3A_1902 = arith.select %eq3A_1898, %broadcast_in_dim3A, %broadcast_in_dim3A_1901 : vector<16xi1>, vector<16xf32>
      %mul3A_1903 = arith.constant 2 : i32
      %mul3A_1904 = arith.muli %mul3A_1903, %add3A_1856 : i32
      %add3A_1905 = arith.constant 0 : i32
      %add3A_1906 = arith.addi %mul3A_1904, %add3A_1905 : i32
      %get3A_1907 = arith.index_cast %add3A_1906 : i32 to index
      %get3A_1908 = arith.constant 16 : index
      %get3A_1909 = tpu.vector_load %arg5[%get3A_1907, %get3A_1908] {strides = array<i32>} : memref<200x128xi32, #tpu.memory_space<vmem>>, vector<16xi32>,
      %eq3A_1910 = arith.constant 0 : i32
      %eq3A_1911 = vector.broadcast %eq3A_1910 : i32 to vector<16xi32>
      %eq3A_1912 = arith.cmpi eq, %get3A_1909, %eq3A_1911 : vector<16xi32>
      %jit3A_1913 = arith.constant 0.000000e+00 : f32
      %jit3A_1914 = arith.constant 8.000000e+00 : f32
      %broadcast_in_dim3A_1915 = vector.broadcast %jit3A_1913 : f32 to vector<16xf32>
      %broadcast_in_dim3A_1916 = vector.broadcast %jit3A_1914 : f32 to vector<16xf32>
      %select_n3A_1917 = arith.select %eq3A_1912, %broadcast_in_dim3A_1915, %broadcast_in_dim3A_1916 : vector<16xi1>, vector<16xf32>
      %mul3A_1918 = arith.constant 2 : i32
      %mul3A_1919 = arith.muli %mul3A_1918, %add3A_1856 : i32
      %add3A_1920 = arith.constant 0 : i32
      %add3A_1921 = arith.addi %mul3A_1919, %add3A_1920 : i32
      %get3A_1922 = arith.index_cast %add3A_1921 : i32 to index
      %get3A_1923 = arith.constant 32 : index
      %get3A_1924 = tpu.vector_load %arg5[%get3A_1922, %get3A_1923] {strides = array<i32>} : memref<200x128xi32, #tpu.memory_space<vmem>>, vector<16xi32>,
      %eq3A_1925 = arith.constant 0 : i32
      %eq3A_1926 = vector.broadcast %eq3A_1925 : i32 to vector<16xi32>
      %eq3A_1927 = arith.cmpi eq, %get3A_1924, %eq3A_1926 : vector<16xi32>
      %jit3A_1928 = arith.constant 0.000000e+00 : f32
      %jit3A_1929 = arith.constant 8.000000e+00 : f32
      %broadcast_in_dim3A_1930 = vector.broadcast %jit3A_1928 : f32 to vector<16xf32>
      %broadcast_in_dim3A_1931 = vector.broadcast %jit3A_1929 : f32 to vector<16xf32>
      %select_n3A_1932 = arith.select %eq3A_1927, %broadcast_in_dim3A_1930, %broadcast_in_dim3A_1931 : vector<16xi1>, vector<16xf32>
      %mul3A_1933 = arith.constant 2 : i32
      %mul3A_1934 = arith.muli %mul3A_1933, %add3A_1856 : i32
      %add3A_1935 = arith.constant 0 : i32
      %add3A_1936 = arith.addi %mul3A_1934, %add3A_1935 : i32
      %get3A_1937 = arith.index_cast %add3A_1936 : i32 to index
      %get3A_1938 = arith.constant 48 : index
      %get3A_1939 = tpu.vector_load %arg5[%get3A_1937, %get3A_1938] {strides = array<i32>} : memref<200x128xi32, #tpu.memory_space<vmem>>, vector<16xi32>,
      %eq3A_1940 = arith.constant 0 : i32
      %eq3A_1941 = vector.broadcast %eq3A_1940 : i32 to vector<16xi32>
      %eq3A_1942 = arith.cmpi eq, %get3A_1939, %eq3A_1941 : vector<16xi32>
      %jit3A_1943 = arith.constant 0.000000e+00 : f32
      %jit3A_1944 = arith.constant 8.000000e+00 : f32
      %broadcast_in_dim3A_1945 = vector.broadcast %jit3A_1943 : f32 to vector<16xf32>
      %broadcast_in_dim3A_1946 = vector.broadcast %jit3A_1944 : f32 to vector<16xf32>
      %select_n3A_1947 = arith.select %eq3A_1942, %broadcast_in_dim3A_1945, %broadcast_in_dim3A_1946 : vector<16xi1>, vector<16xf32>
      %mul3A_1948 = arith.constant 2 : i32
      %mul3A_1949 = arith.muli %mul3A_1948, %add3A_1856 : i32
      %add3A_1950 = arith.constant 0 : i32
      %add3A_1951 = arith.addi %mul3A_1949, %add3A_1950 : i32
      %get3A_1952 = arith.index_cast %add3A_1951 : i32 to index
      %get3A_1953 = arith.constant 64 : index
      %get3A_1954 = tpu.vector_load %arg5[%get3A_1952, %get3A_1953] {strides = array<i32>} : memref<200x128xi32, #tpu.memory_space<vmem>>, vector<16xi32>,
      %eq3A_1955 = arith.constant 0 : i32
      %eq3A_1956 = vector.broadcast %eq3A_1955 : i32 to vector<16xi32>
      %eq3A_1957 = arith.cmpi eq, %get3A_1954, %eq3A_1956 : vector<16xi32>
      %jit3A_1958 = arith.constant 0.000000e+00 : f32
      %jit3A_1959 = arith.constant 8.000000e+00 : f32
      %broadcast_in_dim3A_1960 = vector.broadcast %jit3A_1958 : f32 to vector<16xf32>
      %broadcast_in_dim3A_1961 = vector.broadcast %jit3A_1959 : f32 to vector<16xf32>
      %select_n3A_1962 = arith.select %eq3A_1957, %broadcast_in_dim3A_1960, %broadcast_in_dim3A_1961 : vector<16xi1>, vector<16xf32>
      %mul3A_1963 = arith.constant 2 : i32
      %mul3A_1964 = arith.muli %mul3A_1963, %add3A_1856 : i32
      %add3A_1965 = arith.constant 0 : i32
      %add3A_1966 = arith.addi %mul3A_1964, %add3A_1965 : i32
      %get3A_1967 = arith.index_cast %add3A_1966 : i32 to index
      %get3A_1968 = arith.constant 80 : index
      %get3A_1969 = tpu.vector_load %arg5[%get3A_1967, %get3A_1968] {strides = array<i32>} : memref<200x128xi32, #tpu.memory_space<vmem>>, vector<16xi32>,
      %eq3A_1970 = arith.constant 0 : i32
      %eq3A_1971 = vector.broadcast %eq3A_1970 : i32 to vector<16xi32>
      %eq3A_1972 = arith.cmpi eq, %get3A_1969, %eq3A_1971 : vector<16xi32>
      %jit3A_1973 = arith.constant 0.000000e+00 : f32
      %jit3A_1974 = arith.constant 8.000000e+00 : f32
      %broadcast_in_dim3A_1975 = vector.broadcast %jit3A_1973 : f32 to vector<16xf32>
      %broadcast_in_dim3A_1976 = vector.broadcast %jit3A_1974 : f32 to vector<16xf32>
      %select_n3A_1977 = arith.select %eq3A_1972, %broadcast_in_dim3A_1975, %broadcast_in_dim3A_1976 : vector<16xi1>, vector<16xf32>
      %mul3A_1978 = arith.constant 2 : i32
      %mul3A_1979 = arith.muli %mul3A_1978, %add3A_1856 : i32
      %add3A_1980 = arith.constant 0 : i32
      %add3A_1981 = arith.addi %mul3A_1979, %add3A_1980 : i32
      %get3A_1982 = arith.index_cast %add3A_1981 : i32 to index
      %get3A_1983 = arith.constant 96 : index
      %get3A_1984 = tpu.vector_load %arg5[%get3A_1982, %get3A_1983] {strides = array<i32>} : memref<200x128xi32, #tpu.memory_space<vmem>>, vector<16xi32>,
      %eq3A_1985 = arith.constant 0 : i32
      %eq3A_1986 = vector.broadcast %eq3A_1985 : i32 to vector<16xi32>
      %eq3A_1987 = arith.cmpi eq, %get3A_1984, %eq3A_1986 : vector<16xi32>
      %jit3A_1988 = arith.constant 0.000000e+00 : f32
      %jit3A_1989 = arith.constant 8.000000e+00 : f32
      %broadcast_in_dim3A_1990 = vector.broadcast %jit3A_1988 : f32 to vector<16xf32>
      %broadcast_in_dim3A_1991 = vector.broadcast %jit3A_1989 : f32 to vector<16xf32>
      %select_n3A_1992 = arith.select %eq3A_1987, %broadcast_in_dim3A_1990, %broadcast_in_dim3A_1991 : vector<16xi1>, vector<16xf32>
      %mul3A_1993 = arith.constant 2 : i32
      %mul3A_1994 = arith.muli %mul3A_1993, %add3A_1856 : i32
      %add3A_1995 = arith.constant 0 : i32
      %add3A_1996 = arith.addi %mul3A_1994, %add3A_1995 : i32
      %get3A_1997 = arith.index_cast %add3A_1996 : i32 to index
      %get3A_1998 = arith.constant 112 : index
      %get3A_1999 = tpu.vector_load %arg5[%get3A_1997, %get3A_1998] {strides = array<i32>} : memref<200x128xi32, #tpu.memory_space<vmem>>, vector<16xi32>,
      %eq3A_2000 = arith.constant 0 : i32
      %eq3A_2001 = vector.broadcast %eq3A_2000 : i32 to vector<16xi32>
      %eq3A_2002 = arith.cmpi eq, %get3A_1999, %eq3A_2001 : vector<16xi32>
      %jit3A_2003 = arith.constant 0.000000e+00 : f32
      %jit3A_2004 = arith.constant 8.000000e+00 : f32
      %broadcast_in_dim3A_2005 = vector.broadcast %jit3A_2003 : f32 to vector<16xf32>
      %broadcast_in_dim3A_2006 = vector.broadcast %jit3A_2004 : f32 to vector<16xf32>
      %select_n3A_2007 = arith.select %eq3A_2002, %broadcast_in_dim3A_2005, %broadcast_in_dim3A_2006 : vector<16xi1>, vector<16xf32>
      %mul3A_2008 = arith.constant 2 : i32
      %mul3A_2009 = arith.muli %mul3A_2008, %add3A_1856 : i32
      %add3A_2010 = arith.constant 1 : i32
      %add3A_2011 = arith.addi %mul3A_2009, %add3A_2010 : i32
      %get3A_2012 = arith.index_cast %add3A_2011 : i32 to index
      %get3A_2013 = arith.constant 0 : index
      %get3A_2014 = tpu.vector_load %arg5[%get3A_2012, %get3A_2013] {strides = array<i32>} : memref<200x128xi32, #tpu.memory_space<vmem>>, vector<16xi32>,
      %eq3A_2015 = arith.constant 0 : i32
      %eq3A_2016 = vector.broadcast %eq3A_2015 : i32 to vector<16xi32>
      %eq3A_2017 = arith.cmpi eq, %get3A_2014, %eq3A_2016 : vector<16xi32>
      %jit3A_2018 = arith.constant 0.000000e+00 : f32
      %jit3A_2019 = arith.constant 8.000000e+00 : f32
      %broadcast_in_dim3A_2020 = vector.broadcast %jit3A_2018 : f32 to vector<16xf32>
      %broadcast_in_dim3A_2021 = vector.broadcast %jit3A_2019 : f32 to vector<16xf32>
      %select_n3A_2022 = arith.select %eq3A_2017, %broadcast_in_dim3A_2020, %broadcast_in_dim3A_2021 : vector<16xi1>, vector<16xf32>
      %mul3A_2023 = arith.constant 2 : i32
      %mul3A_2024 = arith.muli %mul3A_2023, %add3A_1856 : i32
      %add3A_2025 = arith.constant 1 : i32
      %add3A_2026 = arith.addi %mul3A_2024, %add3A_2025 : i32
      %get3A_2027 = arith.index_cast %add3A_2026 : i32 to index
      %get3A_2028 = arith.constant 16 : index
      %get3A_2029 = tpu.vector_load %arg5[%get3A_2027, %get3A_2028] {strides = array<i32>} : memref<200x128xi32, #tpu.memory_space<vmem>>, vector<16xi32>,
      %eq3A_2030 = arith.constant 0 : i32
      %eq3A_2031 = vector.broadcast %eq3A_2030 : i32 to vector<16xi32>
      %eq3A_2032 = arith.cmpi eq, %get3A_2029, %eq3A_2031 : vector<16xi32>
      %jit3A_2033 = arith.constant 0.000000e+00 : f32
      %jit3A_2034 = arith.constant 8.000000e+00 : f32
      %broadcast_in_dim3A_2035 = vector.broadcast %jit3A_2033 : f32 to vector<16xf32>
      %broadcast_in_dim3A_2036 = vector.broadcast %jit3A_2034 : f32 to vector<16xf32>
      %select_n3A_2037 = arith.select %eq3A_2032, %broadcast_in_dim3A_2035, %broadcast_in_dim3A_2036 : vector<16xi1>, vector<16xf32>
      %mul3A_2038 = arith.constant 2 : i32
      %mul3A_2039 = arith.muli %mul3A_2038, %add3A_1856 : i32
      %add3A_2040 = arith.constant 1 : i32
      %add3A_2041 = arith.addi %mul3A_2039, %add3A_2040 : i32
      %get3A_2042 = arith.index_cast %add3A_2041 : i32 to index
      %get3A_2043 = arith.constant 32 : index
      %get3A_2044 = tpu.vector_load %arg5[%get3A_2042, %get3A_2043] {strides = array<i32>} : memref<200x128xi32, #tpu.memory_space<vmem>>, vector<16xi32>,
      %eq3A_2045 = arith.constant 0 : i32
      %eq3A_2046 = vector.broadcast %eq3A_2045 : i32 to vector<16xi32>
      %eq3A_2047 = arith.cmpi eq, %get3A_2044, %eq3A_2046 : vector<16xi32>
      %jit3A_2048 = arith.constant 0.000000e+00 : f32
      %jit3A_2049 = arith.constant 8.000000e+00 : f32
      %broadcast_in_dim3A_2050 = vector.broadcast %jit3A_2048 : f32 to vector<16xf32>
      %broadcast_in_dim3A_2051 = vector.broadcast %jit3A_2049 : f32 to vector<16xf32>
      %select_n3A_2052 = arith.select %eq3A_2047, %broadcast_in_dim3A_2050, %broadcast_in_dim3A_2051 : vector<16xi1>, vector<16xf32>
      %mul3A_2053 = arith.constant 2 : i32
      %mul3A_2054 = arith.muli %mul3A_2053, %add3A_1856 : i32
      %add3A_2055 = arith.constant 1 : i32
      %add3A_2056 = arith.addi %mul3A_2054, %add3A_2055 : i32
      %get3A_2057 = arith.index_cast %add3A_2056 : i32 to index
      %get3A_2058 = arith.constant 48 : index
      %get3A_2059 = tpu.vector_load %arg5[%get3A_2057, %get3A_2058] {strides = array<i32>} : memref<200x128xi32, #tpu.memory_space<vmem>>, vector<16xi32>,
      %eq3A_2060 = arith.constant 0 : i32
      %eq3A_2061 = vector.broadcast %eq3A_2060 : i32 to vector<16xi32>
      %eq3A_2062 = arith.cmpi eq, %get3A_2059, %eq3A_2061 : vector<16xi32>
      %jit3A_2063 = arith.constant 0.000000e+00 : f32
      %jit3A_2064 = arith.constant 8.000000e+00 : f32
      %broadcast_in_dim3A_2065 = vector.broadcast %jit3A_2063 : f32 to vector<16xf32>
      %broadcast_in_dim3A_2066 = vector.broadcast %jit3A_2064 : f32 to vector<16xf32>
      %select_n3A_2067 = arith.select %eq3A_2062, %broadcast_in_dim3A_2065, %broadcast_in_dim3A_2066 : vector<16xi1>, vector<16xf32>
      %mul3A_2068 = arith.constant 2 : i32
      %mul3A_2069 = arith.muli %mul3A_2068, %add3A_1856 : i32
      %add3A_2070 = arith.constant 1 : i32
      %add3A_2071 = arith.addi %mul3A_2069, %add3A_2070 : i32
      %get3A_2072 = arith.index_cast %add3A_2071 : i32 to index
      %get3A_2073 = arith.constant 64 : index
      %get3A_2074 = tpu.vector_load %arg5[%get3A_2072, %get3A_2073] {strides = array<i32>} : memref<200x128xi32, #tpu.memory_space<vmem>>, vector<16xi32>,
      %eq3A_2075 = arith.constant 0 : i32
      %eq3A_2076 = vector.broadcast %eq3A_2075 : i32 to vector<16xi32>
      %eq3A_2077 = arith.cmpi eq, %get3A_2074, %eq3A_2076 : vector<16xi32>
      %jit3A_2078 = arith.constant 0.000000e+00 : f32
      %jit3A_2079 = arith.constant 8.000000e+00 : f32
      %broadcast_in_dim3A_2080 = vector.broadcast %jit3A_2078 : f32 to vector<16xf32>
      %broadcast_in_dim3A_2081 = vector.broadcast %jit3A_2079 : f32 to vector<16xf32>
      %select_n3A_2082 = arith.select %eq3A_2077, %broadcast_in_dim3A_2080, %broadcast_in_dim3A_2081 : vector<16xi1>, vector<16xf32>
      %mul3A_2083 = arith.constant 2 : i32
      %mul3A_2084 = arith.muli %mul3A_2083, %add3A_1856 : i32
      %add3A_2085 = arith.constant 1 : i32
      %add3A_2086 = arith.addi %mul3A_2084, %add3A_2085 : i32
      %get3A_2087 = arith.index_cast %add3A_2086 : i32 to index
      %get3A_2088 = arith.constant 80 : index
      %get3A_2089 = tpu.vector_load %arg5[%get3A_2087, %get3A_2088] {strides = array<i32>} : memref<200x128xi32, #tpu.memory_space<vmem>>, vector<16xi32>,
      %eq3A_2090 = arith.constant 0 : i32
      %eq3A_2091 = vector.broadcast %eq3A_2090 : i32 to vector<16xi32>
      %eq3A_2092 = arith.cmpi eq, %get3A_2089, %eq3A_2091 : vector<16xi32>
      %jit3A_2093 = arith.constant 0.000000e+00 : f32
      %jit3A_2094 = arith.constant 8.000000e+00 : f32
      %broadcast_in_dim3A_2095 = vector.broadcast %jit3A_2093 : f32 to vector<16xf32>
      %broadcast_in_dim3A_2096 = vector.broadcast %jit3A_2094 : f32 to vector<16xf32>
      %select_n3A_2097 = arith.select %eq3A_2092, %broadcast_in_dim3A_2095, %broadcast_in_dim3A_2096 : vector<16xi1>, vector<16xf32>
      %mul3A_2098 = arith.constant 2 : i32
      %mul3A_2099 = arith.muli %mul3A_2098, %add3A_1856 : i32
      %add3A_2100 = arith.constant 1 : i32
      %add3A_2101 = arith.addi %mul3A_2099, %add3A_2100 : i32
      %get3A_2102 = arith.index_cast %add3A_2101 : i32 to index
      %get3A_2103 = arith.constant 96 : index
      %get3A_2104 = tpu.vector_load %arg5[%get3A_2102, %get3A_2103] {strides = array<i32>} : memref<200x128xi32, #tpu.memory_space<vmem>>, vector<16xi32>,
      %eq3A_2105 = arith.constant 0 : i32
      %eq3A_2106 = vector.broadcast %eq3A_2105 : i32 to vector<16xi32>
      %eq3A_2107 = arith.cmpi eq, %get3A_2104, %eq3A_2106 : vector<16xi32>
      %jit3A_2108 = arith.constant 0.000000e+00 : f32
      %jit3A_2109 = arith.constant 8.000000e+00 : f32
      %broadcast_in_dim3A_2110 = vector.broadcast %jit3A_2108 : f32 to vector<16xf32>
      %broadcast_in_dim3A_2111 = vector.broadcast %jit3A_2109 : f32 to vector<16xf32>
      %select_n3A_2112 = arith.select %eq3A_2107, %broadcast_in_dim3A_2110, %broadcast_in_dim3A_2111 : vector<16xi1>, vector<16xf32>
      %mul3A_2113 = arith.constant 2 : i32
      %mul3A_2114 = arith.muli %mul3A_2113, %add3A_1856 : i32
      %add3A_2115 = arith.constant 1 : i32
      %add3A_2116 = arith.addi %mul3A_2114, %add3A_2115 : i32
      %get3A_2117 = arith.index_cast %add3A_2116 : i32 to index
      %get3A_2118 = arith.constant 112 : index
      %get3A_2119 = tpu.vector_load %arg5[%get3A_2117, %get3A_2118] {strides = array<i32>} : memref<200x128xi32, #tpu.memory_space<vmem>>, vector<16xi32>,
      %eq3A_2120 = arith.constant 0 : i32
      %eq3A_2121 = vector.broadcast %eq3A_2120 : i32 to vector<16xi32>
      %eq3A_2122 = arith.cmpi eq, %get3A_2119, %eq3A_2121 : vector<16xi32>
      %jit3A_2123 = arith.constant 0.000000e+00 : f32
      %jit3A_2124 = arith.constant 8.000000e+00 : f32
      %broadcast_in_dim3A_2125 = vector.broadcast %jit3A_2123 : f32 to vector<16xf32>
      %broadcast_in_dim3A_2126 = vector.broadcast %jit3A_2124 : f32 to vector<16xf32>
      %select_n3A_2127 = arith.select %eq3A_2122, %broadcast_in_dim3A_2125, %broadcast_in_dim3A_2126 : vector<16xi1>, vector<16xf32>
      %parallel_loop3A = arith.constant 0 : i32
      %parallel_loop3A_2128 = arith.constant 64 : i32
      %parallel_loop3A_2129 = arith.constant 1 : i32
      scf.for %parallel_loop3A_2519 = %parallel_loop3A to %parallel_loop3A_2128 step %parallel_loop3A_2129  : i32 {
        %parallel_loop3A_2520 = arith.index_cast %parallel_loop3A_2519 : i32 to index
        %parallel_loop3A_2521 = arith.constant 0 : index
        %parallel_loop3A_2522 = tpu.vector_load %arg11[%parallel_loop3A_2520, %parallel_loop3A_2521] {strides = array<i32>} : memref<64x16xi32, #tpu.memory_space<vmem>>, vector<16xi32>,
        %parallel_loop3A_2523 = arith.index_cast %parallel_loop3A_2519 : i32 to index
        %parallel_loop3A_2524 = arith.constant 0 : index
        %parallel_loop3A_2525 = tpu.vector_load %arg12[%parallel_loop3A_2523, %parallel_loop3A_2524] {strides = array<i32>} : memref<64x16xi32, #tpu.memory_space<vmem>>, vector<16xi32>,
        %parallel_loop3A_2526 = arith.index_cast %parallel_loop3A_2519 : i32 to index
        %parallel_loop3A_2527 = arith.constant 0 : index
        %parallel_loop3A_2528 = tpu.vector_load %arg13[%parallel_loop3A_2526, %parallel_loop3A_2527] {strides = array<i32>} : memref<64x16xi32, #tpu.memory_space<vmem>>, vector<16xi32>,
        %parallel_loop3A_2529 = arith.constant 0 : i32
        %parallel_loop3A_2530 = vector.broadcast %parallel_loop3A_2529 : i32 to vector<16xi32>
        %parallel_loop3A_2531 = arith.addi %parallel_loop3A_2530, %iota3A : vector<16xi32>
        %parallel_loop3A_2532 = arith.constant 0 : i32
        %parallel_loop3A_2533 = vector.broadcast %parallel_loop3A_2532 : i32 to vector<16xi32>
        %parallel_loop3A_2534 = arith.addi %parallel_loop3A_2533, %iota3A : vector<16xi32>
        %parallel_loop3A_2535 = arith.constant 0 : i32
        %parallel_loop3A_2536 = vector.broadcast %parallel_loop3A_2535 : i32 to vector<16xi32>
        %parallel_loop3A_2537 = tpu.vector_load_idx %arg6[%parallel_loop3A_2531, %parallel_loop3A_2522] : memref<256x64xf32, #tpu.memory_space<vmem>>[vector<16xi32>, vector<16xi32>], vector<16xf32>,
        %parallel_loop3A_2538 = arith.mulf %parallel_loop3A_2537, %select_n3A_1902 : vector<16xf32>
        tpu.vector_store_idx %arg8[%parallel_loop3A_2525, %parallel_loop3A_2536, %parallel_loop3A_2528, %parallel_loop3A_2534], %parallel_loop3A_2538 : memref<8x2x8x128xf32, #tpu.memory_space<vmem>>[vector<16xi32>, vector<16xi32>, vector<16xi32>, vector<16xi32>], vector<16xf32>,
        %parallel_loop3A_2539 = arith.constant 16 : i32
        %parallel_loop3A_2540 = vector.broadcast %parallel_loop3A_2539 : i32 to vector<16xi32>
        %parallel_loop3A_2541 = arith.addi %parallel_loop3A_2540, %iota3A : vector<16xi32>
        %parallel_loop3A_2542 = arith.constant 16 : i32
        %parallel_loop3A_2543 = vector.broadcast %parallel_loop3A_2542 : i32 to vector<16xi32>
        %parallel_loop3A_2544 = arith.addi %parallel_loop3A_2543, %iota3A : vector<16xi32>
        %parallel_loop3A_2545 = arith.constant 0 : i32
        %parallel_loop3A_2546 = vector.broadcast %parallel_loop3A_2545 : i32 to vector<16xi32>
        %parallel_loop3A_2547 = tpu.vector_load_idx %arg6[%parallel_loop3A_2541, %parallel_loop3A_2522] : memref<256x64xf32, #tpu.memory_space<vmem>>[vector<16xi32>, vector<16xi32>], vector<16xf32>,
        %parallel_loop3A_2548 = arith.mulf %parallel_loop3A_2547, %select_n3A_1917 : vector<16xf32>
        tpu.vector_store_idx %arg8[%parallel_loop3A_2525, %parallel_loop3A_2546, %parallel_loop3A_2528, %parallel_loop3A_2544], %parallel_loop3A_2548 : memref<8x2x8x128xf32, #tpu.memory_space<vmem>>[vector<16xi32>, vector<16xi32>, vector<16xi32>, vector<16xi32>], vector<16xf32>,
        %parallel_loop3A_2549 = arith.constant 32 : i32
        %parallel_loop3A_2550 = vector.broadcast %parallel_loop3A_2549 : i32 to vector<16xi32>
        %parallel_loop3A_2551 = arith.addi %parallel_loop3A_2550, %iota3A : vector<16xi32>
        %parallel_loop3A_2552 = arith.constant 32 : i32
        %parallel_loop3A_2553 = vector.broadcast %parallel_loop3A_2552 : i32 to vector<16xi32>
        %parallel_loop3A_2554 = arith.addi %parallel_loop3A_2553, %iota3A : vector<16xi32>
        %parallel_loop3A_2555 = arith.constant 0 : i32
        %parallel_loop3A_2556 = vector.broadcast %parallel_loop3A_2555 : i32 to vector<16xi32>
        %parallel_loop3A_2557 = tpu.vector_load_idx %arg6[%parallel_loop3A_2551, %parallel_loop3A_2522] : memref<256x64xf32, #tpu.memory_space<vmem>>[vector<16xi32>, vector<16xi32>], vector<16xf32>,
        %parallel_loop3A_2558 = arith.mulf %parallel_loop3A_2557, %select_n3A_1932 : vector<16xf32>
        tpu.vector_store_idx %arg8[%parallel_loop3A_2525, %parallel_loop3A_2556, %parallel_loop3A_2528, %parallel_loop3A_2554], %parallel_loop3A_2558 : memref<8x2x8x128xf32, #tpu.memory_space<vmem>>[vector<16xi32>, vector<16xi32>, vector<16xi32>, vector<16xi32>], vector<16xf32>,
        %parallel_loop3A_2559 = arith.constant 48 : i32
        %parallel_loop3A_2560 = vector.broadcast %parallel_loop3A_2559 : i32 to vector<16xi32>
        %parallel_loop3A_2561 = arith.addi %parallel_loop3A_2560, %iota3A : vector<16xi32>
        %parallel_loop3A_2562 = arith.constant 48 : i32
        %parallel_loop3A_2563 = vector.broadcast %parallel_loop3A_2562 : i32 to vector<16xi32>
        %parallel_loop3A_2564 = arith.addi %parallel_loop3A_2563, %iota3A : vector<16xi32>
        %parallel_loop3A_2565 = arith.constant 0 : i32
        %parallel_loop3A_2566 = vector.broadcast %parallel_loop3A_2565 : i32 to vector<16xi32>
        %parallel_loop3A_2567 = tpu.vector_load_idx %arg6[%parallel_loop3A_2561, %parallel_loop3A_2522] : memref<256x64xf32, #tpu.memory_space<vmem>>[vector<16xi32>, vector<16xi32>], vector<16xf32>,
        %parallel_loop3A_2568 = arith.mulf %parallel_loop3A_2567, %select_n3A_1947 : vector<16xf32>
        tpu.vector_store_idx %arg8[%parallel_loop3A_2525, %parallel_loop3A_2566, %parallel_loop3A_2528, %parallel_loop3A_2564], %parallel_loop3A_2568 : memref<8x2x8x128xf32, #tpu.memory_space<vmem>>[vector<16xi32>, vector<16xi32>, vector<16xi32>, vector<16xi32>], vector<16xf32>,
        %parallel_loop3A_2569 = arith.constant 64 : i32
        %parallel_loop3A_2570 = vector.broadcast %parallel_loop3A_2569 : i32 to vector<16xi32>
        %parallel_loop3A_2571 = arith.addi %parallel_loop3A_2570, %iota3A : vector<16xi32>
        %parallel_loop3A_2572 = arith.constant 64 : i32
        %parallel_loop3A_2573 = vector.broadcast %parallel_loop3A_2572 : i32 to vector<16xi32>
        %parallel_loop3A_2574 = arith.addi %parallel_loop3A_2573, %iota3A : vector<16xi32>
        %parallel_loop3A_2575 = arith.constant 0 : i32
        %parallel_loop3A_2576 = vector.broadcast %parallel_loop3A_2575 : i32 to vector<16xi32>
        %parallel_loop3A_2577 = tpu.vector_load_idx %arg6[%parallel_loop3A_2571, %parallel_loop3A_2522] : memref<256x64xf32, #tpu.memory_space<vmem>>[vector<16xi32>, vector<16xi32>], vector<16xf32>,
        %parallel_loop3A_2578 = arith.mulf %parallel_loop3A_2577, %select_n3A_1962 : vector<16xf32>
        tpu.vector_store_idx %arg8[%parallel_loop3A_2525, %parallel_loop3A_2576, %parallel_loop3A_2528, %parallel_loop3A_2574], %parallel_loop3A_2578 : memref<8x2x8x128xf32, #tpu.memory_space<vmem>>[vector<16xi32>, vector<16xi32>, vector<16xi32>, vector<16xi32>], vector<16xf32>,
        %parallel_loop3A_2579 = arith.constant 80 : i32
        %parallel_loop3A_2580 = vector.broadcast %parallel_loop3A_2579 : i32 to vector<16xi32>
        %parallel_loop3A_2581 = arith.addi %parallel_loop3A_2580, %iota3A : vector<16xi32>
        %parallel_loop3A_2582 = arith.constant 80 : i32
        %parallel_loop3A_2583 = vector.broadcast %parallel_loop3A_2582 : i32 to vector<16xi32>
        %parallel_loop3A_2584 = arith.addi %parallel_loop3A_2583, %iota3A : vector<16xi32>
        %parallel_loop3A_2585 = arith.constant 0 : i32
        %parallel_loop3A_2586 = vector.broadcast %parallel_loop3A_2585 : i32 to vector<16xi32>
        %parallel_loop3A_2587 = tpu.vector_load_idx %arg6[%parallel_loop3A_2581, %parallel_loop3A_2522] : memref<256x64xf32, #tpu.memory_space<vmem>>[vector<16xi32>, vector<16xi32>], vector<16xf32>,
        %parallel_loop3A_2588 = arith.mulf %parallel_loop3A_2587, %select_n3A_1977 : vector<16xf32>
        tpu.vector_store_idx %arg8[%parallel_loop3A_2525, %parallel_loop3A_2586, %parallel_loop3A_2528, %parallel_loop3A_2584], %parallel_loop3A_2588 : memref<8x2x8x128xf32, #tpu.memory_space<vmem>>[vector<16xi32>, vector<16xi32>, vector<16xi32>, vector<16xi32>], vector<16xf32>,
        %parallel_loop3A_2589 = arith.constant 96 : i32
        %parallel_loop3A_2590 = vector.broadcast %parallel_loop3A_2589 : i32 to vector<16xi32>
        %parallel_loop3A_2591 = arith.addi %parallel_loop3A_2590, %iota3A : vector<16xi32>
        %parallel_loop3A_2592 = arith.constant 96 : i32
        %parallel_loop3A_2593 = vector.broadcast %parallel_loop3A_2592 : i32 to vector<16xi32>
        %parallel_loop3A_2594 = arith.addi %parallel_loop3A_2593, %iota3A : vector<16xi32>
        %parallel_loop3A_2595 = arith.constant 0 : i32
        %parallel_loop3A_2596 = vector.broadcast %parallel_loop3A_2595 : i32 to vector<16xi32>
        %parallel_loop3A_2597 = tpu.vector_load_idx %arg6[%parallel_loop3A_2591, %parallel_loop3A_2522] : memref<256x64xf32, #tpu.memory_space<vmem>>[vector<16xi32>, vector<16xi32>], vector<16xf32>,
        %parallel_loop3A_2598 = arith.mulf %parallel_loop3A_2597, %select_n3A_1992 : vector<16xf32>
        tpu.vector_store_idx %arg8[%parallel_loop3A_2525, %parallel_loop3A_2596, %parallel_loop3A_2528, %parallel_loop3A_2594], %parallel_loop3A_2598 : memref<8x2x8x128xf32, #tpu.memory_space<vmem>>[vector<16xi32>, vector<16xi32>, vector<16xi32>, vector<16xi32>], vector<16xf32>,
        %parallel_loop3A_2599 = arith.constant 112 : i32
        %parallel_loop3A_2600 = vector.broadcast %parallel_loop3A_2599 : i32 to vector<16xi32>
        %parallel_loop3A_2601 = arith.addi %parallel_loop3A_2600, %iota3A : vector<16xi32>
        %parallel_loop3A_2602 = arith.constant 112 : i32
        %parallel_loop3A_2603 = vector.broadcast %parallel_loop3A_2602 : i32 to vector<16xi32>
        %parallel_loop3A_2604 = arith.addi %parallel_loop3A_2603, %iota3A : vector<16xi32>
        %parallel_loop3A_2605 = arith.constant 0 : i32
        %parallel_loop3A_2606 = vector.broadcast %parallel_loop3A_2605 : i32 to vector<16xi32>
        %parallel_loop3A_2607 = tpu.vector_load_idx %arg6[%parallel_loop3A_2601, %parallel_loop3A_2522] : memref<256x64xf32, #tpu.memory_space<vmem>>[vector<16xi32>, vector<16xi32>], vector<16xf32>,
        %parallel_loop3A_2608 = arith.mulf %parallel_loop3A_2607, %select_n3A_2007 : vector<16xf32>
        tpu.vector_store_idx %arg8[%parallel_loop3A_2525, %parallel_loop3A_2606, %parallel_loop3A_2528, %parallel_loop3A_2604], %parallel_loop3A_2608 : memref<8x2x8x128xf32, #tpu.memory_space<vmem>>[vector<16xi32>, vector<16xi32>, vector<16xi32>, vector<16xi32>], vector<16xf32>,
        %parallel_loop3A_2609 = arith.constant 128 : i32
        %parallel_loop3A_2610 = vector.broadcast %parallel_loop3A_2609 : i32 to vector<16xi32>
        %parallel_loop3A_2611 = arith.addi %parallel_loop3A_2610, %iota3A : vector<16xi32>
        %parallel_loop3A_2612 = arith.constant 0 : i32
        %parallel_loop3A_2613 = vector.broadcast %parallel_loop3A_2612 : i32 to vector<16xi32>
        %parallel_loop3A_2614 = arith.addi %parallel_loop3A_2613, %iota3A : vector<16xi32>
        %parallel_loop3A_2615 = arith.constant 1 : i32
        %parallel_loop3A_2616 = vector.broadcast %parallel_loop3A_2615 : i32 to vector<16xi32>
        %parallel_loop3A_2617 = tpu.vector_load_idx %arg6[%parallel_loop3A_2611, %parallel_loop3A_2522] : memref<256x64xf32, #tpu.memory_space<vmem>>[vector<16xi32>, vector<16xi32>], vector<16xf32>,
        %parallel_loop3A_2618 = arith.mulf %parallel_loop3A_2617, %select_n3A_2022 : vector<16xf32>
        tpu.vector_store_idx %arg8[%parallel_loop3A_2525, %parallel_loop3A_2616, %parallel_loop3A_2528, %parallel_loop3A_2614], %parallel_loop3A_2618 : memref<8x2x8x128xf32, #tpu.memory_space<vmem>>[vector<16xi32>, vector<16xi32>, vector<16xi32>, vector<16xi32>], vector<16xf32>,
        %parallel_loop3A_2619 = arith.constant 144 : i32
        %parallel_loop3A_2620 = vector.broadcast %parallel_loop3A_2619 : i32 to vector<16xi32>
        %parallel_loop3A_2621 = arith.addi %parallel_loop3A_2620, %iota3A : vector<16xi32>
        %parallel_loop3A_2622 = arith.constant 16 : i32
        %parallel_loop3A_2623 = vector.broadcast %parallel_loop3A_2622 : i32 to vector<16xi32>
        %parallel_loop3A_2624 = arith.addi %parallel_loop3A_2623, %iota3A : vector<16xi32>
        %parallel_loop3A_2625 = arith.constant 1 : i32
        %parallel_loop3A_2626 = vector.broadcast %parallel_loop3A_2625 : i32 to vector<16xi32>
        %parallel_loop3A_2627 = tpu.vector_load_idx %arg6[%parallel_loop3A_2621, %parallel_loop3A_2522] : memref<256x64xf32, #tpu.memory_space<vmem>>[vector<16xi32>, vector<16xi32>], vector<16xf32>,
        %parallel_loop3A_2628 = arith.mulf %parallel_loop3A_2627, %select_n3A_2037 : vector<16xf32>
        tpu.vector_store_idx %arg8[%parallel_loop3A_2525, %parallel_loop3A_2626, %parallel_loop3A_2528, %parallel_loop3A_2624], %parallel_loop3A_2628 : memref<8x2x8x128xf32, #tpu.memory_space<vmem>>[vector<16xi32>, vector<16xi32>, vector<16xi32>, vector<16xi32>], vector<16xf32>,
        %parallel_loop3A_2629 = arith.constant 160 : i32
        %parallel_loop3A_2630 = vector.broadcast %parallel_loop3A_2629 : i32 to vector<16xi32>
        %parallel_loop3A_2631 = arith.addi %parallel_loop3A_2630, %iota3A : vector<16xi32>
        %parallel_loop3A_2632 = arith.constant 32 : i32
        %parallel_loop3A_2633 = vector.broadcast %parallel_loop3A_2632 : i32 to vector<16xi32>
        %parallel_loop3A_2634 = arith.addi %parallel_loop3A_2633, %iota3A : vector<16xi32>
        %parallel_loop3A_2635 = arith.constant 1 : i32
        %parallel_loop3A_2636 = vector.broadcast %parallel_loop3A_2635 : i32 to vector<16xi32>
        %parallel_loop3A_2637 = tpu.vector_load_idx %arg6[%parallel_loop3A_2631, %parallel_loop3A_2522] : memref<256x64xf32, #tpu.memory_space<vmem>>[vector<16xi32>, vector<16xi32>], vector<16xf32>,
        %parallel_loop3A_2638 = arith.mulf %parallel_loop3A_2637, %select_n3A_2052 : vector<16xf32>
        tpu.vector_store_idx %arg8[%parallel_loop3A_2525, %parallel_loop3A_2636, %parallel_loop3A_2528, %parallel_loop3A_2634], %parallel_loop3A_2638 : memref<8x2x8x128xf32, #tpu.memory_space<vmem>>[vector<16xi32>, vector<16xi32>, vector<16xi32>, vector<16xi32>], vector<16xf32>,
        %parallel_loop3A_2639 = arith.constant 176 : i32
        %parallel_loop3A_2640 = vector.broadcast %parallel_loop3A_2639 : i32 to vector<16xi32>
        %parallel_loop3A_2641 = arith.addi %parallel_loop3A_2640, %iota3A : vector<16xi32>
        %parallel_loop3A_2642 = arith.constant 48 : i32
        %parallel_loop3A_2643 = vector.broadcast %parallel_loop3A_2642 : i32 to vector<16xi32>
        %parallel_loop3A_2644 = arith.addi %parallel_loop3A_2643, %iota3A : vector<16xi32>
        %parallel_loop3A_2645 = arith.constant 1 : i32
        %parallel_loop3A_2646 = vector.broadcast %parallel_loop3A_2645 : i32 to vector<16xi32>
        %parallel_loop3A_2647 = tpu.vector_load_idx %arg6[%parallel_loop3A_2641, %parallel_loop3A_2522] : memref<256x64xf32, #tpu.memory_space<vmem>>[vector<16xi32>, vector<16xi32>], vector<16xf32>,
        %parallel_loop3A_2648 = arith.mulf %parallel_loop3A_2647, %select_n3A_2067 : vector<16xf32>
        tpu.vector_store_idx %arg8[%parallel_loop3A_2525, %parallel_loop3A_2646, %parallel_loop3A_2528, %parallel_loop3A_2644], %parallel_loop3A_2648 : memref<8x2x8x128xf32, #tpu.memory_space<vmem>>[vector<16xi32>, vector<16xi32>, vector<16xi32>, vector<16xi32>], vector<16xf32>,
        %parallel_loop3A_2649 = arith.constant 192 : i32
        %parallel_loop3A_2650 = vector.broadcast %parallel_loop3A_2649 : i32 to vector<16xi32>
        %parallel_loop3A_2651 = arith.addi %parallel_loop3A_2650, %iota3A : vector<16xi32>
        %parallel_loop3A_2652 = arith.constant 64 : i32
        %parallel_loop3A_2653 = vector.broadcast %parallel_loop3A_2652 : i32 to vector<16xi32>
        %parallel_loop3A_2654 = arith.addi %parallel_loop3A_2653, %iota3A : vector<16xi32>
        %parallel_loop3A_2655 = arith.constant 1 : i32
        %parallel_loop3A_2656 = vector.broadcast %parallel_loop3A_2655 : i32 to vector<16xi32>
        %parallel_loop3A_2657 = tpu.vector_load_idx %arg6[%parallel_loop3A_2651, %parallel_loop3A_2522] : memref<256x64xf32, #tpu.memory_space<vmem>>[vector<16xi32>, vector<16xi32>], vector<16xf32>,
        %parallel_loop3A_2658 = arith.mulf %parallel_loop3A_2657, %select_n3A_2082 : vector<16xf32>
        tpu.vector_store_idx %arg8[%parallel_loop3A_2525, %parallel_loop3A_2656, %parallel_loop3A_2528, %parallel_loop3A_2654], %parallel_loop3A_2658 : memref<8x2x8x128xf32, #tpu.memory_space<vmem>>[vector<16xi32>, vector<16xi32>, vector<16xi32>, vector<16xi32>], vector<16xf32>,
        %parallel_loop3A_2659 = arith.constant 208 : i32
        %parallel_loop3A_2660 = vector.broadcast %parallel_loop3A_2659 : i32 to vector<16xi32>
        %parallel_loop3A_2661 = arith.addi %parallel_loop3A_2660, %iota3A : vector<16xi32>
        %parallel_loop3A_2662 = arith.constant 80 : i32
        %parallel_loop3A_2663 = vector.broadcast %parallel_loop3A_2662 : i32 to vector<16xi32>
        %parallel_loop3A_2664 = arith.addi %parallel_loop3A_2663, %iota3A : vector<16xi32>
        %parallel_loop3A_2665 = arith.constant 1 : i32
        %parallel_loop3A_2666 = vector.broadcast %parallel_loop3A_2665 : i32 to vector<16xi32>
        %parallel_loop3A_2667 = tpu.vector_load_idx %arg6[%parallel_loop3A_2661, %parallel_loop3A_2522] : memref<256x64xf32, #tpu.memory_space<vmem>>[vector<16xi32>, vector<16xi32>], vector<16xf32>,
        %parallel_loop3A_2668 = arith.mulf %parallel_loop3A_2667, %select_n3A_2097 : vector<16xf32>
        tpu.vector_store_idx %arg8[%parallel_loop3A_2525, %parallel_loop3A_2666, %parallel_loop3A_2528, %parallel_loop3A_2664], %parallel_loop3A_2668 : memref<8x2x8x128xf32, #tpu.memory_space<vmem>>[vector<16xi32>, vector<16xi32>, vector<16xi32>, vector<16xi32>], vector<16xf32>,
        %parallel_loop3A_2669 = arith.constant 224 : i32
        %parallel_loop3A_2670 = vector.broadcast %parallel_loop3A_2669 : i32 to vector<16xi32>
        %parallel_loop3A_2671 = arith.addi %parallel_loop3A_2670, %iota3A : vector<16xi32>
        %parallel_loop3A_2672 = arith.constant 96 : i32
        %parallel_loop3A_2673 = vector.broadcast %parallel_loop3A_2672 : i32 to vector<16xi32>
        %parallel_loop3A_2674 = arith.addi %parallel_loop3A_2673, %iota3A : vector<16xi32>
        %parallel_loop3A_2675 = arith.constant 1 : i32
        %parallel_loop3A_2676 = vector.broadcast %parallel_loop3A_2675 : i32 to vector<16xi32>
        %parallel_loop3A_2677 = tpu.vector_load_idx %arg6[%parallel_loop3A_2671, %parallel_loop3A_2522] : memref<256x64xf32, #tpu.memory_space<vmem>>[vector<16xi32>, vector<16xi32>], vector<16xf32>,
        %parallel_loop3A_2678 = arith.mulf %parallel_loop3A_2677, %select_n3A_2112 : vector<16xf32>
        tpu.vector_store_idx %arg8[%parallel_loop3A_2525, %parallel_loop3A_2676, %parallel_loop3A_2528, %parallel_loop3A_2674], %parallel_loop3A_2678 : memref<8x2x8x128xf32, #tpu.memory_space<vmem>>[vector<16xi32>, vector<16xi32>, vector<16xi32>, vector<16xi32>], vector<16xf32>,
        %parallel_loop3A_2679 = arith.constant 240 : i32
        %parallel_loop3A_2680 = vector.broadcast %parallel_loop3A_2679 : i32 to vector<16xi32>
        %parallel_loop3A_2681 = arith.addi %parallel_loop3A_2680, %iota3A : vector<16xi32>
        %parallel_loop3A_2682 = arith.constant 112 : i32
        %parallel_loop3A_2683 = vector.broadcast %parallel_loop3A_2682 : i32 to vector<16xi32>
        %parallel_loop3A_2684 = arith.addi %parallel_loop3A_2683, %iota3A : vector<16xi32>
        %parallel_loop3A_2685 = arith.constant 1 : i32
        %parallel_loop3A_2686 = vector.broadcast %parallel_loop3A_2685 : i32 to vector<16xi32>
        %parallel_loop3A_2687 = tpu.vector_load_idx %arg6[%parallel_loop3A_2681, %parallel_loop3A_2522] : memref<256x64xf32, #tpu.memory_space<vmem>>[vector<16xi32>, vector<16xi32>], vector<16xf32>,
        %parallel_loop3A_2688 = arith.mulf %parallel_loop3A_2687, %select_n3A_2127 : vector<16xf32>
        tpu.vector_store_idx %arg8[%parallel_loop3A_2525, %parallel_loop3A_2686, %parallel_loop3A_2528, %parallel_loop3A_2684], %parallel_loop3A_2688 : memref<8x2x8x128xf32, #tpu.memory_space<vmem>>[vector<16xi32>, vector<16xi32>, vector<16xi32>, vector<16xi32>], vector<16xf32>,
      } {sc.loop_unroll_factor = 2 : i64, sc.parallel_access}
      %add3A_2130 = arith.addi %mul3A_2, %add3A_1856 : i32
      %jit3A_2131 = arith.constant 16 : i32
      %div3A_2132 = arith.divsi %add3A_2130, %jit3A_2131 : i32
      %sign3A_2133 = arith.constant 0 : i32
      %sign3A_2134 = arith.cmpi sgt, %add3A_2130, %sign3A_2133 : i32
      %sign3A_2135 = arith.extui %sign3A_2134 : i1 to i32
      %sign3A_2136 = arith.constant 0 : i32
      %sign3A_2137 = arith.cmpi slt, %add3A_2130, %sign3A_2136 : i32
      %sign3A_2138 = arith.extui %sign3A_2137 : i1 to i32
      %sign3A_2139 = arith.subi %sign3A_2135, %sign3A_2138 : i32
      %sign3A_2140 = arith.constant 0 : i32
      %sign3A_2141 = arith.cmpi sgt, %jit3A_2131, %sign3A_2140 : i32
      %sign3A_2142 = arith.extui %sign3A_2141 : i1 to i32
      %sign3A_2143 = arith.constant 0 : i32
      %sign3A_2144 = arith.cmpi slt, %jit3A_2131, %sign3A_2143 : i32
      %sign3A_2145 = arith.extui %sign3A_2144 : i1 to i32
      %sign3A_2146 = arith.subi %sign3A_2142, %sign3A_2145 : i32
      %ne3A_2147 = arith.cmpi ne, %sign3A_2139, %sign3A_2146 : i32
      %rem3A_2148 = arith.remsi %add3A_2130, %jit3A_2131 : i32
      %ne3A_2149 = arith.constant 0 : i32
      %ne3A_2150 = arith.cmpi ne, %rem3A_2148, %ne3A_2149 : i32
      %and3A_2151 = arith.andi %ne3A_2147, %ne3A_2150 : i1
      %sub3A_2152 = arith.constant 1 : i32
      %sub3A_2153 = arith.subi %div3A_2132, %sub3A_2152 : i32
      %select_n3A_2154 = arith.select %and3A_2151, %sub3A_2153, %div3A_2132 : i32
      %jit3A_2155 = arith.constant 16 : i32
      %eq3A_2156 = arith.constant 0 : i32
      %eq3A_2157 = arith.cmpi eq, %jit3A_2155, %eq3A_2156 : i32
      %jit3A_2158 = arith.constant 1 : i32
      %select_n3A_2159 = arith.select %eq3A_2157, %jit3A_2158, %jit3A_2155 : i32
      %rem3A_2160 = arith.remsi %add3A_2130, %select_n3A_2159 : i32
      %ne3A_2161 = arith.constant 0 : i32
      %ne3A_2162 = arith.cmpi ne, %rem3A_2160, %ne3A_2161 : i32
      %lt3A_2163 = arith.constant 0 : i32
      %lt3A_2164 = arith.cmpi slt, %rem3A_2160, %lt3A_2163 : i32
      %lt3A_2165 = arith.constant 0 : i32
      %lt3A_2166 = arith.cmpi slt, %select_n3A_2159, %lt3A_2165 : i32
      %ne3A_2167 = arith.xori %lt3A_2164, %lt3A_2166 : i1
      %and3A_2168 = arith.andi %ne3A_2167, %ne3A_2162 : i1
      %add3A_2169 = arith.addi %rem3A_2160, %select_n3A_2159 : i32
      %select_n3A_2170 = arith.select %and3A_2168, %add3A_2169, %rem3A_2160 : i32
      %mul3A_2171 = arith.constant 2 : i32
      %mul3A_2172 = arith.muli %select_n3A_2170, %mul3A_2171 : i32
      %dma_start3A_2173 = arith.constant 0 : i32
      %dma_start3A_2174 = arith.constant 0 : i32
      %dma_start3A_2175 = arith.constant 0 : i32
      %dma_start3A_2176 = tpu.memref_slice %arg4[%select_n3A_2154, %dma_start3A_2173, %mul3A_2172, %dma_start3A_2174, %dma_start3A_2175] : memref<200x8x32x8x128xf32, #tpu.memory_space<hbm>> -> memref<1x8x2x8x128xf32, #tpu.memory_space<hbm>>
      %dma_start3A_2177 = tpu.memref_squeeze %dma_start3A_2176 : memref<1x8x2x8x128xf32, #tpu.memory_space<hbm>> -> memref<8x2x8x128xf32, #tpu.memory_space<hbm>>
      %dma_start3A_2178 = arith.constant 0 : i32
      %dma_start3A_2179 = arith.constant 0 : i32
      %dma_start3A_2180 = arith.constant 0 : i32
      %dma_start3A_2181 = tpu.memref_slice %arg4[%select_n3A_2154, %dma_start3A_2178, %mul3A_2172, %dma_start3A_2179, %dma_start3A_2180] : memref<200x8x32x8x128xf32, #tpu.memory_space<hbm>> -> memref<1x8x2x8x128xf32, #tpu.memory_space<hbm>>
      %dma_start3A_2182 = tpu.memref_squeeze %dma_start3A_2181 : memref<1x8x2x8x128xf32, #tpu.memory_space<hbm>> -> memref<8x2x8x128xf32, #tpu.memory_space<hbm>>
      tpu.enqueue_dma source(%arg8 : memref<8x2x8x128xf32, #tpu.memory_space<vmem>>) target(%dma_start3A_2182 : memref<8x2x8x128xf32, #tpu.memory_space<hbm>>) target_semaphore(%arg16 : memref<!tpu.dma_semaphore, #tpu.memory_space<semaphore_mem>>)
      %mul3A_2183 = arith.constant 2 : i32
      %mul3A_2184 = arith.muli %mul3A_2183, %scan3A_1852 : i32
      %add3A_2185 = arith.constant 1 : i32
      %add3A_2186 = arith.addi %mul3A_2184, %add3A_2185 : i32
      %add3A_2187 = arith.constant 1 : i32
      %add3A_2188 = arith.addi %add3A_2186, %add3A_2187 : i32
      %lt3A_2189 = arith.constant 100 : i32
      %lt3A_2190 = arith.cmpi slt, %add3A_2188, %lt3A_2189 : i32
      %convert_element_type3A_2191 = arith.extui %lt3A_2190 : i1 to i32
      %cond3A_2192 = arith.constant 0 : i32
      %cond3A_2193 = arith.cmpi ne, %convert_element_type3A_2191, %cond3A_2192 : i32
      scf.if %cond3A_2193 {
        %add3A_2519 = arith.constant 1 : i32
        %add3A_2520 = arith.addi %add3A_2186, %add3A_2519 : i32
        %mul3A_2521 = arith.constant 2 : i32
        %mul3A_2522 = arith.muli %mul3A_2521, %add3A_2520 : i32
        %dma_start3A_2523 = arith.constant 0 : i32
        %dma_start3A_2524 = arith.constant 0 : i32
        %dma_start3A_2525 = tpu.memref_slice %arg6[%dma_start3A_2523, %dma_start3A_2524] : memref<256x64xf32, #tpu.memory_space<vmem>> -> memref<128x64xf32, #tpu.memory_space<vmem>>
        %dma_start3A_2526 = arith.constant 0 : i32
        %dma_start3A_2527 = tpu.memref_slice %arg5[%mul3A_2522, %dma_start3A_2526] : memref<200x128xi32, #tpu.memory_space<vmem>> -> memref<1x128xi32, #tpu.memory_space<vmem>>
        %dma_start3A_2528 = tpu.memref_squeeze %dma_start3A_2527 : memref<1x128xi32, #tpu.memory_space<vmem>> -> memref<128xi32, #tpu.memory_space<vmem>>
        %dma_start3A_2529 = arith.constant 0 : i32
        %dma_start3A_2530 = arith.constant 0 : i32
        %dma_start3A_2531 = tpu.memref_slice %arg3[%dma_start3A_2529, %dma_start3A_2530] : memref<1000000x64xf32, #tpu.memory_space<hbm>> -> memref<1000000x64xf32, #tpu.memory_space<hbm>>
        tpu.enqueue_indirect_dma source(%dma_start3A_2531 : memref<1000000x64xf32, #tpu.memory_space<hbm>>) target(%dma_start3A_2525 : memref<128x64xf32, #tpu.memory_space<vmem>>) offsets(%dma_start3A_2528 : memref<128xi32, #tpu.memory_space<vmem>>) semaphore(%arg14 : memref<!tpu.dma_semaphore, #tpu.memory_space<semaphore_mem>>)
        %mul3A_2532 = arith.constant 2 : i32
        %mul3A_2533 = arith.muli %mul3A_2532, %add3A_2520 : i32
        %add3A_2534 = arith.constant 1 : i32
        %add3A_2535 = arith.addi %mul3A_2533, %add3A_2534 : i32
        %dma_start3A_2536 = arith.constant 128 : i32
        %dma_start3A_2537 = arith.constant 0 : i32
        %dma_start3A_2538 = tpu.memref_slice %arg6[%dma_start3A_2536, %dma_start3A_2537] : memref<256x64xf32, #tpu.memory_space<vmem>> -> memref<128x64xf32, #tpu.memory_space<vmem>>
        %dma_start3A_2539 = arith.constant 0 : i32
        %dma_start3A_2540 = tpu.memref_slice %arg5[%add3A_2535, %dma_start3A_2539] : memref<200x128xi32, #tpu.memory_space<vmem>> -> memref<1x128xi32, #tpu.memory_space<vmem>>
        %dma_start3A_2541 = tpu.memref_squeeze %dma_start3A_2540 : memref<1x128xi32, #tpu.memory_space<vmem>> -> memref<128xi32, #tpu.memory_space<vmem>>
        %dma_start3A_2542 = arith.constant 0 : i32
        %dma_start3A_2543 = arith.constant 0 : i32
        %dma_start3A_2544 = tpu.memref_slice %arg3[%dma_start3A_2542, %dma_start3A_2543] : memref<1000000x64xf32, #tpu.memory_space<hbm>> -> memref<1000000x64xf32, #tpu.memory_space<hbm>>
        tpu.enqueue_indirect_dma source(%dma_start3A_2544 : memref<1000000x64xf32, #tpu.memory_space<hbm>>) target(%dma_start3A_2538 : memref<128x64xf32, #tpu.memory_space<vmem>>) offsets(%dma_start3A_2541 : memref<128xi32, #tpu.memory_space<vmem>>) semaphore(%arg14 : memref<!tpu.dma_semaphore, #tpu.memory_space<semaphore_mem>>)
      } else {
      }
      %mul3A_2194 = arith.constant 2 : i32
      %mul3A_2195 = arith.muli %mul3A_2194, %add3A_2186 : i32
      %dma_wait3A_2196 = arith.constant 0 : i32
      %dma_wait3A_2197 = arith.constant 0 : i32
      %dma_wait3A_2198 = tpu.memref_slice %arg7[%dma_wait3A_2196, %dma_wait3A_2197] : memref<256x64xf32, #tpu.memory_space<vmem>> -> memref<128x64xf32, #tpu.memory_space<vmem>>
      %dma_wait3A_2199 = arith.constant 0 : i32
      %dma_wait3A_2200 = tpu.memref_slice %arg5[%mul3A_2195, %dma_wait3A_2199] : memref<200x128xi32, #tpu.memory_space<vmem>> -> memref<1x128xi32, #tpu.memory_space<vmem>>
      %dma_wait3A_2201 = tpu.memref_squeeze %dma_wait3A_2200 : memref<1x128xi32, #tpu.memory_space<vmem>> -> memref<128xi32, #tpu.memory_space<vmem>>
      %dma_wait3A_2202 = arith.constant 0 : i32
      %dma_wait3A_2203 = arith.constant 0 : i32
      %dma_wait3A_2204 = tpu.memref_slice %arg3[%dma_wait3A_2202, %dma_wait3A_2203] : memref<1000000x64xf32, #tpu.memory_space<hbm>> -> memref<1000000x64xf32, #tpu.memory_space<hbm>>
      tpu.wait_indirect_dma semaphore(%arg15 : memref<!tpu.dma_semaphore, #tpu.memory_space<semaphore_mem>>) src(%dma_wait3A_2204 : memref<1000000x64xf32, #tpu.memory_space<hbm>>) dst(%dma_wait3A_2198 : memref<128x64xf32, #tpu.memory_space<vmem>>)
      %mul3A_2205 = arith.constant 2 : i32
      %mul3A_2206 = arith.muli %mul3A_2205, %add3A_2186 : i32
      %add3A_2207 = arith.constant 1 : i32
      %add3A_2208 = arith.addi %mul3A_2206, %add3A_2207 : i32
      %dma_wait3A_2209 = arith.constant 128 : i32
      %dma_wait3A_2210 = arith.constant 0 : i32
      %dma_wait3A_2211 = tpu.memref_slice %arg7[%dma_wait3A_2209, %dma_wait3A_2210] : memref<256x64xf32, #tpu.memory_space<vmem>> -> memref<128x64xf32, #tpu.memory_space<vmem>>
      %dma_wait3A_2212 = arith.constant 0 : i32
      %dma_wait3A_2213 = tpu.memref_slice %arg5[%add3A_2208, %dma_wait3A_2212] : memref<200x128xi32, #tpu.memory_space<vmem>> -> memref<1x128xi32, #tpu.memory_space<vmem>>
      %dma_wait3A_2214 = tpu.memref_squeeze %dma_wait3A_2213 : memref<1x128xi32, #tpu.memory_space<vmem>> -> memref<128xi32, #tpu.memory_space<vmem>>
      %dma_wait3A_2215 = arith.constant 0 : i32
      %dma_wait3A_2216 = arith.constant 0 : i32
      %dma_wait3A_2217 = tpu.memref_slice %arg3[%dma_wait3A_2215, %dma_wait3A_2216] : memref<1000000x64xf32, #tpu.memory_space<hbm>> -> memref<1000000x64xf32, #tpu.memory_space<hbm>>
      tpu.wait_indirect_dma semaphore(%arg15 : memref<!tpu.dma_semaphore, #tpu.memory_space<semaphore_mem>>) src(%dma_wait3A_2217 : memref<1000000x64xf32, #tpu.memory_space<hbm>>) dst(%dma_wait3A_2211 : memref<128x64xf32, #tpu.memory_space<vmem>>)
      %ge3A_2218 = arith.constant 2 : i32
      %ge3A_2219 = arith.cmpi sge, %add3A_2186, %ge3A_2218 : i32
      %convert_element_type3A_2220 = arith.extui %ge3A_2219 : i1 to i32
      %cond3A_2221 = arith.constant 0 : i32
      %cond3A_2222 = arith.cmpi ne, %convert_element_type3A_2220, %cond3A_2221 : i32
      scf.if %cond3A_2222 {
        %sub3A_2519 = arith.constant 2 : i32
        %sub3A_2520 = arith.subi %add3A_2186, %sub3A_2519 : i32
        %add3A_2521 = arith.addi %mul3A_2, %sub3A_2520 : i32
        %jit3A_2522 = arith.constant 16 : i32
        %div3A_2523 = arith.divsi %add3A_2521, %jit3A_2522 : i32
        %sign3A_2524 = arith.constant 0 : i32
        %sign3A_2525 = arith.cmpi sgt, %add3A_2521, %sign3A_2524 : i32
        %sign3A_2526 = arith.extui %sign3A_2525 : i1 to i32
        %sign3A_2527 = arith.constant 0 : i32
        %sign3A_2528 = arith.cmpi slt, %add3A_2521, %sign3A_2527 : i32
        %sign3A_2529 = arith.extui %sign3A_2528 : i1 to i32
        %sign3A_2530 = arith.subi %sign3A_2526, %sign3A_2529 : i32
        %sign3A_2531 = arith.constant 0 : i32
        %sign3A_2532 = arith.cmpi sgt, %jit3A_2522, %sign3A_2531 : i32
        %sign3A_2533 = arith.extui %sign3A_2532 : i1 to i32
        %sign3A_2534 = arith.constant 0 : i32
        %sign3A_2535 = arith.cmpi slt, %jit3A_2522, %sign3A_2534 : i32
        %sign3A_2536 = arith.extui %sign3A_2535 : i1 to i32
        %sign3A_2537 = arith.subi %sign3A_2533, %sign3A_2536 : i32
        %ne3A_2538 = arith.cmpi ne, %sign3A_2530, %sign3A_2537 : i32
        %rem3A_2539 = arith.remsi %add3A_2521, %jit3A_2522 : i32
        %ne3A_2540 = arith.constant 0 : i32
        %ne3A_2541 = arith.cmpi ne, %rem3A_2539, %ne3A_2540 : i32
        %and3A_2542 = arith.andi %ne3A_2538, %ne3A_2541 : i1
        %sub3A_2543 = arith.constant 1 : i32
        %sub3A_2544 = arith.subi %div3A_2523, %sub3A_2543 : i32
        %select_n3A_2545 = arith.select %and3A_2542, %sub3A_2544, %div3A_2523 : i32
        %jit3A_2546 = arith.constant 16 : i32
        %eq3A_2547 = arith.constant 0 : i32
        %eq3A_2548 = arith.cmpi eq, %jit3A_2546, %eq3A_2547 : i32
        %jit3A_2549 = arith.constant 1 : i32
        %select_n3A_2550 = arith.select %eq3A_2548, %jit3A_2549, %jit3A_2546 : i32
        %rem3A_2551 = arith.remsi %add3A_2521, %select_n3A_2550 : i32
        %ne3A_2552 = arith.constant 0 : i32
        %ne3A_2553 = arith.cmpi ne, %rem3A_2551, %ne3A_2552 : i32
        %lt3A_2554 = arith.constant 0 : i32
        %lt3A_2555 = arith.cmpi slt, %rem3A_2551, %lt3A_2554 : i32
        %lt3A_2556 = arith.constant 0 : i32
        %lt3A_2557 = arith.cmpi slt, %select_n3A_2550, %lt3A_2556 : i32
        %ne3A_2558 = arith.xori %lt3A_2555, %lt3A_2557 : i1
        %and3A_2559 = arith.andi %ne3A_2558, %ne3A_2553 : i1
        %add3A_2560 = arith.addi %rem3A_2551, %select_n3A_2550 : i32
        %select_n3A_2561 = arith.select %and3A_2559, %add3A_2560, %rem3A_2551 : i32
        %mul3A_2562 = arith.constant 2 : i32
        %mul3A_2563 = arith.muli %select_n3A_2561, %mul3A_2562 : i32
        %dma_wait3A_2564 = arith.constant 0 : i32
        %dma_wait3A_2565 = arith.constant 0 : i32
        %dma_wait3A_2566 = arith.constant 0 : i32
        %dma_wait3A_2567 = tpu.memref_slice %arg4[%select_n3A_2545, %dma_wait3A_2564, %mul3A_2563, %dma_wait3A_2565, %dma_wait3A_2566] : memref<200x8x32x8x128xf32, #tpu.memory_space<hbm>> -> memref<1x8x2x8x128xf32, #tpu.memory_space<hbm>>
        %dma_wait3A_2568 = tpu.memref_squeeze %dma_wait3A_2567 : memref<1x8x2x8x128xf32, #tpu.memory_space<hbm>> -> memref<8x2x8x128xf32, #tpu.memory_space<hbm>>
        %dma_wait3A_2569 = arith.constant 0 : i32
        %dma_wait3A_2570 = arith.constant 0 : i32
        %dma_wait3A_2571 = arith.constant 0 : i32
        %dma_wait3A_2572 = tpu.memref_slice %arg4[%select_n3A_2545, %dma_wait3A_2569, %mul3A_2563, %dma_wait3A_2570, %dma_wait3A_2571] : memref<200x8x32x8x128xf32, #tpu.memory_space<hbm>> -> memref<1x8x2x8x128xf32, #tpu.memory_space<hbm>>
        %dma_wait3A_2573 = tpu.memref_squeeze %dma_wait3A_2572 : memref<1x8x2x8x128xf32, #tpu.memory_space<hbm>> -> memref<8x2x8x128xf32, #tpu.memory_space<hbm>>
        tpu.wait_dma2 semaphore(%arg17 : memref<!tpu.dma_semaphore, #tpu.memory_space<semaphore_mem>>) src(%arg9 : memref<8x2x8x128xf32, #tpu.memory_space<vmem>>) dst(%dma_wait3A_2573 : memref<8x2x8x128xf32, #tpu.memory_space<hbm>>)
      } else {
      }
      %mul3A_2223 = arith.constant 2 : i32
      %mul3A_2224 = arith.muli %mul3A_2223, %add3A_2186 : i32
      %add3A_2225 = arith.constant 0 : i32
      %add3A_2226 = arith.addi %mul3A_2224, %add3A_2225 : i32
      %get3A_2227 = arith.index_cast %add3A_2226 : i32 to index
      %get3A_2228 = arith.constant 0 : index
      %get3A_2229 = tpu.vector_load %arg5[%get3A_2227, %get3A_2228] {strides = array<i32>} : memref<200x128xi32, #tpu.memory_space<vmem>>, vector<16xi32>,
      %eq3A_2230 = arith.constant 0 : i32
      %eq3A_2231 = vector.broadcast %eq3A_2230 : i32 to vector<16xi32>
      %eq3A_2232 = arith.cmpi eq, %get3A_2229, %eq3A_2231 : vector<16xi32>
      %jit3A_2233 = arith.constant 0.000000e+00 : f32
      %jit3A_2234 = arith.constant 8.000000e+00 : f32
      %broadcast_in_dim3A_2235 = vector.broadcast %jit3A_2233 : f32 to vector<16xf32>
      %broadcast_in_dim3A_2236 = vector.broadcast %jit3A_2234 : f32 to vector<16xf32>
      %select_n3A_2237 = arith.select %eq3A_2232, %broadcast_in_dim3A_2235, %broadcast_in_dim3A_2236 : vector<16xi1>, vector<16xf32>
      %mul3A_2238 = arith.constant 2 : i32
      %mul3A_2239 = arith.muli %mul3A_2238, %add3A_2186 : i32
      %add3A_2240 = arith.constant 0 : i32
      %add3A_2241 = arith.addi %mul3A_2239, %add3A_2240 : i32
      %get3A_2242 = arith.index_cast %add3A_2241 : i32 to index
      %get3A_2243 = arith.constant 16 : index
      %get3A_2244 = tpu.vector_load %arg5[%get3A_2242, %get3A_2243] {strides = array<i32>} : memref<200x128xi32, #tpu.memory_space<vmem>>, vector<16xi32>,
      %eq3A_2245 = arith.constant 0 : i32
      %eq3A_2246 = vector.broadcast %eq3A_2245 : i32 to vector<16xi32>
      %eq3A_2247 = arith.cmpi eq, %get3A_2244, %eq3A_2246 : vector<16xi32>
      %jit3A_2248 = arith.constant 0.000000e+00 : f32
      %jit3A_2249 = arith.constant 8.000000e+00 : f32
      %broadcast_in_dim3A_2250 = vector.broadcast %jit3A_2248 : f32 to vector<16xf32>
      %broadcast_in_dim3A_2251 = vector.broadcast %jit3A_2249 : f32 to vector<16xf32>
      %select_n3A_2252 = arith.select %eq3A_2247, %broadcast_in_dim3A_2250, %broadcast_in_dim3A_2251 : vector<16xi1>, vector<16xf32>
      %mul3A_2253 = arith.constant 2 : i32
      %mul3A_2254 = arith.muli %mul3A_2253, %add3A_2186 : i32
      %add3A_2255 = arith.constant 0 : i32
      %add3A_2256 = arith.addi %mul3A_2254, %add3A_2255 : i32
      %get3A_2257 = arith.index_cast %add3A_2256 : i32 to index
      %get3A_2258 = arith.constant 32 : index
      %get3A_2259 = tpu.vector_load %arg5[%get3A_2257, %get3A_2258] {strides = array<i32>} : memref<200x128xi32, #tpu.memory_space<vmem>>, vector<16xi32>,
      %eq3A_2260 = arith.constant 0 : i32
      %eq3A_2261 = vector.broadcast %eq3A_2260 : i32 to vector<16xi32>
      %eq3A_2262 = arith.cmpi eq, %get3A_2259, %eq3A_2261 : vector<16xi32>
      %jit3A_2263 = arith.constant 0.000000e+00 : f32
      %jit3A_2264 = arith.constant 8.000000e+00 : f32
      %broadcast_in_dim3A_2265 = vector.broadcast %jit3A_2263 : f32 to vector<16xf32>
      %broadcast_in_dim3A_2266 = vector.broadcast %jit3A_2264 : f32 to vector<16xf32>
      %select_n3A_2267 = arith.select %eq3A_2262, %broadcast_in_dim3A_2265, %broadcast_in_dim3A_2266 : vector<16xi1>, vector<16xf32>
      %mul3A_2268 = arith.constant 2 : i32
      %mul3A_2269 = arith.muli %mul3A_2268, %add3A_2186 : i32
      %add3A_2270 = arith.constant 0 : i32
      %add3A_2271 = arith.addi %mul3A_2269, %add3A_2270 : i32
      %get3A_2272 = arith.index_cast %add3A_2271 : i32 to index
      %get3A_2273 = arith.constant 48 : index
      %get3A_2274 = tpu.vector_load %arg5[%get3A_2272, %get3A_2273] {strides = array<i32>} : memref<200x128xi32, #tpu.memory_space<vmem>>, vector<16xi32>,
      %eq3A_2275 = arith.constant 0 : i32
      %eq3A_2276 = vector.broadcast %eq3A_2275 : i32 to vector<16xi32>
      %eq3A_2277 = arith.cmpi eq, %get3A_2274, %eq3A_2276 : vector<16xi32>
      %jit3A_2278 = arith.constant 0.000000e+00 : f32
      %jit3A_2279 = arith.constant 8.000000e+00 : f32
      %broadcast_in_dim3A_2280 = vector.broadcast %jit3A_2278 : f32 to vector<16xf32>
      %broadcast_in_dim3A_2281 = vector.broadcast %jit3A_2279 : f32 to vector<16xf32>
      %select_n3A_2282 = arith.select %eq3A_2277, %broadcast_in_dim3A_2280, %broadcast_in_dim3A_2281 : vector<16xi1>, vector<16xf32>
      %mul3A_2283 = arith.constant 2 : i32
      %mul3A_2284 = arith.muli %mul3A_2283, %add3A_2186 : i32
      %add3A_2285 = arith.constant 0 : i32
      %add3A_2286 = arith.addi %mul3A_2284, %add3A_2285 : i32
      %get3A_2287 = arith.index_cast %add3A_2286 : i32 to index
      %get3A_2288 = arith.constant 64 : index
      %get3A_2289 = tpu.vector_load %arg5[%get3A_2287, %get3A_2288] {strides = array<i32>} : memref<200x128xi32, #tpu.memory_space<vmem>>, vector<16xi32>,
      %eq3A_2290 = arith.constant 0 : i32
      %eq3A_2291 = vector.broadcast %eq3A_2290 : i32 to vector<16xi32>
      %eq3A_2292 = arith.cmpi eq, %get3A_2289, %eq3A_2291 : vector<16xi32>
      %jit3A_2293 = arith.constant 0.000000e+00 : f32
      %jit3A_2294 = arith.constant 8.000000e+00 : f32
      %broadcast_in_dim3A_2295 = vector.broadcast %jit3A_2293 : f32 to vector<16xf32>
      %broadcast_in_dim3A_2296 = vector.broadcast %jit3A_2294 : f32 to vector<16xf32>
      %select_n3A_2297 = arith.select %eq3A_2292, %broadcast_in_dim3A_2295, %broadcast_in_dim3A_2296 : vector<16xi1>, vector<16xf32>
      %mul3A_2298 = arith.constant 2 : i32
      %mul3A_2299 = arith.muli %mul3A_2298, %add3A_2186 : i32
      %add3A_2300 = arith.constant 0 : i32
      %add3A_2301 = arith.addi %mul3A_2299, %add3A_2300 : i32
      %get3A_2302 = arith.index_cast %add3A_2301 : i32 to index
      %get3A_2303 = arith.constant 80 : index
      %get3A_2304 = tpu.vector_load %arg5[%get3A_2302, %get3A_2303] {strides = array<i32>} : memref<200x128xi32, #tpu.memory_space<vmem>>, vector<16xi32>,
      %eq3A_2305 = arith.constant 0 : i32
      %eq3A_2306 = vector.broadcast %eq3A_2305 : i32 to vector<16xi32>
      %eq3A_2307 = arith.cmpi eq, %get3A_2304, %eq3A_2306 : vector<16xi32>
      %jit3A_2308 = arith.constant 0.000000e+00 : f32
      %jit3A_2309 = arith.constant 8.000000e+00 : f32
      %broadcast_in_dim3A_2310 = vector.broadcast %jit3A_2308 : f32 to vector<16xf32>
      %broadcast_in_dim3A_2311 = vector.broadcast %jit3A_2309 : f32 to vector<16xf32>
      %select_n3A_2312 = arith.select %eq3A_2307, %broadcast_in_dim3A_2310, %broadcast_in_dim3A_2311 : vector<16xi1>, vector<16xf32>
      %mul3A_2313 = arith.constant 2 : i32
      %mul3A_2314 = arith.muli %mul3A_2313, %add3A_2186 : i32
      %add3A_2315 = arith.constant 0 : i32
      %add3A_2316 = arith.addi %mul3A_2314, %add3A_2315 : i32
      %get3A_2317 = arith.index_cast %add3A_2316 : i32 to index
      %get3A_2318 = arith.constant 96 : index
      %get3A_2319 = tpu.vector_load %arg5[%get3A_2317, %get3A_2318] {strides = array<i32>} : memref<200x128xi32, #tpu.memory_space<vmem>>, vector<16xi32>,
      %eq3A_2320 = arith.constant 0 : i32
      %eq3A_2321 = vector.broadcast %eq3A_2320 : i32 to vector<16xi32>
      %eq3A_2322 = arith.cmpi eq, %get3A_2319, %eq3A_2321 : vector<16xi32>
      %jit3A_2323 = arith.constant 0.000000e+00 : f32
      %jit3A_2324 = arith.constant 8.000000e+00 : f32
      %broadcast_in_dim3A_2325 = vector.broadcast %jit3A_2323 : f32 to vector<16xf32>
      %broadcast_in_dim3A_2326 = vector.broadcast %jit3A_2324 : f32 to vector<16xf32>
      %select_n3A_2327 = arith.select %eq3A_2322, %broadcast_in_dim3A_2325, %broadcast_in_dim3A_2326 : vector<16xi1>, vector<16xf32>
      %mul3A_2328 = arith.constant 2 : i32
      %mul3A_2329 = arith.muli %mul3A_2328, %add3A_2186 : i32
      %add3A_2330 = arith.constant 0 : i32
      %add3A_2331 = arith.addi %mul3A_2329, %add3A_2330 : i32
      %get3A_2332 = arith.index_cast %add3A_2331 : i32 to index
      %get3A_2333 = arith.constant 112 : index
      %get3A_2334 = tpu.vector_load %arg5[%get3A_2332, %get3A_2333] {strides = array<i32>} : memref<200x128xi32, #tpu.memory_space<vmem>>, vector<16xi32>,
      %eq3A_2335 = arith.constant 0 : i32
      %eq3A_2336 = vector.broadcast %eq3A_2335 : i32 to vector<16xi32>
      %eq3A_2337 = arith.cmpi eq, %get3A_2334, %eq3A_2336 : vector<16xi32>
      %jit3A_2338 = arith.constant 0.000000e+00 : f32
      %jit3A_2339 = arith.constant 8.000000e+00 : f32
      %broadcast_in_dim3A_2340 = vector.broadcast %jit3A_2338 : f32 to vector<16xf32>
      %broadcast_in_dim3A_2341 = vector.broadcast %jit3A_2339 : f32 to vector<16xf32>
      %select_n3A_2342 = arith.select %eq3A_2337, %broadcast_in_dim3A_2340, %broadcast_in_dim3A_2341 : vector<16xi1>, vector<16xf32>
      %mul3A_2343 = arith.constant 2 : i32
      %mul3A_2344 = arith.muli %mul3A_2343, %add3A_2186 : i32
      %add3A_2345 = arith.constant 1 : i32
      %add3A_2346 = arith.addi %mul3A_2344, %add3A_2345 : i32
      %get3A_2347 = arith.index_cast %add3A_2346 : i32 to index
      %get3A_2348 = arith.constant 0 : index
      %get3A_2349 = tpu.vector_load %arg5[%get3A_2347, %get3A_2348] {strides = array<i32>} : memref<200x128xi32, #tpu.memory_space<vmem>>, vector<16xi32>,
      %eq3A_2350 = arith.constant 0 : i32
      %eq3A_2351 = vector.broadcast %eq3A_2350 : i32 to vector<16xi32>
      %eq3A_2352 = arith.cmpi eq, %get3A_2349, %eq3A_2351 : vector<16xi32>
      %jit3A_2353 = arith.constant 0.000000e+00 : f32
      %jit3A_2354 = arith.constant 8.000000e+00 : f32
      %broadcast_in_dim3A_2355 = vector.broadcast %jit3A_2353 : f32 to vector<16xf32>
      %broadcast_in_dim3A_2356 = vector.broadcast %jit3A_2354 : f32 to vector<16xf32>
      %select_n3A_2357 = arith.select %eq3A_2352, %broadcast_in_dim3A_2355, %broadcast_in_dim3A_2356 : vector<16xi1>, vector<16xf32>
      %mul3A_2358 = arith.constant 2 : i32
      %mul3A_2359 = arith.muli %mul3A_2358, %add3A_2186 : i32
      %add3A_2360 = arith.constant 1 : i32
      %add3A_2361 = arith.addi %mul3A_2359, %add3A_2360 : i32
      %get3A_2362 = arith.index_cast %add3A_2361 : i32 to index
      %get3A_2363 = arith.constant 16 : index
      %get3A_2364 = tpu.vector_load %arg5[%get3A_2362, %get3A_2363] {strides = array<i32>} : memref<200x128xi32, #tpu.memory_space<vmem>>, vector<16xi32>,
      %eq3A_2365 = arith.constant 0 : i32
      %eq3A_2366 = vector.broadcast %eq3A_2365 : i32 to vector<16xi32>
      %eq3A_2367 = arith.cmpi eq, %get3A_2364, %eq3A_2366 : vector<16xi32>
      %jit3A_2368 = arith.constant 0.000000e+00 : f32
      %jit3A_2369 = arith.constant 8.000000e+00 : f32
      %broadcast_in_dim3A_2370 = vector.broadcast %jit3A_2368 : f32 to vector<16xf32>
      %broadcast_in_dim3A_2371 = vector.broadcast %jit3A_2369 : f32 to vector<16xf32>
      %select_n3A_2372 = arith.select %eq3A_2367, %broadcast_in_dim3A_2370, %broadcast_in_dim3A_2371 : vector<16xi1>, vector<16xf32>
      %mul3A_2373 = arith.constant 2 : i32
      %mul3A_2374 = arith.muli %mul3A_2373, %add3A_2186 : i32
      %add3A_2375 = arith.constant 1 : i32
      %add3A_2376 = arith.addi %mul3A_2374, %add3A_2375 : i32
      %get3A_2377 = arith.index_cast %add3A_2376 : i32 to index
      %get3A_2378 = arith.constant 32 : index
      %get3A_2379 = tpu.vector_load %arg5[%get3A_2377, %get3A_2378] {strides = array<i32>} : memref<200x128xi32, #tpu.memory_space<vmem>>, vector<16xi32>,
      %eq3A_2380 = arith.constant 0 : i32
      %eq3A_2381 = vector.broadcast %eq3A_2380 : i32 to vector<16xi32>
      %eq3A_2382 = arith.cmpi eq, %get3A_2379, %eq3A_2381 : vector<16xi32>
      %jit3A_2383 = arith.constant 0.000000e+00 : f32
      %jit3A_2384 = arith.constant 8.000000e+00 : f32
      %broadcast_in_dim3A_2385 = vector.broadcast %jit3A_2383 : f32 to vector<16xf32>
      %broadcast_in_dim3A_2386 = vector.broadcast %jit3A_2384 : f32 to vector<16xf32>
      %select_n3A_2387 = arith.select %eq3A_2382, %broadcast_in_dim3A_2385, %broadcast_in_dim3A_2386 : vector<16xi1>, vector<16xf32>
      %mul3A_2388 = arith.constant 2 : i32
      %mul3A_2389 = arith.muli %mul3A_2388, %add3A_2186 : i32
      %add3A_2390 = arith.constant 1 : i32
      %add3A_2391 = arith.addi %mul3A_2389, %add3A_2390 : i32
      %get3A_2392 = arith.index_cast %add3A_2391 : i32 to index
      %get3A_2393 = arith.constant 48 : index
      %get3A_2394 = tpu.vector_load %arg5[%get3A_2392, %get3A_2393] {strides = array<i32>} : memref<200x128xi32, #tpu.memory_space<vmem>>, vector<16xi32>,
      %eq3A_2395 = arith.constant 0 : i32
      %eq3A_2396 = vector.broadcast %eq3A_2395 : i32 to vector<16xi32>
      %eq3A_2397 = arith.cmpi eq, %get3A_2394, %eq3A_2396 : vector<16xi32>
      %jit3A_2398 = arith.constant 0.000000e+00 : f32
      %jit3A_2399 = arith.constant 8.000000e+00 : f32
      %broadcast_in_dim3A_2400 = vector.broadcast %jit3A_2398 : f32 to vector<16xf32>
      %broadcast_in_dim3A_2401 = vector.broadcast %jit3A_2399 : f32 to vector<16xf32>
      %select_n3A_2402 = arith.select %eq3A_2397, %broadcast_in_dim3A_2400, %broadcast_in_dim3A_2401 : vector<16xi1>, vector<16xf32>
      %mul3A_2403 = arith.constant 2 : i32
      %mul3A_2404 = arith.muli %mul3A_2403, %add3A_2186 : i32
      %add3A_2405 = arith.constant 1 : i32
      %add3A_2406 = arith.addi %mul3A_2404, %add3A_2405 : i32
      %get3A_2407 = arith.index_cast %add3A_2406 : i32 to index
      %get3A_2408 = arith.constant 64 : index
      %get3A_2409 = tpu.vector_load %arg5[%get3A_2407, %get3A_2408] {strides = array<i32>} : memref<200x128xi32, #tpu.memory_space<vmem>>, vector<16xi32>,
      %eq3A_2410 = arith.constant 0 : i32
      %eq3A_2411 = vector.broadcast %eq3A_2410 : i32 to vector<16xi32>
      %eq3A_2412 = arith.cmpi eq, %get3A_2409, %eq3A_2411 : vector<16xi32>
      %jit3A_2413 = arith.constant 0.000000e+00 : f32
      %jit3A_2414 = arith.constant 8.000000e+00 : f32
      %broadcast_in_dim3A_2415 = vector.broadcast %jit3A_2413 : f32 to vector<16xf32>
      %broadcast_in_dim3A_2416 = vector.broadcast %jit3A_2414 : f32 to vector<16xf32>
      %select_n3A_2417 = arith.select %eq3A_2412, %broadcast_in_dim3A_2415, %broadcast_in_dim3A_2416 : vector<16xi1>, vector<16xf32>
      %mul3A_2418 = arith.constant 2 : i32
      %mul3A_2419 = arith.muli %mul3A_2418, %add3A_2186 : i32
      %add3A_2420 = arith.constant 1 : i32
      %add3A_2421 = arith.addi %mul3A_2419, %add3A_2420 : i32
      %get3A_2422 = arith.index_cast %add3A_2421 : i32 to index
      %get3A_2423 = arith.constant 80 : index
      %get3A_2424 = tpu.vector_load %arg5[%get3A_2422, %get3A_2423] {strides = array<i32>} : memref<200x128xi32, #tpu.memory_space<vmem>>, vector<16xi32>,
      %eq3A_2425 = arith.constant 0 : i32
      %eq3A_2426 = vector.broadcast %eq3A_2425 : i32 to vector<16xi32>
      %eq3A_2427 = arith.cmpi eq, %get3A_2424, %eq3A_2426 : vector<16xi32>
      %jit3A_2428 = arith.constant 0.000000e+00 : f32
      %jit3A_2429 = arith.constant 8.000000e+00 : f32
      %broadcast_in_dim3A_2430 = vector.broadcast %jit3A_2428 : f32 to vector<16xf32>
      %broadcast_in_dim3A_2431 = vector.broadcast %jit3A_2429 : f32 to vector<16xf32>
      %select_n3A_2432 = arith.select %eq3A_2427, %broadcast_in_dim3A_2430, %broadcast_in_dim3A_2431 : vector<16xi1>, vector<16xf32>
      %mul3A_2433 = arith.constant 2 : i32
      %mul3A_2434 = arith.muli %mul3A_2433, %add3A_2186 : i32
      %add3A_2435 = arith.constant 1 : i32
      %add3A_2436 = arith.addi %mul3A_2434, %add3A_2435 : i32
      %get3A_2437 = arith.index_cast %add3A_2436 : i32 to index
      %get3A_2438 = arith.constant 96 : index
      %get3A_2439 = tpu.vector_load %arg5[%get3A_2437, %get3A_2438] {strides = array<i32>} : memref<200x128xi32, #tpu.memory_space<vmem>>, vector<16xi32>,
      %eq3A_2440 = arith.constant 0 : i32
      %eq3A_2441 = vector.broadcast %eq3A_2440 : i32 to vector<16xi32>
      %eq3A_2442 = arith.cmpi eq, %get3A_2439, %eq3A_2441 : vector<16xi32>
      %jit3A_2443 = arith.constant 0.000000e+00 : f32
      %jit3A_2444 = arith.constant 8.000000e+00 : f32
      %broadcast_in_dim3A_2445 = vector.broadcast %jit3A_2443 : f32 to vector<16xf32>
      %broadcast_in_dim3A_2446 = vector.broadcast %jit3A_2444 : f32 to vector<16xf32>
      %select_n3A_2447 = arith.select %eq3A_2442, %broadcast_in_dim3A_2445, %broadcast_in_dim3A_2446 : vector<16xi1>, vector<16xf32>
      %mul3A_2448 = arith.constant 2 : i32
      %mul3A_2449 = arith.muli %mul3A_2448, %add3A_2186 : i32
      %add3A_2450 = arith.constant 1 : i32
      %add3A_2451 = arith.addi %mul3A_2449, %add3A_2450 : i32
      %get3A_2452 = arith.index_cast %add3A_2451 : i32 to index
      %get3A_2453 = arith.constant 112 : index
      %get3A_2454 = tpu.vector_load %arg5[%get3A_2452, %get3A_2453] {strides = array<i32>} : memref<200x128xi32, #tpu.memory_space<vmem>>, vector<16xi32>,
      %eq3A_2455 = arith.constant 0 : i32
      %eq3A_2456 = vector.broadcast %eq3A_2455 : i32 to vector<16xi32>
      %eq3A_2457 = arith.cmpi eq, %get3A_2454, %eq3A_2456 : vector<16xi32>
      %jit3A_2458 = arith.constant 0.000000e+00 : f32
      %jit3A_2459 = arith.constant 8.000000e+00 : f32
      %broadcast_in_dim3A_2460 = vector.broadcast %jit3A_2458 : f32 to vector<16xf32>
      %broadcast_in_dim3A_2461 = vector.broadcast %jit3A_2459 : f32 to vector<16xf32>
      %select_n3A_2462 = arith.select %eq3A_2457, %broadcast_in_dim3A_2460, %broadcast_in_dim3A_2461 : vector<16xi1>, vector<16xf32>
      %parallel_loop3A_2463 = arith.constant 0 : i32
      %parallel_loop3A_2464 = arith.constant 64 : i32
      %parallel_loop3A_2465 = arith.constant 1 : i32
      scf.for %parallel_loop3A_2519 = %parallel_loop3A_2463 to %parallel_loop3A_2464 step %parallel_loop3A_2465  : i32 {
        %parallel_loop3A_2520 = arith.index_cast %parallel_loop3A_2519 : i32 to index
        %parallel_loop3A_2521 = arith.constant 0 : index
        %parallel_loop3A_2522 = tpu.vector_load %arg11[%parallel_loop3A_2520, %parallel_loop3A_2521] {strides = array<i32>} : memref<64x16xi32, #tpu.memory_space<vmem>>, vector<16xi32>,
        %parallel_loop3A_2523 = arith.index_cast %parallel_loop3A_2519 : i32 to index
        %parallel_loop3A_2524 = arith.constant 0 : index
        %parallel_loop3A_2525 = tpu.vector_load %arg12[%parallel_loop3A_2523, %parallel_loop3A_2524] {strides = array<i32>} : memref<64x16xi32, #tpu.memory_space<vmem>>, vector<16xi32>,
        %parallel_loop3A_2526 = arith.index_cast %parallel_loop3A_2519 : i32 to index
        %parallel_loop3A_2527 = arith.constant 0 : index
        %parallel_loop3A_2528 = tpu.vector_load %arg13[%parallel_loop3A_2526, %parallel_loop3A_2527] {strides = array<i32>} : memref<64x16xi32, #tpu.memory_space<vmem>>, vector<16xi32>,
        %parallel_loop3A_2529 = arith.constant 0 : i32
        %parallel_loop3A_2530 = vector.broadcast %parallel_loop3A_2529 : i32 to vector<16xi32>
        %parallel_loop3A_2531 = arith.addi %parallel_loop3A_2530, %iota3A : vector<16xi32>
        %parallel_loop3A_2532 = arith.constant 0 : i32
        %parallel_loop3A_2533 = vector.broadcast %parallel_loop3A_2532 : i32 to vector<16xi32>
        %parallel_loop3A_2534 = arith.addi %parallel_loop3A_2533, %iota3A : vector<16xi32>
        %parallel_loop3A_2535 = arith.constant 0 : i32
        %parallel_loop3A_2536 = vector.broadcast %parallel_loop3A_2535 : i32 to vector<16xi32>
        %parallel_loop3A_2537 = tpu.vector_load_idx %arg7[%parallel_loop3A_2531, %parallel_loop3A_2522] : memref<256x64xf32, #tpu.memory_space<vmem>>[vector<16xi32>, vector<16xi32>], vector<16xf32>,
        %parallel_loop3A_2538 = arith.mulf %parallel_loop3A_2537, %select_n3A_2237 : vector<16xf32>
        tpu.vector_store_idx %arg9[%parallel_loop3A_2525, %parallel_loop3A_2536, %parallel_loop3A_2528, %parallel_loop3A_2534], %parallel_loop3A_2538 : memref<8x2x8x128xf32, #tpu.memory_space<vmem>>[vector<16xi32>, vector<16xi32>, vector<16xi32>, vector<16xi32>], vector<16xf32>,
        %parallel_loop3A_2539 = arith.constant 16 : i32
        %parallel_loop3A_2540 = vector.broadcast %parallel_loop3A_2539 : i32 to vector<16xi32>
        %parallel_loop3A_2541 = arith.addi %parallel_loop3A_2540, %iota3A : vector<16xi32>
        %parallel_loop3A_2542 = arith.constant 16 : i32
        %parallel_loop3A_2543 = vector.broadcast %parallel_loop3A_2542 : i32 to vector<16xi32>
        %parallel_loop3A_2544 = arith.addi %parallel_loop3A_2543, %iota3A : vector<16xi32>
        %parallel_loop3A_2545 = arith.constant 0 : i32
        %parallel_loop3A_2546 = vector.broadcast %parallel_loop3A_2545 : i32 to vector<16xi32>
        %parallel_loop3A_2547 = tpu.vector_load_idx %arg7[%parallel_loop3A_2541, %parallel_loop3A_2522] : memref<256x64xf32, #tpu.memory_space<vmem>>[vector<16xi32>, vector<16xi32>], vector<16xf32>,
        %parallel_loop3A_2548 = arith.mulf %parallel_loop3A_2547, %select_n3A_2252 : vector<16xf32>
        tpu.vector_store_idx %arg9[%parallel_loop3A_2525, %parallel_loop3A_2546, %parallel_loop3A_2528, %parallel_loop3A_2544], %parallel_loop3A_2548 : memref<8x2x8x128xf32, #tpu.memory_space<vmem>>[vector<16xi32>, vector<16xi32>, vector<16xi32>, vector<16xi32>], vector<16xf32>,
        %parallel_loop3A_2549 = arith.constant 32 : i32
        %parallel_loop3A_2550 = vector.broadcast %parallel_loop3A_2549 : i32 to vector<16xi32>
        %parallel_loop3A_2551 = arith.addi %parallel_loop3A_2550, %iota3A : vector<16xi32>
        %parallel_loop3A_2552 = arith.constant 32 : i32
        %parallel_loop3A_2553 = vector.broadcast %parallel_loop3A_2552 : i32 to vector<16xi32>
        %parallel_loop3A_2554 = arith.addi %parallel_loop3A_2553, %iota3A : vector<16xi32>
        %parallel_loop3A_2555 = arith.constant 0 : i32
        %parallel_loop3A_2556 = vector.broadcast %parallel_loop3A_2555 : i32 to vector<16xi32>
        %parallel_loop3A_2557 = tpu.vector_load_idx %arg7[%parallel_loop3A_2551, %parallel_loop3A_2522] : memref<256x64xf32, #tpu.memory_space<vmem>>[vector<16xi32>, vector<16xi32>], vector<16xf32>,
        %parallel_loop3A_2558 = arith.mulf %parallel_loop3A_2557, %select_n3A_2267 : vector<16xf32>
        tpu.vector_store_idx %arg9[%parallel_loop3A_2525, %parallel_loop3A_2556, %parallel_loop3A_2528, %parallel_loop3A_2554], %parallel_loop3A_2558 : memref<8x2x8x128xf32, #tpu.memory_space<vmem>>[vector<16xi32>, vector<16xi32>, vector<16xi32>, vector<16xi32>], vector<16xf32>,
        %parallel_loop3A_2559 = arith.constant 48 : i32
        %parallel_loop3A_2560 = vector.broadcast %parallel_loop3A_2559 : i32 to vector<16xi32>
        %parallel_loop3A_2561 = arith.addi %parallel_loop3A_2560, %iota3A : vector<16xi32>
        %parallel_loop3A_2562 = arith.constant 48 : i32
        %parallel_loop3A_2563 = vector.broadcast %parallel_loop3A_2562 : i32 to vector<16xi32>
        %parallel_loop3A_2564 = arith.addi %parallel_loop3A_2563, %iota3A : vector<16xi32>
        %parallel_loop3A_2565 = arith.constant 0 : i32
        %parallel_loop3A_2566 = vector.broadcast %parallel_loop3A_2565 : i32 to vector<16xi32>
        %parallel_loop3A_2567 = tpu.vector_load_idx %arg7[%parallel_loop3A_2561, %parallel_loop3A_2522] : memref<256x64xf32, #tpu.memory_space<vmem>>[vector<16xi32>, vector<16xi32>], vector<16xf32>,
        %parallel_loop3A_2568 = arith.mulf %parallel_loop3A_2567, %select_n3A_2282 : vector<16xf32>
        tpu.vector_store_idx %arg9[%parallel_loop3A_2525, %parallel_loop3A_2566, %parallel_loop3A_2528, %parallel_loop3A_2564], %parallel_loop3A_2568 : memref<8x2x8x128xf32, #tpu.memory_space<vmem>>[vector<16xi32>, vector<16xi32>, vector<16xi32>, vector<16xi32>], vector<16xf32>,
        %parallel_loop3A_2569 = arith.constant 64 : i32
        %parallel_loop3A_2570 = vector.broadcast %parallel_loop3A_2569 : i32 to vector<16xi32>
        %parallel_loop3A_2571 = arith.addi %parallel_loop3A_2570, %iota3A : vector<16xi32>
        %parallel_loop3A_2572 = arith.constant 64 : i32
        %parallel_loop3A_2573 = vector.broadcast %parallel_loop3A_2572 : i32 to vector<16xi32>
        %parallel_loop3A_2574 = arith.addi %parallel_loop3A_2573, %iota3A : vector<16xi32>
        %parallel_loop3A_2575 = arith.constant 0 : i32
        %parallel_loop3A_2576 = vector.broadcast %parallel_loop3A_2575 : i32 to vector<16xi32>
        %parallel_loop3A_2577 = tpu.vector_load_idx %arg7[%parallel_loop3A_2571, %parallel_loop3A_2522] : memref<256x64xf32, #tpu.memory_space<vmem>>[vector<16xi32>, vector<16xi32>], vector<16xf32>,
        %parallel_loop3A_2578 = arith.mulf %parallel_loop3A_2577, %select_n3A_2297 : vector<16xf32>
        tpu.vector_store_idx %arg9[%parallel_loop3A_2525, %parallel_loop3A_2576, %parallel_loop3A_2528, %parallel_loop3A_2574], %parallel_loop3A_2578 : memref<8x2x8x128xf32, #tpu.memory_space<vmem>>[vector<16xi32>, vector<16xi32>, vector<16xi32>, vector<16xi32>], vector<16xf32>,
        %parallel_loop3A_2579 = arith.constant 80 : i32
        %parallel_loop3A_2580 = vector.broadcast %parallel_loop3A_2579 : i32 to vector<16xi32>
        %parallel_loop3A_2581 = arith.addi %parallel_loop3A_2580, %iota3A : vector<16xi32>
        %parallel_loop3A_2582 = arith.constant 80 : i32
        %parallel_loop3A_2583 = vector.broadcast %parallel_loop3A_2582 : i32 to vector<16xi32>
        %parallel_loop3A_2584 = arith.addi %parallel_loop3A_2583, %iota3A : vector<16xi32>
        %parallel_loop3A_2585 = arith.constant 0 : i32
        %parallel_loop3A_2586 = vector.broadcast %parallel_loop3A_2585 : i32 to vector<16xi32>
        %parallel_loop3A_2587 = tpu.vector_load_idx %arg7[%parallel_loop3A_2581, %parallel_loop3A_2522] : memref<256x64xf32, #tpu.memory_space<vmem>>[vector<16xi32>, vector<16xi32>], vector<16xf32>,
        %parallel_loop3A_2588 = arith.mulf %parallel_loop3A_2587, %select_n3A_2312 : vector<16xf32>
        tpu.vector_store_idx %arg9[%parallel_loop3A_2525, %parallel_loop3A_2586, %parallel_loop3A_2528, %parallel_loop3A_2584], %parallel_loop3A_2588 : memref<8x2x8x128xf32, #tpu.memory_space<vmem>>[vector<16xi32>, vector<16xi32>, vector<16xi32>, vector<16xi32>], vector<16xf32>,
        %parallel_loop3A_2589 = arith.constant 96 : i32
        %parallel_loop3A_2590 = vector.broadcast %parallel_loop3A_2589 : i32 to vector<16xi32>
        %parallel_loop3A_2591 = arith.addi %parallel_loop3A_2590, %iota3A : vector<16xi32>
        %parallel_loop3A_2592 = arith.constant 96 : i32
        %parallel_loop3A_2593 = vector.broadcast %parallel_loop3A_2592 : i32 to vector<16xi32>
        %parallel_loop3A_2594 = arith.addi %parallel_loop3A_2593, %iota3A : vector<16xi32>
        %parallel_loop3A_2595 = arith.constant 0 : i32
        %parallel_loop3A_2596 = vector.broadcast %parallel_loop3A_2595 : i32 to vector<16xi32>
        %parallel_loop3A_2597 = tpu.vector_load_idx %arg7[%parallel_loop3A_2591, %parallel_loop3A_2522] : memref<256x64xf32, #tpu.memory_space<vmem>>[vector<16xi32>, vector<16xi32>], vector<16xf32>,
        %parallel_loop3A_2598 = arith.mulf %parallel_loop3A_2597, %select_n3A_2327 : vector<16xf32>
        tpu.vector_store_idx %arg9[%parallel_loop3A_2525, %parallel_loop3A_2596, %parallel_loop3A_2528, %parallel_loop3A_2594], %parallel_loop3A_2598 : memref<8x2x8x128xf32, #tpu.memory_space<vmem>>[vector<16xi32>, vector<16xi32>, vector<16xi32>, vector<16xi32>], vector<16xf32>,
        %parallel_loop3A_2599 = arith.constant 112 : i32
        %parallel_loop3A_2600 = vector.broadcast %parallel_loop3A_2599 : i32 to vector<16xi32>
        %parallel_loop3A_2601 = arith.addi %parallel_loop3A_2600, %iota3A : vector<16xi32>
        %parallel_loop3A_2602 = arith.constant 112 : i32
        %parallel_loop3A_2603 = vector.broadcast %parallel_loop3A_2602 : i32 to vector<16xi32>
        %parallel_loop3A_2604 = arith.addi %parallel_loop3A_2603, %iota3A : vector<16xi32>
        %parallel_loop3A_2605 = arith.constant 0 : i32
        %parallel_loop3A_2606 = vector.broadcast %parallel_loop3A_2605 : i32 to vector<16xi32>
        %parallel_loop3A_2607 = tpu.vector_load_idx %arg7[%parallel_loop3A_2601, %parallel_loop3A_2522] : memref<256x64xf32, #tpu.memory_space<vmem>>[vector<16xi32>, vector<16xi32>], vector<16xf32>,
        %parallel_loop3A_2608 = arith.mulf %parallel_loop3A_2607, %select_n3A_2342 : vector<16xf32>
        tpu.vector_store_idx %arg9[%parallel_loop3A_2525, %parallel_loop3A_2606, %parallel_loop3A_2528, %parallel_loop3A_2604], %parallel_loop3A_2608 : memref<8x2x8x128xf32, #tpu.memory_space<vmem>>[vector<16xi32>, vector<16xi32>, vector<16xi32>, vector<16xi32>], vector<16xf32>,
        %parallel_loop3A_2609 = arith.constant 128 : i32
        %parallel_loop3A_2610 = vector.broadcast %parallel_loop3A_2609 : i32 to vector<16xi32>
        %parallel_loop3A_2611 = arith.addi %parallel_loop3A_2610, %iota3A : vector<16xi32>
        %parallel_loop3A_2612 = arith.constant 0 : i32
        %parallel_loop3A_2613 = vector.broadcast %parallel_loop3A_2612 : i32 to vector<16xi32>
        %parallel_loop3A_2614 = arith.addi %parallel_loop3A_2613, %iota3A : vector<16xi32>
        %parallel_loop3A_2615 = arith.constant 1 : i32
        %parallel_loop3A_2616 = vector.broadcast %parallel_loop3A_2615 : i32 to vector<16xi32>
        %parallel_loop3A_2617 = tpu.vector_load_idx %arg7[%parallel_loop3A_2611, %parallel_loop3A_2522] : memref<256x64xf32, #tpu.memory_space<vmem>>[vector<16xi32>, vector<16xi32>], vector<16xf32>,
        %parallel_loop3A_2618 = arith.mulf %parallel_loop3A_2617, %select_n3A_2357 : vector<16xf32>
        tpu.vector_store_idx %arg9[%parallel_loop3A_2525, %parallel_loop3A_2616, %parallel_loop3A_2528, %parallel_loop3A_2614], %parallel_loop3A_2618 : memref<8x2x8x128xf32, #tpu.memory_space<vmem>>[vector<16xi32>, vector<16xi32>, vector<16xi32>, vector<16xi32>], vector<16xf32>,
        %parallel_loop3A_2619 = arith.constant 144 : i32
        %parallel_loop3A_2620 = vector.broadcast %parallel_loop3A_2619 : i32 to vector<16xi32>
        %parallel_loop3A_2621 = arith.addi %parallel_loop3A_2620, %iota3A : vector<16xi32>
        %parallel_loop3A_2622 = arith.constant 16 : i32
        %parallel_loop3A_2623 = vector.broadcast %parallel_loop3A_2622 : i32 to vector<16xi32>
        %parallel_loop3A_2624 = arith.addi %parallel_loop3A_2623, %iota3A : vector<16xi32>
        %parallel_loop3A_2625 = arith.constant 1 : i32
        %parallel_loop3A_2626 = vector.broadcast %parallel_loop3A_2625 : i32 to vector<16xi32>
        %parallel_loop3A_2627 = tpu.vector_load_idx %arg7[%parallel_loop3A_2621, %parallel_loop3A_2522] : memref<256x64xf32, #tpu.memory_space<vmem>>[vector<16xi32>, vector<16xi32>], vector<16xf32>,
        %parallel_loop3A_2628 = arith.mulf %parallel_loop3A_2627, %select_n3A_2372 : vector<16xf32>
        tpu.vector_store_idx %arg9[%parallel_loop3A_2525, %parallel_loop3A_2626, %parallel_loop3A_2528, %parallel_loop3A_2624], %parallel_loop3A_2628 : memref<8x2x8x128xf32, #tpu.memory_space<vmem>>[vector<16xi32>, vector<16xi32>, vector<16xi32>, vector<16xi32>], vector<16xf32>,
        %parallel_loop3A_2629 = arith.constant 160 : i32
        %parallel_loop3A_2630 = vector.broadcast %parallel_loop3A_2629 : i32 to vector<16xi32>
        %parallel_loop3A_2631 = arith.addi %parallel_loop3A_2630, %iota3A : vector<16xi32>
        %parallel_loop3A_2632 = arith.constant 32 : i32
        %parallel_loop3A_2633 = vector.broadcast %parallel_loop3A_2632 : i32 to vector<16xi32>
        %parallel_loop3A_2634 = arith.addi %parallel_loop3A_2633, %iota3A : vector<16xi32>
        %parallel_loop3A_2635 = arith.constant 1 : i32
        %parallel_loop3A_2636 = vector.broadcast %parallel_loop3A_2635 : i32 to vector<16xi32>
        %parallel_loop3A_2637 = tpu.vector_load_idx %arg7[%parallel_loop3A_2631, %parallel_loop3A_2522] : memref<256x64xf32, #tpu.memory_space<vmem>>[vector<16xi32>, vector<16xi32>], vector<16xf32>,
        %parallel_loop3A_2638 = arith.mulf %parallel_loop3A_2637, %select_n3A_2387 : vector<16xf32>
        tpu.vector_store_idx %arg9[%parallel_loop3A_2525, %parallel_loop3A_2636, %parallel_loop3A_2528, %parallel_loop3A_2634], %parallel_loop3A_2638 : memref<8x2x8x128xf32, #tpu.memory_space<vmem>>[vector<16xi32>, vector<16xi32>, vector<16xi32>, vector<16xi32>], vector<16xf32>,
        %parallel_loop3A_2639 = arith.constant 176 : i32
        %parallel_loop3A_2640 = vector.broadcast %parallel_loop3A_2639 : i32 to vector<16xi32>
        %parallel_loop3A_2641 = arith.addi %parallel_loop3A_2640, %iota3A : vector<16xi32>
        %parallel_loop3A_2642 = arith.constant 48 : i32
        %parallel_loop3A_2643 = vector.broadcast %parallel_loop3A_2642 : i32 to vector<16xi32>
        %parallel_loop3A_2644 = arith.addi %parallel_loop3A_2643, %iota3A : vector<16xi32>
        %parallel_loop3A_2645 = arith.constant 1 : i32
        %parallel_loop3A_2646 = vector.broadcast %parallel_loop3A_2645 : i32 to vector<16xi32>
        %parallel_loop3A_2647 = tpu.vector_load_idx %arg7[%parallel_loop3A_2641, %parallel_loop3A_2522] : memref<256x64xf32, #tpu.memory_space<vmem>>[vector<16xi32>, vector<16xi32>], vector<16xf32>,
        %parallel_loop3A_2648 = arith.mulf %parallel_loop3A_2647, %select_n3A_2402 : vector<16xf32>
        tpu.vector_store_idx %arg9[%parallel_loop3A_2525, %parallel_loop3A_2646, %parallel_loop3A_2528, %parallel_loop3A_2644], %parallel_loop3A_2648 : memref<8x2x8x128xf32, #tpu.memory_space<vmem>>[vector<16xi32>, vector<16xi32>, vector<16xi32>, vector<16xi32>], vector<16xf32>,
        %parallel_loop3A_2649 = arith.constant 192 : i32
        %parallel_loop3A_2650 = vector.broadcast %parallel_loop3A_2649 : i32 to vector<16xi32>
        %parallel_loop3A_2651 = arith.addi %parallel_loop3A_2650, %iota3A : vector<16xi32>
        %parallel_loop3A_2652 = arith.constant 64 : i32
        %parallel_loop3A_2653 = vector.broadcast %parallel_loop3A_2652 : i32 to vector<16xi32>
        %parallel_loop3A_2654 = arith.addi %parallel_loop3A_2653, %iota3A : vector<16xi32>
        %parallel_loop3A_2655 = arith.constant 1 : i32
        %parallel_loop3A_2656 = vector.broadcast %parallel_loop3A_2655 : i32 to vector<16xi32>
        %parallel_loop3A_2657 = tpu.vector_load_idx %arg7[%parallel_loop3A_2651, %parallel_loop3A_2522] : memref<256x64xf32, #tpu.memory_space<vmem>>[vector<16xi32>, vector<16xi32>], vector<16xf32>,
        %parallel_loop3A_2658 = arith.mulf %parallel_loop3A_2657, %select_n3A_2417 : vector<16xf32>
        tpu.vector_store_idx %arg9[%parallel_loop3A_2525, %parallel_loop3A_2656, %parallel_loop3A_2528, %parallel_loop3A_2654], %parallel_loop3A_2658 : memref<8x2x8x128xf32, #tpu.memory_space<vmem>>[vector<16xi32>, vector<16xi32>, vector<16xi32>, vector<16xi32>], vector<16xf32>,
        %parallel_loop3A_2659 = arith.constant 208 : i32
        %parallel_loop3A_2660 = vector.broadcast %parallel_loop3A_2659 : i32 to vector<16xi32>
        %parallel_loop3A_2661 = arith.addi %parallel_loop3A_2660, %iota3A : vector<16xi32>
        %parallel_loop3A_2662 = arith.constant 80 : i32
        %parallel_loop3A_2663 = vector.broadcast %parallel_loop3A_2662 : i32 to vector<16xi32>
        %parallel_loop3A_2664 = arith.addi %parallel_loop3A_2663, %iota3A : vector<16xi32>
        %parallel_loop3A_2665 = arith.constant 1 : i32
        %parallel_loop3A_2666 = vector.broadcast %parallel_loop3A_2665 : i32 to vector<16xi32>
        %parallel_loop3A_2667 = tpu.vector_load_idx %arg7[%parallel_loop3A_2661, %parallel_loop3A_2522] : memref<256x64xf32, #tpu.memory_space<vmem>>[vector<16xi32>, vector<16xi32>], vector<16xf32>,
        %parallel_loop3A_2668 = arith.mulf %parallel_loop3A_2667, %select_n3A_2432 : vector<16xf32>
        tpu.vector_store_idx %arg9[%parallel_loop3A_2525, %parallel_loop3A_2666, %parallel_loop3A_2528, %parallel_loop3A_2664], %parallel_loop3A_2668 : memref<8x2x8x128xf32, #tpu.memory_space<vmem>>[vector<16xi32>, vector<16xi32>, vector<16xi32>, vector<16xi32>], vector<16xf32>,
        %parallel_loop3A_2669 = arith.constant 224 : i32
        %parallel_loop3A_2670 = vector.broadcast %parallel_loop3A_2669 : i32 to vector<16xi32>
        %parallel_loop3A_2671 = arith.addi %parallel_loop3A_2670, %iota3A : vector<16xi32>
        %parallel_loop3A_2672 = arith.constant 96 : i32
        %parallel_loop3A_2673 = vector.broadcast %parallel_loop3A_2672 : i32 to vector<16xi32>
        %parallel_loop3A_2674 = arith.addi %parallel_loop3A_2673, %iota3A : vector<16xi32>
        %parallel_loop3A_2675 = arith.constant 1 : i32
        %parallel_loop3A_2676 = vector.broadcast %parallel_loop3A_2675 : i32 to vector<16xi32>
        %parallel_loop3A_2677 = tpu.vector_load_idx %arg7[%parallel_loop3A_2671, %parallel_loop3A_2522] : memref<256x64xf32, #tpu.memory_space<vmem>>[vector<16xi32>, vector<16xi32>], vector<16xf32>,
        %parallel_loop3A_2678 = arith.mulf %parallel_loop3A_2677, %select_n3A_2447 : vector<16xf32>
        tpu.vector_store_idx %arg9[%parallel_loop3A_2525, %parallel_loop3A_2676, %parallel_loop3A_2528, %parallel_loop3A_2674], %parallel_loop3A_2678 : memref<8x2x8x128xf32, #tpu.memory_space<vmem>>[vector<16xi32>, vector<16xi32>, vector<16xi32>, vector<16xi32>], vector<16xf32>,
        %parallel_loop3A_2679 = arith.constant 240 : i32
        %parallel_loop3A_2680 = vector.broadcast %parallel_loop3A_2679 : i32 to vector<16xi32>
        %parallel_loop3A_2681 = arith.addi %parallel_loop3A_2680, %iota3A : vector<16xi32>
        %parallel_loop3A_2682 = arith.constant 112 : i32
        %parallel_loop3A_2683 = vector.broadcast %parallel_loop3A_2682 : i32 to vector<16xi32>
        %parallel_loop3A_2684 = arith.addi %parallel_loop3A_2683, %iota3A : vector<16xi32>
        %parallel_loop3A_2685 = arith.constant 1 : i32
        %parallel_loop3A_2686 = vector.broadcast %parallel_loop3A_2685 : i32 to vector<16xi32>
        %parallel_loop3A_2687 = tpu.vector_load_idx %arg7[%parallel_loop3A_2681, %parallel_loop3A_2522] : memref<256x64xf32, #tpu.memory_space<vmem>>[vector<16xi32>, vector<16xi32>], vector<16xf32>,
        %parallel_loop3A_2688 = arith.mulf %parallel_loop3A_2687, %select_n3A_2462 : vector<16xf32>
        tpu.vector_store_idx %arg9[%parallel_loop3A_2525, %parallel_loop3A_2686, %parallel_loop3A_2528, %parallel_loop3A_2684], %parallel_loop3A_2688 : memref<8x2x8x128xf32, #tpu.memory_space<vmem>>[vector<16xi32>, vector<16xi32>, vector<16xi32>, vector<16xi32>], vector<16xf32>,
      } {sc.loop_unroll_factor = 2 : i64, sc.parallel_access}
      %add3A_2466 = arith.addi %mul3A_2, %add3A_2186 : i32
      %jit3A_2467 = arith.constant 16 : i32
      %div3A_2468 = arith.divsi %add3A_2466, %jit3A_2467 : i32
      %sign3A_2469 = arith.constant 0 : i32
      %sign3A_2470 = arith.cmpi sgt, %add3A_2466, %sign3A_2469 : i32
      %sign3A_2471 = arith.extui %sign3A_2470 : i1 to i32
      %sign3A_2472 = arith.constant 0 : i32
      %sign3A_2473 = arith.cmpi slt, %add3A_2466, %sign3A_2472 : i32
      %sign3A_2474 = arith.extui %sign3A_2473 : i1 to i32
      %sign3A_2475 = arith.subi %sign3A_2471, %sign3A_2474 : i32
      %sign3A_2476 = arith.constant 0 : i32
      %sign3A_2477 = arith.cmpi sgt, %jit3A_2467, %sign3A_2476 : i32
      %sign3A_2478 = arith.extui %sign3A_2477 : i1 to i32
      %sign3A_2479 = arith.constant 0 : i32
      %sign3A_2480 = arith.cmpi slt, %jit3A_2467, %sign3A_2479 : i32
      %sign3A_2481 = arith.extui %sign3A_2480 : i1 to i32
      %sign3A_2482 = arith.subi %sign3A_2478, %sign3A_2481 : i32
      %ne3A_2483 = arith.cmpi ne, %sign3A_2475, %sign3A_2482 : i32
      %rem3A_2484 = arith.remsi %add3A_2466, %jit3A_2467 : i32
      %ne3A_2485 = arith.constant 0 : i32
      %ne3A_2486 = arith.cmpi ne, %rem3A_2484, %ne3A_2485 : i32
      %and3A_2487 = arith.andi %ne3A_2483, %ne3A_2486 : i1
      %sub3A_2488 = arith.constant 1 : i32
      %sub3A_2489 = arith.subi %div3A_2468, %sub3A_2488 : i32
      %select_n3A_2490 = arith.select %and3A_2487, %sub3A_2489, %div3A_2468 : i32
      %jit3A_2491 = arith.constant 16 : i32
      %eq3A_2492 = arith.constant 0 : i32
      %eq3A_2493 = arith.cmpi eq, %jit3A_2491, %eq3A_2492 : i32
      %jit3A_2494 = arith.constant 1 : i32
      %select_n3A_2495 = arith.select %eq3A_2493, %jit3A_2494, %jit3A_2491 : i32
      %rem3A_2496 = arith.remsi %add3A_2466, %select_n3A_2495 : i32
      %ne3A_2497 = arith.constant 0 : i32
      %ne3A_2498 = arith.cmpi ne, %rem3A_2496, %ne3A_2497 : i32
      %lt3A_2499 = arith.constant 0 : i32
      %lt3A_2500 = arith.cmpi slt, %rem3A_2496, %lt3A_2499 : i32
      %lt3A_2501 = arith.constant 0 : i32
      %lt3A_2502 = arith.cmpi slt, %select_n3A_2495, %lt3A_2501 : i32
      %ne3A_2503 = arith.xori %lt3A_2500, %lt3A_2502 : i1
      %and3A_2504 = arith.andi %ne3A_2503, %ne3A_2498 : i1
      %add3A_2505 = arith.addi %rem3A_2496, %select_n3A_2495 : i32
      %select_n3A_2506 = arith.select %and3A_2504, %add3A_2505, %rem3A_2496 : i32
      %mul3A_2507 = arith.constant 2 : i32
      %mul3A_2508 = arith.muli %select_n3A_2506, %mul3A_2507 : i32
      %dma_start3A_2509 = arith.constant 0 : i32
      %dma_start3A_2510 = arith.constant 0 : i32
      %dma_start3A_2511 = arith.constant 0 : i32
      %dma_start3A_2512 = tpu.memref_slice %arg4[%select_n3A_2490, %dma_start3A_2509, %mul3A_2508, %dma_start3A_2510, %dma_start3A_2511] : memref<200x8x32x8x128xf32, #tpu.memory_space<hbm>> -> memref<1x8x2x8x128xf32, #tpu.memory_space<hbm>>
      %dma_start3A_2513 = tpu.memref_squeeze %dma_start3A_2512 : memref<1x8x2x8x128xf32, #tpu.memory_space<hbm>> -> memref<8x2x8x128xf32, #tpu.memory_space<hbm>>
      %dma_start3A_2514 = arith.constant 0 : i32
      %dma_start3A_2515 = arith.constant 0 : i32
      %dma_start3A_2516 = arith.constant 0 : i32
      %dma_start3A_2517 = tpu.memref_slice %arg4[%select_n3A_2490, %dma_start3A_2514, %mul3A_2508, %dma_start3A_2515, %dma_start3A_2516] : memref<200x8x32x8x128xf32, #tpu.memory_space<hbm>> -> memref<1x8x2x8x128xf32, #tpu.memory_space<hbm>>
      %dma_start3A_2518 = tpu.memref_squeeze %dma_start3A_2517 : memref<1x8x2x8x128xf32, #tpu.memory_space<hbm>> -> memref<8x2x8x128xf32, #tpu.memory_space<hbm>>
      tpu.enqueue_dma source(%arg9 : memref<8x2x8x128xf32, #tpu.memory_space<vmem>>) target(%dma_start3A_2518 : memref<8x2x8x128xf32, #tpu.memory_space<hbm>>) target_semaphore(%arg17 : memref<!tpu.dma_semaphore, #tpu.memory_space<semaphore_mem>>)
    }
    %scan3A_1753 = arith.constant 50 : i32
    %add3A_1754 = arith.constant 98 : i32
    %add3A_1755 = arith.addi %mul3A_2, %add3A_1754 : i32
    %jit3A = arith.constant 16 : i32
    %div3A = arith.divsi %add3A_1755, %jit3A : i32
    %sign3A = arith.constant 0 : i32
    %sign3A_1756 = arith.cmpi sgt, %add3A_1755, %sign3A : i32
    %sign3A_1757 = arith.extui %sign3A_1756 : i1 to i32
    %sign3A_1758 = arith.constant 0 : i32
    %sign3A_1759 = arith.cmpi slt, %add3A_1755, %sign3A_1758 : i32
    %sign3A_1760 = arith.extui %sign3A_1759 : i1 to i32
    %sign3A_1761 = arith.subi %sign3A_1757, %sign3A_1760 : i32
    %sign3A_1762 = arith.constant 0 : i32
    %sign3A_1763 = arith.cmpi sgt, %jit3A, %sign3A_1762 : i32
    %sign3A_1764 = arith.extui %sign3A_1763 : i1 to i32
    %sign3A_1765 = arith.constant 0 : i32
    %sign3A_1766 = arith.cmpi slt, %jit3A, %sign3A_1765 : i32
    %sign3A_1767 = arith.extui %sign3A_1766 : i1 to i32
    %sign3A_1768 = arith.subi %sign3A_1764, %sign3A_1767 : i32
    %ne3A = arith.cmpi ne, %sign3A_1761, %sign3A_1768 : i32
    %rem3A = arith.remsi %add3A_1755, %jit3A : i32
    %ne3A_1769 = arith.constant 0 : i32
    %ne3A_1770 = arith.cmpi ne, %rem3A, %ne3A_1769 : i32
    %and3A_1771 = arith.andi %ne3A, %ne3A_1770 : i1
    %sub3A = arith.constant 1 : i32
    %sub3A_1772 = arith.subi %div3A, %sub3A : i32
    %select_n3A = arith.select %and3A_1771, %sub3A_1772, %div3A : i32
    %jit3A_1773 = arith.constant 16 : i32
    %eq3A = arith.constant 0 : i32
    %eq3A_1774 = arith.cmpi eq, %jit3A_1773, %eq3A : i32
    %jit3A_1775 = arith.constant 1 : i32
    %select_n3A_1776 = arith.select %eq3A_1774, %jit3A_1775, %jit3A_1773 : i32
    %rem3A_1777 = arith.remsi %add3A_1755, %select_n3A_1776 : i32
    %ne3A_1778 = arith.constant 0 : i32
    %ne3A_1779 = arith.cmpi ne, %rem3A_1777, %ne3A_1778 : i32
    %lt3A = arith.constant 0 : i32
    %lt3A_1780 = arith.cmpi slt, %rem3A_1777, %lt3A : i32
    %lt3A_1781 = arith.constant 0 : i32
    %lt3A_1782 = arith.cmpi slt, %select_n3A_1776, %lt3A_1781 : i32
    %ne3A_1783 = arith.xori %lt3A_1780, %lt3A_1782 : i1
    %and3A_1784 = arith.andi %ne3A_1783, %ne3A_1779 : i1
    %add3A_1785 = arith.addi %rem3A_1777, %select_n3A_1776 : i32
    %select_n3A_1786 = arith.select %and3A_1784, %add3A_1785, %rem3A_1777 : i32
    %mul3A_1787 = arith.constant 2 : i32
    %mul3A_1788 = arith.muli %select_n3A_1786, %mul3A_1787 : i32
    %dma_wait3A = arith.constant 0 : i32
    %dma_wait3A_1789 = arith.constant 0 : i32
    %dma_wait3A_1790 = arith.constant 0 : i32
    %dma_wait3A_1791 = tpu.memref_slice %arg4[%select_n3A, %dma_wait3A, %mul3A_1788, %dma_wait3A_1789, %dma_wait3A_1790] : memref<200x8x32x8x128xf32, #tpu.memory_space<hbm>> -> memref<1x8x2x8x128xf32, #tpu.memory_space<hbm>>
    %dma_wait3A_1792 = tpu.memref_squeeze %dma_wait3A_1791 : memref<1x8x2x8x128xf32, #tpu.memory_space<hbm>> -> memref<8x2x8x128xf32, #tpu.memory_space<hbm>>
    %dma_wait3A_1793 = arith.constant 0 : i32
    %dma_wait3A_1794 = arith.constant 0 : i32
    %dma_wait3A_1795 = arith.constant 0 : i32
    %dma_wait3A_1796 = tpu.memref_slice %arg4[%select_n3A, %dma_wait3A_1793, %mul3A_1788, %dma_wait3A_1794, %dma_wait3A_1795] : memref<200x8x32x8x128xf32, #tpu.memory_space<hbm>> -> memref<1x8x2x8x128xf32, #tpu.memory_space<hbm>>
    %dma_wait3A_1797 = tpu.memref_squeeze %dma_wait3A_1796 : memref<1x8x2x8x128xf32, #tpu.memory_space<hbm>> -> memref<8x2x8x128xf32, #tpu.memory_space<hbm>>
    tpu.wait_dma2 semaphore(%arg16 : memref<!tpu.dma_semaphore, #tpu.memory_space<semaphore_mem>>) src(%arg8 : memref<8x2x8x128xf32, #tpu.memory_space<vmem>>) dst(%dma_wait3A_1797 : memref<8x2x8x128xf32, #tpu.memory_space<hbm>>)
    %add3A_1798 = arith.constant 99 : i32
    %add3A_1799 = arith.addi %mul3A_2, %add3A_1798 : i32
    %jit3A_1800 = arith.constant 16 : i32
    %div3A_1801 = arith.divsi %add3A_1799, %jit3A_1800 : i32
    %sign3A_1802 = arith.constant 0 : i32
    %sign3A_1803 = arith.cmpi sgt, %add3A_1799, %sign3A_1802 : i32
    %sign3A_1804 = arith.extui %sign3A_1803 : i1 to i32
    %sign3A_1805 = arith.constant 0 : i32
    %sign3A_1806 = arith.cmpi slt, %add3A_1799, %sign3A_1805 : i32
    %sign3A_1807 = arith.extui %sign3A_1806 : i1 to i32
    %sign3A_1808 = arith.subi %sign3A_1804, %sign3A_1807 : i32
    %sign3A_1809 = arith.constant 0 : i32
    %sign3A_1810 = arith.cmpi sgt, %jit3A_1800, %sign3A_1809 : i32
    %sign3A_1811 = arith.extui %sign3A_1810 : i1 to i32
    %sign3A_1812 = arith.constant 0 : i32
    %sign3A_1813 = arith.cmpi slt, %jit3A_1800, %sign3A_1812 : i32
    %sign3A_1814 = arith.extui %sign3A_1813 : i1 to i32
    %sign3A_1815 = arith.subi %sign3A_1811, %sign3A_1814 : i32
    %ne3A_1816 = arith.cmpi ne, %sign3A_1808, %sign3A_1815 : i32
    %rem3A_1817 = arith.remsi %add3A_1799, %jit3A_1800 : i32
    %ne3A_1818 = arith.constant 0 : i32
    %ne3A_1819 = arith.cmpi ne, %rem3A_1817, %ne3A_1818 : i32
    %and3A_1820 = arith.andi %ne3A_1816, %ne3A_1819 : i1
    %sub3A_1821 = arith.constant 1 : i32
    %sub3A_1822 = arith.subi %div3A_1801, %sub3A_1821 : i32
    %select_n3A_1823 = arith.select %and3A_1820, %sub3A_1822, %div3A_1801 : i32
    %jit3A_1824 = arith.constant 16 : i32
    %eq3A_1825 = arith.constant 0 : i32
    %eq3A_1826 = arith.cmpi eq, %jit3A_1824, %eq3A_1825 : i32
    %jit3A_1827 = arith.constant 1 : i32
    %select_n3A_1828 = arith.select %eq3A_1826, %jit3A_1827, %jit3A_1824 : i32
    %rem3A_1829 = arith.remsi %add3A_1799, %select_n3A_1828 : i32
    %ne3A_1830 = arith.constant 0 : i32
    %ne3A_1831 = arith.cmpi ne, %rem3A_1829, %ne3A_1830 : i32
    %lt3A_1832 = arith.constant 0 : i32
    %lt3A_1833 = arith.cmpi slt, %rem3A_1829, %lt3A_1832 : i32
    %lt3A_1834 = arith.constant 0 : i32
    %lt3A_1835 = arith.cmpi slt, %select_n3A_1828, %lt3A_1834 : i32
    %ne3A_1836 = arith.xori %lt3A_1833, %lt3A_1835 : i1
    %and3A_1837 = arith.andi %ne3A_1836, %ne3A_1831 : i1
    %add3A_1838 = arith.addi %rem3A_1829, %select_n3A_1828 : i32
    %select_n3A_1839 = arith.select %and3A_1837, %add3A_1838, %rem3A_1829 : i32
    %mul3A_1840 = arith.constant 2 : i32
    %mul3A_1841 = arith.muli %select_n3A_1839, %mul3A_1840 : i32
    %dma_wait3A_1842 = arith.constant 0 : i32
    %dma_wait3A_1843 = arith.constant 0 : i32
    %dma_wait3A_1844 = arith.constant 0 : i32
    %dma_wait3A_1845 = tpu.memref_slice %arg4[%select_n3A_1823, %dma_wait3A_1842, %mul3A_1841, %dma_wait3A_1843, %dma_wait3A_1844] : memref<200x8x32x8x128xf32, #tpu.memory_space<hbm>> -> memref<1x8x2x8x128xf32, #tpu.memory_space<hbm>>
    %dma_wait3A_1846 = tpu.memref_squeeze %dma_wait3A_1845 : memref<1x8x2x8x128xf32, #tpu.memory_space<hbm>> -> memref<8x2x8x128xf32, #tpu.memory_space<hbm>>
    %dma_wait3A_1847 = arith.constant 0 : i32
    %dma_wait3A_1848 = arith.constant 0 : i32
    %dma_wait3A_1849 = arith.constant 0 : i32
    %dma_wait3A_1850 = tpu.memref_slice %arg4[%select_n3A_1823, %dma_wait3A_1847, %mul3A_1841, %dma_wait3A_1848, %dma_wait3A_1849] : memref<200x8x32x8x128xf32, #tpu.memory_space<hbm>> -> memref<1x8x2x8x128xf32, #tpu.memory_space<hbm>>
    %dma_wait3A_1851 = tpu.memref_squeeze %dma_wait3A_1850 : memref<1x8x2x8x128xf32, #tpu.memory_space<hbm>> -> memref<8x2x8x128xf32, #tpu.memory_space<hbm>>
    tpu.wait_dma2 semaphore(%arg17 : memref<!tpu.dma_semaphore, #tpu.memory_space<semaphore_mem>>) src(%arg9 : memref<8x2x8x128xf32, #tpu.memory_space<vmem>>) dst(%dma_wait3A_1851 : memref<8x2x8x128xf32, #tpu.memory_space<hbm>>)
    return
  }
}

</mosaic_0001>

<sc_bundles>
// kernel: kernel.3.cloned.1.call-start
scs
__scs_entry_jumppad:
0x0: {  	(pc) =	sbr.rel $0x88, $3  }
0x1: {  	(tag) =	ssettag $0x0;
	lr =	simm.s32 $0x1  }
0x2: {  	[smem:$0x3F9F] =	sst lr;
	_ =	strace $0xD0000000  }
0x3: {  	_ = 	snop  }
0x4: {  	_ = 	snop  }
0x5: {  	_ = 	snop  }
0x6: {  	_ = 	snop  }
0x7: {  	_ = 	snop  }
__scs_overlays_trampoline_lowered:
0x8: {  	[smem:$0x3FAE] =	sst s0  }
0x9: {  	[smem:$0x3FAF] =	sst s1  }
0xa: {  	[smem:$0x3FB0] =	sst s2  }
0xb: {  	[smem:$0x3FB1] =	sst s3  }
0xc: {  	[smem:$0x3FB2] =	sst s4  }
0xd: {  	[smem:$0x3FB3] =	sst s5  }
0xe: {  	[smem:$0x3FB4] =	sst s6  }
0xf: {  	[smem:$0x3FB5] =	sst s7  }
0x10: {  	[smem:$0x3FB6] =	sst s8  }
0x11: {  	[smem:$0x3FB7] =	sst s9;
	s0 =	simm.s32 @!p0 $0x0  }
0x12: {  	s1 =	sld [smem:$0x3F9D];
	s0 =	simm.s32 @p0 $0x1  }
0x13: {  	[smem:$0x3FB8] =	sst s0;
	s0 =	simm.s32 @!p1 $0x0  }
0x14: {  	s2 =	sld [smem:$0x3F9C];
	s0 =	simm.s32 @p1 $0x1  }
0x15: {  	[smem:$0x3FB9] =	sst s0;
	s0 =	simm.s32 @!p2 $0x0  }
0x16: {  	s3 =	sld [smem:$0x3FDB];
	s0 =	simm.s32 @p2 $0x1  }
0x17: {  	s4 =	simm.s32 $0x1BF5;
	[smem:$0x3FBB] =	sst s0  }
0x18: {  	s0 =	sld [smem:$0x3F9E];
	_ =	swait.ge [sflag:s4], $0x0  }
0x19: {  	s7 =	sld [smem:$0x3F9F]  }
0x1a: {  	s8 =	sadd.s32 $0xFFFFE003, lr  }
0x1b: {  	s9 =	sadd.s32 $0xFFFFFEF7, lr;
	s5 =	simm.s32 $0xFFFFFFFF;
	p2 =	slt.u32 s8, $0xFFFFF086  }
0x1c: {  	p1 =	slt.u32 s9, $0xF7A;
	s5 =	simm.s32 @!p2 $0x0  }
0x1d: {  	s5 =	simm.s32 @p1 $0x1;
	p0 =	seq.s32 s7, s2  }
0x1e: {  	s7 =	smul.u32 @!p0 $0xF7A, s2;
	p2 =	seq.s32 @!p0 s5, $0x0  }
0x1f: {  	s9 =	smul.u32 $0xF7A, s1;
	s8 =	simm.s32 @!p0 $0x1BF5;
	p2 =	por !p2, p0  }
0x20: {  	[sflag:s8] =	ssyncset.s32 @!p0 $0xFFFFF086;
	s6 =	sadd.s32 @!p0 s3, s7;
	s7 =	simm.s32 @!p0 $0x108  }
0x21: {  	s3 =	sadd.s32 s3, s9;
	s6 =	sadd.s32 @!p0 $0x88, s6;
	s7 =	simm.s32 @p2 $0x1082  }
0x22: {  	[simem:s7], [sflag:s8] =	dma.local @!p0 [hbm:s6], $0xF7A  }
0x23: {  	s9 =	sor.u32 $0xD0000000, s2;
	s6 =	simm.s32 $0x108;
	_ =	swait.ge @!p0 [sflag:s8], $0x0  }
0x24: {  	s3 =	sadd.s32 $0x88, s3;
	s6 =	simm.s32 @!p1 $0x1082;
	[sflag:s4] =	ssyncset.s32 $0xFFFFF086  }
0x25: {  	[simem:s6], [sflag:s4] =	dma.local [hbm:s3], $0xF7A  }
0x26: {  	[smem:$0x3F9F] =	sst s1;
	(tag) =	ssettag s2;
	_ =	strace s9  }
0x27: {  	s1 =	sld [smem:$0x3FAF]  }
0x28: {  	s2 =	sld [smem:$0x3FB0]  }
0x29: {  	s4 =	sld [smem:$0x3FB2]  }
0x2a: {  	p0 =	seq.s32 s5, $0x0;
	s5 =	sld [smem:$0x3FB3]  }
0x2b: {  	s6 =	sld [smem:$0x3FB4]  }
0x2c: {  	s7 =	sld [smem:$0x3FB5]  }
0x2d: {  	s3 =	simm.s32 $0x108;
	s8 =	sld [smem:$0x3FB6]  }
0x2e: {  	s3 =	simm.s32 @!p0 $0x1082;
	s9 =	sld [smem:$0x3FB7]  }
0x2f: {  	lr =	sadd.s32 s0, s3;
	s0 =	sld [smem:$0x3FAE]  }
0x30: {  	s3 =	sld [smem:$0x3FB1]  }
0x31: {  	[smem:$0x3FBA] =	sst s10  }
0x32: {  	s10 =	sld [smem:$0x3FB8];
	_ =	sdelay $0x3  }
0x33: {  	p0 =	seq.s32 s10, $0x1;
	s10 =	sld [smem:$0x3FBA];
	_ =	sdelay $0x3  }
0x34: {  	[smem:$0x3FBA] =	sst s10  }
0x35: {  	s10 =	sld [smem:$0x3FB9];
	_ =	sdelay $0x3  }
0x36: {  	p1 =	seq.s32 s10, $0x1;
	s10 =	sld [smem:$0x3FBA];
	_ =	sdelay $0x3  }
0x37: {  	[smem:$0x3FBA] =	sst s10  }
0x38: {  	s10 =	sld [smem:$0x3FBB]  }
0x39: {  	_ = 	snop;
	(pc) =	sbr.ind lr, $3  }
0x3a: {  	_ = 	snop  }
0x3b: {  	_ = 	snop  }
0x3c: {  	p2 =	seq.s32 s10, $0x1;
	s10 =	sld [smem:$0x3FBA]  }
0x3d: {  	_ =	shalt  }
0x3e: {  	_ =	shalt  }
0x3f: {  	_ =	shalt  }
0x40: {  	_ =	shalt  }
0x41: {  	_ =	shalt  }
0x42: {  	_ =	shalt  }
0x43: {  	_ =	shalt  }
0x44: {  	_ =	shalt  }
0x45: {  	_ =	shalt  }
0x46: {  	_ =	shalt  }
0x47: {  	_ =	shalt  }
0x48: {  	_ =	shalt  }
0x49: {  	_ =	shalt  }
0x4a: {  	_ =	shalt  }
0x4b: {  	_ =	shalt  }
0x4c: {  	_ =	shalt  }
0x4d: {  	_ =	shalt  }
0x4e: {  	_ =	shalt  }
0x4f: {  	_ =	shalt  }
0x50: {  	_ =	shalt  }
0x51: {  	_ =	shalt  }
0x52: {  	_ =	shalt  }
0x53: {  	_ =	shalt  }
0x54: {  	_ =	shalt  }
0x55: {  	_ =	shalt  }
0x56: {  	_ =	shalt  }
0x57: {  	_ =	shalt  }
0x58: {  	_ =	shalt  }
0x59: {  	_ =	shalt  }
0x5a: {  	_ =	shalt  }
0x5b: {  	_ =	shalt  }
0x5c: {  	_ =	shalt  }
0x5d: {  	_ =	shalt  }
0x5e: {  	_ =	shalt  }
0x5f: {  	_ =	shalt  }
0x60: {  	_ =	shalt  }
0x61: {  	_ =	shalt  }
0x62: {  	_ =	shalt  }
0x63: {  	_ =	shalt  }
0x64: {  	_ =	shalt  }
0x65: {  	_ =	shalt  }
0x66: {  	_ =	shalt  }
0x67: {  	_ =	shalt  }
0x68: {  	_ =	shalt  }
0x69: {  	_ =	shalt  }
0x6a: {  	_ =	shalt  }
0x6b: {  	_ =	shalt  }
0x6c: {  	_ =	shalt  }
0x6d: {  	_ =	shalt  }
0x6e: {  	_ =	shalt  }
0x6f: {  	_ =	shalt  }
0x70: {  	_ =	shalt  }
0x71: {  	_ =	shalt  }
0x72: {  	_ =	shalt  }
0x73: {  	_ =	shalt  }
0x74: {  	_ =	shalt  }
0x75: {  	_ =	shalt  }
0x76: {  	_ =	shalt  }
0x77: {  	_ =	shalt  }
0x78: {  	_ =	shalt  }
0x79: {  	_ =	shalt  }
0x7a: {  	_ =	shalt  }
0x7b: {  	_ =	shalt  }
0x7c: {  	_ =	shalt  }
0x7d: {  	_ =	shalt  }
0x7e: {  	_ =	shalt  }
0x7f: {  	_ =	shalt  }
0x80: {  	_ =	shalt  }
0x81: {  	_ =	shalt  }
0x82: {  	_ =	shalt  }
0x83: {  	_ =	shalt  }
0x84: {  	_ =	shalt  }
0x85: {  	_ =	shalt  }
0x86: {  	_ =	shalt  }
0x87: {  	_ =	shalt  }
.Lfunc_end0:
.L_simem_size_0:
called_computation_lowered:
.L_overlay_start_0:
0x88: {  	s2 =	sld [smem:$0x3FD9]  }
0x89: {  	s3 =	sld [smem:$0x3FFE];
	_ =	sdelay $0x1  }
0x8a: {  	s1 =	srdreg.scid  }
0x8b: {  	s0 =	sand.u32 $0x1, s1  }
0x8c: {  	s17 =	sshll.u32 s0, $0xA;
	s2 =	sadd.s32 s3, s2  }
0x8d: {  	s2 =	sadd.s32 s2, s17  }
0x8e: {  	[smem:$0x3FC6] =	sst s2  }
0x8f: {  	_ = 	snop  }
0x90: {  	s2 =	sld [smem:$0x3FD0];
	(tm) =	ssettm $0x1  }
0x91: {  	s18 =	sld [smem:$0x3FFB];
	_ =	sdelay $0x3  }
0x92: {  	_ =	strace s18  }
0x93: {  	s3 =	sld [smem:$0x3FFC];
	_ =	sdelay $0x3  }
0x94: {  	_ =	strace s3  }
0x95: {  	s3 =	sld [smem:$0x3FFD];
	_ =	sdelay $0x3  }
0x96: {  	_ =	strace s3  }
0x97: {  	_ =	strace $0x8FFFFFFF  }
0x98: {  	s19 =	sld [smem:$0x3FDB];
	_ =	sdelay $0x1  }
0x99: {  	s4 =	simm.s32 $_scs_section_size  }
0x9a: {  	s5 =	simm.s32 $_size__tile_overlayer_lowered;
	s6 =	simm.s32 $_tile_overlayer_lowered  }
0x9b: {  	s22 =	simm.s32 $0x1BFF;
	s21 =	sshll.u32 s6, $0x1;
	s3 =	sadd.s32 s4, s19  }
0x9c: {  	s7 =	simm.s32 $0x0;
	s20 =	sshll.u32 s5, $0x1;
	s5 =	sadd.s32 s21, s3  }
0x9d: {  	[timem:s7], [sflag:s22] =	dma.local [hbm:s5], s20  }
0x9e: {  	_ =	swait.ge [sflag:s22], s20  }
0x9f: {  	s4 =	ssub.s32 $0x0, s20;
	[sflag:s22] =	ssyncset.done $0x0  }
0xa0: {  	[sflag:s22] =	ssyncadd.s32 s4;
	_ =	sdelay $0x1  }
0xa1: {  	s23 =	simm.s32 $0x1B8B  }
0xa2: {  	_ =	swait.ge [sflag:s23], $0x1  }
0xa3: {  	[sflag:s23] =	ssyncset.done $0x0  }
0xa4: {  	s25 =	simm.s32 $0x1B8E;
	s24 =	sld [smem:$0x3FFE];
	[sflag:s23] =	ssyncadd.s32 $0xFFFFFFFF  }
0xa5: {  	s26 =	simm.s32 $execute0_lowered;
	[smem:$0x3FD2] =	sst s25  }
0xa6: {  	s5 =	sshll.u32 s26, $0x1;
	_ =	strace $0x80000046;
	[dreg:$0x1] =	wrdreg $0xFFFFFFFF  }
0xa7: {  	s28 =	simm.s32 $_size_execute0_lowered;
	s3 =	sadd.s32 s3, s5;
	[dreg:$0x0] =	wrdreg $0x0  }
0xa8: {  	s5 =	sshll.u32 s28, $0x1;
	[dreg:$0x2] =	wrdreg s3  }
0xa9: {  	[dreg:$0x3] =	wrdreg s5  }
0xaa: {  	[dreg:$0x4] =	wrdreg $0xC0  }
0xab: {  	_ =	task [dreg:s7], $0x5FFFF  }
0xac: {  	[dreg:$0x1] =	wrdreg $0xFFFFFFFF  }
0xad: {  	[dreg:$0x0] =	wrdreg $0x60  }
0xae: {  	[dreg:$0x2] =	wrdreg s24  }
0xaf: {  	[dreg:$0x3] =	wrdreg s2  }
0xb0: {  	[dreg:$0x4] =	wrdreg $0x9  }
0xb1: {  	_ =	task.clear_ibuf [dreg:s7], $0x5FFFF;
	_ =	strace $0x90000046  }
0xb2: {  	s29 =	simm.s32 $0x9;
	_ =	strace $0x80000048  }
0xb3: {  	_ =	swait.ge [sflag:s29], $0x1  }
0xb4: {  	[sflag:s29] =	ssyncadd.s32 $0xFFFFFFFF  }
0xb5: {  	_ =	strace $0x90000048  }
0xb6: {  	_ =	sfence  }
0xb7: {  	s30 =	sld [smem:$0x0];
	_ =	sdelay $0x2  }
0xb8: {  	s31 =	sshll.u32 s1, $0xD;
	s1 =	sshrl.u32 s1, $0x2  }
0xb9: {  	s3 =	sand.u32 $0x4000, s31;
	s1 =	sadd.s32 s1, s30  }
0xba: {  	s0 =	sor.u32 s3, s0;
	s1 =	sshll.u32 s1, $0x11  }
0xbb: {  	s0 =	sor.u32 s1, s0  }
0xbc: {  	s0 =	sadd.s32 $0x8F2B, s0  }
0xbd: {  	[sflag:s0] =	ssyncadd.remote.s32 $0x1  }
0xbe: {  	_ =	sfence.sel $0xFFFF  }
0xbf: {  	[dreg:$0x0] =	wrdreg $0xFFFFFFFF;
	(pc) =	sbr.abs _section_cstart, $3  }
0xc0: {  	[dreg:$0x1] =	wrdreg $0xFFFFFFFF  }
0xc1: {  	_ =	task.clear_ibuf [dreg:s7], $0x2FFFF;
	_ =	strace $0x9FFFFFFF  }
0xc2: {  	(tm) =	ssettm $0x7FFFFFFF  }
0xc3: {  	_ =	shalt  }
tec
execute0_lowered:
.L_overlay_start_1:
0x0: {  	(tag) =	ssettag $0x1  }
0x1: {  	v0 =	vimm.s32 $0xFEDCBA9;
	v1 =	vimm.s32 $0x87654321;
	v3 =	vimm.s32 $0x10FEDCBA  }
0x2: {  	v4 =	vimm.s32 $0x98765432;
	vm0 =	vcmask $0x3B1C;
	v54 =	vimm.s32 $0x0  }
0x3: {  	v5 =	vimm.s32 $0x210FEDCB;
	v6 =	vimm.s32 $0xA9876543;
	v7 =	vimm.s32 $0x7654321  }
0x4: {  	v9 =	vimm.s32 $0x10765432;
	v59 =	vimm.s32 $0x3210FEDC;
	v10 =	vimm.s32 $0xBA987654  }
0x5: {  	vm1 =	vcmask $0x3718;
	vm2 =	vcmask $0x3314;
	v15 =	vimm.s32 $0x43210FED  }
0x6: {  	v12 =	vimm.s32 $0xCBA98765;
	vm3 =	vcmask $0x2F10;
	v8 =	vsel vm0, $0x1, v54  }
0x7: {  	v19 =	vimm.s32 $0xDCBA9876;
	v20 =	vimm.s32 $0x32107654;
	v11 =	vsel vm1, $0x1, v54;
	[tilespmem:$0x1FA60] =	vst v8  }
0x8: {  	vm4 =	vcmask $0x2B0C;
	vm5 =	vcmask $0x2708;
	v13 =	vsel vm2, $0x1, v54;
	[tilespmem:$0x1FA90] =	vst v11  }
0x9: {  	vm6 =	vcmask $0x2304;
	v38 =	vimm.s32 $0x1;
	v14 =	vsel vm3, $0x1, v54;
	[tilespmem:$0x1FAC0] =	vst v13  }
0xa: {  	v17 =	vunpack.c.l.s4.s8 v12;
	v12 =	vunpack.c.l.s4.s8 v19;
	v19 =	vsel vm5, $0x1, v54;
	[tilespmem:$0x1FAF0] =	vst v14  }
0xb: {  	v0 =	vunpack.c.l.s4.s8 v0;
	v53 =	vunpack.c.l.s4.s8 v4;
	v4 =	vsel vm6, $0x1, v54;
	[tilespmem:$0x1FB50] =	vst v19  }
0xc: {  	v1 =	vunpack.c.l.s4.s8 v1;
	v3 =	vunpack.c.l.s4.s8 v3;
	v40 =	vsel vm0, $0x0, v38;
	[tilespmem:$0x1FB80] =	vst v4  }
0xd: {  	v5 =	vunpack.c.l.s4.s8 v5;
	v6 =	vunpack.c.l.s4.s8 v6;
	v42 =	vsel vm1, $0x0, v38;
	[tilespmem:$0x1FBC0] =	vst v40  }
0xe: {  	v7 =	vunpack.c.l.s4.s8 v7;
	v57 =	vunpack.c.l.s4.s8 v9;
	v44 =	vsel vm2, $0x0, v38;
	[tilespmem:$0x1FBE0] =	vst v42  }
0xf: {  	v9 =	vunpack.c.l.s4.s8 v59;
	v10 =	vunpack.c.l.s4.s8 v10;
	v46 =	vsel vm3, $0x0, v38;
	[tilespmem:$0x1FC00] =	vst v44  }
0x10: {  	v48 =	vsel vm4, $0x0, v38;
	v49 =	vsel vm5, $0x0, v38;
	v13 =	vunpack.c.l.s4.s8 v20;
	[tilespmem:$0x1FC20] =	vst v46  }
0x11: {  	[tilespmem:$0x1FC40] =	vst v48;
	v19 =	vimm.s32 $0x21202F2E;
	v0 =	vunpack.c.0.s8.s32 v0;
	v7 =	vunpack.c.0.s8.s32 v7  }
0x12: {  	[tilespmem:$0x1FC60] =	vst v49;
	v1 =	vunpack.c.0.s8.s32 v1;
	v5 =	vunpack.c.0.s8.s32 v5;
	v20 =	vunpack.c.0.s8.s32 v19  }
0x13: {  	v6 =	vunpack.c.0.s8.s32 v6;
	v62 =	vunpack.c.0.s8.s32 v9;
	v13 =	vunpack.c.0.s8.s32 v13;
	[tilespmem:$0x1FA70] =	vst v7  }
0x14: {  	v63 =	vunpack.c.0.s8.s32 v10;
	v2 =	vcombine.low v1, v0;
	v7 =	vunpack.c.0.s8.s32 v57;
	[tilespmem:$0x1FDC0] =	vst v20  }
0x15: {  	v10 =	vunpack.c.l.s4.s8 v15;
	v15 =	vimm.s32 $0x43210765;
	v58 =	vcombine.low v6, v5;
	[tilespmem:$0x1FB00] =	vst v13  }
0x16: {  	v23 =	vunpack.c.l.s4.s8 v15;
	v16 =	vcombine.low v63, v62;
	v2 =	vand.u32 $0xF, v2;
	[tilespmem:$0x1FAA0] =	vst v7  }
0x17: {  	v61 =	vimm.s32 $0x21076543;
	v3 =	vunpack.c.0.s8.s32 v3;
	v60 =	vand.u32 $0xF, v58;
	[tilespmem:$0x1FA50] =	vst v2  }
0x18: {  	v0 =	vcombine.low v0, v1;
	v13 =	vunpack.c.0.s8.s32 v23;
	v11 =	vand.u32 $0xF, v16;
	[tilespmem:$0x1FAB0] =	vst v60  }
0x19: {  	v41 =	vcombine.low v62, v63;
	v62 =	vimm.s32 $0x1211101F;
	v2 =	vunpack.c.0.s8.s32 v53;
	[tilespmem:$0x1FAE0] =	vst v11  }
0x1a: {  	v18 =	vimm.s32 $0x543210FE;
	v63 =	vunpack.c.0.s8.s32 v62;
	v0 =	vand.u32 $0xF, v0;
	[tilespmem:$0x1FB30] =	vst v13  }
0x1b: {  	v25 =	vimm.s32 $0x6543210F;
	v27 =	vimm.s32 $0x54321076;
	[tilespmem:$0x1FBB0] =	vst v0;
	v55 =	vcombine.low v2, v3  }
0x1c: {  	v30 =	vimm.s32 $0xFEDCBA98;
	v0 =	vsel vm6, $0x0, v38;
	v53 =	vimm.s32 $0x14131211;
	[tilespmem:$0x1FD00] =	vst v63  }
0x1d: {  	v58 =	vimm.s32 $0x15141312;
	[tilespmem:$0x1FC80] =	vst v0;
	v0 =	vunpack.c.0.s8.s32 v53;
	v56 =	vand.u32 $0xF, v55  }
0x1e: {  	v7 =	vunpack.c.l.s4.s8 v61;
	v59 =	vunpack.c.0.s8.s32 v58;
	[tilespmem:$0x1FA80] =	vst v56;
	v56 =	vimm.s32 $0x1D1C1B1A  }
0x1f: {  	v33 =	vimm.s32 $0x65432107;
	v14 =	vimm.s32 $0x202F2E2D;
	[tilespmem:$0x1FC90] =	vst v0;
	v0 =	vunpack.c.0.s8.s32 v56  }
0x20: {  	v9 =	vimm.s32 $0x13121110;
	v57 =	vimm.s32 $0x11101F1E;
	v7 =	vunpack.c.0.s8.s32 v7;
	[tilespmem:$0x1FCD0] =	vst v59  }
0x21: {  	v39 =	vcombine.low v5, v6;
	v5 =	vimm.s32 $0x16151413;
	[tilespmem:$0x1FCB0] =	vst v0;
	v0 =	vunpack.c.0.s8.s32 v57  }
0x22: {  	v15 =	vunpack.c.l.s4.s8 v25;
	v6 =	vimm.s32 $0x1A191817;
	v60 =	vimm.s32 $0x19181716;
	[tilespmem:$0x1FAD0] =	vst v7  }
0x23: {  	v37 =	vcombine.low v3, v2;
	v2 =	vand.u32 $0xF, v39;
	[tilespmem:$0x1FCC0] =	vst v0;
	v0 =	vunpack.c.0.s8.s32 v60  }
0x24: {  	v16 =	vimm.s32 $0xEDCBA987;
	v61 =	vimm.s32 $0x1E1D1C1B;
	v13 =	vunpack.c.l.s4.s8 v27;
	[tilespmem:$0x1FBF0] =	vst v2  }
0x25: {  	v7 =	vunpack.c.0.s8.s32 v17;
	v17 =	vsel vm4, $0x1, v54;
	[tilespmem:$0x1FCE0] =	vst v0;
	v0 =	vunpack.c.0.s8.s32 v61  }
0x26: {  	v28 =	vunpack.c.0.s8.s32 v15;
	v16 =	vunpack.c.l.s4.s8 v16;
	v13 =	vunpack.c.0.s8.s32 v13;
	[tilespmem:$0x1FB20] =	vst v17  }
0x27: {  	v11 =	vunpack.c.l.s4.s8 v18;
	v18 =	vimm.s32 $0x76543210;
	[tilespmem:$0x1FCF0] =	vst v0;
	v0 =	vunpack.c.0.s8.s32 v5  }
0x28: {  	v32 =	vunpack.c.l.s4.s8 v18;
	v29 =	vunpack.c.0.s8.s32 v16;
	v16 =	vunpack.c.l.s4.s8 v30;
	[tilespmem:$0x1FB60] =	vst v13  }
0x29: {  	v39 =	vimm.s32 $0x3D3C3B3A;
	v1 =	vand.u32 $0xF, v37;
	[tilespmem:$0x1FD10] =	vst v0;
	v0 =	vunpack.c.0.s8.s32 v6  }
0x2a: {  	v10 =	vunpack.c.0.s8.s32 v10;
	v40 =	vunpack.c.0.s8.s32 v39;
	v31 =	vcombine.low v29, v28;
	[tilespmem:$0x1FBD0] =	vst v1  }
0x2b: {  	v16 =	vunpack.c.0.s8.s32 v16;
	v13 =	vunpack.c.0.s8.s32 v32;
	[tilespmem:$0x1FD20] =	vst v0;
	v0 =	vunpack.c.0.s8.s32 v9  }
0x2c: {  	v21 =	vcombine.low v7, v10;
	v43 =	vcombine.low v10, v7;
	v10 =	vimm.s32 $0x17161514;
	[tilespmem:$0x1FEB0] =	vst v40  }
0x2d: {  	v1 =	vand.u32 $0xF, v41;
	v34 =	vand.u32 $0xF, v16;
	[tilespmem:$0x1FD40] =	vst v0;
	v0 =	vunpack.c.0.s8.s32 v10  }
0x2e: {  	v12 =	vunpack.c.0.s8.s32 v12;
	[tilespmem:$0x1FC10] =	vst v1;
	v36 =	vcombine.low v34, v13;
	v13 =	vimm.s32 $0x2C2B2A29  }
0x2f: {  	v54 =	vimm.s32 $0x18171615;
	v17 =	vand.u32 $0xF, v31;
	[tilespmem:$0x1FD50] =	vst v0;
	v0 =	vunpack.c.0.s8.s32 v13  }
0x30: {  	v27 =	vimm.s32 $0x2A292827;
	v55 =	vunpack.c.0.s8.s32 v54;
	[tilespmem:$0x1FB70] =	vst v17;
	v17 =	vunpack.c.l.s4.s8 v33  }
0x31: {  	v11 =	vunpack.c.0.s8.s32 v11;
	v47 =	vcombine.low v28, v29;
	[tilespmem:$0x1FD70] =	vst v0;
	v0 =	vunpack.c.0.s8.s32 v14  }
0x32: {  	v28 =	vunpack.c.0.s8.s32 v27;
	[tilespmem:$0x1FCA0] =	vst v55;
	v35 =	vunpack.c.0.s8.s32 v17;
	v17 =	vimm.s32 $0x28272625  }
0x33: {  	v24 =	vcombine.low v12, v11;
	[tilespmem:$0x1FD80] =	vst v0;
	v0 =	vunpack.c.0.s8.s32 v17  }
0x34: {  	v18 =	vimm.s32 $0x2D2C2B2A;
	[tilespmem:$0x1FE20] =	vst v28  }
0x35: {  	v26 =	vand.u32 $0xF, v24;
	[tilespmem:$0x1FDA0] =	vst v0;
	v0 =	vunpack.c.0.s8.s32 v18  }
0x36: {  	v22 =	vand.u32 $0xF, v21;
	[tilespmem:$0x1FB40] =	vst v26;
	v21 =	vimm.s32 $0x25242322  }
0x37: {  	v45 =	vcombine.low v11, v12;
	[tilespmem:$0x1FDB0] =	vst v0;
	v0 =	vunpack.c.0.s8.s32 v21  }
0x38: {  	[tilespmem:$0x1FB10] =	vst v22;
	v22 =	vimm.s32 $0x29282726  }
0x39: {  	v1 =	vand.u32 $0xF, v45;
	[tilespmem:$0x1FDD0] =	vst v0;
	v0 =	vunpack.c.0.s8.s32 v22  }
0x3a: {  	v25 =	vimm.s32 $0x2221202F;
	[tilespmem:$0x1FC50] =	vst v1  }
0x3b: {  	v11 =	vimm.s32 $0x1B1A1918;
	v50 =	vand.u32 $0xF, v47;
	[tilespmem:$0x1FDE0] =	vst v0;
	v0 =	vunpack.c.0.s8.s32 v25  }
0x3c: {  	v12 =	vunpack.c.0.s8.s32 v11;
	[tilespmem:$0x1FC70] =	vst v50;
	v26 =	vimm.s32 $0x26252423  }
0x3d: {  	[tilespmem:$0x1FE00] =	vst v0;
	v0 =	vunpack.c.0.s8.s32 v26  }
0x3e: {  	v29 =	vimm.s32 $0x2F2E2D2C;
	[tilespmem:$0x1FD60] =	vst v12  }
0x3f: {  	v7 =	vimm.s32 $0x1F1E1D1C;
	v2 =	vand.u32 $0xF, v43;
	[tilespmem:$0x1FE10] =	vst v0;
	v0 =	vunpack.c.0.s8.s32 v29  }
0x40: {  	v30 =	vimm.s32 $0x23222120;
	v8 =	vunpack.c.0.s8.s32 v7;
	[tilespmem:$0x1FC30] =	vst v2  }
0x41: {  	v15 =	vimm.s32 $0x24232221;
	[tilespmem:$0x1FE30] =	vst v0;
	v0 =	vunpack.c.0.s8.s32 v30  }
0x42: {  	v16 =	vunpack.c.0.s8.s32 v15;
	v33 =	vimm.s32 $0x2B2A2928;
	[tilespmem:$0x1FD30] =	vst v8  }
0x43: {  	v23 =	vimm.s32 $0x2E2D2C2B;
	[tilespmem:$0x1FE40] =	vst v0;
	v0 =	vunpack.c.0.s8.s32 v33  }
0x44: {  	v24 =	vunpack.c.0.s8.s32 v23;
	v34 =	vimm.s32 $0x3C3B3A39;
	[tilespmem:$0x1FD90] =	vst v16  }
0x45: {  	[tilespmem:$0x1FE60] =	vst v0;
	v0 =	vunpack.c.0.s8.s32 v34  }
0x46: {  	v37 =	vimm.s32 $0x34333231;
	[tilespmem:$0x1FDF0] =	vst v24  }
0x47: {  	v31 =	vimm.s32 $0x27262524;
	[tilespmem:$0x1FE70] =	vst v0;
	v0 =	vunpack.c.0.s8.s32 v37  }
0x48: {  	v38 =	vimm.s32 $0x38373635;
	v32 =	vunpack.c.0.s8.s32 v31;
	[tilespmem:$0x1FBA0] =	vst v36  }
0x49: {  	[tilespmem:$0x1FE90] =	vst v0;
	v0 =	vunpack.c.0.s8.s32 v38  }
0x4a: {  	v41 =	vimm.s32 $0x31303F3E;
	[tilespmem:$0x1FE50] =	vst v32  }
0x4b: {  	v43 =	vimm.s32 $0x39383736;
	[tilespmem:$0x1FEA0] =	vst v0;
	v0 =	vunpack.c.0.s8.s32 v41  }
0x4c: {  	v42 =	vimm.s32 $0x35343332;
	v44 =	vunpack.c.0.s8.s32 v43;
	[tilespmem:$0x1FB90] =	vst v35  }
0x4d: {  	v35 =	vimm.s32 $0x303F3E3D;
	[tilespmem:$0x1FEC0] =	vst v0;
	v0 =	vunpack.c.0.s8.s32 v42  }
0x4e: {  	v51 =	vimm.s32 $0x1C1B1A19;
	v45 =	vimm.s32 $0x3E3D3C3B;
	[tilespmem:$0x1FEE0] =	vst v44;
	v36 =	vunpack.c.0.s8.s32 v35  }
0x4f: {  	v52 =	vimm.s32 $0x101F1E1D;
	s3 =	srdreg.scid;
	v47 =	vimm.s32 $0x36353433;
	[tilespmem:$0x1FED0] =	vst v0;
	v0 =	vunpack.c.0.s8.s32 v45  }
0x50: {  	s1 =	rddreg [dreg:$0x0];
	s4 =	sand.u32 $0x1, s3;
	s3 =	simm.s32 $0x0;
	v3 =	vunpack.c.0.s8.s32 v51;
	v51 =	vimm.s32 $0x3F3E3D3C;
	v48 =	vunpack.c.0.s8.s32 v47;
	[tilespmem:$0x1FE80] =	vst v36  }
0x51: {  	v4 =	vunpack.c.0.s8.s32 v52;
	[smem:$0x7FF] =	sst s3;
	v52 =	vunpack.c.0.s8.s32 v51;
	v55 =	vimm.s32 $0x37363534;
	[tilespmem:$0x1FEF0] =	vst v0  }
0x52: {  	s2 =	rddreg [dreg:$0x1];
	v58 =	vunpack.c.0.s8.s32 v55;
	v57 =	vimm.s32 $0x3B3A3938;
	_ =	strace $0x80000047;
	[tilespmem:$0x1FF10] =	vst v48  }
0x53: {  	v56 =	vlaneseq.u32;
	v59 =	vunpack.c.0.s8.s32 v57;
	[tilespmem:$0x1FF30] =	vst v52  }
0x54: {  	v49 =	vshrl.u32 v56, $0x3;
	[tilespmem:$0x1FF50] =	vst v58  }
0x55: {  	v53 =	vmul.u32 $0xFFFFFFFF, v49;
	v60 =	vand.u32 $0x7, v56;
	[tilespmem:$0x1FF60] =	vst v59  }
0x56: {  	[tilespmem:$0x1FF70] =	vst v60  }
0x57: {  	v61 =	vadd.s32 $0x1, v53;
	[tilespmem:$0x1FF80] =	vst v53  }
0x58: {  	[tilespmem:$0x1FF90] =	vst v61  }
0x59: {  	s0 =	stileid.u32;
	s8 =	simm.s32 $0x5;
	s10 =	simm.s32 $0x6400;
	v62 =	vor.u32 $0x2, v49;
	[tilespmem:$0x1FFA0] =	vst v49  }
0x5a: {  	s9 =	simm.s32 $0x80;
	s11 =	simm.s32 $0x8400;
	s12 =	simm.s32 $0xA400;
	v46 =	vimm.s32 $0x3231303F;
	[tilespmem:$0x1FFB0] =	vst v62  }
0x5b: {  	s13 =	simm.s32 $0xC400;
	s14 =	simm.s32 $0x1;
	s15 =	simm.s32 $0xE400;
	v0 =	vunpack.c.0.s8.s32 v46;
	[tilespmem:$0x1FFC0] =	vst v3  }
0x5c: {  	vm7 =	vcmask $0x1F10;
	s16 =	simm.s32 $0x800;
	s17 =	simm.s32 $0x8000;
	s5 =	sshll.u32 s0, $0x1;
	v50 =	vimm.s32 $0x3A393837;
	[tilespmem:$0x1FFD0] =	vst v4  }
0x5d: {  	s18 =	simm.s32 $0x2;
	s19 =	simm.s32 $0x12400;
	s5 =	sor.u32 s4, s5;
	v63 =	vsel vm7, v4, v3;
	[tilespmem:$0x1FF00] =	vst v0;
	v0 =	vunpack.c.0.s8.s32 v50  }
0x5e: {  	s20 =	simm.s32 $0x3;
	s7 =	ssub.s32 $0x2, s4;
	s6 =	smul.u32 $0xC80, s5;
	v54 =	vimm.s32 $0x33323130;
	[tilespmem:$0x1FFE0] =	vst v63  }
0x5f: {  	s21 =	simm.s32 $0x4;
	s22 =	simm.s32 $0x0;
	s31 =	sshrl.u32 s7, $0x1;
	v60 =	vor.u32 $0x10, v56;
	[tilespmem:$0x1FF20] =	vst v0;
	v0 =	vunpack.c.0.s8.s32 v54  }
0x60: {  	s4 =	sadd.s32 $0xF42A00, s1;
	s6 =	sadd.s32 s6, s1;
	s1 =	ssub.s32 s7, s31;
	[tilespmem:$0x1FFF0] =	vst v60  }
0x61: {  	s5 =	smul.u32 $0x64, s5;
	s6 =	sadd.s32 $0x600, s6;
	s7 =	smax.u32 s1, $0x1;
	[tilespmem:$0x1FF40] =	vst v0  }
.LBB2_1:
0x62: {  	[tilespmem:s3], [sflag:$0x5] =	stream.linear.gather [hbm4b:s6+s3], $0x6400, $0x38;
	[tilespmem:$0x17000] =	vst v63  }
0x63: {  	_ =	swait.ge [sflag:s8], $0x6400  }
0x64: {  	v24 =	vimm.s32 $0x2;
	[sflag:s8] =	ssyncset.done $0x0  }
0x65: {  	v30 =	vsel vm0, $0x3, v24;
	[sflag:s8] =	ssyncadd.s32 $0xFFFF9C00  }
0x66: {  	v32 =	vsel vm1, $0x3, v24;
	[tilespmem:$0x16910] =	vst v30  }
0x67: {  	v34 =	vsel vm2, $0x3, v24;
	[tilespmem:$0x16920] =	vst v32  }
0x68: {  	v37 =	vsel vm3, $0x3, v24;
	v9 =	vld [tilespmem:$0x1FC90];
	[tilespmem:$0x16930] =	vst v34  }
0x69: {  	v39 =	vsel vm4, $0x3, v24;
	v10 =	vld [tilespmem:$0x1FCA0];
	[tilespmem:$0x16940] =	vst v37  }
0x6a: {  	v42 =	vsel vm5, $0x3, v24;
	v23 =	vld [tilespmem:$0x1FFE0];
	[tilespmem:$0x16950] =	vst v39  }
0x6b: {  	v48 =	vimm.s32 $0x3;
	v46 =	vsel vm6, $0x3, v24;
	v11 =	vld [tilespmem:$0x1FCB0];
	[tilespmem:$0x16960] =	vst v42  }
0x6c: {  	v49 =	vsel vm0, $0x2, v48;
	v12 =	vld [tilespmem:$0x1FCC0];
	[tilespmem:$0x16970] =	vst v46  }
0x6d: {  	v50 =	vsel vm1, $0x2, v48;
	v13 =	vld [tilespmem:$0x1FCD0];
	[tilespmem:$0x16990] =	vst v49  }
0x6e: {  	v51 =	vsel vm2, $0x2, v48;
	v14 =	vld [tilespmem:$0x1FCE0];
	[tilespmem:$0x169A0] =	vst v50  }
0x6f: {  	v53 =	vsel vm3, $0x2, v48;
	v15 =	vld [tilespmem:$0x1FCF0];
	[tilespmem:$0x169B0] =	vst v51  }
0x70: {  	v55 =	vsel vm4, $0x2, v48;
	v16 =	vld [tilespmem:$0x1FD00];
	[tilespmem:$0x169C0] =	vst v53  }
0x71: {  	v58 =	vsel vm5, $0x2, v48;
	v17 =	vld [tilespmem:$0x1FD10];
	[tilespmem:$0x169D0] =	vst v55  }
0x72: {  	v61 =	vsel vm6, $0x2, v48;
	v27 =	vld [tilespmem:$0x1FF80];
	[tilespmem:$0x169E0] =	vst v58  }
0x73: {  	v26 =	vld [tilespmem:$0x1FFA0];
	[tilespmem:$0x169F0] =	vst v61  }
0x74: {  	v28 =	vimm.s32 $0x4;
	v24 =	vld [tilespmem:$0x1FAB0];
	[tilespmem:$0x16400] =	vst v56  }
0x75: {  	v18 =	vld [tilespmem:$0x1FD20];
	v49 =	vsel vm1, $0x5, v28;
	[tilespmem:$0x16500] =	vst v60  }
0x76: {  	v19 =	vld [tilespmem:$0x1FD30];
	v61 =	vsel vm3, $0x5, v28;
	[tilespmem:$0x16A20] =	vst v49  }
0x77: {  	v20 =	vld [tilespmem:$0x1FD40];
	[tilespmem:$0x16A40] =	vst v61  }
0x78: {  	v21 =	vld [tilespmem:$0x1FD50];
	v0 =	vsel vm7, v10, v9;
	[tilespmem:$0x16800] =	vst v26  }
0x79: {  	v22 =	vld [tilespmem:$0x1FD60];
	v2 =	vsel vm7, v12, v11;
	v3 =	vsel vm7, v14, v13;
	v47 =	vadd.s32 $0x3, v27;
	[tilespmem:$0x16430] =	vst v24  }
0x7a: {  	v5 =	vsel vm7, v18, v17;
	v40 =	vsel vm7, v17, v16;
	v34 =	vor.u32 $0x4, v26;
	[tilespmem:$0x16980] =	vst v47  }
0x7b: {  	v41 =	vsel vm7, v15, v18;
	v17 =	vsel vm4, $0x5, v28;
	v1 =	vcombine.low v0, v23;
	[tilespmem:$0x16A00] =	vst v34  }
0x7c: {  	v43 =	vcombine.low v41, v40;
	v59 =	vcombine.low v40, v41;
	v41 =	vsel vm0, $0x5, v28;
	[tilespmem:$0x16A50] =	vst v17  }
0x7d: {  	v31 =	vsel vm7, v16, v15;
	v4 =	vcombine.low v3, v2;
	[tilespmem:$0x16A10] =	vst v41  }
0x7e: {  	v33 =	vsel vm7, v20, v19;
	v7 =	vsel vm7, v22, v21;
	v6 =	vcombine.low v5, v31;
	[tilespmem:$0x16510] =	vst v1  }
0x7f: {  	v38 =	vsel vm7, v13, v12;
	v11 =	vsel vm7, v11, v14;
	v8 =	vcombine.low v7, v33;
	[tilespmem:$0x16520] =	vst v4  }
0x80: {  	v12 =	vcombine.low v11, v38;
	[tilespmem:$0x16530] =	vst v6  }
0x81: {  	[tilespmem:$0x16540] =	vst v8  }
0x82: {  	v0 =	vcombine.low v23, v0;
	[tilespmem:$0x16560] =	vst v12  }
0x83: {  	v2 =	vcombine.low v2, v3;
	[tilespmem:$0x16570] =	vst v43  }
0x84: {  	v52 =	vcombine.low v33, v7;
	[tilespmem:$0x16590] =	vst v0  }
0x85: {  	v57 =	vcombine.low v38, v11;
	[tilespmem:$0x165A0] =	vst v2  }
0x86: {  	[tilespmem:$0x165C0] =	vst v52  }
0x87: {  	v44 =	vsel vm7, v21, v20;
	v45 =	vsel vm7, v19, v22;
	v18 =	vld [tilespmem:$0x1FA50];
	[tilespmem:$0x165E0] =	vst v57  }
0x88: {  	v19 =	vld [tilespmem:$0x1FA60];
	v12 =	vcombine.low v45, v44;
	[tilespmem:$0x165F0] =	vst v59;
	v57 =	vsel vm2, $0x5, v28  }
0x89: {  	v20 =	vld [tilespmem:$0x1FA70];
	v1 =	vcombine.low v31, v5;
	[tilespmem:$0x16A30] =	vst v57  }
0x8a: {  	v21 =	vld [tilespmem:$0x1FA80];
	[tilespmem:$0x16580] =	vst v12  }
0x8b: {  	v22 =	vld [tilespmem:$0x1FA90];
	[tilespmem:$0x165B0] =	vst v1  }
0x8c: {  	[tilespmem:$0x16410] =	vst v18  }
0x8d: {  	[tilespmem:$0x16810] =	vst v19  }
0x8e: {  	[tilespmem:$0x16C10] =	vst v20  }
0x8f: {  	v35 =	vld [tilespmem:$0x1FFD0];
	[tilespmem:$0x16420] =	vst v21  }
0x90: {  	v36 =	vld [tilespmem:$0x1FFC0];
	[tilespmem:$0x16820] =	vst v22  }
0x91: {  	[tilespmem:$0x16C90] =	vst v20  }
0x92: {  	[tilespmem:$0x16D10] =	vst v20  }
0x93: {  	[tilespmem:$0x16D90] =	vst v20  }
0x94: {  	[tilespmem:$0x16E10] =	vst v20  }
0x95: {  	v17 =	vld [tilespmem:$0x1FF70];
	v6 =	vsel vm7, v9, v35;
	v9 =	vsel vm7, v36, v10;
	[tilespmem:$0x16E90] =	vst v20  }
0x96: {  	v23 =	vld [tilespmem:$0x1FAA0];
	v10 =	vcombine.low v9, v6;
	[tilespmem:$0x16F10] =	vst v20  }
0x97: {  	v54 =	vcombine.low v6, v9;
	[tilespmem:$0x16F90] =	vst v20  }
0x98: {  	[tilespmem:$0x16550] =	vst v10  }
0x99: {  	[tilespmem:$0x165D0] =	vst v54  }
0x9a: {  	[tilespmem:$0x16C00] =	vst v17  }
0x9b: {  	[tilespmem:$0x16C20] =	vst v23  }
0x9c: {  	[tilespmem:$0x16C80] =	vst v17  }
0x9d: {  	[tilespmem:$0x16CA0] =	vst v23  }
0x9e: {  	[tilespmem:$0x16D00] =	vst v17  }
0x9f: {  	[tilespmem:$0x16D20] =	vst v23  }
0xa0: {  	v62 =	vld [tilespmem:$0x1FD70];
	[tilespmem:$0x16D80] =	vst v17  }
0xa1: {  	v63 =	vld [tilespmem:$0x1FD80];
	[tilespmem:$0x16DA0] =	vst v23  }
0xa2: {  	v32 =	vld [tilespmem:$0x1FD90];
	[tilespmem:$0x16E00] =	vst v17  }
0xa3: {  	v33 =	vld [tilespmem:$0x1FDA0];
	[tilespmem:$0x16E20] =	vst v23  }
0xa4: {  	[tilespmem:$0x16E80] =	vst v17  }
0xa5: {  	v37 =	vld [tilespmem:$0x1FDC0];
	[tilespmem:$0x16EA0] =	vst v23  }
0xa6: {  	v39 =	vld [tilespmem:$0x1FDE0];
	[tilespmem:$0x16F00] =	vst v17  }
0xa7: {  	v36 =	vld [tilespmem:$0x1FDB0];
	[tilespmem:$0x16F20] =	vst v23  }
0xa8: {  	v38 =	vld [tilespmem:$0x1FDD0];
	v59 =	vsel vm7, v32, v63;
	v1 =	vsel vm7, v63, v62;
	v2 =	vsel vm7, v33, v32;
	[tilespmem:$0x16F80] =	vst v17  }
0xa9: {  	v46 =	vld [tilespmem:$0x1FE10];
	v10 =	vsel vm7, v62, v33;
	v32 =	vsel vm5, $0x5, v28;
	[tilespmem:$0x16FA0] =	vst v23;
	v35 =	vcombine.low v2, v1  }
0xaa: {  	v43 =	vld [tilespmem:$0x1FDF0];
	v11 =	vcombine.low v10, v59;
	[tilespmem:$0x16A60] =	vst v32  }
0xab: {  	v44 =	vld [tilespmem:$0x1FE00];
	[tilespmem:$0x16610] =	vst v35  }
0xac: {  	v47 =	vld [tilespmem:$0x1FE20];
	v0 =	vsel vm7, v37, v36;
	v63 =	vsel vm7, v36, v39;
	v36 =	vsel vm6, $0x5, v28;
	[tilespmem:$0x16650] =	vst v11  }
0xad: {  	v62 =	vsel vm7, v38, v37;
	v1 =	vcombine.low v1, v2;
	v37 =	vadd.s32 $0x5, v27;
	[tilespmem:$0x16A70] =	vst v36  }
0xae: {  	v40 =	vsel vm7, v39, v38;
	v38 =	vimm.s32 $0x5;
	[tilespmem:$0x16A80] =	vst v37  }
0xaf: {  	v39 =	vsel vm0, $0x4, v38;
	[tilespmem:$0x16690] =	vst v1  }
0xb0: {  	v45 =	vsel vm7, v44, v43;
	v30 =	vsel vm7, v46, v44;
	v44 =	vsel vm3, $0x4, v38;
	[tilespmem:$0x16A90] =	vst v39  }
0xb1: {  	v48 =	vsel vm7, v47, v46;
	v46 =	vsel vm4, $0x4, v38;
	[tilespmem:$0x16AC0] =	vst v44  }
0xb2: {  	v42 =	vcombine.low v40, v0;
	v0 =	vcombine.low v0, v40;
	v40 =	vsel vm1, $0x4, v38;
	[tilespmem:$0x16AD0] =	vst v46  }
0xb3: {  	v50 =	vcombine.low v48, v45;
	v41 =	vcombine.low v45, v48;
	v48 =	vsel vm5, $0x4, v38;
	[tilespmem:$0x16AA0] =	vst v40  }
0xb4: {  	[tilespmem:$0x16AE0] =	vst v48  }
0xb5: {  	v31 =	vsel vm7, v43, v47;
	v29 =	vcombine.low v63, v62;
	[tilespmem:$0x16620] =	vst v42  }
0xb6: {  	v33 =	vcombine.low v31, v30;
	[tilespmem:$0x16630] =	vst v50  }
0xb7: {  	[tilespmem:$0x16660] =	vst v29  }
0xb8: {  	[tilespmem:$0x16670] =	vst v33  }
0xb9: {  	v45 =	vcombine.low v59, v10;
	[tilespmem:$0x166A0] =	vst v0  }
0xba: {  	v47 =	vcombine.low v62, v63;
	[tilespmem:$0x166B0] =	vst v41  }
0xbb: {  	v25 =	vld [tilespmem:$0x1FE60];
	v49 =	vcombine.low v30, v31;
	[tilespmem:$0x166D0] =	vst v45  }
0xbc: {  	v52 =	vld [tilespmem:$0x1FE40];
	v63 =	vimm.s32 $0x6;
	[tilespmem:$0x166E0] =	vst v47  }
0xbd: {  	v54 =	vld [tilespmem:$0x1FE50];
	v32 =	vsel vm0, $0x7, v63;
	[tilespmem:$0x166F0] =	vst v49  }
0xbe: {  	v51 =	vld [tilespmem:$0x1FE30];
	v40 =	vsel vm1, $0x7, v63;
	[tilespmem:$0x16B10] =	vst v32  }
0xbf: {  	v48 =	vsel vm2, $0x7, v63;
	[tilespmem:$0x16B20] =	vst v40  }
0xc0: {  	v28 =	vld [tilespmem:$0x1FAF0];
	v42 =	vsel vm2, $0x4, v38;
	[tilespmem:$0x16B30] =	vst v48  }
0xc1: {  	v61 =	vld [tilespmem:$0x1FEE0];
	v50 =	vsel vm6, $0x4, v38;
	[tilespmem:$0x16AB0] =	vst v42  }
0xc2: {  	v57 =	vld [tilespmem:$0x1FEB0];
	v55 =	vsel vm7, v25, v54;
	v34 =	vsel vm7, v54, v52;
	v54 =	vor.u32 $0x6, v26;
	[tilespmem:$0x16AF0] =	vst v50  }
0xc3: {  	v53 =	vsel vm7, v52, v51;
	v59 =	vld [tilespmem:$0x1FED0];
	[tilespmem:$0x16B00] =	vst v54;
	v54 =	vsel vm5, $0x7, v63  }
0xc4: {  	v35 =	vsel vm7, v51, v25;
	v30 =	vld [tilespmem:$0x1FB10];
	v58 =	vcombine.low v55, v53;
	[tilespmem:$0x16B60] =	vst v54  }
0xc5: {  	v31 =	vld [tilespmem:$0x1FB20];
	v13 =	vcombine.low v35, v34;
	[tilespmem:$0x16840] =	vst v28  }
0xc6: {  	v43 =	vcombine.low v53, v55;
	[tilespmem:$0x16640] =	vst v58  }
0xc7: {  	v25 =	vld [tilespmem:$0x1FAC0];
	[tilespmem:$0x16680] =	vst v13  }
0xc8: {  	v26 =	vld [tilespmem:$0x1FAD0];
	[tilespmem:$0x166C0] =	vst v43  }
0xc9: {  	v29 =	vld [tilespmem:$0x1FB00];
	[tilespmem:$0x16450] =	vst v30  }
0xca: {  	v12 =	vsel vm7, v57, v61;
	v32 =	vld [tilespmem:$0x1FB30];
	v62 =	vsel vm7, v61, v59;
	v61 =	vadd.s32 $0x7, v27;
	[tilespmem:$0x16850] =	vst v31  }
0xcb: {  	v40 =	vld [tilespmem:$0x1FF90];
	[tilespmem:$0x16B80] =	vst v61  }
0xcc: {  	[tilespmem:$0x16830] =	vst v25  }
0xcd: {  	v48 =	vld [tilespmem:$0x1FC20];
	[tilespmem:$0x16C30] =	vst v26  }
0xce: {  	[tilespmem:$0x16C40] =	vst v29  }
0xcf: {  	[tilespmem:$0x16C50] =	vst v32  }
0xd0: {  	[tilespmem:$0x16880] =	vst v40  }
0xd1: {  	[tilespmem:$0x16CB0] =	vst v26  }
0xd2: {  	[tilespmem:$0x168C0] =	vst v48  }
0xd3: {  	[tilespmem:$0x16CC0] =	vst v29  }
0xd4: {  	[tilespmem:$0x16CD0] =	vst v32  }
0xd5: {  	[tilespmem:$0x16D30] =	vst v26  }
0xd6: {  	[tilespmem:$0x16D40] =	vst v29  }
0xd7: {  	[tilespmem:$0x16D50] =	vst v32  }
0xd8: {  	[tilespmem:$0x16DB0] =	vst v26  }
0xd9: {  	[tilespmem:$0x16DC0] =	vst v29  }
0xda: {  	[tilespmem:$0x16DD0] =	vst v32  }
0xdb: {  	[tilespmem:$0x16E30] =	vst v26  }
0xdc: {  	v10 =	vld [tilespmem:$0x1FE70];
	[tilespmem:$0x16E40] =	vst v29  }
0xdd: {  	v51 =	vld [tilespmem:$0x1FE80];
	[tilespmem:$0x16E50] =	vst v32  }
0xde: {  	v37 =	vld [tilespmem:$0x1FF10];
	[tilespmem:$0x16EB0] =	vst v26  }
0xdf: {  	v52 =	vld [tilespmem:$0x1FE90];
	[tilespmem:$0x16EC0] =	vst v29  }
0xe0: {  	v38 =	vld [tilespmem:$0x1FF20];
	[tilespmem:$0x16ED0] =	vst v32  }
0xe1: {  	v53 =	vld [tilespmem:$0x1FEA0];
	[tilespmem:$0x16F30] =	vst v26  }
0xe2: {  	v34 =	vld [tilespmem:$0x1FEF0];
	[tilespmem:$0x16F40] =	vst v29  }
0xe3: {  	v35 =	vld [tilespmem:$0x1FF00];
	[tilespmem:$0x16F50] =	vst v32  }
0xe4: {  	v54 =	vld [tilespmem:$0x1FC80];
	[tilespmem:$0x16FB0] =	vst v26  }
0xe5: {  	v27 =	vld [tilespmem:$0x1FAE0];
	[tilespmem:$0x16FC0] =	vst v29  }
0xe6: {  	v1 =	vsel vm7, v51, v10;
	v50 =	vsel vm7, v52, v51;
	v51 =	vsel vm3, $0x7, v63;
	[tilespmem:$0x16FD0] =	vst v32  }
0xe7: {  	v2 =	vsel vm7, v53, v52;
	[tilespmem:$0x16B40] =	vst v51;
	v52 =	vsel vm4, $0x7, v63  }
0xe8: {  	v58 =	vld [tilespmem:$0x1FEC0];
	[tilespmem:$0x16B50] =	vst v52  }
0xe9: {  	v39 =	vsel vm7, v38, v37;
	v36 =	vsel vm7, v35, v34;
	v55 =	vcombine.low v2, v1;
	[tilespmem:$0x168F0] =	vst v54  }
0xea: {  	v46 =	vld [tilespmem:$0x1FF60];
	v10 =	vsel vm7, v10, v53;
	v41 =	vcombine.low v39, v36;
	[tilespmem:$0x16440] =	vst v27  }
0xeb: {  	v45 =	vld [tilespmem:$0x1FF50];
	v11 =	vcombine.low v10, v50;
	[tilespmem:$0x16710] =	vst v55  }
0xec: {  	v42 =	vld [tilespmem:$0x1FF30];
	[tilespmem:$0x16730] =	vst v41  }
0xed: {  	v43 =	vld [tilespmem:$0x1FF40];
	v1 =	vcombine.low v1, v2;
	v9 =	vsel vm7, v59, v58;
	v59 =	vsel vm6, $0x7, v63;
	[tilespmem:$0x16750] =	vst v11  }
0xee: {  	v10 =	vcombine.low v50, v10;
	[tilespmem:$0x16B70] =	vst v59  }
0xef: {  	v63 =	vcombine.low v36, v39;
	[tilespmem:$0x16790] =	vst v1  }
0xf0: {  	[tilespmem:$0x167D0] =	vst v10  }
0xf1: {  	v0 =	vsel vm7, v58, v57;
	v59 =	vor.u32 $0x20, v56;
	[tilespmem:$0x167B0] =	vst v63  }
0xf2: {  	v47 =	vsel vm7, v46, v45;
	v44 =	vsel vm7, v43, v42;
	v33 =	vcombine.low v62, v0;
	[tilespmem:$0x1FA30] =	vst v59  }
0xf3: {  	v49 =	vcombine.low v47, v44;
	[tilespmem:$0x16600] =	vst v59  }
0xf4: {  	v57 =	vsel vm7, v45, v43;
	v58 =	vsel vm7, v42, v46;
	v53 =	vcombine.low v12, v9;
	[tilespmem:$0x16720] =	vst v33  }
0xf5: {  	v14 =	vsel vm7, v34, v38;
	v34 =	vld [tilespmem:$0x1FB50];
	v13 =	vcombine.low v58, v57;
	[tilespmem:$0x16740] =	vst v49  }
0xf6: {  	v38 =	vld [tilespmem:$0x1FB90];
	v0 =	vcombine.low v0, v62;
	[tilespmem:$0x16760] =	vst v53  }
0xf7: {  	v51 =	vld [tilespmem:$0x1FC50];
	v6 =	vcombine.low v44, v47;
	[tilespmem:$0x16780] =	vst v13  }
0xf8: {  	[tilespmem:$0x167A0] =	vst v0  }
0xf9: {  	[tilespmem:$0x167C0] =	vst v6  }
0xfa: {  	[tilespmem:$0x16860] =	vst v34  }
0xfb: {  	[tilespmem:$0x16C70] =	vst v38  }
0xfc: {  	[tilespmem:$0x164E0] =	vst v51  }
0xfd: {  	[tilespmem:$0x16CF0] =	vst v38  }
0xfe: {  	v57 =	vcombine.low v9, v12;
	[tilespmem:$0x16D70] =	vst v38  }
0xff: {  	[tilespmem:$0x16DF0] =	vst v38  }
0x100: {  	[tilespmem:$0x167E0] =	vst v57  }
0x101: {  	[tilespmem:$0x16E70] =	vst v38  }
0x102: {  	v50 =	vld [tilespmem:$0x1FC40];
	v63 =	vor.u32 $0x30, v56;
	[tilespmem:$0x16EF0] =	vst v38  }
0x103: {  	v52 =	vld [tilespmem:$0x1FC60];
	v11 =	vsel vm7, v37, v35;
	[tilespmem:$0x16700] =	vst v63  }
0x104: {  	v55 =	vcombine.low v14, v11;
	[tilespmem:$0x16F70] =	vst v38  }
0x105: {  	[tilespmem:$0x16FF0] =	vst v38  }
0x106: {  	[tilespmem:$0x16770] =	vst v55  }
0x107: {  	v61 =	vcombine.low v11, v14;
	[tilespmem:$0x168D0] =	vst v50  }
0x108: {  	v13 =	vimm.s32 $0x7;
	[tilespmem:$0x168E0] =	vst v52  }
0x109: {  	v62 =	vsel vm0, $0x6, v13;
	[tilespmem:$0x167F0] =	vst v61  }
0x10a: {  	v36 =	vld [tilespmem:$0x1FB70];
	v4 =	vsel vm1, $0x6, v13;
	[tilespmem:$0x16B90] =	vst v62  }
0x10b: {  	v39 =	vld [tilespmem:$0x1FBA0];
	v8 =	vsel vm2, $0x6, v13;
	[tilespmem:$0x16BA0] =	vst v4  }
0x10c: {  	v42 =	vld [tilespmem:$0x1FBC0];
	v15 =	vsel vm3, $0x6, v13;
	[tilespmem:$0x16BB0] =	vst v8  }
0x10d: {  	v43 =	vld [tilespmem:$0x1FBD0];
	v16 =	vsel vm4, $0x6, v13;
	[tilespmem:$0x16BC0] =	vst v15  }
0x10e: {  	v45 =	vld [tilespmem:$0x1FBF0];
	[tilespmem:$0x16BD0] =	vst v16  }
0x10f: {  	v46 =	vld [tilespmem:$0x1FC00];
	[tilespmem:$0x16470] =	vst v36  }
0x110: {  	[tilespmem:$0x16480] =	vst v39  }
0x111: {  	v35 =	vld [tilespmem:$0x1FB60];
	[tilespmem:$0x16890] =	vst v42  }
0x112: {  	v37 =	vld [tilespmem:$0x1FB80];
	[tilespmem:$0x164A0] =	vst v43  }
0x113: {  	v41 =	vld [tilespmem:$0x1FBB0];
	[tilespmem:$0x164B0] =	vst v45  }
0x114: {  	v44 =	vld [tilespmem:$0x1FBE0];
	v58 =	vsel vm5, $0x6, v13;
	[tilespmem:$0x168B0] =	vst v46  }
0x115: {  	v47 =	vld [tilespmem:$0x1FC10];
	[tilespmem:$0x16BE0] =	vst v58  }
0x116: {  	[tilespmem:$0x16C60] =	vst v35  }
0x117: {  	[tilespmem:$0x16870] =	vst v37  }
0x118: {  	[tilespmem:$0x16490] =	vst v41  }
0x119: {  	[tilespmem:$0x168A0] =	vst v44  }
0x11a: {  	[tilespmem:$0x164C0] =	vst v47  }
0x11b: {  	[tilespmem:$0x16CE0] =	vst v35  }
0x11c: {  	[tilespmem:$0x16D60] =	vst v35  }
0x11d: {  	[tilespmem:$0x16DE0] =	vst v35  }
0x11e: {  	v33 =	vld [tilespmem:$0x1FB40];
	[tilespmem:$0x16E60] =	vst v35  }
0x11f: {  	v49 =	vld [tilespmem:$0x1FC30];
	v62 =	vsel vm6, $0x6, v13;
	[tilespmem:$0x16EE0] =	vst v35  }
0x120: {  	v53 =	vld [tilespmem:$0x1FC70];
	[tilespmem:$0x16BF0] =	vst v62  }
0x121: {  	v55 =	vld [tilespmem:$0x1FFB0];
	[tilespmem:$0x16F60] =	vst v35  }
0x122: {  	[tilespmem:$0x16FE0] =	vst v35  }
0x123: {  	[tilespmem:$0x16460] =	vst v33  }
0x124: {  	[tilespmem:$0x164D0] =	vst v49  }
0x125: {  	[tilespmem:$0x164F0] =	vst v53  }
0x126: {  	[tilespmem:$0x16900] =	vst v55  }
0x127: {  	[tilespmem:s10], [sflag:$0x1] =	stream.indirect.gather [hbm4b:s4+s9], $0x40, s3, s9, $0xb8;
	[tilespmem:$0x17000] =	vst v63  }
0x128: {  	s23 =	simm.s32 $0x0;
	[tilespmem:$0x1FA40] =	vst v63  }
0x129: {  	[tilespmem:s11], [sflag:$0x1] =	stream.indirect.gather [hbm4b:s4+s9], $0x40, s9, s9, $0xb8;
	[tilespmem:$0x17000] =	vst v63  }
.LBB2_2:
0x12a: {  	s24 =	sshllo.u32 s23, $0x1  }
0x12b: {  	s1 =	sshll.u32 s24, $0x8  }
0x12c: {  	s25 =	sand.u32 $0x3FFFFF00, s1  }
0x12d: {  	[tilespmem:s12], [sflag:$0x2] =	stream.indirect.gather [hbm4b:s4+s9], $0x40, s25, s9, $0xb8;
	[tilespmem:$0x17000] =	vst v63  }
0x12e: {  	s1 =	sor.u32 $0x80, s25  }
0x12f: {  	[tilespmem:s13], [sflag:$0x2] =	stream.indirect.gather [hbm4b:s4+s9], $0x40, s1, s9, $0xb8;
	[tilespmem:$0x17000] =	vst v63  }
0x130: {  	_ =	swait.ge [sflag:s14], $0x2000  }
0x131: {  	[sflag:s14] =	ssyncset.done $0x0  }
0x132: {  	[sflag:s14] =	ssyncadd.s32 $0xFFFFE000  }
0x133: {  	_ =	swait.ge [sflag:s14], $0x2000  }
0x134: {  	p0 =	seq.s32 s23, $0x0;
	[sflag:s14] =	ssyncset.done $0x0  }
0x135: {  	s1 =	simm.s32 @!p0 $0x3;
	[sflag:s14] =	ssyncadd.s32 $0xFFFFE000  }
0x136: {  	_ =	swait.ge @!p0 [sflag:s1], $0x4000  }
0x137: {  	s26 =	sshll.u32 s23, $0x9;
	[sflag:s1] =	ssyncset.done @!p0 $0x0  }
0x138: {  	s26 =	sand.u32 $0x3FFFFE00, s26;
	[sflag:s1] =	ssyncadd.s32 @!p0 $0xFFFFC000  }
0x139: {  	s1 =	simm.s32 $0x16410;
	v2 =	vld [tilespmem:s26+$0x0]  }
0x13a: {  	s28 =	simm.s32 $0x16810;
	v19 =	vld [tilespmem:s1+$0x0]  }
0x13b: {  	s29 =	simm.s32 $0x16C10;
	v0 =	vld [tilespmem:s28+$0x0]  }
0x13c: {  	v7 =	vld [tilespmem:s29+$0x0]  }
0x13d: {  	v4 =	vld [tilespmem:s26+$0x10]  }
0x13e: {  	v5 =	vld [tilespmem:s26+$0x20]  }
0x13f: {  	v42 =	vmul.u32 $0x40, v56;
	v6 =	vld [tilespmem:s26+$0x30]  }
0x140: {  	v11 =	vld [tilespmem:s26+$0x40]  }
0x141: {  	v12 =	vld [tilespmem:s26+$0x50];
	v9 =	vadd.s32 v42, v19;
	v0 =	vshll.u32 v0, $0xB;
	v7 =	vshll.u32 v7, $0x7  }
0x142: {  	v21 =	vadd.s32 v0, v7;
	v7 =	vld [tilespmem:s26+$0xE0]  }
0x143: {  	v13 =	vld [tilespmem:s26+$0x60]  }
0x144: {  	v28 =	vld [tilespmem:s26+$0x70]  }
0x145: {  	v3 =	vld [tilespmem:s26+$0x80]  }
0x146: {  	v14 =	vld.idx.msk [tilespmem:v9+s10+$0x0], $0xffff  }
0x147: {  	[tilespmem:$0x1F7A0] =	vst v7;
	v7 =	vld [tilespmem:s26+$0xF0]  }
0x148: {  	v59 =	vor.u32 $0x400, v42;
	v1 =	vld [tilespmem:s26+$0x90];
	v15 =	vor.u32 v56, v21  }
0x149: {  	v43 =	vimm.f32 $8.000000000e+00;
	v10 =	vld [tilespmem:s26+$0xC0];
	vm8 =	veq.s32 v2, $0x0;
	v2 =	vadd.s32 v59, v19  }
0x14a: {  	v18 =	vld [tilespmem:s26+$0xD0];
	v33 =	vsel vm8, $0x0, v43  }
0x14b: {  	v0 =	vld [tilespmem:s26+$0xB0];
	v14 =	vmul.f32 v14, v33  }
0x14c: {  	v9 =	vld [tilespmem:s26+$0xA0];
	[tilespmem:$0x1F7B0] =	vst v7  }
0x14d: {  	v47 =	vld [tilespmem:s1+$0xFFFFFFF0];
	[tilespmem:v15+s15+$0x0] =	vst.idx.msk $0xffff, v14  }
0x14e: {  	v2 =	vld.idx.msk [tilespmem:v2+s10+$0x0], $0xffff;
	_ =	sdelay $0x1  }
0x14f: {  	v54 =	vor.u32 v60, v21  }
0x150: {  	v48 =	vor.u32 $0x800, v42;
	vm8 =	veq.s32 v4, $0x0  }
0x151: {  	v4 =	vadd.s32 v48, v19;
	v46 =	vsel vm8, $0x0, v43;
	v15 =	vld [tilespmem:s28+$0xFFFFFFF0]  }
0x152: {  	v17 =	vld [tilespmem:s29+$0xFFFFFFF0];
	v16 =	vadd.s32 v42, v47;
	v2 =	vmul.f32 v2, v46;
	_ =	sdelay $0x1  }
0x153: {  	[tilespmem:v54+s15+$0x0] =	vst.idx.msk $0xffff, v2  }
0x154: {  	v44 =	vld [tilespmem:$0x1FA30]  }
0x155: {  	v2 =	vld.idx.msk [tilespmem:v4+s10+$0x0], $0xffff  }
0x156: {  	v4 =	vshll.u32 v15, $0xB;
	v15 =	vshll.u32 v17, $0x7;
	v55 =	vld.idx.msk [tilespmem:v16+s10+$0x0], $0xffff  }
0x157: {  	v29 =	vadd.s32 v4, v15  }
0x158: {  	vm8 =	veq.s32 v5, $0x0;
	v5 =	vor.u32 v56, v29  }
0x159: {  	v16 =	vor.u32 v44, v21;
	_ =	sdelay $0x1  }
0x15a: {  	v62 =	vsel vm8, $0x0, v43;
	v14 =	vmul.f32 v55, v33  }
0x15b: {  	v57 =	vor.u32 $0xC00, v42;
	v2 =	vmul.f32 v2, v62  }
0x15c: {  	v4 =	vadd.s32 v57, v19;
	[tilespmem:v5+s15+$0x0] =	vst.idx.msk $0xffff, v14  }
0x15d: {  	[tilespmem:v16+s15+$0x0] =	vst.idx.msk $0xffff, v2  }
0x15e: {  	v25 =	vld [tilespmem:$0x1FA40]  }
0x15f: {  	v15 =	vadd.s32 v59, v47;
	_ =	sdelay $0x1  }
0x160: {  	v2 =	vld.idx.msk [tilespmem:v4+s10+$0x0], $0xffff;
	_ =	sdelay $0x1  }
0x161: {  	v45 =	vor.u32 $0x1000, v42;
	v5 =	vor.u32 v25, v21  }
0x162: {  	vm8 =	veq.s32 v6, $0x0;
	v6 =	vadd.s32 v45, v19;
	v4 =	vld.idx.msk [tilespmem:v15+s10+$0x0], $0xffff  }
0x163: {  	v32 =	vsel vm8, $0x0, v43  }
0x164: {  	v61 =	vor.u32 v60, v29;
	v2 =	vmul.f32 v2, v32  }
0x165: {  	s1 =	simm.s32 $0x16430;
	v15 =	vadd.s32 v48, v47  }
0x166: {  	v23 =	vld [tilespmem:s1+$0x0];
	[tilespmem:v5+s15+$0x0] =	vst.idx.msk $0xffff, v2  }
0x167: {  	v4 =	vmul.f32 v4, v46;
	v2 =	vld.idx.msk [tilespmem:v6+s10+$0x0], $0xffff  }
0x168: {  	v50 =	vor.u32 $0x40, v56  }
0x169: {  	v53 =	vor.u32 $0x1400, v42;
	[tilespmem:v61+s15+$0x0] =	vst.idx.msk $0xffff, v4;
	v6 =	vor.u32 v50, v21  }
0x16a: {  	vm8 =	veq.s32 v11, $0x0;
	v11 =	vadd.s32 v53, v19;
	v4 =	vld.idx.msk [tilespmem:v15+s10+$0x0], $0xffff  }
0x16b: {  	v49 =	vsel vm8, $0x0, v43;
	s29 =	simm.s32 $0x16C30  }
0x16c: {  	s28 =	simm.s32 $0x16830;
	v20 =	vadd.s32 v42, v23;
	v17 =	vld [tilespmem:s29+$0x0];
	v63 =	vor.u32 v44, v29;
	v2 =	vmul.f32 v2, v49  }
0x16d: {  	v16 =	vld [tilespmem:s28+$0x0];
	v15 =	vadd.s32 v57, v47  }
0x16e: {  	[tilespmem:v6+s15+$0x0] =	vst.idx.msk $0xffff, v2  }
0x16f: {  	v4 =	vmul.f32 v4, v62;
	v2 =	vld.idx.msk [tilespmem:v11+s10+$0x0], $0xffff  }
0x170: {  	v55 =	vor.u32 $0x50, v56  }
0x171: {  	vm8 =	veq.s32 v12, $0x0;
	v34 =	vld.idx.msk [tilespmem:v20+s10+$0x0], $0xffff;
	[tilespmem:v63+s15+$0x0] =	vst.idx.msk $0xffff, v4;
	v6 =	vor.u32 v55, v21;
	v11 =	vor.u32 $0x1800, v42  }
0x172: {  	v4 =	vld.idx.msk [tilespmem:v15+s10+$0x0], $0xffff;
	v15 =	vshll.u32 v16, $0xB;
	v16 =	vshll.u32 v17, $0x7;
	v35 =	vadd.s32 v11, v19  }
0x173: {  	v36 =	vld [tilespmem:s1+$0xFFFFFFF0];
	v54 =	vsel vm8, $0x0, v43;
	v26 =	vadd.s32 v15, v16  }
0x174: {  	v15 =	vor.u32 v56, v26;
	v2 =	vmul.f32 v2, v54  }
0x175: {  	v17 =	vadd.s32 v59, v23;
	v16 =	vor.u32 v25, v29  }
0x176: {  	v38 =	vld [tilespmem:s29+$0xFFFFFFF0];
	v20 =	vadd.s32 v45, v47;
	[tilespmem:v6+s15+$0x0] =	vst.idx.msk $0xffff, v2  }
0x177: {  	v6 =	vmul.f32 v34, v33;
	v2 =	vld.idx.msk [tilespmem:v35+s10+$0x0], $0xffff  }
0x178: {  	v58 =	vor.u32 $0x60, v56;
	v22 =	vld [tilespmem:s28+$0xFFFFFFF0];
	v37 =	vadd.s32 v42, v36;
	v4 =	vmul.f32 v4, v32  }
0x179: {  	v41 =	vor.u32 $0x1C00, v42;
	[tilespmem:v15+s15+$0x0] =	vst.idx.msk $0xffff, v6;
	v6 =	vor.u32 v58, v21  }
0x17a: {  	v40 =	vadd.s32 v41, v19;
	vm8 =	veq.s32 v13, $0x0;
	[tilespmem:v16+s15+$0x0] =	vst.idx.msk $0xffff, v4;
	v4 =	vld.idx.msk [tilespmem:v17+s10+$0x0], $0xffff  }
0x17b: {  	v52 =	vsel vm8, $0x0, v43;
	v15 =	vld.idx.msk [tilespmem:v20+s10+$0x0], $0xffff  }
0x17c: {  	v14 =	vshll.u32 v38, $0x7;
	v20 =	vor.u32 v60, v26;
	v17 =	vmul.f32 v2, v52  }
0x17d: {  	v12 =	vld.idx.msk [tilespmem:v37+s10+$0x0], $0xffff;
	v16 =	vor.u32 v50, v29;
	v2 =	vshll.u32 v22, $0xB;
	v22 =	vadd.s32 v48, v23  }
0x17e: {  	v27 =	vadd.s32 v53, v47;
	v35 =	vadd.s32 v2, v14;
	[tilespmem:v6+s15+$0x0] =	vst.idx.msk $0xffff, v17  }
0x17f: {  	v6 =	vor.u32 v56, v35;
	v4 =	vmul.f32 v4, v46;
	v13 =	vld.idx.msk [tilespmem:v40+s10+$0x0], $0xffff  }
0x180: {  	v7 =	vor.u32 $0x70, v56;
	v61 =	vadd.s32 v59, v36;
	v15 =	vmul.f32 v15, v49  }
0x181: {  	vm8 =	veq.s32 v28, $0x0;
	v28 =	vor.u32 $0x2000, v42;
	[tilespmem:v20+s15+$0x0] =	vst.idx.msk $0xffff, v4;
	v4 =	vor.u32 v7, v21  }
0x182: {  	v12 =	vmul.f32 v12, v33;
	[tilespmem:v16+s15+$0x0] =	vst.idx.msk $0xffff, v15;
	v16 =	vadd.s32 v28, v19;
	v15 =	vld.idx.msk [tilespmem:v22+s10+$0x0], $0xffff  }
0x183: {  	v24 =	vsel vm8, $0x0, v43;
	v17 =	vld.idx.msk [tilespmem:v27+s10+$0x0], $0xffff  }
0x184: {  	v63 =	vor.u32 v44, v26;
	[tilespmem:v6+s15+$0x0] =	vst.idx.msk $0xffff, v12;
	v6 =	vmul.f32 v13, v24  }
0x185: {  	v34 =	vor.u32 v55, v29;
	v20 =	vadd.s32 v57, v23;
	v14 =	vld.idx.msk [tilespmem:v61+s10+$0x0], $0xffff  }
0x186: {  	v22 =	vadd.s32 v11, v47;
	[tilespmem:v4+s15+$0x0] =	vst.idx.msk $0xffff, v6  }
0x187: {  	v4 =	vor.u32 v60, v35;
	v15 =	vmul.f32 v15, v62;
	v6 =	vld.idx.msk [tilespmem:v16+s10+$0x0], $0xffff  }
0x188: {  	v5 =	vor.u32 $0x400, v56;
	v17 =	vmul.f32 v17, v54;
	v16 =	vadd.s32 v48, v36  }
0x189: {  	v39 =	vor.u32 $0x2400, v42;
	vm8 =	veq.s32 v3, $0x0;
	v3 =	vadd.s32 v5, v21;
	[tilespmem:v63+s15+$0x0] =	vst.idx.msk $0xffff, v15  }
0x18a: {  	v40 =	vadd.s32 v39, v19;
	[tilespmem:v34+s15+$0x0] =	vst.idx.msk $0xffff, v17;
	v37 =	vmul.f32 v14, v46;
	v38 =	vld.idx.msk [tilespmem:v20+s10+$0x0], $0xffff  }
0x18b: {  	v8 =	vsel vm8, $0x0, v43;
	v15 =	vld.idx.msk [tilespmem:v22+s10+$0x0], $0xffff  }
0x18c: {  	[tilespmem:v4+s15+$0x0] =	vst.idx.msk $0xffff, v37;
	v4 =	vmul.f32 v6, v8;
	v6 =	vor.u32 v25, v26  }
0x18d: {  	v51 =	vor.u32 v58, v29;
	v17 =	vadd.s32 v45, v23;
	v16 =	vld.idx.msk [tilespmem:v16+s10+$0x0], $0xffff  }
0x18e: {  	[tilespmem:v3+s15+$0x0] =	vst.idx.msk $0xffff, v4  }
0x18f: {  	v20 =	vadd.s32 v41, v47;
	v3 =	vor.u32 v44, v35;
	v13 =	vmul.f32 v38, v32;
	v4 =	vld.idx.msk [tilespmem:v40+s10+$0x0], $0xffff  }
0x190: {  	v61 =	vor.u32 $0x410, v56;
	v15 =	vmul.f32 v15, v52;
	[tilespmem:$0x1F970] =	vst v32  }
0x191: {  	vm8 =	veq.s32 v1, $0x0;
	v1 =	vadd.s32 v61, v21;
	v34 =	vadd.s32 v57, v36;
	[tilespmem:v6+s15+$0x0] =	vst.idx.msk $0xffff, v13  }
0x192: {  	v2 =	vsel vm8, $0x0, v43;
	v63 =	vor.u32 $0x2800, v42;
	[tilespmem:v51+s15+$0x0] =	vst.idx.msk $0xffff, v15;
	v6 =	vmul.f32 v16, v62;
	v40 =	vld.idx.msk [tilespmem:v17+s10+$0x0], $0xffff  }
0x193: {  	v15 =	vadd.s32 v63, v19;
	[tilespmem:$0x1F790] =	vst v2  }
0x194: {  	s1 =	simm.s32 $0x16450;
	v16 =	vld.idx.msk [tilespmem:v20+s10+$0x0], $0xffff;
	[tilespmem:v3+s15+$0x0] =	vst.idx.msk $0xffff, v6;
	v3 =	vmul.f32 v4, v2;
	v4 =	vor.u32 v50, v26  }
0x195: {  	v38 =	vld [tilespmem:s1+$0x0]  }
0x196: {  	v6 =	vor.u32 v7, v29;
	v37 =	vld [tilespmem:s1+$0xFFFFFFF0]  }
0x197: {  	s28 =	simm.s32 $0x16C50;
	v20 =	vadd.s32 v53, v23;
	v17 =	vld.idx.msk [tilespmem:v34+s10+$0x0], $0xffff;
	[tilespmem:v1+s15+$0x0] =	vst.idx.msk $0xffff, v3;
	v3 =	vmul.f32 v40, v49  }
0x198: {  	v22 =	vadd.s32 v28, v47;
	v51 =	vor.u32 v25, v35;
	v27 =	vld [tilespmem:s28+$0x0]  }
0x199: {  	s1 =	simm.s32 $0x16850;
	v34 =	vor.u32 $0x2C00, v42;
	v1 =	vld.idx.msk [tilespmem:v15+s10+$0x0], $0xffff;
	v15 =	vmul.f32 v16, v24;
	[tilespmem:v4+s15+$0x0] =	vst.idx.msk $0xffff, v3  }
0x19a: {  	vm8 =	veq.s32 v9, $0x0;
	v13 =	vor.u32 $0x420, v56;
	v2 =	vmov v28;
	v16 =	vld [tilespmem:s1+$0x0];
	[tilespmem:$0x1F9A0] =	vst v34  }
0x19b: {  	v40 =	vsel vm8, $0x0, v43;
	v28 =	vadd.s32 v42, v38;
	v3 =	vadd.s32 v13, v21;
	[tilespmem:v6+s15+$0x0] =	vst.idx.msk $0xffff, v15  }
0x19c: {  	v9 =	vmul.f32 v17, v32;
	v4 =	vld.idx.msk [tilespmem:v20+s10+$0x0], $0xffff;
	v6 =	vadd.s32 v34, v19;
	[tilespmem:$0x1F940] =	vst v40  }
0x19d: {  	v20 =	vadd.s32 v45, v36;
	v22 =	vld.idx.msk [tilespmem:v22+s10+$0x0], $0xffff  }
0x19e: {  	vm8 =	veq.s32 v0, $0x0;
	v17 =	vor.u32 v55, v26;
	v1 =	vmul.f32 v1, v40;
	v30 =	vld [tilespmem:s1+$0xFFFFFFF0];
	[tilespmem:v51+s15+$0x0] =	vst.idx.msk $0xffff, v9  }
0x19f: {  	v31 =	vadd.s32 v11, v23;
	v0 =	vld [tilespmem:s28+$0xFFFFFFF0];
	v51 =	vsel vm8, $0x0, v43;
	[tilespmem:$0x1F7E0] =	vst v11  }
0x1a0: {  	vm8 =	veq.s32 v10, $0x0;
	v28 =	vld.idx.msk [tilespmem:v28+s10+$0x0], $0xffff;
	[tilespmem:v3+s15+$0x0] =	vst.idx.msk $0xffff, v1;
	v1 =	vshll.u32 v16, $0xB;
	v3 =	vshll.u32 v27, $0x7  }
0x1a1: {  	v10 =	vor.u32 $0x430, v56;
	v6 =	vld.idx.msk [tilespmem:v6+s10+$0x0], $0xffff;
	v9 =	vadd.s32 v1, v3;
	v1 =	vmul.f32 v4, v54  }
0x1a2: {  	v3 =	vld.idx.msk [tilespmem:v20+s10+$0x0], $0xffff;
	[tilespmem:$0x1F9E0] =	vst v10;
	v4 =	vor.u32 v56, v9  }
0x1a3: {  	v12 =	vmov v11;
	v11 =	vor.u32 $0x3000, v42;
	v16 =	vadd.s32 v42, v37;
	[tilespmem:v17+s15+$0x0] =	vst.idx.msk $0xffff, v1  }
0x1a4: {  	v20 =	vadd.s32 v59, v38;
	v1 =	vadd.s32 v10, v21;
	[tilespmem:$0x1F810] =	vst v11  }
0x1a5: {  	v32 =	vor.u32 v50, v35;
	v34 =	vadd.s32 v11, v19;
	v31 =	vld.idx.msk [tilespmem:v31+s10+$0x0], $0xffff;
	v10 =	vmul.f32 v28, v33  }
0x1a6: {  	v40 =	vadd.s32 v53, v36;
	v27 =	vadd.s32 v5, v29;
	v17 =	vmov v39  }
0x1a7: {  	v28 =	vshll.u32 v30, $0xB;
	v30 =	vor.u32 v58, v26;
	v6 =	vmul.f32 v6, v51;
	[tilespmem:v4+s15+$0x0] =	vst.idx.msk $0xffff, v10  }
0x1a8: {  	v39 =	vadd.s32 v39, v47;
	v0 =	vshll.u32 v0, $0x7;
	v15 =	vld.idx.msk [tilespmem:v16+s10+$0x0], $0xffff;
	v3 =	vmul.f32 v3, v49;
	[tilespmem:$0x1F850] =	vst v41  }
0x1a9: {  	v4 =	vadd.s32 v41, v23;
	v10 =	vadd.s32 v28, v0;
	v0 =	vld.idx.msk [tilespmem:v20+s10+$0x0], $0xffff;
	[tilespmem:v1+s15+$0x0] =	vst.idx.msk $0xffff, v6  }
0x1aa: {  	v16 =	vmov v41;
	v41 =	vor.u32 $0x440, v56;
	[tilespmem:v32+s15+$0x0] =	vst.idx.msk $0xffff, v3;
	v3 =	vld.idx.msk [tilespmem:v34+s10+$0x0], $0xffff;
	v6 =	vmul.f32 v31, v52  }
0x1ab: {  	v22 =	vmul.f32 v22, v8;
	v1 =	vor.u32 v56, v10;
	v31 =	vld.idx.msk [tilespmem:v40+s10+$0x0], $0xffff;
	[tilespmem:$0x1F870] =	vst v41  }
0x1ac: {  	v11 =	vor.u32 $0x3400, v42;
	v28 =	vadd.s32 v59, v37;
	v32 =	vor.u32 v60, v9;
	[tilespmem:v30+s15+$0x0] =	vst.idx.msk $0xffff, v6  }
0x1ad: {  	v34 =	vadd.s32 v48, v38;
	v14 =	vmul.f32 v15, v33;
	v6 =	vadd.s32 v41, v21;
	[tilespmem:$0x1F7C0] =	vst v11  }
0x1ae: {  	v30 =	vor.u32 v55, v35;
	v41 =	vadd.s32 v11, v19;
	v11 =	vsel vm8, $0x0, v43;
	[tilespmem:v27+s15+$0x0] =	vst.idx.msk $0xffff, v22  }
0x1af: {  	v4 =	vld.idx.msk [tilespmem:v4+s10+$0x0], $0xffff;
	v0 =	vmul.f32 v0, v46;
	[tilespmem:$0x1F880] =	vst v11  }
0x1b0: {  	v3 =	vmul.f32 v3, v11;
	[tilespmem:v1+s15+$0x0] =	vst.idx.msk $0xffff, v14  }
0x1b1: {  	v27 =	vor.u32 v7, v26;
	v1 =	vld.idx.msk [tilespmem:v39+s10+$0x0], $0xffff;
	[tilespmem:v32+s15+$0x0] =	vst.idx.msk $0xffff, v0;
	v0 =	vmul.f32 v31, v54  }
0x1b2: {  	v28 =	vld.idx.msk [tilespmem:v28+s10+$0x0], $0xffff;
	[tilespmem:v6+s15+$0x0] =	vst.idx.msk $0xffff, v3  }
0x1b3: {  	vm8 =	veq.s32 v18, $0x0;
	v18 =	vld.idx.msk [tilespmem:v34+s10+$0x0], $0xffff;
	[tilespmem:v30+s15+$0x0] =	vst.idx.msk $0xffff, v0  }
0x1b4: {  	v0 =	vld.idx.msk [tilespmem:v41+s10+$0x0], $0xffff;
	[tilespmem:$0x1F8D0] =	vst v24;
	v4 =	vmul.f32 v4, v24  }
0x1b5: {  	v22 =	vadd.s32 v12, v36;
	[tilespmem:$0x1F8C0] =	vst v63  }
0x1b6: {  	v31 =	vadd.s32 v2, v23;
	[tilespmem:v27+s15+$0x0] =	vst.idx.msk $0xffff, v4  }
0x1b7: {  	v11 =	vmov v7;
	v7 =	vmov v24;
	v24 =	vld [tilespmem:$0x1F790]  }
0x1b8: {  	v3 =	vor.u32 v60, v10  }
0x1b9: {  	v12 =	vor.u32 $0x3800, v42;
	v14 =	vmovc v63;
	v6 =	vadd.s32 v61, v29;
	v34 =	vadd.s32 v48, v37  }
0x1ba: {  	v32 =	vadd.s32 v63, v47;
	v39 =	vor.u32 v44, v9;
	v63 =	vor.u32 $0x450, v56;
	v22 =	vld.idx.msk [tilespmem:v22+s10+$0x0], $0xffff;
	[tilespmem:$0x1F910] =	vst v12  }
0x1bb: {  	v27 =	vmul.f32 v28, v46;
	v28 =	vld.idx.msk [tilespmem:v31+s10+$0x0], $0xffff;
	v31 =	vadd.s32 v63, v21  }
0x1bc: {  	v40 =	vor.u32 v58, v35;
	v1 =	vmul.f32 v1, v24  }
0x1bd: {  	v20 =	vsel vm8, $0x0, v43;
	v4 =	vadd.s32 v57, v38;
	[tilespmem:v3+s15+$0x0] =	vst.idx.msk $0xffff, v27;
	v3 =	vmul.f32 v18, v62  }
0x1be: {  	v0 =	vmul.f32 v0, v20;
	v27 =	vadd.s32 v5, v26;
	[tilespmem:v6+s15+$0x0] =	vst.idx.msk $0xffff, v1;
	v1 =	vld.idx.msk [tilespmem:v34+s10+$0x0], $0xffff  }
0x1bf: {  	v22 =	vmul.f32 v22, v52;
	[tilespmem:v39+s15+$0x0] =	vst.idx.msk $0xffff, v3  }
0x1c0: {  	[tilespmem:v31+s15+$0x0] =	vst.idx.msk $0xffff, v0;
	v0 =	vor.u32 v44, v10;
	v3 =	vld.idx.msk [tilespmem:v32+s10+$0x0], $0xffff;
	v32 =	vadd.s32 v17, v23  }
0x1c1: {  	v28 =	vmul.f32 v28, v8  }
0x1c2: {  	[tilespmem:v40+s15+$0x0] =	vst.idx.msk $0xffff, v22  }
0x1c3: {  	v4 =	vld.idx.msk [tilespmem:v4+s10+$0x0], $0xffff;
	[tilespmem:v27+s15+$0x0] =	vst.idx.msk $0xffff, v28;
	v1 =	vmul.f32 v1, v62  }
0x1c4: {  	v30 =	vmov v17;
	v18 =	vmov v5;
	v5 =	vld [tilespmem:$0x1F7A0]  }
0x1c5: {  	v39 =	vor.u32 $0x3C00, v42;
	v44 =	vor.u32 v25, v9;
	v17 =	vmov v25;
	v25 =	vld.idx.msk [tilespmem:v32+s10+$0x0], $0xffff;
	[tilespmem:v0+s15+$0x0] =	vst.idx.msk $0xffff, v1  }
0x1c6: {  	v41 =	vadd.s32 v12, v19;
	v32 =	vadd.s32 v39, v19;
	v19 =	vld [tilespmem:$0x1F970]  }
0x1c7: {  	v6 =	vadd.s32 v16, v36;
	_ =	sdelay $0x2  }
0x1c8: {  	vm8 =	veq.s32 v5, $0x0  }
0x1c9: {  	v31 =	vld.idx.msk [tilespmem:v41+s10+$0x0], $0xffff;
	v0 =	vmul.f32 v4, v19;
	v4 =	vsel vm8, $0x0, v43  }
0x1ca: {  	v6 =	vld.idx.msk [tilespmem:v6+s10+$0x0], $0xffff;
	[tilespmem:$0x1F980] =	vst v4  }
0x1cb: {  	v34 =	vld [tilespmem:$0x1F9A0];
	[tilespmem:v44+s15+$0x0] =	vst.idx.msk $0xffff, v0  }
0x1cc: {  	v22 =	vadd.s32 v57, v37;
	v16 =	vmov v52;
	v52 =	vor.u32 $0x460, v56;
	v5 =	vld [tilespmem:$0x1F940]  }
0x1cd: {  	v28 =	vadd.s32 v52, v21  }
0x1ce: {  	v40 =	vadd.s32 v13, v29;
	v27 =	vadd.s32 v45, v38;
	_ =	sdelay $0x1  }
0x1cf: {  	v1 =	vor.u32 v11, v35;
	v4 =	vmul.f32 v31, v4  }
0x1d0: {  	v41 =	vadd.s32 v61, v26;
	v31 =	vadd.s32 v34, v47;
	v0 =	vmul.f32 v3, v5;
	v3 =	vld.idx.msk [tilespmem:v22+s10+$0x0], $0xffff  }
0x1d1: {  	[tilespmem:v28+s15+$0x0] =	vst.idx.msk $0xffff, v4  }
0x1d2: {  	s1 =	simm.s32 $0x16470;
	v6 =	vmul.f32 v6, v7;
	v4 =	vld.idx.msk [tilespmem:v27+s10+$0x0], $0xffff;
	[tilespmem:v40+s15+$0x0] =	vst.idx.msk $0xffff, v0;
	v40 =	vor.u32 v17, v10  }
0x1d3: {  	v28 =	vmul.f32 v25, v24;
	v25 =	vld [tilespmem:s1+$0x0]  }
0x1d4: {  	v15 =	vmov v2;
	v27 =	vadd.s32 v2, v36;
	[tilespmem:v1+s15+$0x0] =	vst.idx.msk $0xffff, v6;
	v2 =	vor.u32 $0x470, v56;
	v0 =	vld.idx.msk [tilespmem:v32+s10+$0x0], $0xffff  }
0x1d5: {  	[tilespmem:v41+s15+$0x0] =	vst.idx.msk $0xffff, v28;
	v22 =	vadd.s32 v14, v23;
	v1 =	vld.idx.msk [tilespmem:v31+s10+$0x0], $0xffff;
	v3 =	vmul.f32 v3, v19  }
0x1d6: {  	[tilespmem:$0x1F7D0] =	vst v2;
	v41 =	vld [tilespmem:$0x1F7B0]  }
0x1d7: {  	[tilespmem:v40+s15+$0x0] =	vst.idx.msk $0xffff, v3  }
0x1d8: {  	v7 =	vld [tilespmem:$0x1F9E0];
	_ =	sdelay $0x1  }
0x1d9: {  	v6 =	vor.u32 v50, v9;
	v22 =	vld.idx.msk [tilespmem:v22+s10+$0x0], $0xffff  }
0x1da: {  	v28 =	vadd.s32 v2, v21;
	v4 =	vmul.f32 v4, v49;
	vm8 =	veq.s32 v41, $0x0  }
0x1db: {  	v31 =	vadd.s32 v53, v38;
	v41 =	vadd.s32 v13, v26;
	v2 =	vsel vm8, $0x0, v43  }
0x1dc: {  	s28 =	simm.s32 $0x16870;
	v14 =	vld.idx.msk [tilespmem:v27+s10+$0x0], $0xffff;
	v40 =	vadd.s32 v42, v25;
	[tilespmem:$0x1F9D0] =	vst v2;
	v3 =	vadd.s32 v7, v29  }
0x1dd: {  	s29 =	simm.s32 $0x16C70;
	v0 =	vmul.f32 v0, v2;
	v27 =	vld [tilespmem:s28+$0x0]  }
0x1de: {  	v32 =	vld [tilespmem:s29+$0x0];
	[tilespmem:v6+s15+$0x0] =	vst.idx.msk $0xffff, v4;
	v4 =	vmul.f32 v22, v5  }
0x1df: {  	v44 =	vmov v24;
	v24 =	vld [tilespmem:s1+$0xFFFFFFF0];
	[tilespmem:v28+s15+$0x0] =	vst.idx.msk $0xffff, v0;
	v0 =	vmul.f32 v1, v51  }
0x1e0: {  	v1 =	vld.idx.msk [tilespmem:v31+s10+$0x0], $0xffff;
	[tilespmem:v41+s15+$0x0] =	vst.idx.msk $0xffff, v4  }
0x1e1: {  	v4 =	vld.idx.msk [tilespmem:v40+s10+$0x0], $0xffff;
	[tilespmem:v3+s15+$0x0] =	vst.idx.msk $0xffff, v0  }
0x1e2: {  	v6 =	vadd.s32 v18, v35;
	v22 =	vadd.s32 v34, v23;
	v5 =	vld [tilespmem:$0x1F7E0]  }
0x1e3: {  	v28 =	vor.u32 v55, v9;
	v27 =	vshll.u32 v27, $0xB;
	v31 =	vshll.u32 v32, $0x7;
	v3 =	vld [tilespmem:s28+$0xFFFFFFF0]  }
0x1e4: {  	v12 =	vmovc v8;
	v21 =	vmov v13;
	v27 =	vadd.s32 v27, v31;
	v0 =	vadd.s32 v45, v37  }
0x1e5: {  	v13 =	vmovc v34;
	v34 =	vld [tilespmem:s29+$0xFFFFFFF0];
	v32 =	vadd.s32 v42, v24;
	v31 =	vmul.f32 v14, v12;
	v41 =	vor.u32 v56, v27  }
0x1e6: {  	v1 =	vmul.f32 v1, v54  }
0x1e7: {  	[tilespmem:v6+s15+$0x0] =	vst.idx.msk $0xffff, v31;
	v6 =	vld.idx.msk [tilespmem:v22+s10+$0x0], $0xffff;
	v40 =	vadd.s32 v5, v38  }
0x1e8: {  	[tilespmem:v28+s15+$0x0] =	vst.idx.msk $0xffff, v1;
	v1 =	vshll.u32 v3, $0xB;
	v3 =	vmul.f32 v4, v33  }
0x1e9: {  	v22 =	vadd.s32 v7, v26;
	v0 =	vld.idx.msk [tilespmem:v0+s10+$0x0], $0xffff;
	v4 =	vadd.s32 v30, v36  }
0x1ea: {  	v28 =	vshll.u32 v34, $0x7;
	v34 =	vadd.s32 v59, v25;
	v31 =	vld.idx.msk [tilespmem:v32+s10+$0x0], $0xffff;
	[tilespmem:v41+s15+$0x0] =	vst.idx.msk $0xffff, v3  }
0x1eb: {  	v32 =	vor.u32 v50, v10;
	v2 =	vld [tilespmem:$0x1F810]  }
0x1ec: {  	v28 =	vadd.s32 v1, v28;
	v3 =	vmul.f32 v6, v51;
	v1 =	vld.idx.msk [tilespmem:v40+s10+$0x0], $0xffff  }
0x1ed: {  	v14 =	vor.u32 v56, v28  }
0x1ee: {  	v43 =	vor.u32 v58, v9;
	[tilespmem:v22+s15+$0x0] =	vst.idx.msk $0xffff, v3;
	v0 =	vmul.f32 v0, v49;
	v3 =	vld.idx.msk [tilespmem:v4+s10+$0x0], $0xffff  }
0x1ef: {  	v4 =	vld.idx.msk [tilespmem:v34+s10+$0x0], $0xffff  }
0x1f0: {  	[tilespmem:v32+s15+$0x0] =	vst.idx.msk $0xffff, v0;
	v0 =	vmul.f32 v31, v33;
	v31 =	vadd.s32 v61, v35  }
0x1f1: {  	v32 =	vor.u32 v60, v27;
	v6 =	vadd.s32 v2, v23;
	[tilespmem:$0x1F860] =	vst v16;
	v1 =	vmul.f32 v1, v16  }
0x1f2: {  	[tilespmem:v14+s15+$0x0] =	vst.idx.msk $0xffff, v0  }
0x1f3: {  	v14 =	vld [tilespmem:$0x1F850];
	v3 =	vmul.f32 v3, v44;
	[tilespmem:v43+s15+$0x0] =	vst.idx.msk $0xffff, v1  }
0x1f4: {  	v41 =	vadd.s32 v53, v37;
	v22 =	vadd.s32 v2, v47;
	v4 =	vmul.f32 v4, v46;
	v2 =	vld [tilespmem:$0x1F870]  }
0x1f5: {  	[tilespmem:v31+s15+$0x0] =	vst.idx.msk $0xffff, v3  }
0x1f6: {  	v0 =	vld.idx.msk [tilespmem:v6+s10+$0x0], $0xffff;
	[tilespmem:v32+s15+$0x0] =	vst.idx.msk $0xffff, v4  }
0x1f7: {  	v7 =	vld [tilespmem:$0x1F880];
	_ =	sdelay $0x1  }
0x1f8: {  	v1 =	vld.idx.msk [tilespmem:v41+s10+$0x0], $0xffff;
	v6 =	vadd.s32 v14, v38;
	v40 =	vadd.s32 v2, v26  }
0x1f9: {  	v34 =	vadd.s32 v59, v24  }
0x1fa: {  	v41 =	vor.u32 v55, v10  }
0x1fb: {  	v3 =	vld.idx.msk [tilespmem:v22+s10+$0x0], $0xffff;
	v0 =	vmul.f32 v0, v7  }
0x1fc: {  	v19 =	vmov v18;
	v18 =	vmov v12;
	v12 =	vmov v30;
	v30 =	vld [tilespmem:$0x1F7C0]  }
0x1fd: {  	v1 =	vmul.f32 v1, v54;
	v4 =	vld.idx.msk [tilespmem:v6+s10+$0x0], $0xffff;
	[tilespmem:v40+s15+$0x0] =	vst.idx.msk $0xffff, v0  }
0x1fe: {  	v43 =	vadd.s32 v48, v25;
	v6 =	vadd.s32 v2, v29;
	v2 =	vld.idx.msk [tilespmem:v34+s10+$0x0], $0xffff;
	[tilespmem:$0x1F8A0] =	vst v11  }
0x1ff: {  	[tilespmem:v41+s15+$0x0] =	vst.idx.msk $0xffff, v1  }
0x200: {  	v0 =	vld [tilespmem:$0x1FA30]  }
0x201: {  	v3 =	vmul.f32 v3, v7;
	v7 =	vld [tilespmem:$0x1F8D0]  }
0x202: {  	v22 =	vadd.s32 v30, v23;
	v34 =	vor.u32 v60, v28  }
0x203: {  	v31 =	vadd.s32 v5, v37;
	v32 =	vor.u32 v11, v9;
	v1 =	vld.idx.msk [tilespmem:v43+s10+$0x0], $0xffff;
	_ =	sdelay $0x1  }
0x204: {  	v2 =	vmul.f32 v2, v46;
	v41 =	vadd.s32 v48, v24;
	[tilespmem:$0x1F8E0] =	vst v15;
	v43 =	vor.u32 v0, v27  }
0x205: {  	[tilespmem:v6+s15+$0x0] =	vst.idx.msk $0xffff, v3;
	v4 =	vmul.f32 v4, v7  }
0x206: {  	v40 =	vadd.s32 v15, v38;
	v3 =	vld.idx.msk [tilespmem:v22+s10+$0x0], $0xffff;
	[tilespmem:v34+s15+$0x0] =	vst.idx.msk $0xffff, v2  }
0x207: {  	v1 =	vmul.f32 v1, v62;
	[tilespmem:v32+s15+$0x0] =	vst.idx.msk $0xffff, v4;
	v4 =	vld.idx.msk [tilespmem:v31+s10+$0x0], $0xffff  }
0x208: {  	v34 =	vld [tilespmem:$0x1F910]  }
0x209: {  	v22 =	vadd.s32 v63, v26;
	[tilespmem:v43+s15+$0x0] =	vst.idx.msk $0xffff, v1;
	v1 =	vld.idx.msk [tilespmem:v41+s10+$0x0], $0xffff  }
0x20a: {  	v6 =	vadd.s32 v57, v25;
	v31 =	vor.u32 v58, v10;
	v2 =	vld [tilespmem:$0x1F8C0]  }
0x20b: {  	v5 =	vld.idx.msk [tilespmem:v40+s10+$0x0], $0xffff  }
0x20c: {  	v3 =	vmul.f32 v3, v20;
	v41 =	vadd.s32 v30, v47;
	v43 =	vor.u32 v0, v28  }
0x20d: {  	v40 =	vadd.s32 v19, v9;
	v4 =	vmul.f32 v4, v16;
	v32 =	vadd.s32 v34, v23  }
0x20e: {  	v17 =	vmov v44;
	[tilespmem:v22+s15+$0x0] =	vst.idx.msk $0xffff, v3  }
0x20f: {  	v3 =	vld.idx.msk [tilespmem:v6+s10+$0x0], $0xffff;
	[tilespmem:v31+s15+$0x0] =	vst.idx.msk $0xffff, v4;
	v1 =	vmul.f32 v1, v62;
	v44 =	vadd.s32 v2, v36  }
0x210: {  	v0 =	vmul.f32 v5, v18;
	v5 =	vld [tilespmem:$0x1FA40]  }
0x211: {  	[tilespmem:v43+s15+$0x0] =	vst.idx.msk $0xffff, v1;
	v1 =	vld.idx.msk [tilespmem:v41+s10+$0x0], $0xffff  }
0x212: {  	[tilespmem:v40+s15+$0x0] =	vst.idx.msk $0xffff, v0;
	v4 =	vld.idx.msk [tilespmem:v32+s10+$0x0], $0xffff  }
0x213: {  	v6 =	vadd.s32 v14, v37;
	v14 =	vld [tilespmem:$0x1F970]  }
0x214: {  	v0 =	vld.idx.msk [tilespmem:v44+s10+$0x0], $0xffff  }
0x215: {  	v8 =	vmov v45;
	v40 =	vadd.s32 v45, v25;
	[tilespmem:$0x1F9C0] =	vst v45;
	v45 =	vld [tilespmem:$0x1F980]  }
0x216: {  	v32 =	vor.u32 v5, v27  }
0x217: {  	v22 =	vadd.s32 v12, v38;
	v16 =	vmov v12;
	v12 =	vadd.s32 v52, v26;
	_ =	sdelay $0x1  }
0x218: {  	v3 =	vmul.f32 v3, v14  }
0x219: {  	v4 =	vmul.f32 v4, v45  }
0x21a: {  	[tilespmem:v32+s15+$0x0] =	vst.idx.msk $0xffff, v3  }
0x21b: {  	v31 =	vadd.s32 v57, v24;
	[tilespmem:v12+s15+$0x0] =	vst.idx.msk $0xffff, v4  }
0x21c: {  	v12 =	vld [tilespmem:$0x1F940];
	_ =	sdelay $0x1  }
0x21d: {  	v41 =	vadd.s32 v21, v35;
	v6 =	vld.idx.msk [tilespmem:v6+s10+$0x0], $0xffff  }
0x21e: {  	v43 =	vadd.s32 v63, v29;
	v22 =	vld.idx.msk [tilespmem:v22+s10+$0x0], $0xffff  }
0x21f: {  	v3 =	vld.idx.msk [tilespmem:v31+s10+$0x0], $0xffff;
	v32 =	vor.u32 v11, v10  }
0x220: {  	v23 =	vadd.s32 v39, v23;
	v4 =	vadd.s32 v61, v9;
	v0 =	vmul.f32 v0, v12  }
0x221: {  	v1 =	vmul.f32 v1, v20;
	v31 =	vadd.s32 v34, v47;
	v34 =	vld.idx.msk [tilespmem:v40+s10+$0x0], $0xffff;
	v40 =	vor.u32 v5, v28  }
0x222: {  	[tilespmem:v41+s15+$0x0] =	vst.idx.msk $0xffff, v0;
	v0 =	vmul.f32 v6, v7  }
0x223: {  	v22 =	vmul.f32 v22, v17;
	[tilespmem:v43+s15+$0x0] =	vst.idx.msk $0xffff, v1  }
0x224: {  	v3 =	vmul.f32 v3, v14;
	[tilespmem:v32+s15+$0x0] =	vst.idx.msk $0xffff, v0  }
0x225: {  	v6 =	vadd.s32 v15, v37;
	v15 =	vld [tilespmem:$0x1F7D0];
	[tilespmem:v4+s15+$0x0] =	vst.idx.msk $0xffff, v22  }
0x226: {  	v44 =	vadd.s32 v13, v36;
	v5 =	vld.idx.msk [tilespmem:v23+s10+$0x0], $0xffff;
	[tilespmem:v40+s15+$0x0] =	vst.idx.msk $0xffff, v3  }
0x227: {  	v11 =	vadd.s32 v2, v38;
	v2 =	vld [tilespmem:$0x1F9D0];
	_ =	sdelay $0x3  }
0x228: {  	v1 =	vld.idx.msk [tilespmem:v44+s10+$0x0], $0xffff  }
0x229: {  	v5 =	vmul.f32 v5, v2;
	v2 =	vld [tilespmem:$0x1F9E0]  }
0x22a: {  	v44 =	vor.u32 v50, v27;
	v0 =	vld.idx.msk [tilespmem:v31+s10+$0x0], $0xffff  }
0x22b: {  	v6 =	vld.idx.msk [tilespmem:v6+s10+$0x0], $0xffff;
	v31 =	vadd.s32 v15, v26  }
0x22c: {  	s1 =	simm.s32 $0x16490;
	v3 =	vld.idx.msk [tilespmem:v11+s10+$0x0], $0xffff  }
0x22d: {  	v43 =	vadd.s32 v19, v10;
	v4 =	vmul.f32 v34, v49;
	v26 =	vld [tilespmem:s1+$0x0]  }
0x22e: {  	s30 =	simm.s32 $0x16C90;
	v32 =	vadd.s32 v53, v25;
	v22 =	vadd.s32 v2, v35  }
0x22f: {  	s29 =	simm.s32 $0x16890;
	v40 =	vld [tilespmem:s30+$0x0];
	[tilespmem:v44+s15+$0x0] =	vst.idx.msk $0xffff, v4;
	v4 =	vadd.s32 v21, v9  }
0x230: {  	v6 =	vmul.f32 v6, v18;
	[tilespmem:v31+s15+$0x0] =	vst.idx.msk $0xffff, v5;
	v5 =	vld [tilespmem:s29+$0x0];
	v31 =	vadd.s32 v52, v29  }
0x231: {  	v7 =	vld [tilespmem:s29+$0xFFFFFFF0];
	v1 =	vmul.f32 v1, v51  }
0x232: {  	v34 =	vld [tilespmem:s1+$0xFFFFFFF0];
	v3 =	vmul.f32 v3, v12;
	[tilespmem:v43+s15+$0x0] =	vst.idx.msk $0xffff, v6;
	v41 =	vadd.s32 v42, v26  }
0x233: {  	v14 =	vadd.s32 v13, v38;
	v0 =	vmul.f32 v0, v45;
	[tilespmem:v22+s15+$0x0] =	vst.idx.msk $0xffff, v1;
	v1 =	vld.idx.msk [tilespmem:v32+s10+$0x0], $0xffff  }
0x234: {  	[tilespmem:v4+s15+$0x0] =	vst.idx.msk $0xffff, v3;
	v3 =	vadd.s32 v8, v24  }
0x235: {  	v4 =	vld [tilespmem:s30+$0xFFFFFFF0];
	[tilespmem:v31+s15+$0x0] =	vst.idx.msk $0xffff, v0;
	v5 =	vshll.u32 v5, $0xB;
	v31 =	vshll.u32 v40, $0x7;
	v32 =	vor.u32 v55, v27  }
0x236: {  	v31 =	vadd.s32 v5, v31;
	v5 =	vshll.u32 v7, $0xB;
	v7 =	vld [tilespmem:$0x1F7E0]  }
0x237: {  	v0 =	vld.idx.msk [tilespmem:v41+s10+$0x0], $0xffff;
	v22 =	vadd.s32 v42, v34  }
0x238: {  	v6 =	vld.idx.msk [tilespmem:v14+s10+$0x0], $0xffff;
	v1 =	vmul.f32 v1, v54  }
0x239: {  	v41 =	vor.u32 v56, v31  }
0x23a: {  	v13 =	vadd.s32 v2, v9;
	v3 =	vld.idx.msk [tilespmem:v3+s10+$0x0], $0xffff;
	[tilespmem:v32+s15+$0x0] =	vst.idx.msk $0xffff, v1  }
0x23b: {  	v43 =	vadd.s32 v16, v37;
	v14 =	vmov v16;
	v40 =	vadd.s32 v7, v25;
	v16 =	vld [tilespmem:$0x1F810]  }
0x23c: {  	v0 =	vmul.f32 v0, v33;
	v1 =	vld.idx.msk [tilespmem:v22+s10+$0x0], $0xffff;
	[tilespmem:$0x1F7F0] =	vst v50  }
0x23d: {  	v4 =	vshll.u32 v4, $0x7;
	v6 =	vmul.f32 v6, v51;
	[tilespmem:$0x1F800] =	vst v51  }
0x23e: {  	v5 =	vadd.s32 v5, v4;
	v4 =	vor.u32 v50, v28;
	[tilespmem:v41+s15+$0x0] =	vst.idx.msk $0xffff, v0  }
0x23f: {  	[tilespmem:v13+s15+$0x0] =	vst.idx.msk $0xffff, v6  }
0x240: {  	v51 =	vor.u32 v56, v5;
	v0 =	vld.idx.msk [tilespmem:v40+s10+$0x0], $0xffff;
	[tilespmem:$0x1F820] =	vst v49;
	v50 =	vadd.s32 v16, v38  }
0x241: {  	v3 =	vmul.f32 v3, v49;
	v6 =	vld.idx.msk [tilespmem:v43+s10+$0x0], $0xffff;
	[tilespmem:$0x1F830] =	vst v33  }
0x242: {  	[tilespmem:$0x1F840] =	vst v53  }
0x243: {  	v1 =	vmul.f32 v1, v33;
	[tilespmem:v4+s15+$0x0] =	vst.idx.msk $0xffff, v3  }
0x244: {  	v33 =	vld [tilespmem:$0x1F850]  }
0x245: {  	[tilespmem:v51+s15+$0x0] =	vst.idx.msk $0xffff, v1;
	v1 =	vld.idx.msk [tilespmem:v50+s10+$0x0], $0xffff  }
0x246: {  	v50 =	vld [tilespmem:$0x1F860]  }
0x247: {  	v22 =	vadd.s32 v59, v26;
	v4 =	vadd.s32 v61, v10  }
0x248: {  	v13 =	vor.u32 v58, v27;
	_ =	sdelay $0x1  }
0x249: {  	v6 =	vmul.f32 v6, v17  }
0x24a: {  	v51 =	vld [tilespmem:$0x1F870];
	v0 =	vmul.f32 v0, v50  }
0x24b: {  	v40 =	vadd.s32 v53, v24;
	v3 =	vld.idx.msk [tilespmem:v22+s10+$0x0], $0xffff;
	[tilespmem:v4+s15+$0x0] =	vst.idx.msk $0xffff, v6  }
0x24c: {  	v22 =	vadd.s32 v33, v25;
	[tilespmem:v13+s15+$0x0] =	vst.idx.msk $0xffff, v0  }
0x24d: {  	v43 =	vor.u32 v60, v31;
	v13 =	vld [tilespmem:$0x1F880];
	_ =	sdelay $0x1  }
0x24e: {  	v53 =	vadd.s32 v51, v9  }
0x24f: {  	v3 =	vmul.f32 v3, v46;
	v0 =	vld.idx.msk [tilespmem:v40+s10+$0x0], $0xffff  }
0x250: {  	v4 =	vld.idx.msk [tilespmem:v22+s10+$0x0], $0xffff;
	[tilespmem:$0x1F890] =	vst v55  }
0x251: {  	[tilespmem:v43+s15+$0x0] =	vst.idx.msk $0xffff, v3;
	v1 =	vmul.f32 v1, v13  }
0x252: {  	v8 =	vld [tilespmem:$0x1F8A0]  }
0x253: {  	v32 =	vadd.s32 v59, v34;
	[tilespmem:v53+s15+$0x0] =	vst.idx.msk $0xffff, v1  }
0x254: {  	v12 =	vmov v19;
	v19 =	vmov v18;
	v44 =	vadd.s32 v48, v26;
	v18 =	vld [tilespmem:$0x1F8C0]  }
0x255: {  	v6 =	vor.u32 v55, v28;
	v23 =	vld [tilespmem:$0x1F8D0]  }
0x256: {  	v22 =	vadd.s32 v30, v38;
	v1 =	vadd.s32 v7, v24;
	v7 =	vld [tilespmem:$0x1FA30]  }
0x257: {  	v40 =	vor.u32 v8, v27;
	v53 =	vld [tilespmem:$0x1F8E0]  }
0x258: {  	v3 =	vld.idx.msk [tilespmem:v32+s10+$0x0], $0xffff;
	v32 =	vadd.s32 v16, v36;
	v0 =	vmul.f32 v0, v54  }
0x259: {  	v43 =	vor.u32 v60, v5;
	v11 =	vld.idx.msk [tilespmem:v44+s10+$0x0], $0xffff;
	[tilespmem:$0x1F8B0] =	vst v54  }
0x25a: {  	[tilespmem:v6+s15+$0x0] =	vst.idx.msk $0xffff, v0;
	v41 =	vadd.s32 v18, v37;
	v4 =	vmul.f32 v4, v23  }
0x25b: {  	v0 =	vld.idx.msk [tilespmem:v22+s10+$0x0], $0xffff;
	[tilespmem:$0x1F8F0] =	vst v48;
	v55 =	vor.u32 v7, v31  }
0x25c: {  	v54 =	vadd.s32 v53, v25;
	[tilespmem:v40+s15+$0x0] =	vst.idx.msk $0xffff, v4  }
0x25d: {  	v3 =	vmul.f32 v3, v46;
	v6 =	vadd.s32 v48, v34;
	v4 =	vld.idx.msk [tilespmem:v32+s10+$0x0], $0xffff;
	[tilespmem:$0x1F900] =	vst v46  }
0x25e: {  	v11 =	vmul.f32 v11, v62;
	v32 =	vadd.s32 v63, v9;
	v1 =	vld.idx.msk [tilespmem:v1+s10+$0x0], $0xffff  }
0x25f: {  	v40 =	vadd.s32 v51, v35;
	[tilespmem:v43+s15+$0x0] =	vst.idx.msk $0xffff, v3;
	v3 =	vld.idx.msk [tilespmem:v41+s10+$0x0], $0xffff  }
0x260: {  	v48 =	vld [tilespmem:$0x1F910];
	[tilespmem:v55+s15+$0x0] =	vst.idx.msk $0xffff, v11  }
0x261: {  	v0 =	vmul.f32 v0, v20;
	v11 =	vld.idx.msk [tilespmem:v54+s10+$0x0], $0xffff;
	[tilespmem:$0x1F920] =	vst v58  }
0x262: {  	v6 =	vld.idx.msk [tilespmem:v6+s10+$0x0], $0xffff;
	[tilespmem:$0x1F930] =	vst v21;
	v4 =	vmul.f32 v4, v13  }
0x263: {  	[tilespmem:v32+s15+$0x0] =	vst.idx.msk $0xffff, v0  }
0x264: {  	[tilespmem:v40+s15+$0x0] =	vst.idx.msk $0xffff, v4  }
0x265: {  	v22 =	vadd.s32 v57, v26;
	v43 =	vor.u32 v58, v28;
	v2 =	vld [tilespmem:$0x1F940]  }
0x266: {  	v41 =	vadd.s32 v48, v38  }
0x267: {  	v55 =	vadd.s32 v21, v10  }
0x268: {  	v54 =	vadd.s32 v30, v36;
	v1 =	vmul.f32 v1, v50  }
0x269: {  	v58 =	vadd.s32 v12, v27  }
0x26a: {  	v0 =	vld.idx.msk [tilespmem:v22+s10+$0x0], $0xffff;
	v22 =	vor.u32 v7, v5;
	[tilespmem:v43+s15+$0x0] =	vst.idx.msk $0xffff, v1;
	v3 =	vmul.f32 v3, v2  }
0x26b: {  	v4 =	vld.idx.msk [tilespmem:v41+s10+$0x0], $0xffff;
	[tilespmem:$0x1F950] =	vst v19  }
0x26c: {  	v49 =	vmov v17;
	v1 =	vmul.f32 v11, v19;
	v17 =	vld [tilespmem:$0x1FA40];
	[tilespmem:v55+s15+$0x0] =	vst.idx.msk $0xffff, v3  }
0x26d: {  	v6 =	vmul.f32 v6, v62;
	v3 =	vld.idx.msk [tilespmem:v54+s10+$0x0], $0xffff;
	[tilespmem:$0x1F960] =	vst v62  }
0x26e: {  	[tilespmem:v58+s15+$0x0] =	vst.idx.msk $0xffff, v1  }
0x26f: {  	[tilespmem:v22+s15+$0x0] =	vst.idx.msk $0xffff, v6  }
0x270: {  	v33 =	vadd.s32 v33, v24;
	v6 =	vld [tilespmem:$0x1F970]  }
0x271: {  	v2 =	vld [tilespmem:$0x1F980]  }
0x272: {  	v11 =	vor.u32 v17, v31  }
0x273: {  	v54 =	vadd.s32 v52, v9;
	_ =	sdelay $0x1  }
0x274: {  	v7 =	vld.idx.msk [tilespmem:v33+s10+$0x0], $0xffff;
	v0 =	vmul.f32 v0, v6;
	v6 =	vadd.s32 v63, v35  }
0x275: {  	v1 =	vadd.s32 v39, v47;
	v4 =	vmul.f32 v4, v2  }
0x276: {  	v22 =	vor.u32 v8, v28;
	[tilespmem:v11+s15+$0x0] =	vst.idx.msk $0xffff, v0  }
0x277: {  	[tilespmem:v54+s15+$0x0] =	vst.idx.msk $0xffff, v4;
	v0 =	vmul.f32 v3, v20  }
0x278: {  	v55 =	vadd.s32 v14, v25;
	[tilespmem:$0x1F990] =	vst v20  }
0x279: {  	v7 =	vmul.f32 v7, v23;
	v2 =	vld [tilespmem:$0x1F9A0];
	[tilespmem:v6+s15+$0x0] =	vst.idx.msk $0xffff, v0  }
0x27a: {  	v1 =	vld.idx.msk [tilespmem:v1+s10+$0x0], $0xffff;
	[tilespmem:$0x1F9B0] =	vst v57  }
0x27b: {  	[tilespmem:v22+s15+$0x0] =	vst.idx.msk $0xffff, v7  }
0x27c: {  	v19 =	vadd.s32 v15, v29;
	v58 =	vmov v15;
	v15 =	vld [tilespmem:$0x1F9C0]  }
0x27d: {  	v62 =	vadd.s32 v39, v38;
	v22 =	vld.idx.msk [tilespmem:v55+s10+$0x0], $0xffff  }
0x27e: {  	v0 =	vadd.s32 v57, v34;
	v6 =	vld [tilespmem:$0x1F9D0];
	_ =	sdelay $0x1  }
0x27f: {  	v3 =	vadd.s32 v2, v37  }
0x280: {  	v44 =	vadd.s32 v53, v24;
	v46 =	vadd.s32 v18, v25;
	v7 =	vadd.s32 v15, v26  }
0x281: {  	v32 =	vadd.s32 v14, v24;
	v40 =	vadd.s32 v61, v28;
	v49 =	vmul.f32 v22, v49;
	v22 =	vld.idx.msk [tilespmem:v62+s10+$0x0], $0xffff  }
0x282: {  	v29 =	vadd.s32 v52, v35;
	v4 =	vadd.s32 v48, v36;
	v38 =	vmul.f32 v1, v6;
	v6 =	vld.idx.msk [tilespmem:v0+s10+$0x0], $0xffff  }
0x283: {  	v43 =	vor.u32 v17, v5;
	v17 =	vadd.s32 v30, v37;
	v33 =	vadd.s32 v16, v37;
	v0 =	vld [tilespmem:$0x1F9E0]  }
0x284: {  	v23 =	vadd.s32 v39, v37;
	v11 =	vmov v48;
	v48 =	vadd.s32 v39, v36;
	v45 =	vld.idx.msk [tilespmem:v3+s10+$0x0], $0xffff  }
0x285: {  	v13 =	vmov v12;
	v39 =	vadd.s32 v63, v10;
	v30 =	vadd.s32 v11, v37;
	v50 =	vld.idx.msk [tilespmem:v7+s10+$0x0], $0xffff;
	[tilespmem:$0x1F9F0] =	vst v63  }
0x286: {  	v20 =	vadd.s32 v51, v10;
	v2 =	vadd.s32 v58, v35;
	v37 =	vadd.s32 v18, v24;
	[tilespmem:$0x1FA00] =	vst v13  }
0x287: {  	v8 =	vmov v42;
	v35 =	vadd.s32 v52, v10;
	v3 =	vadd.s32 v13, v28;
	v41 =	vld.idx.msk [tilespmem:v4+s10+$0x0], $0xffff;
	[tilespmem:$0x1FA10] =	vst v52  }
0x288: {  	s31 =	simm.s32 $0x8;
	s28 =	sshll.u32 s23, $0x1;
	s1 =	simm.s32 $0x164B0;
	v47 =	vadd.s32 v15, v34;
	v36 =	vadd.s32 v0, v10;
	v4 =	vadd.s32 v61, v27;
	[tilespmem:$0x1FA20] =	vst v61  }
.LBB2_3:
0x289: {  	v7 =	vld [tilespmem:s1+$0x0]  }
0x28a: {  	v53 =	vld [tilespmem:$0x1F7F0]  }
0x28b: {  	v54 =	vld [tilespmem:$0x1F7D0]  }
0x28c: {  	v18 =	vld [tilespmem:$0x1F970]  }
0x28d: {  	v13 =	vld [tilespmem:$0x1F820]  }
0x28e: {  	v21 =	vld [tilespmem:$0x1F800]  }
0x28f: {  	v11 =	vld [tilespmem:$0x1F9D0]  }
0x290: {  	v58 =	vld [tilespmem:$0x1F930]  }
0x291: {  	[tilespmem:v19+s15+$0x0] =	vst.idx.msk $0xffff, v38;
	v19 =	vld [tilespmem:$0x1F940]  }
0x292: {  	v51 =	vor.u32 $0x1400, v42;
	v0 =	vmovc v24;
	v24 =	vmov v34;
	v1 =	vmov v8;
	v34 =	vld [tilespmem:s1+$0xFFFFFFF0]  }
0x293: {  	v14 =	vmov v2;
	v2 =	vmov v39;
	[tilespmem:v4+s15+$0x0] =	vst.idx.msk $0xffff, v49;
	v44 =	vld.idx.msk [tilespmem:v44+s10+$0x0], $0xffff;
	v52 =	vor.u32 v53, v31  }
0x294: {  	v8 =	vmov v42;
	[tilespmem:$0x1F780] =	vst v2;
	v63 =	vadd.s32 v51, v26;
	v39 =	vadd.s32 v51, v24;
	v46 =	vld.idx.msk [tilespmem:v46+s10+$0x0], $0xffff  }
0x295: {  	s29 =	sadd.s32 $0x20, s29;
	v15 =	vld [tilespmem:$0x1F950];
	v4 =	vadd.s32 v54, v9;
	v9 =	vmovc v27;
	v2 =	vmul.f32 v6, v18;
	v55 =	vmul.f32 v50, v13  }
0x296: {  	v57 =	vmul.f32 v45, v21;
	v27 =	vmovc v31;
	v31 =	vld [tilespmem:s29+$0x0];
	v51 =	vadd.s32 v42, v7;
	v45 =	vadd.s32 v58, v28  }
0x297: {  	s30 =	sadd.s32 $0x20, s30;
	v49 =	vadd.s32 v58, v9;
	v61 =	vadd.s32 v42, v34;
	v58 =	vmov v42;
	v42 =	vld [tilespmem:$0x1F980];
	[tilespmem:v43+s15+$0x0] =	vst.idx.msk $0xffff, v2  }
0x298: {  	v12 =	vmul.f32 v22, v11;
	v43 =	vld [tilespmem:s30+$0x0];
	[tilespmem:v52+s15+$0x0] =	vst.idx.msk $0xffff, v55  }
0x299: {  	v38 =	vld.idx.msk [tilespmem:v63+s10+$0x0], $0xffff  }
0x29a: {  	[tilespmem:v4+s15+$0x0] =	vst.idx.msk $0xffff, v12;
	v4 =	vld [tilespmem:s29+$0xFFFFFFF0]  }
0x29b: {  	v22 =	vor.u32 $0x2C00, v1;
	[tilespmem:v36+s15+$0x0] =	vst.idx.msk $0xffff, v57;
	v57 =	vld [tilespmem:$0x1F890]  }
0x29c: {  	v62 =	vadd.s32 v22, v25;
	v12 =	vld [tilespmem:$0x1F8B0]  }
0x29d: {  	v36 =	vld [tilespmem:s30+$0xFFFFFFF0]  }
0x29e: {  	v46 =	vmul.f32 v46, v19;
	v63 =	vmul.f32 v41, v42;
	v41 =	vmov v30;
	v30 =	vld.idx.msk [tilespmem:v47+s10+$0x0], $0xffff  }
0x29f: {  	v6 =	vor.u32 v53, v5;
	v2 =	vadd.s32 v54, v10;
	v10 =	vmovc v28;
	v28 =	vmov v5;
	v51 =	vld.idx.msk [tilespmem:v51+s10+$0x0], $0xffff  }
0x2a0: {  	v5 =	vor.u32 $0x1800, v8;
	[tilespmem:v49+s15+$0x0] =	vst.idx.msk $0xffff, v46;
	v47 =	vor.u32 v57, v28;
	v54 =	vor.u32 v57, v27;
	v57 =	vld [tilespmem:$0x1F9E0]  }
0x2a1: {  	v44 =	vmul.f32 v44, v15;
	v55 =	vadd.s32 v5, v24;
	v46 =	vld.idx.msk [tilespmem:v62+s10+$0x0], $0xffff  }
0x2a2: {  	v5 =	vadd.s32 v5, v26;
	v31 =	vshll.u32 v31, $0xB;
	v43 =	vshll.u32 v43, $0x7;
	[tilespmem:v29+s15+$0x0] =	vst.idx.msk $0xffff, v63;
	v63 =	vld [tilespmem:$0x1F830]  }
0x2a3: {  	v31 =	vadd.s32 v31, v43;
	v49 =	vld.idx.msk [tilespmem:v61+s10+$0x0], $0xffff;
	[tilespmem:v3+s15+$0x0] =	vst.idx.msk $0xffff, v44;
	v38 =	vmul.f32 v38, v12  }
0x2a4: {  	v29 =	vmov v35;
	v35 =	vor.u32 v56, v31;
	v61 =	vadd.s32 v59, v7;
	v3 =	vld.idx.msk [tilespmem:v33+s10+$0x0], $0xffff  }
0x2a5: {  	v32 =	vld.idx.msk [tilespmem:v32+s10+$0x0], $0xffff;
	v4 =	vshll.u32 v4, $0xB;
	[tilespmem:v54+s15+$0x0] =	vst.idx.msk $0xffff, v38;
	v38 =	vor.u32 $0x3000, v1;
	v62 =	vadd.s32 v57, v9  }
0x2a6: {  	v36 =	vshll.u32 v36, $0x7;
	v30 =	vmul.f32 v30, v13;
	v13 =	vld [tilespmem:$0x1F920];
	v52 =	vadd.s32 v38, v25  }
0x2a7: {  	v50 =	vld.idx.msk [tilespmem:v5+s10+$0x0], $0xffff;
	v5 =	vadd.s32 v4, v36;
	v4 =	vmul.f32 v51, v63  }
0x2a8: {  	v46 =	vmul.f32 v46, v21;
	v21 =	vld [tilespmem:$0x1F860]  }
0x2a9: {  	v51 =	vld.idx.msk [tilespmem:v48+s10+$0x0], $0xffff;
	[tilespmem:v35+s15+$0x0] =	vst.idx.msk $0xffff, v4  }
0x2aa: {  	v33 =	vld.idx.msk [tilespmem:v61+s10+$0x0], $0xffff;
	[tilespmem:v62+s15+$0x0] =	vst.idx.msk $0xffff, v46  }
0x2ab: {  	[tilespmem:v6+s15+$0x0] =	vst.idx.msk $0xffff, v30;
	v6 =	vld.idx.msk [tilespmem:v52+s10+$0x0], $0xffff  }
0x2ac: {  	v35 =	vor.u32 v13, v27;
	v52 =	vor.u32 v13, v28;
	v13 =	vld [tilespmem:$0x1F8F0];
	_ =	sdelay $0x1  }
0x2ad: {  	v16 =	vld [tilespmem:$0x1F790];
	v36 =	vor.u32 v56, v5  }
0x2ae: {  	v44 =	vadd.s32 v59, v34  }
0x2af: {  	v48 =	vmov v23;
	v23 =	vmul.f32 v49, v63;
	v63 =	vmul.f32 v50, v21  }
0x2b0: {  	v4 =	vor.u32 $0x1C00, v8;
	v50 =	vadd.s32 v13, v7;
	v54 =	vadd.s32 v13, v34;
	v13 =	vld [tilespmem:$0x1F900]  }
0x2b1: {  	v53 =	vadd.s32 v4, v26;
	[tilespmem:v35+s15+$0x0] =	vst.idx.msk $0xffff, v63;
	v63 =	vld [tilespmem:$0x1F870]  }
0x2b2: {  	v32 =	vmul.f32 v32, v16;
	v30 =	vld.idx.msk [tilespmem:v39+s10+$0x0], $0xffff;
	[tilespmem:v36+s15+$0x0] =	vst.idx.msk $0xffff, v23;
	v23 =	vor.u32 v60, v31  }
0x2b3: {  	v49 =	vor.u32 v60, v5;
	v60 =	vld.idx.msk [tilespmem:v44+s10+$0x0], $0xffff  }
0x2b4: {  	[tilespmem:v40+s15+$0x0] =	vst.idx.msk $0xffff, v32;
	v40 =	vld [tilespmem:$0x1F880]  }
0x2b5: {  	v62 =	vmov v59;
	v59 =	vld [tilespmem:$0x1FA30];
	v44 =	vmul.f32 v33, v13  }
0x2b6: {  	v53 =	vld.idx.msk [tilespmem:v53+s10+$0x0], $0xffff;
	v39 =	vadd.s32 v63, v9  }
0x2b7: {  	v35 =	vor.u32 $0x3400, v1;
	[tilespmem:v23+s15+$0x0] =	vst.idx.msk $0xffff, v44;
	v44 =	vld [tilespmem:$0x1F8A0]  }
0x2b8: {  	v56 =	vadd.s32 v35, v25;
	v23 =	vmul.f32 v30, v12  }
0x2b9: {  	v6 =	vmul.f32 v6, v40;
	v12 =	vld [tilespmem:$0x1F8D0]  }
0x2ba: {  	v3 =	vmul.f32 v3, v40;
	v33 =	vadd.s32 v38, v0;
	v38 =	vld.idx.msk [tilespmem:v50+s10+$0x0], $0xffff;
	[tilespmem:v47+s15+$0x0] =	vst.idx.msk $0xffff, v23  }
0x2bb: {  	v46 =	vor.u32 v59, v5;
	[tilespmem:v39+s15+$0x0] =	vst.idx.msk $0xffff, v6;
	v47 =	vld.idx.msk [tilespmem:v55+s10+$0x0], $0xffff  }
0x2bc: {  	[tilespmem:v20+s15+$0x0] =	vst.idx.msk $0xffff, v3;
	v3 =	vor.u32 v59, v31;
	v59 =	vmov v62;
	v62 =	vld [tilespmem:$0x1F9F0];
	v32 =	vor.u32 v44, v27  }
0x2bd: {  	v30 =	vor.u32 $0x2000, v8;
	v23 =	vld.idx.msk [tilespmem:v56+s10+$0x0], $0xffff  }
0x2be: {  	v36 =	vadd.s32 v57, v10;
	v40 =	vadd.s32 v30, v26;
	v50 =	vmul.f32 v60, v13;
	v56 =	vld [tilespmem:$0x1F9B0]  }
0x2bf: {  	v13 =	vld [tilespmem:$0x1F960];
	v57 =	vor.u32 v44, v28;
	v44 =	vadd.s32 v30, v24;
	v30 =	vmul.f32 v53, v12;
	_ =	sdelay $0x1  }
0x2c0: {  	v39 =	vadd.s32 v62, v10;
	[tilespmem:v32+s15+$0x0] =	vst.idx.msk $0xffff, v30;
	v32 =	vadd.s32 v62, v9;
	v62 =	vld [tilespmem:$0x1F990]  }
0x2c1: {  	v61 =	vld [tilespmem:$0x1FA40];
	v6 =	vadd.s32 v63, v10  }
0x2c2: {  	v20 =	vmov v6;
	v37 =	vld.idx.msk [tilespmem:v37+s10+$0x0], $0xffff;
	v6 =	vadd.s32 v56, v7  }
0x2c3: {  	v4 =	vadd.s32 v4, v24;
	v60 =	vld.idx.msk [tilespmem:v17+s10+$0x0], $0xffff;
	v53 =	vadd.s32 v56, v34;
	v56 =	vmul.f32 v38, v13  }
0x2c4: {  	[tilespmem:v49+s15+$0x0] =	vst.idx.msk $0xffff, v50;
	v63 =	vmul.f32 v47, v21;
	v40 =	vld.idx.msk [tilespmem:v40+s10+$0x0], $0xffff  }
0x2c5: {  	[tilespmem:v3+s15+$0x0] =	vst.idx.msk $0xffff, v56;
	v3 =	vld [tilespmem:$0x1FA00];
	v23 =	vmul.f32 v23, v62  }
0x2c6: {  	v49 =	vld.idx.msk [tilespmem:v54+s10+$0x0], $0xffff;
	[tilespmem:v52+s15+$0x0] =	vst.idx.msk $0xffff, v63  }
0x2c7: {  	v30 =	vor.u32 $0x3800, v1;
	v6 =	vld.idx.msk [tilespmem:v6+s10+$0x0], $0xffff;
	[tilespmem:v32+s15+$0x0] =	vst.idx.msk $0xffff, v23;
	v23 =	vmul.f32 v37, v19  }
0x2c8: {  	v55 =	vadd.s32 v30, v25;
	v52 =	vld.idx.msk [tilespmem:v4+s10+$0x0], $0xffff  }
0x2c9: {  	[tilespmem:v45+s15+$0x0] =	vst.idx.msk $0xffff, v23;
	v23 =	vld [tilespmem:$0x1F9C0]  }
0x2ca: {  	v38 =	vmul.f32 v51, v11;
	v63 =	vld [tilespmem:$0x1FA10];
	v51 =	vadd.s32 v3, v27  }
0x2cb: {  	v50 =	vor.u32 $0x2400, v8  }
0x2cc: {  	v54 =	vadd.s32 v50, v26;
	v47 =	vmul.f32 v40, v15;
	v40 =	vor.u32 v61, v31  }
0x2cd: {  	v37 =	vld.idx.msk [tilespmem:v55+s10+$0x0], $0xffff  }
0x2ce: {  	v32 =	vadd.s32 v50, v24;
	v50 =	vadd.s32 v23, v7  }
0x2cf: {  	v11 =	vmul.f32 v6, v18;
	[tilespmem:v51+s15+$0x0] =	vst.idx.msk $0xffff, v47;
	v51 =	vadd.s32 v63, v9  }
0x2d0: {  	v22 =	vadd.s32 v22, v0;
	v35 =	vadd.s32 v35, v0;
	v1 =	vor.u32 $0x3C00, v1  }
0x2d1: {  	v30 =	vadd.s32 v30, v0;
	v4 =	vmul.f32 v49, v13;
	v49 =	vld.idx.msk [tilespmem:v54+s10+$0x0], $0xffff;
	[tilespmem:v40+s15+$0x0] =	vst.idx.msk $0xffff, v11  }
0x2d2: {  	v47 =	vadd.s32 v23, v34;
	v23 =	vadd.s32 v1, v0;
	v0 =	vmul.f32 v37, v42  }
0x2d3: {  	v50 =	vld.idx.msk [tilespmem:v50+s10+$0x0], $0xffff  }
0x2d4: {  	[tilespmem:v51+s15+$0x0] =	vst.idx.msk $0xffff, v0;
	v0 =	vld [tilespmem:$0x1F780];
	_ =	sdelay $0x2  }
0x2d5: {  	v45 =	vld.idx.msk [tilespmem:v22+s10+$0x0], $0xffff  }
0x2d6: {  	s31 =	sadd.s32 $0x2, s31;
	v13 =	vadd.s32 v1, v25;
	v22 =	vld [tilespmem:$0x1FA20]  }
0x2d7: {  	p1 =	slt.u32 s31, $0x3E  }
.Ltmp0:
0x2d8: {  	v43 =	vor.u32 v61, v5;
	v17 =	vmovc v35;
	v25 =	vmovc v26;
	v19 =	vmov v14;
	v14 =	vmul.f32 v60, v62;
	(pc) =	sbr.rel @p1 .LBB2_3-.Ltmp0, $4  }
0x2d9: {  	v26 =	vmov v7;
	v35 =	vadd.s32 v63, v10;
	v60 =	vld [tilespmem:$0x1FFF0];
	[tilespmem:v46+s15+$0x0] =	vst.idx.msk $0xffff, v4;
	v11 =	vmul.f32 v52, v12  }
0x2da: {  	v3 =	vadd.s32 v3, v28;
	v6 =	vld.idx.msk [tilespmem:v53+s10+$0x0], $0xffff;
	v42 =	vmov v58;
	v1 =	vor.u32 $0x2800, v8;
	[tilespmem:v0+s15+$0x0] =	vst.idx.msk $0xffff, v14  }
0x2db: {  	v56 =	vlaneseq.u32;
	v4 =	vadd.s32 v22, v27;
	v40 =	vadd.s32 v22, v28;
	v22 =	vld.idx.msk [tilespmem:v13+s10+$0x0], $0xffff;
	[tilespmem:v57+s15+$0x0] =	vst.idx.msk $0xffff, v11  }
0x2dc: {  	s1 =	sadd.s32 $0x20, s1;
	v46 =	vadd.s32 v1, v25;
	v37 =	vadd.s32 v1, v24;
	v49 =	vmul.f32 v49, v16;
	v41 =	vld.idx.msk [tilespmem:v41+s10+$0x0], $0xffff  }
0x2dd: {  	v0 =	vld [tilespmem:$0x1F970];
	_ =	sdelay $0x4  }
0x2de: {  	v0 =	vmul.f32 v6, v0;
	_ =	sdelay $0x1  }
0x2df: {  	[tilespmem:v43+s15+$0x0] =	vst.idx.msk $0xffff, v0  }
0x2e0: {  	v62 =	vld [tilespmem:$0x1F7F0];
	_ =	sdelay $0x2  }
0x2e1: {  	v12 =	vld [tilespmem:$0x1F820];
	_ =	sdelay $0x1  }
0x2e2: {  	v1 =	vld.idx.msk [tilespmem:v47+s10+$0x0], $0xffff;
	v0 =	vor.u32 v62, v31;
	_ =	sdelay $0x1  }
0x2e3: {  	v63 =	vld [tilespmem:$0x1F840];
	v7 =	vor.u32 v62, v5  }
0x2e4: {  	v54 =	vmul.f32 v50, v12;
	_ =	sdelay $0x1  }
0x2e5: {  	[tilespmem:v0+s15+$0x0] =	vst.idx.msk $0xffff, v54;
	v0 =	vmul.f32 v1, v12;
	_ =	sdelay $0x1  }
0x2e6: {  	v6 =	vadd.s32 v63, v26;
	[tilespmem:v7+s15+$0x0] =	vst.idx.msk $0xffff, v0  }
0x2e7: {  	v7 =	vld [tilespmem:$0x1F890];
	_ =	sdelay $0x1  }
0x2e8: {  	v53 =	vadd.s32 v63, v34;
	_ =	sdelay $0x1  }
0x2e9: {  	v1 =	vld.idx.msk [tilespmem:v6+s10+$0x0], $0xffff  }
0x2ea: {  	v0 =	vor.u32 v7, v31;
	v57 =	vor.u32 v7, v5;
	v7 =	vld [tilespmem:$0x1F8B0];
	_ =	sdelay $0x1  }
0x2eb: {  	v6 =	vld.idx.msk [tilespmem:v53+s10+$0x0], $0xffff;
	_ =	sdelay $0x2  }
0x2ec: {  	v1 =	vmul.f32 v1, v7;
	_ =	sdelay $0x1  }
0x2ed: {  	[tilespmem:v0+s15+$0x0] =	vst.idx.msk $0xffff, v1;
	v0 =	vmul.f32 v6, v7  }
0x2ee: {  	v58 =	vor.u32 $0x1800, v42  }
0x2ef: {  	v55 =	vadd.s32 v58, v26;
	[tilespmem:v57+s15+$0x0] =	vst.idx.msk $0xffff, v0  }
0x2f0: {  	v7 =	vld [tilespmem:$0x1F920];
	_ =	sdelay $0x1  }
0x2f1: {  	v12 =	vadd.s32 v58, v34;
	_ =	sdelay $0x1  }
0x2f2: {  	v1 =	vld.idx.msk [tilespmem:v55+s10+$0x0], $0xffff  }
0x2f3: {  	v6 =	vor.u32 $0x1C00, v42;
	v0 =	vor.u32 v7, v31;
	v11 =	vor.u32 v7, v5;
	v7 =	vld [tilespmem:$0x1F860]  }
0x2f4: {  	[tilespmem:$0x1F6A0] =	vst v6  }
0x2f5: {  	v61 =	vld.idx.msk [tilespmem:v12+s10+$0x0], $0xffff;
	_ =	sdelay $0x2  }
0x2f6: {  	v1 =	vmul.f32 v1, v7;
	_ =	sdelay $0x1  }
0x2f7: {  	v52 =	vadd.s32 v6, v26;
	[tilespmem:v0+s15+$0x0] =	vst.idx.msk $0xffff, v1;
	v0 =	vmul.f32 v61, v7;
	_ =	sdelay $0x1  }
0x2f8: {  	[tilespmem:v11+s15+$0x0] =	vst.idx.msk $0xffff, v0  }
0x2f9: {  	v53 =	vadd.s32 v6, v34;
	v7 =	vld [tilespmem:$0x1F8A0];
	_ =	sdelay $0x1  }
0x2fa: {  	v1 =	vld.idx.msk [tilespmem:v52+s10+$0x0], $0xffff  }
0x2fb: {  	v6 =	vor.u32 $0x2000, v42;
	v15 =	vld [tilespmem:$0x1F8D0]  }
0x2fc: {  	[tilespmem:$0x1F6B0] =	vst v6  }
0x2fd: {  	v54 =	vld.idx.msk [tilespmem:v53+s10+$0x0], $0xffff;
	v0 =	vor.u32 v7, v31;
	_ =	sdelay $0x1  }
0x2fe: {  	v55 =	vor.u32 v7, v5  }
0x2ff: {  	v1 =	vmul.f32 v1, v15;
	_ =	sdelay $0x1  }
0x300: {  	v11 =	vadd.s32 v6, v26;
	[tilespmem:v0+s15+$0x0] =	vst.idx.msk $0xffff, v1;
	v0 =	vmul.f32 v54, v15;
	_ =	sdelay $0x1  }
0x301: {  	[tilespmem:v55+s15+$0x0] =	vst.idx.msk $0xffff, v0  }
0x302: {  	v51 =	vadd.s32 v6, v34;
	v7 =	vld [tilespmem:$0x1FA00];
	_ =	sdelay $0x1  }
0x303: {  	v1 =	vld.idx.msk [tilespmem:v11+s10+$0x0], $0xffff  }
0x304: {  	v6 =	vor.u32 $0x2400, v42;
	v12 =	vld [tilespmem:$0x1F950]  }
0x305: {  	v44 =	vld.idx.msk [tilespmem:v44+s10+$0x0], $0xffff;
	[tilespmem:$0x1F6C0] =	vst v6  }
0x306: {  	v47 =	vld.idx.msk [tilespmem:v51+s10+$0x0], $0xffff;
	v0 =	vadd.s32 v7, v31;
	_ =	sdelay $0x1  }
0x307: {  	v61 =	vadd.s32 v7, v5  }
0x308: {  	v1 =	vmul.f32 v1, v12  }
0x309: {  	v44 =	vmul.f32 v44, v12  }
0x30a: {  	v57 =	vadd.s32 v6, v26;
	[tilespmem:v0+s15+$0x0] =	vst.idx.msk $0xffff, v1;
	v0 =	vmul.f32 v47, v12  }
0x30b: {  	[tilespmem:v3+s15+$0x0] =	vst.idx.msk $0xffff, v44  }
0x30c: {  	[tilespmem:v61+s15+$0x0] =	vst.idx.msk $0xffff, v0  }
0x30d: {  	v52 =	vadd.s32 v6, v34;
	v6 =	vld [tilespmem:$0x1FA20];
	_ =	sdelay $0x1  }
0x30e: {  	v3 =	vld.idx.msk [tilespmem:v57+s10+$0x0], $0xffff;
	[tilespmem:v4+s15+$0x0] =	vst.idx.msk $0xffff, v49  }
0x30f: {  	v1 =	vld [tilespmem:$0x1F790];
	_ =	sdelay $0x1  }
0x310: {  	v32 =	vld.idx.msk [tilespmem:v32+s10+$0x0], $0xffff;
	v0 =	vadd.s32 v6, v31  }
0x311: {  	v55 =	vld.idx.msk [tilespmem:v52+s10+$0x0], $0xffff;
	_ =	sdelay $0x1  }
0x312: {  	v61 =	vadd.s32 v6, v5;
	v3 =	vmul.f32 v3, v1  }
0x313: {  	v51 =	vor.u32 $0x2800, v42  }
0x314: {  	v57 =	vadd.s32 v51, v26;
	v32 =	vmul.f32 v32, v1;
	[tilespmem:v0+s15+$0x0] =	vst.idx.msk $0xffff, v3  }
0x315: {  	v0 =	vmul.f32 v55, v1;
	v52 =	vld [tilespmem:$0x1F930]  }
0x316: {  	v4 =	vadd.s32 v51, v34;
	[tilespmem:v40+s15+$0x0] =	vst.idx.msk $0xffff, v32  }
0x317: {  	v46 =	vld.idx.msk [tilespmem:v46+s10+$0x0], $0xffff;
	[tilespmem:v61+s15+$0x0] =	vst.idx.msk $0xffff, v0  }
0x318: {  	v0 =	vld [tilespmem:$0x1F940]  }
0x319: {  	v6 =	vor.u32 $0x2C00, v42;
	v32 =	vld.idx.msk [tilespmem:v57+s10+$0x0], $0xffff  }
0x31a: {  	v37 =	vld.idx.msk [tilespmem:v37+s10+$0x0], $0xffff;
	[tilespmem:$0x1F770] =	vst v6;
	v13 =	vadd.s32 v52, v27  }
0x31b: {  	v4 =	vld.idx.msk [tilespmem:v4+s10+$0x0], $0xffff;
	v54 =	vadd.s32 v52, v31  }
0x31c: {  	v55 =	vadd.s32 v52, v28  }
0x31d: {  	v61 =	vadd.s32 v52, v5;
	v46 =	vmul.f32 v46, v0  }
0x31e: {  	v3 =	vor.u32 $0x2C00, v8;
	v32 =	vmul.f32 v32, v0  }
0x31f: {  	v53 =	vadd.s32 v3, v25;
	v37 =	vmul.f32 v37, v0;
	[tilespmem:v13+s15+$0x0] =	vst.idx.msk $0xffff, v46  }
0x320: {  	v57 =	vadd.s32 v6, v26;
	v4 =	vmul.f32 v4, v0;
	[tilespmem:v54+s15+$0x0] =	vst.idx.msk $0xffff, v32  }
0x321: {  	v3 =	vadd.s32 v3, v24;
	v1 =	vld [tilespmem:$0x1F9E0];
	[tilespmem:v55+s15+$0x0] =	vst.idx.msk $0xffff, v37  }
0x322: {  	v13 =	vadd.s32 v6, v34;
	[tilespmem:v61+s15+$0x0] =	vst.idx.msk $0xffff, v4  }
0x323: {  	v0 =	vld [tilespmem:$0x1F800]  }
0x324: {  	v40 =	vld.idx.msk [tilespmem:v53+s10+$0x0], $0xffff  }
0x325: {  	v6 =	vor.u32 $0x3000, v42;
	v53 =	vld.idx.msk [tilespmem:v57+s10+$0x0], $0xffff  }
0x326: {  	v3 =	vld.idx.msk [tilespmem:v3+s10+$0x0], $0xffff;
	[tilespmem:$0x1F6E0] =	vst v6;
	v32 =	vadd.s32 v1, v27  }
0x327: {  	v13 =	vld.idx.msk [tilespmem:v13+s10+$0x0], $0xffff;
	v4 =	vadd.s32 v1, v31  }
0x328: {  	v55 =	vadd.s32 v1, v28;
	v45 =	vmul.f32 v45, v0  }
0x329: {  	v61 =	vadd.s32 v1, v5;
	v40 =	vmul.f32 v40, v0  }
0x32a: {  	v15 =	vor.u32 $0x3000, v8;
	v43 =	vmul.f32 v53, v0;
	[tilespmem:v36+s15+$0x0] =	vst.idx.msk $0xffff, v45  }
0x32b: {  	v54 =	vadd.s32 v15, v25;
	v3 =	vmul.f32 v3, v0;
	[tilespmem:v32+s15+$0x0] =	vst.idx.msk $0xffff, v40  }
0x32c: {  	v57 =	vadd.s32 v6, v26;
	[tilespmem:v4+s15+$0x0] =	vst.idx.msk $0xffff, v43;
	v4 =	vmul.f32 v13, v0  }
0x32d: {  	v15 =	vadd.s32 v15, v24;
	v50 =	vadd.s32 v6, v34;
	v6 =	vld [tilespmem:$0x1F870];
	[tilespmem:v55+s15+$0x0] =	vst.idx.msk $0xffff, v3  }
0x32e: {  	v33 =	vld.idx.msk [tilespmem:v33+s10+$0x0], $0xffff;
	[tilespmem:v61+s15+$0x0] =	vst.idx.msk $0xffff, v4  }
0x32f: {  	v0 =	vld [tilespmem:$0x1F880]  }
0x330: {  	v53 =	vld.idx.msk [tilespmem:v54+s10+$0x0], $0xffff  }
0x331: {  	v1 =	vor.u32 $0x3400, v42;
	v3 =	vld.idx.msk [tilespmem:v57+s10+$0x0], $0xffff  }
0x332: {  	v15 =	vld.idx.msk [tilespmem:v15+s10+$0x0], $0xffff;
	[tilespmem:$0x1F700] =	vst v1;
	v13 =	vadd.s32 v6, v27  }
0x333: {  	v37 =	vld.idx.msk [tilespmem:v50+s10+$0x0], $0xffff;
	v4 =	vadd.s32 v6, v31  }
0x334: {  	v55 =	vadd.s32 v6, v28;
	v33 =	vmul.f32 v33, v0  }
0x335: {  	v61 =	vadd.s32 v6, v5;
	v36 =	vmul.f32 v53, v0  }
0x336: {  	v12 =	vor.u32 $0x3400, v8;
	v3 =	vmul.f32 v3, v0;
	[tilespmem:v20+s15+$0x0] =	vst.idx.msk $0xffff, v33  }
0x337: {  	v54 =	vadd.s32 v12, v25;
	v15 =	vmul.f32 v15, v0;
	[tilespmem:v13+s15+$0x0] =	vst.idx.msk $0xffff, v36  }
0x338: {  	v57 =	vadd.s32 v1, v26;
	[tilespmem:v4+s15+$0x0] =	vst.idx.msk $0xffff, v3;
	v3 =	vmul.f32 v37, v0  }
0x339: {  	v6 =	vld [tilespmem:$0x1F9F0];
	[tilespmem:v55+s15+$0x0] =	vst.idx.msk $0xffff, v15  }
0x33a: {  	v17 =	vld.idx.msk [tilespmem:v17+s10+$0x0], $0xffff;
	[tilespmem:v61+s15+$0x0] =	vst.idx.msk $0xffff, v3  }
0x33b: {  	v0 =	vld [tilespmem:$0x1F990]  }
0x33c: {  	v12 =	vadd.s32 v12, v24;
	v32 =	vld.idx.msk [tilespmem:v54+s10+$0x0], $0xffff  }
0x33d: {  	v20 =	vld.idx.msk [tilespmem:v57+s10+$0x0], $0xffff  }
0x33e: {  	v13 =	vadd.s32 v1, v34;
	v16 =	vadd.s32 v6, v27  }
0x33f: {  	v3 =	vadd.s32 v6, v31  }
0x340: {  	v1 =	vor.u32 $0x3800, v42;
	v17 =	vmul.f32 v17, v0  }
0x341: {  	v12 =	vld.idx.msk [tilespmem:v12+s10+$0x0], $0xffff;
	[tilespmem:$0x1F730] =	vst v1;
	v32 =	vmul.f32 v32, v0  }
0x342: {  	v4 =	vor.u32 $0x3800, v8;
	v20 =	vmul.f32 v20, v0;
	[tilespmem:v39+s15+$0x0] =	vst.idx.msk $0xffff, v17  }
0x343: {  	v15 =	vadd.s32 v4, v25;
	v43 =	vadd.s32 v1, v26;
	v13 =	vld.idx.msk [tilespmem:v13+s10+$0x0], $0xffff;
	[tilespmem:v16+s15+$0x0] =	vst.idx.msk $0xffff, v32  }
0x344: {  	v40 =	vadd.s32 v6, v28;
	v16 =	vadd.s32 v1, v34;
	v1 =	vld [tilespmem:$0x1F980];
	[tilespmem:v3+s15+$0x0] =	vst.idx.msk $0xffff, v20  }
0x345: {  	v4 =	vadd.s32 v4, v24;
	v44 =	vadd.s32 v6, v5;
	v6 =	vld [tilespmem:$0x1FA10];
	_ =	sdelay $0x1  }
0x346: {  	v12 =	vmul.f32 v12, v0  }
0x347: {  	v15 =	vld.idx.msk [tilespmem:v15+s10+$0x0], $0xffff  }
0x348: {  	v30 =	vld.idx.msk [tilespmem:v30+s10+$0x0], $0xffff;
	[tilespmem:v40+s15+$0x0] =	vst.idx.msk $0xffff, v12  }
0x349: {  	v3 =	vmul.f32 v13, v0;
	v4 =	vld.idx.msk [tilespmem:v4+s10+$0x0], $0xffff;
	v17 =	vmul.f32 v41, v1;
	v13 =	vadd.s32 v6, v27  }
0x34a: {  	v18 =	vld.idx.msk [tilespmem:v43+s10+$0x0], $0xffff  }
0x34b: {  	v8 =	vor.u32 $0x3C00, v8;
	[tilespmem:v29+s15+$0x0] =	vst.idx.msk $0xffff, v17;
	v17 =	vadd.s32 v6, v28  }
0x34c: {  	v0 =	vor.u32 $0x3C00, v42;
	[tilespmem:v44+s15+$0x0] =	vst.idx.msk $0xffff, v3;
	v15 =	vmul.f32 v15, v1;
	v3 =	vadd.s32 v6, v31  }
0x34d: {  	v12 =	vadd.s32 v8, v25;
	v8 =	vadd.s32 v8, v24;
	v24 =	vmul.f32 v30, v1;
	[tilespmem:$0x1F750] =	vst v0  }
0x34e: {  	v4 =	vmul.f32 v4, v1;
	v16 =	vld.idx.msk [tilespmem:v16+s10+$0x0], $0xffff;
	[tilespmem:v13+s15+$0x0] =	vst.idx.msk $0xffff, v15  }
0x34f: {  	v15 =	vmul.f32 v18, v1;
	v61 =	vld [tilespmem:$0x1F7D0];
	[tilespmem:v35+s15+$0x0] =	vst.idx.msk $0xffff, v24  }
0x350: {  	v20 =	vadd.s32 v0, v26;
	[tilespmem:v17+s15+$0x0] =	vst.idx.msk $0xffff, v4  }
0x351: {  	v25 =	vadd.s32 v6, v5;
	v14 =	vld.idx.msk [tilespmem:v48+s10+$0x0], $0xffff;
	[tilespmem:v3+s15+$0x0] =	vst.idx.msk $0xffff, v15  }
0x352: {  	v13 =	vadd.s32 v0, v34;
	v0 =	vld [tilespmem:$0x1F9D0];
	_ =	sdelay $0x1  }
0x353: {  	v18 =	vld.idx.msk [tilespmem:v23+s10+$0x0], $0xffff;
	v3 =	vmul.f32 v16, v1  }
0x354: {  	v16 =	vld.idx.msk [tilespmem:v20+s10+$0x0], $0xffff;
	v9 =	vadd.s32 v61, v9  }
0x355: {  	v12 =	vld.idx.msk [tilespmem:v12+s10+$0x0], $0xffff;
	[tilespmem:v25+s15+$0x0] =	vst.idx.msk $0xffff, v3;
	v4 =	vadd.s32 v61, v10  }
0x356: {  	v11 =	vadd.s32 v61, v31;
	v13 =	vld.idx.msk [tilespmem:v13+s10+$0x0], $0xffff;
	v3 =	vmul.f32 v14, v0  }
0x357: {  	v8 =	vld.idx.msk [tilespmem:v8+s10+$0x0], $0xffff;
	[tilespmem:v19+s15+$0x0] =	vst.idx.msk $0xffff, v38;
	v15 =	vadd.s32 v61, v27;
	v10 =	vmul.f32 v22, v0  }
0x358: {  	[tilespmem:v2+s15+$0x0] =	vst.idx.msk $0xffff, v3;
	v2 =	vmul.f32 v18, v0;
	v3 =	vadd.s32 v61, v5  }
0x359: {  	v5 =	vmul.f32 v16, v0;
	[tilespmem:v9+s15+$0x0] =	vst.idx.msk $0xffff, v10;
	v9 =	vadd.s32 v61, v28  }
0x35a: {  	s1 =	sadd.s32 s5, s28;
	v10 =	vmul.f32 v12, v0;
	[tilespmem:v4+s15+$0x0] =	vst.idx.msk $0xffff, v2  }
0x35b: {  	s28 =	sshll.u32 s1, $0x8;
	[tilespmem:v11+s15+$0x0] =	vst.idx.msk $0xffff, v5;
	v4 =	vmul.f32 v13, v0  }
0x35c: {  	s1 =	sshll.u32 s1, $0xB;
	s28 =	sand.u32 $0xE00, s28;
	v2 =	vmul.f32 v8, v0;
	[tilespmem:v15+s15+$0x0] =	vst.idx.msk $0xffff, v10  }
0x35d: {  	s1 =	sand.u32 $0xFFF8000, s1;
	s28 =	sadd.s32 s2, s28;
	[tilespmem:v3+s15+$0x0] =	vst.idx.msk $0xffff, v4  }
0x35e: {  	p1 =	seq.s32 s23, $0x31;
	s1 =	sadd.s32 s1, s28;
	[tilespmem:v9+s15+$0x0] =	vst.idx.msk $0xffff, v2  }
0x35f: {  	[hbm4b:s1+s16] =	stream.strided.scatter [tilespmem:s15], [sflag:$0x3], $0x4000, s17, s16, $0x38;
	[tilespmem:$0x17000] =	vst v63  }
0x360: {  	s29 =	simm.s32 @!p1 $0x6400;
	s28 =	simm.s32 @!p1 $0x80;
	s1 =	sadd.s32 @!p1 $0x200, s26  }
0x361: {  	[tilespmem:s29], [sflag:$0x1] =	stream.indirect.gather @!p1 [hbm4b:s4+s28], $0x40, s1, s28, $0xb8;
	[tilespmem:$0x17000] =	vst v63  }
0x362: {  	s1 =	sadd.s32 @!p1 $0x280, s26;
	s26 =	simm.s32 @!p1 $0x8400  }
0x363: {  	[tilespmem:s26], [sflag:$0x1] =	stream.indirect.gather @!p1 [hbm4b:s4+s28], $0x40, s1, s28, $0xb8;
	[tilespmem:$0x17000] =	vst v63  }
0x364: {  	_ =	swait.ge [sflag:s18], $0x2000  }
0x365: {  	[sflag:s18] =	ssyncset.done $0x0  }
0x366: {  	[sflag:s18] =	ssyncadd.s32 $0xFFFFE000  }
0x367: {  	_ =	swait.ge [sflag:s18], $0x2000  }
0x368: {  	[sflag:s18] =	ssyncset.done $0x0  }
0x369: {  	s1 =	simm.s32 @!p0 $0x4;
	[sflag:s18] =	ssyncadd.s32 $0xFFFFE000  }
0x36a: {  	_ =	swait.ge @!p0 [sflag:s1], $0x4000  }
0x36b: {  	[sflag:s1] =	ssyncset.done @!p0 $0x0  }
0x36c: {  	s29 =	simm.s32 $0x16410;
	[sflag:s1] =	ssyncadd.s32 @!p0 $0xFFFFC000  }
0x36d: {  	v17 =	vld [tilespmem:s29+$0x0];
	_ =	sdelay $0x3  }
0x36e: {  	s30 =	simm.s32 $0x16C10;
	v20 =	vld [tilespmem:s29+$0xFFFFFFF0]  }
0x36f: {  	v2 =	vld [tilespmem:s30+$0x0];
	v8 =	vadd.s32 v42, v17  }
0x370: {  	s31 =	simm.s32 $0x16810;
	v0 =	vld [tilespmem:s25+$0xB0]  }
0x371: {  	v5 =	vld [tilespmem:s31+$0x0]  }
0x372: {  	v11 =	vld [tilespmem:s30+$0xFFFFFFF0]  }
0x373: {  	v23 =	vld [tilespmem:s31+$0xFFFFFFF0]  }
0x374: {  	v21 =	vadd.s32 v42, v20;
	v24 =	vld.idx.msk [tilespmem:v8+s12+$0x0], $0xffff  }
0x375: {  	[tilespmem:$0x1F6D0] =	vst v0;
	v0 =	vld [tilespmem:s25+$0xC0];
	_ =	sdelay $0x3  }
0x376: {  	v25 =	vld.idx.msk [tilespmem:v21+s12+$0x0], $0xffff  }
0x377: {  	[tilespmem:$0x1F6F0] =	vst v0;
	v0 =	vld [tilespmem:s25+$0xD0];
	_ =	sdelay $0x3  }
0x378: {  	v4 =	vld [tilespmem:s25+$0x0]  }
0x379: {  	[tilespmem:$0x1F710] =	vst v0;
	v0 =	vld [tilespmem:s25+$0xE0]  }
0x37a: {  	v9 =	vld [tilespmem:s25+$0x10]  }
0x37b: {  	v10 =	vld [tilespmem:s25+$0x20]  }
0x37c: {  	v12 =	vld [tilespmem:s25+$0x30]  }
0x37d: {  	v13 =	vld [tilespmem:s25+$0x40];
	v14 =	vshll.u32 v2, $0x7;
	v5 =	vshll.u32 v5, $0xB  }
0x37e: {  	v11 =	vshll.u32 v11, $0x7;
	v14 =	vadd.s32 v5, v14;
	v5 =	vshll.u32 v23, $0xB;
	[tilespmem:$0x1F720] =	vst v0;
	v0 =	vld [tilespmem:s25+$0xF0]  }
0x37f: {  	v48 =	vimm.f32 $8.000000000e+00;
	v22 =	vld [tilespmem:s25+$0x50];
	v23 =	vor.u32 v56, v14;
	v30 =	vadd.s32 v5, v11  }
0x380: {  	v19 =	vld [tilespmem:s25+$0x60];
	vm8 =	veq.s32 v4, $0x0;
	v4 =	vadd.s32 v59, v17;
	v26 =	vor.u32 v56, v30  }
0x381: {  	v16 =	vld [tilespmem:s25+$0x70];
	v27 =	vadd.s32 v59, v20;
	v21 =	vsel vm8, $0x0, v48  }
0x382: {  	v15 =	vld [tilespmem:s25+$0x80];
	v24 =	vmul.f32 v24, v21  }
0x383: {  	v3 =	vld [tilespmem:s25+$0x90];
	v25 =	vmul.f32 v25, v21;
	[tilespmem:$0x1F740] =	vst v0  }
0x384: {  	v18 =	vld [tilespmem:s25+$0xA0];
	[tilespmem:v23+s19+$0x0] =	vst.idx.msk $0xffff, v24  }
0x385: {  	[tilespmem:v26+s19+$0x0] =	vst.idx.msk $0xffff, v25;
	v4 =	vld.idx.msk [tilespmem:v4+s12+$0x0], $0xffff  }
0x386: {  	v23 =	vld.idx.msk [tilespmem:v27+s12+$0x0], $0xffff  }
0x387: {  	v25 =	vor.u32 v60, v14;
	v54 =	vld [tilespmem:$0x1F8F0]  }
0x388: {  	vm8 =	veq.s32 v9, $0x0;
	v26 =	vor.u32 v60, v30  }
0x389: {  	v24 =	vsel vm8, $0x0, v48  }
0x38a: {  	v4 =	vmul.f32 v4, v24  }
0x38b: {  	v23 =	vmul.f32 v23, v24  }
0x38c: {  	v9 =	vadd.s32 v54, v17;
	[tilespmem:v25+s19+$0x0] =	vst.idx.msk $0xffff, v4  }
0x38d: {  	v27 =	vadd.s32 v54, v20;
	[tilespmem:v26+s19+$0x0] =	vst.idx.msk $0xffff, v23  }
0x38e: {  	v1 =	vld [tilespmem:$0x1FA30];
	_ =	sdelay $0x2  }
0x38f: {  	v4 =	vld.idx.msk [tilespmem:v9+s12+$0x0], $0xffff  }
0x390: {  	v9 =	vld.idx.msk [tilespmem:v27+s12+$0x0], $0xffff  }
0x391: {  	v55 =	vld [tilespmem:$0x1F9B0];
	v23 =	vor.u32 v1, v14  }
0x392: {  	vm8 =	veq.s32 v10, $0x0;
	v26 =	vor.u32 v1, v30  }
0x393: {  	v25 =	vsel vm8, $0x0, v48  }
0x394: {  	v4 =	vmul.f32 v4, v25  }
0x395: {  	v9 =	vmul.f32 v9, v25  }
0x396: {  	v10 =	vadd.s32 v55, v17;
	[tilespmem:v23+s19+$0x0] =	vst.idx.msk $0xffff, v4  }
0x397: {  	v27 =	vadd.s32 v55, v20;
	[tilespmem:v26+s19+$0x0] =	vst.idx.msk $0xffff, v9  }
0x398: {  	v53 =	vld [tilespmem:$0x1FA40]  }
0x399: {  	v57 =	vld [tilespmem:$0x1F9C0];
	_ =	sdelay $0x1  }
0x39a: {  	v4 =	vld.idx.msk [tilespmem:v10+s12+$0x0], $0xffff  }
0x39b: {  	v23 =	vld.idx.msk [tilespmem:v27+s12+$0x0], $0xffff  }
0x39c: {  	v26 =	vor.u32 v53, v14  }
0x39d: {  	vm8 =	veq.s32 v12, $0x0;
	v28 =	vadd.s32 v57, v17;
	v29 =	vor.u32 v53, v30  }
0x39e: {  	v27 =	vsel vm8, $0x0, v48;
	v31 =	vadd.s32 v57, v20  }
0x39f: {  	v4 =	vmul.f32 v4, v27  }
0x3a0: {  	s30 =	simm.s32 $0x16430;
	v23 =	vmul.f32 v23, v27  }
0x3a1: {  	v10 =	vld [tilespmem:s30+$0xFFFFFFF0];
	[tilespmem:v26+s19+$0x0] =	vst.idx.msk $0xffff, v4  }
0x3a2: {  	[tilespmem:v29+s19+$0x0] =	vst.idx.msk $0xffff, v23;
	v4 =	vld.idx.msk [tilespmem:v28+s12+$0x0], $0xffff  }
0x3a3: {  	v29 =	vld.idx.msk [tilespmem:v31+s12+$0x0], $0xffff  }
0x3a4: {  	v47 =	vor.u32 v62, v14  }
0x3a5: {  	s29 =	simm.s32 $0x16C30;
	v50 =	vor.u32 v62, v30;
	v9 =	vld [tilespmem:s30+$0x0];
	vm8 =	veq.s32 v13, $0x0  }
0x3a6: {  	v46 =	vld [tilespmem:s29+$0xFFFFFFF0];
	v28 =	vsel vm8, $0x0, v48  }
0x3a7: {  	s31 =	simm.s32 $0x16830;
	v12 =	vld [tilespmem:s29+$0x0];
	v4 =	vmul.f32 v4, v28  }
0x3a8: {  	v23 =	vadd.s32 v42, v10;
	v26 =	vld [tilespmem:s31+$0xFFFFFFF0];
	v29 =	vmul.f32 v29, v28  }
0x3a9: {  	v49 =	vadd.s32 v63, v17;
	[tilespmem:v47+s19+$0x0] =	vst.idx.msk $0xffff, v4  }
0x3aa: {  	v45 =	vld [tilespmem:s31+$0x0];
	v31 =	vadd.s32 v42, v9;
	[tilespmem:v50+s19+$0x0] =	vst.idx.msk $0xffff, v29  }
0x3ab: {  	v40 =	vadd.s32 v63, v20;
	v2 =	vld [tilespmem:$0x1F890];
	_ =	sdelay $0x1  }
0x3ac: {  	v13 =	vshll.u32 v12, $0x7;
	v23 =	vld.idx.msk [tilespmem:v23+s12+$0x0], $0xffff;
	v12 =	vshll.u32 v26, $0xB;
	v26 =	vshll.u32 v46, $0x7  }
0x3ad: {  	v12 =	vadd.s32 v12, v26;
	v4 =	vld.idx.msk [tilespmem:v49+s12+$0x0], $0xffff  }
0x3ae: {  	v32 =	vshll.u32 v45, $0xB;
	v31 =	vld.idx.msk [tilespmem:v31+s12+$0x0], $0xffff;
	v26 =	vor.u32 v56, v12  }
0x3af: {  	v13 =	vadd.s32 v32, v13;
	v44 =	vld.idx.msk [tilespmem:v40+s12+$0x0], $0xffff;
	v45 =	vor.u32 v2, v14  }
0x3b0: {  	v32 =	vor.u32 v56, v13;
	vm8 =	veq.s32 v22, $0x0  }
0x3b1: {  	v29 =	vsel vm8, $0x0, v48;
	v22 =	vmul.f32 v23, v21;
	v46 =	vor.u32 v2, v30  }
0x3b2: {  	v4 =	vmul.f32 v4, v29  }
0x3b3: {  	v41 =	vadd.s32 v59, v10;
	v31 =	vmul.f32 v31, v21;
	[tilespmem:v26+s19+$0x0] =	vst.idx.msk $0xffff, v22  }
0x3b4: {  	[tilespmem:v45+s19+$0x0] =	vst.idx.msk $0xffff, v4;
	v4 =	vmul.f32 v44, v29  }
0x3b5: {  	v23 =	vadd.s32 v58, v17;
	[tilespmem:v32+s19+$0x0] =	vst.idx.msk $0xffff, v31  }
0x3b6: {  	v43 =	vadd.s32 v59, v9;
	[tilespmem:v46+s19+$0x0] =	vst.idx.msk $0xffff, v4  }
0x3b7: {  	v22 =	vadd.s32 v58, v20;
	v33 =	vld [tilespmem:$0x1F920]  }
0x3b8: {  	v26 =	vld.idx.msk [tilespmem:v41+s12+$0x0], $0xffff;
	_ =	sdelay $0x1  }
0x3b9: {  	v47 =	vor.u32 v60, v12;
	v23 =	vld.idx.msk [tilespmem:v23+s12+$0x0], $0xffff  }
0x3ba: {  	v31 =	vld.idx.msk [tilespmem:v43+s12+$0x0], $0xffff  }
0x3bb: {  	v22 =	vld.idx.msk [tilespmem:v22+s12+$0x0], $0xffff;
	v40 =	vor.u32 v33, v14  }
0x3bc: {  	vm8 =	veq.s32 v19, $0x0;
	v49 =	vor.u32 v60, v13;
	v19 =	vmul.f32 v26, v24;
	v8 =	vld [tilespmem:$0x1F6A0]  }
0x3bd: {  	v34 =	vsel vm8, $0x0, v48;
	v41 =	vor.u32 v33, v30  }
0x3be: {  	[tilespmem:v47+s19+$0x0] =	vst.idx.msk $0xffff, v19;
	v19 =	vmul.f32 v23, v34  }
0x3bf: {  	v50 =	vadd.s32 v54, v10;
	v31 =	vmul.f32 v31, v24  }
0x3c0: {  	[tilespmem:v40+s19+$0x0] =	vst.idx.msk $0xffff, v19;
	v19 =	vmul.f32 v22, v34  }
0x3c1: {  	[tilespmem:v49+s19+$0x0] =	vst.idx.msk $0xffff, v31;
	v26 =	vadd.s32 v8, v17  }
0x3c2: {  	v4 =	vadd.s32 v54, v9;
	[tilespmem:v41+s19+$0x0] =	vst.idx.msk $0xffff, v19  }
0x3c3: {  	v23 =	vadd.s32 v8, v20;
	v11 =	vld [tilespmem:$0x1F8A0]  }
0x3c4: {  	v32 =	vld.idx.msk [tilespmem:v50+s12+$0x0], $0xffff;
	_ =	sdelay $0x1  }
0x3c5: {  	v31 =	vor.u32 v1, v12;
	v22 =	vld.idx.msk [tilespmem:v26+s12+$0x0], $0xffff  }
0x3c6: {  	v4 =	vld.idx.msk [tilespmem:v4+s12+$0x0], $0xffff  }
0x3c7: {  	v23 =	vld.idx.msk [tilespmem:v23+s12+$0x0], $0xffff;
	v45 =	vor.u32 v11, v14  }
0x3c8: {  	vm8 =	veq.s32 v16, $0x0;
	v44 =	vor.u32 v1, v13;
	v16 =	vmul.f32 v32, v25;
	v5 =	vld [tilespmem:$0x1F6B0]  }
0x3c9: {  	v43 =	vadd.s32 v55, v10;
	v26 =	vsel vm8, $0x0, v48;
	v47 =	vor.u32 v11, v30  }
0x3ca: {  	[tilespmem:v31+s19+$0x0] =	vst.idx.msk $0xffff, v16;
	v16 =	vmul.f32 v22, v26  }
0x3cb: {  	v4 =	vmul.f32 v4, v25  }
0x3cc: {  	v19 =	vadd.s32 v55, v9;
	[tilespmem:v45+s19+$0x0] =	vst.idx.msk $0xffff, v16;
	v16 =	vmul.f32 v23, v26  }
0x3cd: {  	[tilespmem:v44+s19+$0x0] =	vst.idx.msk $0xffff, v4;
	v46 =	vadd.s32 v5, v17  }
0x3ce: {  	v31 =	vld.idx.msk [tilespmem:v43+s12+$0x0], $0xffff;
	v22 =	vadd.s32 v5, v20;
	[tilespmem:v47+s19+$0x0] =	vst.idx.msk $0xffff, v16  }
0x3cf: {  	v0 =	vld [tilespmem:$0x1FA00]  }
0x3d0: {  	v23 =	vor.u32 v53, v12  }
0x3d1: {  	v4 =	vld.idx.msk [tilespmem:v19+s12+$0x0], $0xffff  }
0x3d2: {  	v19 =	vld.idx.msk [tilespmem:v46+s12+$0x0], $0xffff  }
0x3d3: {  	v37 =	vor.u32 v53, v13;
	v31 =	vmul.f32 v31, v27;
	v22 =	vld.idx.msk [tilespmem:v22+s12+$0x0], $0xffff  }
0x3d4: {  	s29 =	simm.s32 $0x16C50;
	v6 =	vld [tilespmem:$0x1F6C0];
	v49 =	vadd.s32 v0, v14  }
0x3d5: {  	v39 =	vld [tilespmem:s29+$0x0];
	s30 =	simm.s32 $0x16850;
	v38 =	vadd.s32 v57, v9;
	vm8 =	veq.s32 v15, $0x0;
	[tilespmem:v23+s19+$0x0] =	vst.idx.msk $0xffff, v31;
	v31 =	vadd.s32 v0, v30  }
0x3d6: {  	s31 =	simm.s32 $0x16450;
	v32 =	vld [tilespmem:s30+$0x0];
	v35 =	vsel vm8, $0x0, v48;
	v4 =	vmul.f32 v4, v27  }
0x3d7: {  	v15 =	vld [tilespmem:s31+$0x0];
	v19 =	vmul.f32 v19, v35  }
0x3d8: {  	v36 =	vadd.s32 v57, v10;
	vm8 =	veq.s32 v3, $0x0;
	v44 =	vld [tilespmem:s29+$0xFFFFFFF0];
	[tilespmem:v37+s19+$0x0] =	vst.idx.msk $0xffff, v4;
	v3 =	vmul.f32 v22, v35  }
0x3d9: {  	v16 =	vld [tilespmem:s31+$0xFFFFFFF0];
	v50 =	vadd.s32 v6, v17;
	[tilespmem:v49+s19+$0x0] =	vst.idx.msk $0xffff, v19  }
0x3da: {  	v37 =	vld.idx.msk [tilespmem:v38+s12+$0x0], $0xffff;
	v4 =	vadd.s32 v6, v20;
	[tilespmem:v31+s19+$0x0] =	vst.idx.msk $0xffff, v3  }
0x3db: {  	v7 =	vld [tilespmem:$0x1FA20]  }
0x3dc: {  	v38 =	vshll.u32 v39, $0x7;
	v39 =	vld [tilespmem:s30+$0xFFFFFFF0]  }
0x3dd: {  	v36 =	vld.idx.msk [tilespmem:v36+s12+$0x0], $0xffff  }
0x3de: {  	v40 =	vadd.s32 v42, v15;
	v45 =	vor.u32 v62, v13;
	v19 =	vld.idx.msk [tilespmem:v50+s12+$0x0], $0xffff  }
0x3df: {  	v32 =	vshll.u32 v32, $0xB;
	v22 =	vadd.s32 v42, v16;
	v3 =	vor.u32 v62, v12;
	v4 =	vld.idx.msk [tilespmem:v4+s12+$0x0], $0xffff  }
0x3e0: {  	v41 =	vadd.s32 v51, v20;
	v31 =	vadd.s32 v63, v9;
	v46 =	vadd.s32 v7, v14  }
0x3e1: {  	v43 =	vmovc v51;
	v47 =	vadd.s32 v51, v17;
	v37 =	vmul.f32 v37, v28;
	v51 =	vadd.s32 v7, v30  }
0x3e2: {  	v44 =	vshll.u32 v44, $0x7;
	v23 =	vsel vm8, $0x0, v48;
	v36 =	vmul.f32 v36, v28  }
0x3e3: {  	v40 =	vld.idx.msk [tilespmem:v40+s12+$0x0], $0xffff;
	v50 =	vadd.s32 v63, v10;
	[tilespmem:v45+s19+$0x0] =	vst.idx.msk $0xffff, v37;
	v0 =	vmul.f32 v19, v23  }
0x3e4: {  	vm8 =	veq.s32 v18, $0x0;
	v39 =	vshll.u32 v39, $0xB;
	v22 =	vld.idx.msk [tilespmem:v22+s12+$0x0], $0xffff;
	[tilespmem:v3+s19+$0x0] =	vst.idx.msk $0xffff, v36;
	v4 =	vmul.f32 v4, v23  }
0x3e5: {  	v18 =	vadd.s32 v39, v44;
	v19 =	vadd.s32 v32, v38;
	v32 =	vld.idx.msk [tilespmem:v31+s12+$0x0], $0xffff;
	[tilespmem:v46+s19+$0x0] =	vst.idx.msk $0xffff, v0  }
0x3e6: {  	v37 =	vor.u32 v56, v18;
	[tilespmem:v51+s19+$0x0] =	vst.idx.msk $0xffff, v4;
	v36 =	vld.idx.msk [tilespmem:v47+s12+$0x0], $0xffff  }
0x3e7: {  	v3 =	vor.u32 v56, v19;
	v0 =	vld [tilespmem:$0x1F770]  }
0x3e8: {  	v40 =	vmul.f32 v40, v21;
	v45 =	vor.u32 v2, v13;
	v44 =	vld.idx.msk [tilespmem:v50+s12+$0x0], $0xffff  }
0x3e9: {  	v39 =	vadd.s32 v59, v15;
	v49 =	vadd.s32 v52, v14;
	v4 =	vmul.f32 v22, v21;
	v41 =	vld.idx.msk [tilespmem:v41+s12+$0x0], $0xffff  }
0x3ea: {  	v38 =	vadd.s32 v59, v16;
	v50 =	vor.u32 v2, v12;
	v22 =	vadd.s32 v58, v9  }
0x3eb: {  	v31 =	vsel vm8, $0x0, v48;
	v46 =	vadd.s32 v52, v30;
	[tilespmem:v37+s19+$0x0] =	vst.idx.msk $0xffff, v4;
	v4 =	vmul.f32 v32, v29  }
0x3ec: {  	[tilespmem:v3+s19+$0x0] =	vst.idx.msk $0xffff, v40;
	v47 =	vadd.s32 v0, v17;
	v3 =	vmul.f32 v36, v31  }
0x3ed: {  	v52 =	vadd.s32 v0, v20;
	v0 =	vld [tilespmem:$0x1F6D0];
	[tilespmem:v45+s19+$0x0] =	vst.idx.msk $0xffff, v4;
	v4 =	vmul.f32 v44, v29  }
0x3ee: {  	v51 =	vadd.s32 v58, v10;
	[tilespmem:v49+s19+$0x0] =	vst.idx.msk $0xffff, v3;
	v3 =	vmul.f32 v41, v31  }
0x3ef: {  	v2 =	vld.idx.msk [tilespmem:v39+s12+$0x0], $0xffff;
	[tilespmem:v50+s19+$0x0] =	vst.idx.msk $0xffff, v4  }
0x3f0: {  	v37 =	vld.idx.msk [tilespmem:v38+s12+$0x0], $0xffff;
	[tilespmem:v46+s19+$0x0] =	vst.idx.msk $0xffff, v3  }
0x3f1: {  	v50 =	vld [tilespmem:$0x1F9E0]  }
0x3f2: {  	v38 =	vor.u32 v60, v18;
	v22 =	vld.idx.msk [tilespmem:v22+s12+$0x0], $0xffff  }
0x3f3: {  	v39 =	vor.u32 v60, v19;
	v32 =	vld.idx.msk [tilespmem:v51+s12+$0x0], $0xffff  }
0x3f4: {  	v44 =	vor.u32 v33, v13;
	v40 =	vld.idx.msk [tilespmem:v47+s12+$0x0], $0xffff  }
0x3f5: {  	v41 =	vadd.s32 v54, v16;
	v37 =	vmul.f32 v37, v24;
	v36 =	vld.idx.msk [tilespmem:v52+s12+$0x0], $0xffff;
	v52 =	vor.u32 v33, v12  }
0x3f6: {  	v4 =	vadd.s32 v54, v15;
	v54 =	vmul.f32 v2, v24;
	v3 =	vadd.s32 v50, v14  }
0x3f7: {  	vm8 =	veq.s32 v0, $0x0;
	v0 =	vld [tilespmem:$0x1F6E0];
	[tilespmem:v38+s19+$0x0] =	vst.idx.msk $0xffff, v37;
	v22 =	vmul.f32 v22, v34  }
0x3f8: {  	[tilespmem:v39+s19+$0x0] =	vst.idx.msk $0xffff, v54;
	v2 =	vsel vm8, $0x0, v48;
	v32 =	vmul.f32 v32, v34  }
0x3f9: {  	[tilespmem:v44+s19+$0x0] =	vst.idx.msk $0xffff, v22;
	v51 =	vmul.f32 v40, v2  }
0x3fa: {  	[tilespmem:v52+s19+$0x0] =	vst.idx.msk $0xffff, v32  }
0x3fb: {  	v50 =	vadd.s32 v50, v30;
	[tilespmem:v3+s19+$0x0] =	vst.idx.msk $0xffff, v51  }
0x3fc: {  	v47 =	vadd.s32 v0, v17;
	v22 =	vadd.s32 v0, v20;
	v0 =	vld [tilespmem:$0x1F6F0];
	_ =	sdelay $0x1  }
0x3fd: {  	v45 =	vadd.s32 v8, v9;
	v36 =	vmul.f32 v36, v2;
	_ =	sdelay $0x1  }
0x3fe: {  	v37 =	vld.idx.msk [tilespmem:v41+s12+$0x0], $0xffff;
	[tilespmem:v50+s19+$0x0] =	vst.idx.msk $0xffff, v36  }
0x3ff: {  	vm8 =	veq.s32 v0, $0x0;
	v0 =	vld [tilespmem:$0x1F870]  }
0x400: {  	v4 =	vld.idx.msk [tilespmem:v4+s12+$0x0], $0xffff  }
0x401: {  	v40 =	vld.idx.msk [tilespmem:v45+s12+$0x0], $0xffff;
	v3 =	vor.u32 v1, v18  }
0x402: {  	v54 =	vadd.s32 v8, v10;
	v44 =	vor.u32 v1, v19  }
0x403: {  	v45 =	vor.u32 v11, v13;
	v39 =	vld.idx.msk [tilespmem:v47+s12+$0x0], $0xffff  }
0x404: {  	v37 =	vmul.f32 v37, v25;
	v52 =	vadd.s32 v0, v14;
	v47 =	vadd.s32 v0, v30;
	v0 =	vld [tilespmem:$0x1F700]  }
0x405: {  	v41 =	vadd.s32 v55, v16;
	v4 =	vmul.f32 v4, v25  }
0x406: {  	v32 =	vadd.s32 v55, v15;
	v55 =	vmul.f32 v40, v26;
	[tilespmem:v3+s19+$0x0] =	vst.idx.msk $0xffff, v37  }
0x407: {  	v36 =	vld.idx.msk [tilespmem:v54+s12+$0x0], $0xffff;
	[tilespmem:v44+s19+$0x0] =	vst.idx.msk $0xffff, v4  }
0x408: {  	[tilespmem:v45+s19+$0x0] =	vst.idx.msk $0xffff, v55  }
0x409: {  	v3 =	vor.u32 v11, v12;
	v54 =	vadd.s32 v0, v17;
	v37 =	vadd.s32 v0, v20;
	v0 =	vld [tilespmem:$0x1F710]  }
0x40a: {  	v8 =	vsel vm8, $0x0, v48  }
0x40b: {  	s25 =	simm.s32 $0x16C70;
	v22 =	vld.idx.msk [tilespmem:v22+s12+$0x0], $0xffff;
	v39 =	vmul.f32 v39, v8  }
0x40c: {  	v50 =	vld [tilespmem:s25+$0x0];
	v36 =	vmul.f32 v36, v26  }
0x40d: {  	v38 =	vadd.s32 v5, v9;
	v45 =	vld [tilespmem:s25+$0xFFFFFFF0];
	[tilespmem:v52+s19+$0x0] =	vst.idx.msk $0xffff, v39  }
0x40e: {  	vm8 =	veq.s32 v0, $0x0;
	v0 =	vld [tilespmem:$0x1F720];
	[tilespmem:v3+s19+$0x0] =	vst.idx.msk $0xffff, v36  }
0x40f: {  	v46 =	vadd.s32 v57, v16;
	v3 =	vadd.s32 v57, v15;
	v57 =	vld [tilespmem:$0x1FA00]  }
0x410: {  	v22 =	vmul.f32 v22, v8;
	v40 =	vld.idx.msk [tilespmem:v41+s12+$0x0], $0xffff  }
0x411: {  	v32 =	vld.idx.msk [tilespmem:v32+s12+$0x0], $0xffff  }
0x412: {  	v49 =	vor.u32 v53, v19;
	v41 =	vld.idx.msk [tilespmem:v38+s12+$0x0], $0xffff;
	v39 =	vor.u32 v53, v18;
	[tilespmem:v47+s19+$0x0] =	vst.idx.msk $0xffff, v22  }
0x413: {  	s26 =	simm.s32 $0x16470;
	v4 =	vadd.s32 v5, v10;
	v33 =	vsel vm8, $0x0, v48;
	vm8 =	veq.s32 v0, $0x0;
	v0 =	vld [tilespmem:$0x1F9F0]  }
0x414: {  	v11 =	vld [tilespmem:s26+$0xFFFFFFF0];
	v51 =	vadd.s32 v57, v13  }
0x415: {  	v44 =	vld.idx.msk [tilespmem:v54+s12+$0x0], $0xffff;
	v22 =	vmul.f32 v40, v27  }
0x416: {  	v32 =	vmul.f32 v32, v27;
	v1 =	vld [tilespmem:$0x1F730]  }
0x417: {  	v5 =	vld [tilespmem:$0x1F740];
	[tilespmem:v39+s19+$0x0] =	vst.idx.msk $0xffff, v22;
	v22 =	vmul.f32 v41, v35  }
0x418: {  	v4 =	vld.idx.msk [tilespmem:v4+s12+$0x0], $0xffff;
	[tilespmem:v49+s19+$0x0] =	vst.idx.msk $0xffff, v32;
	v47 =	vadd.s32 v0, v14  }
0x419: {  	v37 =	vld.idx.msk [tilespmem:v37+s12+$0x0], $0xffff;
	[tilespmem:v51+s19+$0x0] =	vst.idx.msk $0xffff, v22  }
0x41a: {  	v40 =	vadd.s32 v6, v9;
	v55 =	vmul.f32 v44, v33;
	v44 =	vadd.s32 v0, v30;
	v0 =	vld [tilespmem:$0x1F750]  }
0x41b: {  	v39 =	vadd.s32 v57, v12;
	v57 =	vld.idx.msk [tilespmem:v46+s12+$0x0], $0xffff  }
0x41c: {  	v3 =	vld.idx.msk [tilespmem:v3+s12+$0x0], $0xffff;
	v52 =	vadd.s32 v1, v17  }
0x41d: {  	v36 =	vsel vm8, $0x0, v48;
	vm8 =	veq.s32 v5, $0x0;
	v5 =	vld [tilespmem:s26+$0x0];
	[tilespmem:v47+s19+$0x0] =	vst.idx.msk $0xffff, v55  }
0x41e: {  	v46 =	vadd.s32 v6, v10;
	v6 =	vld [tilespmem:$0x1FA10]  }
0x41f: {  	s28 =	simm.s32 $0x16870;
	v22 =	vadd.s32 v0, v17;
	v17 =	vld.idx.msk [tilespmem:v40+s12+$0x0], $0xffff;
	v40 =	vadd.s32 v1, v20  }
0x420: {  	v54 =	vld [tilespmem:s28+$0x0];
	v32 =	vor.u32 v62, v18;
	v4 =	vmul.f32 v4, v35  }
0x421: {  	v53 =	vor.u32 v62, v19;
	v49 =	vadd.s32 v42, v11;
	v51 =	vmul.f32 v37, v33;
	v47 =	vld.idx.msk [tilespmem:v52+s12+$0x0], $0xffff  }
0x422: {  	v57 =	vmul.f32 v57, v28;
	v52 =	vld [tilespmem:s28+$0xFFFFFFF0];
	[tilespmem:v39+s19+$0x0] =	vst.idx.msk $0xffff, v4;
	v4 =	vadd.s32 v7, v13  }
0x423: {  	[tilespmem:v44+s19+$0x0] =	vst.idx.msk $0xffff, v51;
	v44 =	vadd.s32 v42, v5;
	v46 =	vld.idx.msk [tilespmem:v46+s12+$0x0], $0xffff;
	v41 =	vadd.s32 v6, v14  }
0x424: {  	v38 =	vadd.s32 v61, v30;
	v3 =	vmul.f32 v3, v28;
	v51 =	vadd.s32 v63, v15;
	v39 =	vld.idx.msk [tilespmem:v40+s12+$0x0], $0xffff  }
0x425: {  	[tilespmem:v32+s19+$0x0] =	vst.idx.msk $0xffff, v57;
	v40 =	vadd.s32 v7, v12;
	v17 =	vmul.f32 v17, v23  }
0x426: {  	[tilespmem:v53+s19+$0x0] =	vst.idx.msk $0xffff, v3;
	v30 =	vadd.s32 v6, v30;
	v47 =	vmul.f32 v47, v36  }
0x427: {  	v50 =	vshll.u32 v50, $0x7;
	v45 =	vshll.u32 v45, $0x7;
	v62 =	vadd.s32 v43, v9;
	v3 =	vld.idx.msk [tilespmem:v49+s12+$0x0], $0xffff;
	[tilespmem:v4+s19+$0x0] =	vst.idx.msk $0xffff, v17  }
0x428: {  	v55 =	vshll.u32 v52, $0xB;
	v44 =	vld.idx.msk [tilespmem:v44+s12+$0x0], $0xffff;
	v46 =	vmul.f32 v46, v23;
	v4 =	vshll.u32 v54, $0xB;
	[tilespmem:v41+s19+$0x0] =	vst.idx.msk $0xffff, v47  }
0x429: {  	v47 =	vadd.s32 v0, v20;
	v20 =	vadd.s32 v4, v50;
	[tilespmem:$0x1F760] =	vst v43;
	v4 =	vmul.f32 v39, v36  }
0x42a: {  	v17 =	vadd.s32 v55, v45;
	v50 =	vld.idx.msk [tilespmem:v51+s12+$0x0], $0xffff;
	[tilespmem:v40+s19+$0x0] =	vst.idx.msk $0xffff, v46  }
0x42b: {  	v41 =	vor.u32 v56, v17;
	v6 =	vld [tilespmem:$0x1F890];
	[tilespmem:v30+s19+$0x0] =	vst.idx.msk $0xffff, v4  }
0x42c: {  	v51 =	vor.u32 v56, v20;
	v0 =	vld [tilespmem:$0x1F930];
	_ =	sdelay $0x1  }
0x42d: {  	v3 =	vmul.f32 v3, v21;
	v62 =	vld.idx.msk [tilespmem:v62+s12+$0x0], $0xffff  }
0x42e: {  	v54 =	vld.idx.msk [tilespmem:v22+s12+$0x0], $0xffff;
	v22 =	vmul.f32 v44, v21  }
0x42f: {  	v37 =	vsel vm8, $0x0, v48;
	[tilespmem:v41+s19+$0x0] =	vst.idx.msk $0xffff, v3;
	v48 =	vor.u32 v6, v19  }
0x430: {  	v57 =	vadd.s32 v63, v16;
	[tilespmem:v51+s19+$0x0] =	vst.idx.msk $0xffff, v22;
	v53 =	vadd.s32 v0, v13  }
0x431: {  	v22 =	vadd.s32 v0, v12;
	v0 =	vld [tilespmem:$0x1F770]  }
0x432: {  	v49 =	vadd.s32 v43, v10;
	v14 =	vadd.s32 v61, v14;
	v61 =	vmul.f32 v50, v29  }
0x433: {  	v62 =	vmul.f32 v62, v31  }
0x434: {  	v39 =	vadd.s32 v59, v11;
	[tilespmem:v48+s19+$0x0] =	vst.idx.msk $0xffff, v61  }
0x435: {  	v55 =	vadd.s32 v59, v5;
	v56 =	vld.idx.msk [tilespmem:v57+s12+$0x0], $0xffff;
	v3 =	vadd.s32 v58, v15;
	[tilespmem:v53+s19+$0x0] =	vst.idx.msk $0xffff, v62  }
0x436: {  	v45 =	vor.u32 v6, v18;
	v41 =	vadd.s32 v0, v9;
	v6 =	vmovc v0;
	v40 =	vadd.s32 v0, v10;
	v0 =	vld [tilespmem:$0x1F9E0]  }
0x437: {  	v32 =	vld.idx.msk [tilespmem:v49+s12+$0x0], $0xffff  }
0x438: {  	v30 =	vld.idx.msk [tilespmem:v47+s12+$0x0], $0xffff  }
0x439: {  	v49 =	vld.idx.msk [tilespmem:v39+s12+$0x0], $0xffff  }
0x43a: {  	v1 =	vlaneseq.u32;
	v7 =	vmovc v58;
	v46 =	vadd.s32 v58, v16;
	v4 =	vor.u32 v60, v17;
	v50 =	vld.idx.msk [tilespmem:v55+s12+$0x0], $0xffff  }
0x43b: {  	s1 =	simm.s32 $0x6;
	v39 =	vmul.f32 v54, v37;
	v47 =	vmul.f32 v56, v29;
	v44 =	vld.idx.msk [tilespmem:v3+s12+$0x0], $0xffff;
	v3 =	vadd.s32 v0, v13  }
.LBB2_5:
0x43c: {  	v0 =	vld [tilespmem:$0x1F8F0];
	_ =	sdelay $0x1  }
0x43d: {  	v41 =	vld.idx.msk [tilespmem:v41+s12+$0x0], $0xffff  }
0x43e: {  	v48 =	vld [tilespmem:$0x1F6A0]  }
0x43f: {  	v32 =	vmul.f32 v32, v31;
	v43 =	vld [tilespmem:$0x1F9E0]  }
0x440: {  	[tilespmem:v14+s19+$0x0] =	vst.idx.msk $0xffff, v39;
	v14 =	vadd.s32 v0, v11;
	v56 =	vadd.s32 v0, v5;
	v0 =	vld [tilespmem:$0x1F920]  }
0x441: {  	v52 =	vld [tilespmem:$0x1F6E0];
	v51 =	vor.u32 v60, v20;
	[tilespmem:v45+s19+$0x0] =	vst.idx.msk $0xffff, v47;
	v30 =	vmul.f32 v30, v37  }
0x442: {  	v46 =	vld.idx.msk [tilespmem:v46+s12+$0x0], $0xffff;
	[tilespmem:v22+s19+$0x0] =	vst.idx.msk $0xffff, v32;
	v22 =	vmul.f32 v49, v24  }
0x443: {  	v40 =	vld.idx.msk [tilespmem:v40+s12+$0x0], $0xffff;
	[tilespmem:v38+s19+$0x0] =	vst.idx.msk $0xffff, v30  }
0x444: {  	v61 =	vld [tilespmem:$0x1F7D0];
	v30 =	vmul.f32 v50, v24;
	[tilespmem:v4+s19+$0x0] =	vst.idx.msk $0xffff, v22  }
0x445: {  	v39 =	vmovc v13;
	v58 =	vadd.s32 v48, v15;
	v60 =	vadd.s32 v48, v16;
	v48 =	vld [tilespmem:$0x1F730];
	v57 =	vor.u32 v0, v19  }
0x446: {  	v13 =	vmov v19;
	[tilespmem:v51+s19+$0x0] =	vst.idx.msk $0xffff, v30;
	v4 =	vor.u32 v0, v18;
	v19 =	vmov v20;
	v20 =	vld.idx.msk [tilespmem:v14+s12+$0x0], $0xffff  }
0x447: {  	v14 =	vmul.f32 v41, v2;
	v41 =	vld.idx.msk [tilespmem:v56+s12+$0x0], $0xffff  }
0x448: {  	v22 =	vmul.f32 v44, v34;
	v56 =	vld [tilespmem:$0x1F750]  }
0x449: {  	v62 =	vmul.f32 v46, v34;
	v0 =	vld [tilespmem:$0x1FA30]  }
0x44a: {  	[tilespmem:v57+s19+$0x0] =	vst.idx.msk $0xffff, v22;
	v57 =	vld [tilespmem:$0x1F6B0]  }
0x44b: {  	v49 =	vadd.s32 v43, v12;
	v38 =	vadd.s32 v61, v12;
	[tilespmem:v4+s19+$0x0] =	vst.idx.msk $0xffff, v62;
	v4 =	vmov v12;
	v12 =	vld [tilespmem:$0x1F870]  }
0x44c: {  	v53 =	vadd.s32 v52, v9;
	v32 =	vld.idx.msk [tilespmem:v58+s12+$0x0], $0xffff  }
0x44d: {  	v58 =	vld [tilespmem:$0x1F9B0]  }
0x44e: {  	v50 =	vor.u32 v0, v19;
	[tilespmem:v3+s19+$0x0] =	vst.idx.msk $0xffff, v14;
	v3 =	vor.u32 v0, v17;
	v0 =	vld [tilespmem:$0x1F8A0]  }
0x44f: {  	v22 =	vadd.s32 v52, v10;
	v62 =	vld [tilespmem:$0x1F700]  }
0x450: {  	v40 =	vmul.f32 v40, v2;
	v44 =	vld.idx.msk [tilespmem:v60+s12+$0x0], $0xffff  }
0x451: {  	s25 =	sadd.s32 $0x20, s25;
	v20 =	vmul.f32 v20, v25;
	v46 =	vld.idx.msk [tilespmem:v53+s12+$0x0], $0xffff  }
0x452: {  	s28 =	sadd.s32 $0x20, s28;
	v14 =	vadd.s32 v61, v39;
	[tilespmem:v49+s19+$0x0] =	vst.idx.msk $0xffff, v40;
	v52 =	vld [tilespmem:s25+$0x0];
	v47 =	vadd.s32 v58, v11  }
0x453: {  	v55 =	vld [tilespmem:s28+$0x0];
	v61 =	vadd.s32 v57, v15;
	v45 =	vadd.s32 v58, v5;
	v60 =	vor.u32 v0, v13  }
0x454: {  	v22 =	vld.idx.msk [tilespmem:v22+s12+$0x0], $0xffff;
	v49 =	vadd.s32 v12, v39;
	v53 =	vadd.s32 v12, v4;
	v12 =	vmov v18  }
0x455: {  	v41 =	vmul.f32 v41, v25;
	[tilespmem:v3+s19+$0x0] =	vst.idx.msk $0xffff, v20;
	v3 =	vor.u32 v0, v12;
	v0 =	vld [tilespmem:$0x1FA40]  }
0x456: {  	v20 =	vmul.f32 v32, v26;
	v51 =	vld [tilespmem:s25+$0xFFFFFFF0]  }
0x457: {  	v18 =	vmov v17;
	[tilespmem:v50+s19+$0x0] =	vst.idx.msk $0xffff, v41;
	v17 =	vld.idx.msk [tilespmem:v47+s12+$0x0], $0xffff  }
0x458: {  	v45 =	vld.idx.msk [tilespmem:v45+s12+$0x0], $0xffff;
	[tilespmem:v60+s19+$0x0] =	vst.idx.msk $0xffff, v20  }
0x459: {  	v54 =	vadd.s32 v62, v9;
	v40 =	vld.idx.msk [tilespmem:v61+s12+$0x0], $0xffff  }
0x45a: {  	v58 =	vmul.f32 v46, v8;
	v61 =	vld [tilespmem:$0x1F9C0]  }
0x45b: {  	v41 =	vshll.u32 v52, $0x7;
	v60 =	vld [tilespmem:$0x1FA10]  }
0x45c: {  	v52 =	vshll.u32 v55, $0xB;
	v55 =	vor.u32 v0, v19;
	[tilespmem:v49+s19+$0x0] =	vst.idx.msk $0xffff, v58;
	v49 =	vor.u32 v0, v18;
	v0 =	vld [tilespmem:$0x1FA00]  }
0x45d: {  	v32 =	vadd.s32 v57, v16;
	v44 =	vmul.f32 v44, v26;
	v20 =	vadd.s32 v62, v10;
	v62 =	vld [tilespmem:$0x1F9F0]  }
0x45e: {  	v50 =	vld.idx.msk [tilespmem:v54+s12+$0x0], $0xffff  }
0x45f: {  	[tilespmem:v3+s19+$0x0] =	vst.idx.msk $0xffff, v44;
	v54 =	vadd.s32 v61, v11;
	v3 =	vadd.s32 v61, v5;
	v61 =	vld [tilespmem:$0x1F6C0]  }
0x460: {  	v22 =	vmul.f32 v22, v8  }
0x461: {  	v30 =	vadd.s32 v56, v10;
	v46 =	vadd.s32 v56, v9;
	v44 =	vadd.s32 v0, v13  }
0x462: {  	s26 =	sadd.s32 $0x20, s26;
	v32 =	vld.idx.msk [tilespmem:v32+s12+$0x0], $0xffff;
	[tilespmem:v53+s19+$0x0] =	vst.idx.msk $0xffff, v22;
	v47 =	vadd.s32 v60, v4;
	v45 =	vmul.f32 v45, v27  }
0x463: {  	v56 =	vld [tilespmem:s26+$0xFFFFFFF0];
	v53 =	vadd.s32 v62, v39;
	v4 =	vadd.s32 v62, v4;
	v62 =	vadd.s32 v48, v9;
	v9 =	vmovc v15  }
0x464: {  	v40 =	vmul.f32 v40, v35;
	v22 =	vadd.s32 v61, v15;
	v15 =	vmov v5;
	v5 =	vld [tilespmem:s26+$0x0];
	[tilespmem:v55+s19+$0x0] =	vst.idx.msk $0xffff, v45  }
0x465: {  	v3 =	vld.idx.msk [tilespmem:v3+s12+$0x0], $0xffff  }
0x466: {  	v17 =	vmul.f32 v17, v27;
	[tilespmem:v44+s19+$0x0] =	vst.idx.msk $0xffff, v40;
	v40 =	vadd.s32 v48, v10;
	v48 =	vld [tilespmem:$0x1F760]  }
0x467: {  	v20 =	vld.idx.msk [tilespmem:v20+s12+$0x0], $0xffff  }
0x468: {  	[tilespmem:v49+s19+$0x0] =	vst.idx.msk $0xffff, v17;
	v17 =	vadd.s32 v0, v12;
	v0 =	vld [tilespmem:$0x1F7F0];
	_ =	sdelay $0x1  }
0x469: {  	v49 =	vld.idx.msk [tilespmem:v54+s12+$0x0], $0xffff;
	v45 =	vadd.s32 v61, v16  }
0x46a: {  	v58 =	vmul.f32 v32, v35;
	v50 =	vmul.f32 v50, v33;
	v10 =	vmovc v16;
	v32 =	vadd.s32 v48, v16;
	v16 =	vld [tilespmem:$0x1FA20]  }
0x46b: {  	v22 =	vld.idx.msk [tilespmem:v22+s12+$0x0], $0xffff  }
0x46c: {  	v57 =	vor.u32 v0, v19;
	[tilespmem:v53+s19+$0x0] =	vst.idx.msk $0xffff, v50;
	v50 =	vor.u32 v0, v18;
	v0 =	vld [tilespmem:$0x1F840]  }
0x46d: {  	v54 =	vld [tilespmem:s28+$0xFFFFFFF0];
	v44 =	vadd.s32 v42, v56;
	[tilespmem:v17+s19+$0x0] =	vst.idx.msk $0xffff, v58  }
0x46e: {  	v20 =	vmul.f32 v20, v33;
	v55 =	vadd.s32 v42, v5;
	v45 =	vld.idx.msk [tilespmem:v45+s12+$0x0], $0xffff  }
0x46f: {  	v39 =	vadd.s32 v60, v39;
	v60 =	vadd.s32 v63, v15;
	v53 =	vld.idx.msk [tilespmem:v62+s12+$0x0], $0xffff;
	v61 =	vadd.s32 v16, v13  }
0x470: {  	[tilespmem:v4+s19+$0x0] =	vst.idx.msk $0xffff, v20;
	v4 =	vmul.f32 v49, v28;
	v49 =	vadd.s32 v48, v9;
	v48 =	vld [tilespmem:$0x1F930]  }
0x471: {  	v40 =	vld.idx.msk [tilespmem:v40+s12+$0x0], $0xffff;
	v3 =	vmul.f32 v3, v28;
	v58 =	vadd.s32 v0, v11;
	v0 =	vadd.s32 v16, v12  }
0x472: {  	v16 =	vmov v11;
	v11 =	vld.idx.msk [tilespmem:v44+s12+$0x0], $0xffff;
	[tilespmem:v50+s19+$0x0] =	vst.idx.msk $0xffff, v4;
	v4 =	vmul.f32 v22, v23  }
0x473: {  	v20 =	vadd.s32 v52, v41;
	v41 =	vld.idx.msk [tilespmem:v55+s12+$0x0], $0xffff;
	[tilespmem:v57+s19+$0x0] =	vst.idx.msk $0xffff, v3  }
0x474: {  	v50 =	vld.idx.msk [tilespmem:v60+s12+$0x0], $0xffff;
	[tilespmem:v61+s19+$0x0] =	vst.idx.msk $0xffff, v4  }
0x475: {  	v52 =	vld.idx.msk [tilespmem:v49+s12+$0x0], $0xffff  }
0x476: {  	v17 =	vshll.u32 v54, $0xB;
	v22 =	vshll.u32 v51, $0x7;
	v49 =	vld [tilespmem:$0x1F890]  }
0x477: {  	v44 =	vor.u32 v1, v20;
	v60 =	vld [tilespmem:$0x1FFF0];
	v17 =	vadd.s32 v17, v22;
	v22 =	vmul.f32 v45, v23  }
0x478: {  	v57 =	vadd.s32 v7, v15;
	v3 =	vmul.f32 v53, v36  }
0x479: {  	v62 =	vadd.s32 v48, v13;
	v51 =	vor.u32 v1, v17;
	v54 =	vld.idx.msk [tilespmem:v58+s12+$0x0], $0xffff;
	[tilespmem:v0+s19+$0x0] =	vst.idx.msk $0xffff, v22  }
0x47a: {  	v61 =	vmul.f32 v41, v21;
	[tilespmem:v39+s19+$0x0] =	vst.idx.msk $0xffff, v3;
	v3 =	vadd.s32 v59, v56  }
0x47b: {  	s1 =	sadd.s32 $0x2, s1;
	v63 =	vld [tilespmem:$0x1F840];
	v39 =	vmul.f32 v40, v36;
	v40 =	vadd.s32 v59, v5;
	v55 =	vor.u32 v49, v19  }
0x47c: {  	p0 =	slt.u32 s1, $0x3E;
	v4 =	vor.u32 v60, v17;
	v0 =	vmul.f32 v11, v21;
	v53 =	vld.idx.msk [tilespmem:v46+s12+$0x0], $0xffff;
	[tilespmem:v44+s19+$0x0] =	vst.idx.msk $0xffff, v61  }
.Ltmp1:
0x47d: {  	v22 =	vadd.s32 v48, v12;
	v41 =	vadd.s32 v6, v9;
	v32 =	vld.idx.msk [tilespmem:v32+s12+$0x0], $0xffff;
	[tilespmem:v47+s19+$0x0] =	vst.idx.msk $0xffff, v39;
	(pc) =	sbr.rel @p0 .LBB2_5-.Ltmp1, $4  }
0x47e: {  	v11 =	vmov v56;
	v30 =	vld.idx.msk [tilespmem:v30+s12+$0x0], $0xffff;
	[tilespmem:v51+s19+$0x0] =	vst.idx.msk $0xffff, v0;
	v0 =	vmul.f32 v50, v29  }
0x47f: {  	v46 =	vadd.s32 v7, v16;
	v45 =	vor.u32 v49, v18;
	v49 =	vld.idx.msk [tilespmem:v3+s12+$0x0], $0xffff;
	v3 =	vmul.f32 v52, v31  }
0x480: {  	v47 =	vmul.f32 v54, v29;
	v50 =	vld.idx.msk [tilespmem:v40+s12+$0x0], $0xffff;
	v40 =	vadd.s32 v6, v10;
	[tilespmem:v55+s19+$0x0] =	vst.idx.msk $0xffff, v0  }
0x481: {  	v39 =	vmul.f32 v53, v37;
	v44 =	vld.idx.msk [tilespmem:v57+s12+$0x0], $0xffff;
	[tilespmem:v62+s19+$0x0] =	vst.idx.msk $0xffff, v3;
	v3 =	vadd.s32 v43, v13  }
0x482: {  	v1 =	vld [tilespmem:$0x1F8F0]  }
0x483: {  	v0 =	vor.u32 v60, v20;
	_ =	sdelay $0x1  }
0x484: {  	v59 =	vmul.f32 v49, v24  }
0x485: {  	v42 =	vmul.f32 v50, v24  }
0x486: {  	[tilespmem:v4+s19+$0x0] =	vst.idx.msk $0xffff, v59;
	v21 =	vadd.s32 v1, v5  }
0x487: {  	v58 =	vadd.s32 v1, v11;
	[tilespmem:v0+s19+$0x0] =	vst.idx.msk $0xffff, v42  }
0x488: {  	v61 =	vld [tilespmem:$0x1FA30];
	_ =	sdelay $0x2  }
0x489: {  	v21 =	vld.idx.msk [tilespmem:v21+s12+$0x0], $0xffff  }
0x48a: {  	v4 =	vld.idx.msk [tilespmem:v58+s12+$0x0], $0xffff  }
0x48b: {  	v52 =	vld [tilespmem:$0x1F9B0];
	v62 =	vor.u32 v61, v20  }
0x48c: {  	v54 =	vor.u32 v61, v17;
	_ =	sdelay $0x1  }
0x48d: {  	v21 =	vmul.f32 v21, v25  }
0x48e: {  	v55 =	vmul.f32 v4, v25  }
0x48f: {  	v53 =	vadd.s32 v52, v5;
	[tilespmem:v62+s19+$0x0] =	vst.idx.msk $0xffff, v21  }
0x490: {  	v49 =	vadd.s32 v52, v11;
	[tilespmem:v54+s19+$0x0] =	vst.idx.msk $0xffff, v55  }
0x491: {  	v57 =	vld [tilespmem:$0x1FA40];
	_ =	sdelay $0x2  }
0x492: {  	v56 =	vld.idx.msk [tilespmem:v53+s12+$0x0], $0xffff  }
0x493: {  	v59 =	vld.idx.msk [tilespmem:v49+s12+$0x0], $0xffff  }
0x494: {  	v42 =	vld [tilespmem:$0x1F9C0];
	v58 =	vor.u32 v57, v20  }
0x495: {  	v62 =	vor.u32 v57, v17;
	_ =	sdelay $0x1  }
0x496: {  	v4 =	vmul.f32 v56, v27  }
0x497: {  	v27 =	vmul.f32 v59, v27  }
0x498: {  	v61 =	vadd.s32 v42, v5;
	[tilespmem:v58+s19+$0x0] =	vst.idx.msk $0xffff, v4  }
0x499: {  	v42 =	vadd.s32 v42, v11;
	[tilespmem:v62+s19+$0x0] =	vst.idx.msk $0xffff, v27  }
0x49a: {  	v43 =	vld [tilespmem:$0x1F7F0];
	_ =	sdelay $0x2  }
0x49b: {  	v4 =	vld.idx.msk [tilespmem:v61+s12+$0x0], $0xffff  }
0x49c: {  	v49 =	vld.idx.msk [tilespmem:v42+s12+$0x0], $0xffff  }
0x49d: {  	v48 =	vor.u32 v43, v20  }
0x49e: {  	v51 =	vor.u32 v43, v17;
	_ =	sdelay $0x1  }
0x49f: {  	v4 =	vmul.f32 v4, v28  }
0x4a0: {  	v53 =	vmul.f32 v49, v28  }
0x4a1: {  	v50 =	vadd.s32 v63, v5;
	[tilespmem:v48+s19+$0x0] =	vst.idx.msk $0xffff, v4  }
0x4a2: {  	[tilespmem:v51+s19+$0x0] =	vst.idx.msk $0xffff, v53  }
0x4a3: {  	v54 =	vld [tilespmem:$0x1F890];
	_ =	sdelay $0x2  }
0x4a4: {  	v52 =	vadd.s32 v63, v11;
	v4 =	vld.idx.msk [tilespmem:v50+s12+$0x0], $0xffff;
	_ =	sdelay $0x1  }
0x4a5: {  	[tilespmem:v45+s19+$0x0] =	vst.idx.msk $0xffff, v47;
	v55 =	vor.u32 v54, v20  }
0x4a6: {  	v61 =	vld [tilespmem:$0x1F920];
	_ =	sdelay $0x1  }
0x4a7: {  	v56 =	vld.idx.msk [tilespmem:v52+s12+$0x0], $0xffff;
	v4 =	vmul.f32 v4, v29;
	_ =	sdelay $0x1  }
0x4a8: {  	v57 =	vadd.s32 v7, v5;
	v59 =	vld.idx.msk [tilespmem:v46+s12+$0x0], $0xffff;
	v58 =	vor.u32 v54, v17;
	[tilespmem:v55+s19+$0x0] =	vst.idx.msk $0xffff, v4  }
0x4a9: {  	v62 =	vor.u32 v61, v19;
	v45 =	vld [tilespmem:$0x1F6A0]  }
0x4aa: {  	v46 =	vor.u32 v61, v18  }
0x4ab: {  	v21 =	vmul.f32 v56, v29  }
0x4ac: {  	v47 =	vmul.f32 v44, v34  }
0x4ad: {  	v43 =	vadd.s32 v7, v11;
	v50 =	vmul.f32 v59, v34;
	v24 =	vld.idx.msk [tilespmem:v57+s12+$0x0], $0xffff;
	[tilespmem:v58+s19+$0x0] =	vst.idx.msk $0xffff, v21  }
0x4ae: {  	[tilespmem:v62+s19+$0x0] =	vst.idx.msk $0xffff, v47;
	v63 =	vadd.s32 v45, v15  }
0x4af: {  	v49 =	vor.u32 v61, v20;
	[tilespmem:v46+s19+$0x0] =	vst.idx.msk $0xffff, v50;
	v48 =	vadd.s32 v45, v16  }
0x4b0: {  	v54 =	vld [tilespmem:$0x1F8A0];
	_ =	sdelay $0x1  }
0x4b1: {  	v51 =	vld.idx.msk [tilespmem:v43+s12+$0x0], $0xffff;
	v24 =	vmul.f32 v24, v34  }
0x4b2: {  	v0 =	vld.idx.msk [tilespmem:v63+s12+$0x0], $0xffff  }
0x4b3: {  	v53 =	vor.u32 v61, v17;
	v52 =	vadd.s32 v45, v5;
	[tilespmem:v49+s19+$0x0] =	vst.idx.msk $0xffff, v24;
	v25 =	vld.idx.msk [tilespmem:v48+s12+$0x0], $0xffff  }
0x4b4: {  	v55 =	vor.u32 v54, v19;
	v57 =	vld [tilespmem:$0x1F6B0]  }
0x4b5: {  	v59 =	vor.u32 v54, v18  }
0x4b6: {  	v61 =	vmul.f32 v51, v34  }
0x4b7: {  	v0 =	vmul.f32 v0, v26  }
0x4b8: {  	v56 =	vadd.s32 v45, v11;
	[tilespmem:v53+s19+$0x0] =	vst.idx.msk $0xffff, v61;
	v27 =	vld.idx.msk [tilespmem:v52+s12+$0x0], $0xffff;
	v45 =	vmul.f32 v25, v26  }
0x4b9: {  	v58 =	vadd.s32 v57, v15;
	[tilespmem:v55+s19+$0x0] =	vst.idx.msk $0xffff, v0  }
0x4ba: {  	v63 =	vor.u32 v54, v20;
	v62 =	vadd.s32 v57, v16;
	[tilespmem:v59+s19+$0x0] =	vst.idx.msk $0xffff, v45  }
0x4bb: {  	v50 =	vld [tilespmem:$0x1FA00];
	_ =	sdelay $0x1  }
0x4bc: {  	v34 =	vld.idx.msk [tilespmem:v56+s12+$0x0], $0xffff;
	v48 =	vmul.f32 v27, v26  }
0x4bd: {  	v21 =	vld.idx.msk [tilespmem:v58+s12+$0x0], $0xffff  }
0x4be: {  	v47 =	vor.u32 v54, v17;
	v46 =	vadd.s32 v57, v5;
	v49 =	vld.idx.msk [tilespmem:v62+s12+$0x0], $0xffff;
	[tilespmem:v63+s19+$0x0] =	vst.idx.msk $0xffff, v48  }
0x4bf: {  	v53 =	vld [tilespmem:$0x1F6C0];
	v51 =	vadd.s32 v50, v19  }
0x4c0: {  	v55 =	vadd.s32 v50, v18  }
0x4c1: {  	v56 =	vmul.f32 v34, v26  }
0x4c2: {  	v21 =	vmul.f32 v21, v35  }
0x4c3: {  	v52 =	vadd.s32 v57, v11;
	v57 =	vld.idx.msk [tilespmem:v46+s12+$0x0], $0xffff;
	[tilespmem:v47+s19+$0x0] =	vst.idx.msk $0xffff, v56;
	v61 =	vmul.f32 v49, v35  }
0x4c4: {  	v54 =	vadd.s32 v53, v15;
	[tilespmem:v51+s19+$0x0] =	vst.idx.msk $0xffff, v21  }
0x4c5: {  	v59 =	vadd.s32 v50, v20;
	v58 =	vadd.s32 v53, v16;
	[tilespmem:v55+s19+$0x0] =	vst.idx.msk $0xffff, v61  }
0x4c6: {  	v47 =	vld [tilespmem:$0x1FA20];
	_ =	sdelay $0x1  }
0x4c7: {  	v62 =	vld.idx.msk [tilespmem:v52+s12+$0x0], $0xffff;
	v46 =	vmul.f32 v57, v35  }
0x4c8: {  	v4 =	vld.idx.msk [tilespmem:v54+s12+$0x0], $0xffff  }
0x4c9: {  	v45 =	vadd.s32 v50, v17;
	v24 =	vld.idx.msk [tilespmem:v58+s12+$0x0], $0xffff;
	[tilespmem:v59+s19+$0x0] =	vst.idx.msk $0xffff, v46  }
0x4ca: {  	v63 =	vadd.s32 v53, v5;
	v50 =	vld [tilespmem:$0x1F760];
	v48 =	vadd.s32 v47, v19  }
0x4cb: {  	v49 =	vadd.s32 v53, v11;
	v53 =	vadd.s32 v47, v18  }
0x4cc: {  	v52 =	vmul.f32 v62, v35  }
0x4cd: {  	v4 =	vmul.f32 v4, v23  }
0x4ce: {  	[tilespmem:v45+s19+$0x0] =	vst.idx.msk $0xffff, v52;
	v57 =	vmul.f32 v24, v23  }
0x4cf: {  	v25 =	vld.idx.msk [tilespmem:v63+s12+$0x0], $0xffff;
	v51 =	vadd.s32 v50, v15;
	[tilespmem:v48+s19+$0x0] =	vst.idx.msk $0xffff, v4  }
0x4d0: {  	[tilespmem:v53+s19+$0x0] =	vst.idx.msk $0xffff, v57  }
0x4d1: {  	v56 =	vadd.s32 v47, v20;
	v55 =	vadd.s32 v50, v16;
	v29 =	vld [tilespmem:$0x1F930]  }
0x4d2: {  	v59 =	vadd.s32 v50, v5  }
0x4d3: {  	v58 =	vld.idx.msk [tilespmem:v49+s12+$0x0], $0xffff  }
0x4d4: {  	v62 =	vmul.f32 v25, v23;
	v0 =	vld.idx.msk [tilespmem:v51+s12+$0x0], $0xffff  }
0x4d5: {  	v54 =	vld.idx.msk [tilespmem:v41+s12+$0x0], $0xffff;
	v63 =	vmul.f32 v32, v31;
	v61 =	vadd.s32 v47, v17  }
0x4d6: {  	[tilespmem:v56+s19+$0x0] =	vst.idx.msk $0xffff, v62;
	v34 =	vld.idx.msk [tilespmem:v55+s12+$0x0], $0xffff;
	v41 =	vadd.s32 v29, v19  }
0x4d7: {  	[tilespmem:v22+s19+$0x0] =	vst.idx.msk $0xffff, v63;
	v47 =	vld.idx.msk [tilespmem:v59+s12+$0x0], $0xffff  }
0x4d8: {  	v46 =	vmul.f32 v58, v23;
	v32 =	vld [tilespmem:$0x1F6E0];
	v49 =	vadd.s32 v29, v18  }
0x4d9: {  	v42 =	vadd.s32 v50, v11;
	v0 =	vmul.f32 v0, v31;
	v52 =	vadd.s32 v29, v20  }
0x4da: {  	v48 =	vmul.f32 v54, v2;
	[tilespmem:v61+s19+$0x0] =	vst.idx.msk $0xffff, v46  }
0x4db: {  	v55 =	vmul.f32 v34, v31;
	[tilespmem:v41+s19+$0x0] =	vst.idx.msk $0xffff, v0  }
0x4dc: {  	v44 =	vadd.s32 v6, v15;
	v23 =	vmul.f32 v47, v31;
	v53 =	vld [tilespmem:$0x1F9E0];
	[tilespmem:v3+s19+$0x0] =	vst.idx.msk $0xffff, v48  }
0x4dd: {  	v45 =	vadd.s32 v32, v9;
	[tilespmem:v49+s19+$0x0] =	vst.idx.msk $0xffff, v55  }
0x4de: {  	v1 =	vld.idx.msk [tilespmem:v42+s12+$0x0], $0xffff;
	[tilespmem:v52+s19+$0x0] =	vst.idx.msk $0xffff, v23  }
0x4df: {  	v59 =	vadd.s32 v29, v17;
	v29 =	vld [tilespmem:$0x1F870]  }
0x4e0: {  	v50 =	vld.idx.msk [tilespmem:v40+s12+$0x0], $0xffff  }
0x4e1: {  	v43 =	vmov v6;
	v51 =	vadd.s32 v6, v16;
	v56 =	vld.idx.msk [tilespmem:v44+s12+$0x0], $0xffff  }
0x4e2: {  	v57 =	vadd.s32 v43, v5;
	v61 =	vld.idx.msk [tilespmem:v45+s12+$0x0], $0xffff;
	v54 =	vadd.s32 v53, v12  }
0x4e3: {  	v63 =	vadd.s32 v43, v11;
	v62 =	vadd.s32 v53, v19  }
0x4e4: {  	v58 =	vadd.s32 v32, v10;
	v1 =	vmul.f32 v1, v31;
	v35 =	vadd.s32 v29, v13  }
0x4e5: {  	v34 =	vmul.f32 v50, v2  }
0x4e6: {  	v4 =	vld.idx.msk [tilespmem:v51+s12+$0x0], $0xffff;
	[tilespmem:v59+s19+$0x0] =	vst.idx.msk $0xffff, v1;
	v6 =	vmul.f32 v56, v2  }
0x4e7: {  	v7 =	vld.idx.msk [tilespmem:v57+s12+$0x0], $0xffff;
	v3 =	vmul.f32 v61, v8;
	[tilespmem:v54+s19+$0x0] =	vst.idx.msk $0xffff, v34  }
0x4e8: {  	v44 =	vld.idx.msk [tilespmem:v63+s12+$0x0], $0xffff;
	v41 =	vadd.s32 v53, v18;
	[tilespmem:v62+s19+$0x0] =	vst.idx.msk $0xffff, v6  }
0x4e9: {  	v40 =	vadd.s32 v32, v15;
	v43 =	vadd.s32 v53, v20;
	v22 =	vld.idx.msk [tilespmem:v58+s12+$0x0], $0xffff;
	[tilespmem:v35+s19+$0x0] =	vst.idx.msk $0xffff, v3  }
0x4ea: {  	v42 =	vadd.s32 v32, v16;
	v50 =	vadd.s32 v53, v17;
	v47 =	vld [tilespmem:$0x1F700]  }
0x4eb: {  	v45 =	vadd.s32 v29, v12;
	v4 =	vmul.f32 v4, v2  }
0x4ec: {  	v51 =	vmul.f32 v7, v2  }
0x4ed: {  	v46 =	vadd.s32 v32, v5;
	v55 =	vmul.f32 v44, v2;
	[tilespmem:v41+s19+$0x0] =	vst.idx.msk $0xffff, v4  }
0x4ee: {  	v52 =	vadd.s32 v32, v11;
	v49 =	vld.idx.msk [tilespmem:v40+s12+$0x0], $0xffff;
	[tilespmem:v43+s19+$0x0] =	vst.idx.msk $0xffff, v51;
	v22 =	vmul.f32 v22, v8  }
0x4ef: {  	[tilespmem:v50+s19+$0x0] =	vst.idx.msk $0xffff, v55;
	v1 =	vld.idx.msk [tilespmem:v42+s12+$0x0], $0xffff;
	v48 =	vadd.s32 v47, v9  }
0x4f0: {  	v54 =	vadd.s32 v29, v19;
	v53 =	vadd.s32 v47, v10;
	[tilespmem:v45+s19+$0x0] =	vst.idx.msk $0xffff, v22  }
0x4f1: {  	v57 =	vadd.s32 v29, v18;
	v56 =	vadd.s32 v47, v15;
	v61 =	vld [tilespmem:$0x1F9F0]  }
0x4f2: {  	v58 =	vld.idx.msk [tilespmem:v46+s12+$0x0], $0xffff  }
0x4f3: {  	v4 =	vld.idx.msk [tilespmem:v52+s12+$0x0], $0xffff;
	v59 =	vmul.f32 v49, v8  }
0x4f4: {  	v32 =	vadd.s32 v29, v20;
	v1 =	vmul.f32 v1, v8;
	v3 =	vld.idx.msk [tilespmem:v48+s12+$0x0], $0xffff  }
0x4f5: {  	v40 =	vadd.s32 v29, v17;
	[tilespmem:v54+s19+$0x0] =	vst.idx.msk $0xffff, v59;
	v7 =	vld.idx.msk [tilespmem:v53+s12+$0x0], $0xffff  }
0x4f6: {  	[tilespmem:v57+s19+$0x0] =	vst.idx.msk $0xffff, v1;
	v2 =	vld.idx.msk [tilespmem:v56+s12+$0x0], $0xffff;
	v62 =	vadd.s32 v61, v13  }
0x4f7: {  	v63 =	vadd.s32 v47, v16;
	v41 =	vmul.f32 v58, v8;
	v43 =	vld [tilespmem:$0x1F730];
	v35 =	vadd.s32 v61, v12  }
0x4f8: {  	v34 =	vadd.s32 v47, v5;
	v46 =	vmul.f32 v4, v8;
	v45 =	vadd.s32 v61, v19  }
0x4f9: {  	[tilespmem:v32+s19+$0x0] =	vst.idx.msk $0xffff, v41;
	v3 =	vmul.f32 v3, v33  }
0x4fa: {  	[tilespmem:v40+s19+$0x0] =	vst.idx.msk $0xffff, v46;
	v49 =	vmul.f32 v7, v33  }
0x4fb: {  	v42 =	vadd.s32 v47, v11;
	v2 =	vmul.f32 v2, v33;
	[tilespmem:v62+s19+$0x0] =	vst.idx.msk $0xffff, v3  }
0x4fc: {  	v47 =	vld.idx.msk [tilespmem:v63+s12+$0x0], $0xffff;
	v44 =	vadd.s32 v43, v9;
	[tilespmem:v35+s19+$0x0] =	vst.idx.msk $0xffff, v49  }
0x4fd: {  	v50 =	vld.idx.msk [tilespmem:v34+s12+$0x0], $0xffff;
	v48 =	vadd.s32 v43, v10;
	[tilespmem:v45+s19+$0x0] =	vst.idx.msk $0xffff, v2  }
0x4fe: {  	v51 =	vadd.s32 v61, v18;
	v52 =	vadd.s32 v43, v15;
	v26 =	vld [tilespmem:$0x1FA10]  }
0x4ff: {  	v53 =	vadd.s32 v61, v20;
	v54 =	vadd.s32 v43, v16  }
0x500: {  	v6 =	vld.idx.msk [tilespmem:v42+s12+$0x0], $0xffff  }
0x501: {  	v55 =	vmul.f32 v47, v33;
	v21 =	vld.idx.msk [tilespmem:v44+s12+$0x0], $0xffff  }
0x502: {  	v56 =	vadd.s32 v61, v17;
	v7 =	vmul.f32 v50, v33;
	v0 =	vld.idx.msk [tilespmem:v48+s12+$0x0], $0xffff  }
0x503: {  	[tilespmem:v51+s19+$0x0] =	vst.idx.msk $0xffff, v55;
	v61 =	vld.idx.msk [tilespmem:v52+s12+$0x0], $0xffff;
	v58 =	vadd.s32 v26, v13  }
0x504: {  	[tilespmem:v53+s19+$0x0] =	vst.idx.msk $0xffff, v7;
	v31 =	vld.idx.msk [tilespmem:v54+s12+$0x0], $0xffff;
	v28 =	vadd.s32 v26, v12  }
0x505: {  	v57 =	vadd.s32 v43, v5;
	v62 =	vmul.f32 v6, v33;
	v27 =	vld [tilespmem:$0x1F750];
	v33 =	vadd.s32 v26, v19  }
0x506: {  	v59 =	vadd.s32 v43, v11;
	v40 =	vadd.s32 v26, v18;
	v29 =	vmul.f32 v21, v36  }
0x507: {  	[tilespmem:v56+s19+$0x0] =	vst.idx.msk $0xffff, v62;
	v0 =	vmul.f32 v0, v36  }
0x508: {  	v1 =	vmul.f32 v61, v36;
	[tilespmem:v58+s19+$0x0] =	vst.idx.msk $0xffff, v29  }
0x509: {  	v47 =	vmul.f32 v31, v36;
	[tilespmem:v28+s19+$0x0] =	vst.idx.msk $0xffff, v0  }
0x50a: {  	v34 =	vld.idx.msk [tilespmem:v57+s12+$0x0], $0xffff;
	v63 =	vadd.s32 v27, v9;
	[tilespmem:v33+s19+$0x0] =	vst.idx.msk $0xffff, v1  }
0x50b: {  	v41 =	vld.idx.msk [tilespmem:v59+s12+$0x0], $0xffff;
	v32 =	vadd.s32 v27, v10;
	[tilespmem:v40+s19+$0x0] =	vst.idx.msk $0xffff, v47  }
0x50c: {  	v35 =	vadd.s32 v27, v15;
	v51 =	vld [tilespmem:$0x1F7D0]  }
0x50d: {  	v43 =	vadd.s32 v26, v20;
	v42 =	vadd.s32 v27, v16  }
0x50e: {  	v45 =	vadd.s32 v26, v17;
	v44 =	vadd.s32 v27, v5  }
0x50f: {  	v46 =	vadd.s32 v27, v11;
	v3 =	vld.idx.msk [tilespmem:v63+s12+$0x0], $0xffff  }
0x510: {  	v49 =	vmul.f32 v34, v36;
	v48 =	vld.idx.msk [tilespmem:v32+s12+$0x0], $0xffff  }
0x511: {  	v50 =	vmul.f32 v41, v36;
	v7 =	vld.idx.msk [tilespmem:v35+s12+$0x0], $0xffff;
	v52 =	vadd.s32 v51, v13  }
0x512: {  	[tilespmem:v43+s19+$0x0] =	vst.idx.msk $0xffff, v49;
	v54 =	vld.idx.msk [tilespmem:v42+s12+$0x0], $0xffff;
	v53 =	vadd.s32 v51, v12  }
0x513: {  	v55 =	vmul.f32 v30, v37;
	[tilespmem:v45+s19+$0x0] =	vst.idx.msk $0xffff, v50;
	v5 =	vld.idx.msk [tilespmem:v44+s12+$0x0], $0xffff;
	v56 =	vadd.s32 v51, v19  }
0x514: {  	[tilespmem:v14+s19+$0x0] =	vst.idx.msk $0xffff, v39;
	v0 =	vld.idx.msk [tilespmem:v46+s12+$0x0], $0xffff;
	v3 =	vmul.f32 v3, v37;
	v57 =	vadd.s32 v51, v18  }
0x515: {  	[tilespmem:v38+s19+$0x0] =	vst.idx.msk $0xffff, v55;
	v1 =	vmul.f32 v48, v37;
	v58 =	vadd.s32 v51, v20  }
0x516: {  	s23 =	sadd.s32 $0x1, s23;
	v59 =	vadd.s32 v51, v17;
	v61 =	vmul.f32 v7, v37;
	[tilespmem:v52+s19+$0x0] =	vst.idx.msk $0xffff, v3  }
0x517: {  	s1 =	sadd.s32 s5, s24;
	p0 =	sne.s32 s23, $0x32;
	v62 =	vmul.f32 v54, v37;
	[tilespmem:v53+s19+$0x0] =	vst.idx.msk $0xffff, v1  }
.Ltmp2:
0x518: {  	s24 =	sshll.u32 s1, $0x8;
	v63 =	vmul.f32 v5, v37;
	[tilespmem:v56+s19+$0x0] =	vst.idx.msk $0xffff, v61;
	(pc) =	sbr.rel @p0 .LBB2_2-.Ltmp2, $4  }
0x519: {  	s1 =	sshll.u32 s1, $0xB;
	s24 =	sand.u32 $0xF00, s24;
	v0 =	vmul.f32 v0, v37;
	[tilespmem:v57+s19+$0x0] =	vst.idx.msk $0xffff, v62  }
0x51a: {  	s1 =	sand.u32 $0xFFF8000, s1;
	s24 =	sadd.s32 s2, s24;
	[tilespmem:v58+s19+$0x0] =	vst.idx.msk $0xffff, v63  }
0x51b: {  	s1 =	sadd.s32 s1, s24;
	[tilespmem:v59+s19+$0x0] =	vst.idx.msk $0xffff, v0  }
0x51c: {  	v56 =	vlaneseq.u32;
	[hbm4b:s1+s16] =	stream.strided.scatter [tilespmem:s19], [sflag:$0x4], $0x4000, s17, s16, $0x38;
	[tilespmem:$0x17000] =	vst v63  }
0x51d: {  	s22 =	sadd.s32 $0x1, s22  }
0x51e: {  	_ =	swait.ge [sflag:s20], $0x4000;
	p0 =	sne.s32 s22, s7  }
.Ltmp3:
0x51f: {  	[sflag:s20] =	ssyncset.done $0x0;
	(pc) =	sbr.rel @p0 .LBB2_1-.Ltmp3, $4  }
0x520: {  	[sflag:s20] =	ssyncadd.s32 $0xFFFFC000  }
0x521: {  	_ =	swait.ge [sflag:s21], $0x4000  }
0x522: {  	[sflag:s21] =	ssyncset.done $0x0  }
0x523: {  	[sflag:s21] =	ssyncadd.s32 $0xFFFFC000  }
0x524: {  	_ =	sfence.sel $0x180000  }
0x525: {  	[bflag:$0x0] =	sbarrier.arrive $0xFFFF  }
0x526: {  	_ =	strace $0x90000047  }
0x527: {  	[bflag:$0x2] =	sbarrier.arrive $0xFFFF  }
0x528: {  	p0 =	sne.s32 s0, $0x0;
	s0 =	rddreg [dreg:$0x2]  }
0x529: {  	s0 =	sadd.s32 @!p0 $0x100000, s0  }
0x52a: {  	[sflag:s0] =	ssyncadd.tile.s32 @!p0 $0x1;
	_ =	shalt  }
.Lfunc_end2:
_tile_overlayer_lowered:
.L_overlay_start_2:
0x52b: {  	(tag) =	ssettag $0x2  }
0x52c: {  	s0 =	rddreg [dreg:$0x0];
	s2 =	stileid.u32  }
0x52d: {  	s1 =	rddreg [dreg:$0x1];
	p0 =	sne.s32 s2, $0x0  }
0x52e: {  	s3 =	rddreg [dreg:$0x2];
	[bflag:$0x3] =	sbarrier.arrive $0xFFFF;
	s2 =	simm.s32 @!p0 $0x1C05  }
0x52f: {  	[timem:s3], [sflag:s2] =	dma.local @!p0 [hbm:s0], s1  }
0x530: {  	s0 =	simm.s32 @!p0 $0x5  }
0x531: {  	_ =	swait.ge @!p0 [sflag:s0], s1  }
0x532: {  	s1 =	ssub.s32 @!p0 $0x0, s1;
	[sflag:s0] =	ssyncset.done @!p0 $0x0  }
0x533: {  	[sflag:s0] =	ssyncadd.s32 @!p0 s1  }
0x534: {  	[bflag:$0x3] =	sbarrier.arrive $0xFFFF  }
0x535: {  	_ =	shalt  }

</sc_bundles>
